<compile_context>
chip_gen: v7x
topology: tpu7x:2x2x1
jax: 0.10.2.dev20260603
libtpu: 0.0.44.dev20260713+nightly
codegen_flags: <defaults>
</compile_context>

<pallas_src>
import jax
import jax.numpy as jnp
from jax import lax
from jax.experimental import pallas as pl
from jax.experimental.pallas import tpu as pltpu
from jax.experimental.pallas import tpu_sc as plsc

N = 50000
E = 800000
F = 111
H = 64
HH = H // 2

NC = 2
NS = 16

RPA = 3128
ACCA = NS * RPA
LASTA = N - 15 * RPA

HALF = N // NC
RPS = 1568
ACC = NS * RPS
LAST = HALF - 15 * RPS
DW = 8

C = 128
K = 3
GE = K * C
EPS = E // NS
NG = EPS // GE
TAIL = EPS - NG * GE

_MESH = plsc.VectorSubcoreMesh(core_axis_name="c", subcore_axis_name="s")
_SC_PARAMS = pltpu.CompilerParams(use_tc_tiling_on_sc=False)


def _agg_body(edge_hbm, hlo_hbm, hhi_hbm, zeros_hbm, alo_hbm, ahi_hbm,
              acc, srcw, dstw, rows, isem0, isem1, *sems):
    gsem, ssem = sems[0:K], sems[K:2 * K]
    c = lax.axis_index("c")
    s = lax.axis_index("s")
    junk = N + s
    ebase = s * EPS

    pltpu.sync_copy(zeros_hbm.at[pl.ds(0, RPA)], acc.at[pl.ds(s * RPA, RPA)])
    plsc.subcore_barrier()


    def load_idx(g, p, sem):
        gbase = ebase + g * GE
        pltpu.async_copy(edge_hbm.at[0, pl.ds(gbase, GE)], srcw.at[p], sem)
        for j in range(K):
            pltpu.async_copy(edge_hbm.at[1, pl.ds(gbase + j * C, C)],
                             dstw.at[lax.rem(g, 3), j], sem)

    def wait_idx(g, p, sem):
        gbase = ebase + g * GE
        pltpu.make_async_copy(edge_hbm.at[0, pl.ds(gbase, GE)], srcw.at[p],
                              sem).wait()
        for j in range(K):
            pltpu.make_async_copy(edge_hbm.at[1, pl.ds(gbase + j * C, C)],
                                  dstw.at[lax.rem(g, 3), j], sem).wait()

    def fire_gathers(p):
        @pl.when(c == 0)
        def _():
            for j in range(K):
                pltpu.async_copy(hlo_hbm.at[srcw.at[p, pl.ds(j * C, C)]],
                                 rows.at[p, j], gsem[j])

        @pl.when(c == 1)
        def _():
            for j in range(K):
                pltpu.async_copy(hhi_hbm.at[srcw.at[p, pl.ds(j * C, C)]],
                                 rows.at[p, j], gsem[j])

    load_idx(0, 0, isem0)
    wait_idx(0, 0, isem0)
    fire_gathers(0)

    def rnd(g, carry):
        p = lax.rem(g, 2)
        pn = lax.rem(g + 1, 2)
        w3 = lax.rem(g, 3)
        w3p = lax.rem(g + 2, 3)

        @pl.when(g >= 1)
        def _():
            for j in range(K):
                pltpu.make_async_copy(rows.at[pn, j], acc.at[dstw.at[w3p, j]],
                                      ssem[j]).wait()

        @pl.when(jnp.logical_and(g + 1 < NG, pn == 0))
        def _():
            load_idx(g + 1, 0, isem0)

        @pl.when(jnp.logical_and(g + 1 < NG, pn == 1))
        def _():
            load_idx(g + 1, 1, isem1)

        for j in range(K):
            pltpu.make_async_copy(hlo_hbm.at[srcw.at[p, pl.ds(j * C, C)]],
                                  rows.at[p, j], gsem[j]).wait()
            pltpu.async_copy(rows.at[p, j], acc.at[dstw.at[w3, j]], ssem[j],
                             add=True)

        @pl.when(jnp.logical_and(g + 1 < NG, pn == 0))
        def _():
            wait_idx(g + 1, 0, isem0)

        @pl.when(jnp.logical_and(g + 1 < NG, pn == 1))
        def _():
            wait_idx(g + 1, 1, isem1)

        @pl.when(g + 1 < NG)
        def _():
            fire_gathers(pn)

        return carry

    lax.fori_loop(0, NG, rnd, 0)

    for j in range(K):
        pltpu.make_async_copy(rows.at[(NG - 1) % 2, j],
                              acc.at[dstw.at[(NG - 1) % 3, j]],
                              ssem[j]).wait()

    toff = ebase + NG * GE
    pltpu.sync_copy(edge_hbm.at[0, pl.ds(toff, TAIL)],
                    srcw.at[0, pl.ds(0, TAIL)])
    pltpu.sync_copy(edge_hbm.at[1, pl.ds(toff, TAIL)],
                    dstw.at[0, 0, pl.ds(0, TAIL)])
    zero16 = jnp.zeros((16,), jnp.int32)
    for q in range(TAIL // 16, C // 16):
        srcw[0, pl.ds(q * 16, 16)] = zero16
        dstw[0, 0, pl.ds(q * 16, 16)] = zero16 + junk

    @pl.when(c == 0)
    def _():
        pltpu.async_copy(hlo_hbm.at[srcw.at[0, pl.ds(0, C)]], rows.at[0, 0],
                         gsem[0]).wait()

    @pl.when(c == 1)
    def _():
        pltpu.async_copy(hhi_hbm.at[srcw.at[0, pl.ds(0, C)]], rows.at[0, 0],
                         gsem[0]).wait()

    pltpu.sync_copy(rows.at[0, 0], acc.at[dstw.at[0, 0]], add=True)

    plsc.subcore_barrier()

    @pl.when(jnp.logical_and(c == 0, s < NS - 1))
    def _():
        pltpu.sync_copy(acc.at[pl.ds(s * RPA, RPA)],
                        alo_hbm.at[pl.ds(s * RPA, RPA)])

    @pl.when(jnp.logical_and(c == 0, s == NS - 1))
    def _():
        pltpu.sync_copy(acc.at[pl.ds((NS - 1) * RPA, LASTA)],
                        alo_hbm.at[pl.ds((NS - 1) * RPA, LASTA)])

    @pl.when(jnp.logical_and(c == 1, s < NS - 1))
    def _():
        pltpu.sync_copy(acc.at[pl.ds(s * RPA, RPA)],
                        ahi_hbm.at[pl.ds(s * RPA, RPA)])

    @pl.when(jnp.logical_and(c == 1, s == NS - 1))
    def _():
        pltpu.sync_copy(acc.at[pl.ds((NS - 1) * RPA, LASTA)],
                        ahi_hbm.at[pl.ds((NS - 1) * RPA, LASTA)])


_agg = pl.kernel(
    _agg_body,
    out_type=(
        jax.ShapeDtypeStruct((N, HH), jnp.float32),
        jax.ShapeDtypeStruct((N, HH), jnp.float32),
    ),
    mesh=_MESH,
    scratch_types=(
        pltpu.VMEM_SHARED((ACCA, HH), jnp.float32),
        pltpu.VMEM((2, GE), jnp.int32),
        pltpu.VMEM((3, K, C), jnp.int32),
        pltpu.VMEM((2, K, C, HH), jnp.float32),
    ) + (pltpu.SemaphoreType.DMA,) * (2 + 2 * K),
    compiler_params=_SC_PARAMS,
)


def _deg_body(edge_hbm, zeros16_hbm, ones_hbm, deg_hbm,
              dacc, dstw, dloc, onesv, isem0, isem1, *ssem):
    c = lax.axis_index("c")
    s = lax.axis_index("s")
    base_node = c * HALF
    junk = HALF + s
    ebase = s * EPS

    pltpu.sync_copy(zeros16_hbm, dacc.at[pl.ds(s * RPS, RPS)])
    pltpu.sync_copy(ones_hbm, onesv)
    plsc.subcore_barrier()

    pltpu.async_copy(edge_hbm.at[1, pl.ds(ebase, GE)], dstw.at[0], isem0)

    def compute_dloc(p, j, nvec):
        for q in range(nvec):
            d = dstw[p, pl.ds(j * C + q * 16, 16)]
            loc = d - base_node
            ok = (loc >= 0) & (loc < HALF)
            dloc[j, pl.ds(q * 16, 16)] = jnp.where(ok, loc, junk)

    def rnd(g, carry):
        gbase = ebase + g * GE
        p = lax.rem(g, 2)

        @pl.when(jnp.logical_and(g + 1 < NG, p == 0))
        def _():
            pltpu.async_copy(edge_hbm.at[1, pl.ds(gbase + GE, GE)],
                             dstw.at[1], isem1)

        @pl.when(jnp.logical_and(g + 1 < NG, p == 1))
        def _():
            pltpu.async_copy(edge_hbm.at[1, pl.ds(gbase + GE, GE)],
                             dstw.at[0], isem0)

        @pl.when(g >= 1)
        def _():
            for j in range(K):
                pltpu.make_async_copy(onesv, dacc.at[dloc.at[j]],
                                      ssem[j]).wait()

        @pl.when(p == 0)
        def _():
            pltpu.make_async_copy(edge_hbm.at[1, pl.ds(gbase, GE)],
                                  dstw.at[0], isem0).wait()

        @pl.when(p == 1)
        def _():
            pltpu.make_async_copy(edge_hbm.at[1, pl.ds(gbase, GE)],
                                  dstw.at[1], isem1).wait()

        for j in range(K):
            compute_dloc(p, j, C // 16)
        for j in range(K):
            pltpu.async_copy(onesv, dacc.at[dloc.at[j]], ssem[j], add=True)
        return carry

    lax.fori_loop(0, NG, rnd, 0)
    for j in range(K):
        pltpu.make_async_copy(onesv, dacc.at[dloc.at[j]], ssem[j]).wait()

    toff = ebase + NG * GE
    pltpu.sync_copy(edge_hbm.at[1, pl.ds(toff, TAIL)],
                    dstw.at[0, pl.ds(0, TAIL)])
    compute_dloc(0, 0, TAIL // 16)
    zero16 = jnp.zeros((16,), jnp.int32)
    for q in range(TAIL // 16, C // 16):
        dloc[0, pl.ds(q * 16, 16)] = zero16 + junk
    pltpu.sync_copy(onesv, dacc.at[dloc.at[0]], add=True)

    plsc.subcore_barrier()

    @pl.when(s < NS - 1)
    def _():
        pltpu.sync_copy(dacc.at[pl.ds(s * RPS, RPS)],
                        deg_hbm.at[pl.ds(c * HALF + s * RPS, RPS)])

    @pl.when(s == NS - 1)
    def _():
        pltpu.sync_copy(dacc.at[pl.ds((NS - 1) * RPS, LAST)],
                        deg_hbm.at[pl.ds(c * HALF + (NS - 1) * RPS, LAST)])


_deg = pl.kernel(
    _deg_body,
    out_type=(jax.ShapeDtypeStruct((N, DW), jnp.float32),),
    mesh=_MESH,
    scratch_types=(
        pltpu.VMEM_SHARED((ACC, DW), jnp.float32),
        pltpu.VMEM((2, GE), jnp.int32),
        pltpu.VMEM((K, C), jnp.int32),
        pltpu.VMEM((C, DW), jnp.float32),
    ) + (pltpu.SemaphoreType.DMA,) * (2 + K),
    compiler_params=_SC_PARAMS,
)

_BN = 2000


def _embed_body(x_ref, w_ref, b_ref, olo_ref, ohi_ref):
    hn = jnp.dot(x_ref[...], w_ref[...],
                 preferred_element_type=jnp.float32) + b_ref[...]
    olo_ref[...] = hn[:, :HH]
    ohi_ref[...] = hn[:, HH:]


def _embed(x, w, b):
    return pl.pallas_call(
        _embed_body,
        grid=(N // _BN,),
        in_specs=[
            pl.BlockSpec((_BN, F), lambda i: (i, 0)),
            pl.BlockSpec((F, H), lambda i: (0, 0)),
            pl.BlockSpec((1, H), lambda i: (0, 0)),
        ],
        out_specs=[
            pl.BlockSpec((_BN, HH), lambda i: (i, 0)),
            pl.BlockSpec((_BN, HH), lambda i: (i, 0)),
        ],
        out_shape=[
            jax.ShapeDtypeStruct((N, HH), jnp.float32),
            jax.ShapeDtypeStruct((N, HH), jnp.float32),
        ],
    )(x, w, b)


def _update_body(hlo_ref, hhi_ref, alo_ref, ahi_ref, deg_ref, w_ref, b_ref,
                 olo_ref, ohi_ref, cs_ref):
    i = pl.program_id(0)
    denom = jnp.maximum(deg_ref[:, 0:1], 1.0)
    h = jnp.concatenate([hlo_ref[...], hhi_ref[...]], axis=1)
    agg = jnp.concatenate([alo_ref[...], ahi_ref[...]], axis=1)
    hn = jnp.maximum(
        jnp.dot(h + agg / denom, w_ref[...],
                preferred_element_type=jnp.float32) + b_ref[...], 0.0)
    olo_ref[...] = hn[:, :HH]
    ohi_ref[...] = hn[:, HH:]

    @pl.when(i == 0)
    def _():
        cs_ref[...] = jnp.zeros_like(cs_ref)

    cs_ref[...] += jnp.sum(hn, axis=0, keepdims=True)


def _update(hlo, hhi, alo, ahi, deg, w, b):
    return pl.pallas_call(
        _update_body,
        grid=(N // _BN,),
        in_specs=[
            pl.BlockSpec((_BN, HH), lambda i: (i, 0)),
            pl.BlockSpec((_BN, HH), lambda i: (i, 0)),
            pl.BlockSpec((_BN, HH), lambda i: (i, 0)),
            pl.BlockSpec((_BN, HH), lambda i: (i, 0)),
            pl.BlockSpec((_BN, DW), lambda i: (i, 0)),
            pl.BlockSpec((H, H), lambda i: (0, 0)),
            pl.BlockSpec((1, H), lambda i: (0, 0)),
        ],
        out_specs=[
            pl.BlockSpec((_BN, HH), lambda i: (i, 0)),
            pl.BlockSpec((_BN, HH), lambda i: (i, 0)),
            pl.BlockSpec((1, H), lambda i: (0, 0)),
        ],
        out_shape=[
            jax.ShapeDtypeStruct((N, HH), jnp.float32),
            jax.ShapeDtypeStruct((N, HH), jnp.float32),
            jax.ShapeDtypeStruct((1, H), jnp.float32),
        ],
    )(hlo, hhi, alo, ahi, deg, w, b)


def _update_head_body(hlo_ref, hhi_ref, alo_ref, ahi_ref, deg_ref, w_ref,
                      b_ref, w1_ref, b1_ref, w2_ref, b2_ref, o_ref, cs_ref):
    i = pl.program_id(0)
    denom = jnp.maximum(deg_ref[:, 0:1], 1.0)
    h = jnp.concatenate([hlo_ref[...], hhi_ref[...]], axis=1)
    agg = jnp.concatenate([alo_ref[...], ahi_ref[...]], axis=1)
    hn = jnp.maximum(
        jnp.dot(h + agg / denom, w_ref[...],
                preferred_element_type=jnp.float32) + b_ref[...], 0.0)

    @pl.when(i == 0)
    def _():
        cs_ref[...] = jnp.zeros_like(cs_ref)

    cs_ref[pl.ds(i, 1), :] = jnp.sum(hn, axis=0, keepdims=True)

    @pl.when(i == N // _BN - 1)
    def _():
        ge = jnp.sum(cs_ref[...], axis=0, keepdims=True) * (1.0 / N)
        hidden = jnp.maximum(
            jnp.sum(ge.reshape(H, 1) * w1_ref[...], axis=0, keepdims=True)
            + b1_ref[...], 0.0)
        o_ref[...] = jnp.sum(hidden.reshape(H, 1) * w2_ref[...], axis=0,
                             keepdims=True) + b2_ref[...]


def _update_head(hlo, hhi, alo, ahi, deg, w, b, w1, b1, w2, b2):
    return pl.pallas_call(
        _update_head_body,
        grid=(N // _BN,),
        in_specs=[
            pl.BlockSpec((_BN, HH), lambda i: (i, 0)),
            pl.BlockSpec((_BN, HH), lambda i: (i, 0)),
            pl.BlockSpec((_BN, HH), lambda i: (i, 0)),
            pl.BlockSpec((_BN, HH), lambda i: (i, 0)),
            pl.BlockSpec((_BN, DW), lambda i: (i, 0)),
            pl.BlockSpec((H, H), lambda i: (0, 0)),
            pl.BlockSpec((1, H), lambda i: (0, 0)),
            pl.BlockSpec((H, H), lambda i: (0, 0)),
            pl.BlockSpec((1, H), lambda i: (0, 0)),
            pl.BlockSpec((H, 1), lambda i: (0, 0)),
            pl.BlockSpec((1, 1), lambda i: (0, 0)),
        ],
        out_specs=[
            pl.BlockSpec((1, 1), lambda i: (0, 0)),
            pl.BlockSpec((N // _BN, H), lambda i: (0, 0)),
        ],
        out_shape=[
            jax.ShapeDtypeStruct((1, 1), jnp.float32),
            jax.ShapeDtypeStruct((N // _BN, H), jnp.float32),
        ],
    )(hlo, hhi, alo, ahi, deg, w, b, w1, b1, w2, b2)


def kernel(x, edge_index, W_emb, b_emb, W_l0, b_l0, W_l1, b_l1,
           W_m1, b_m1, W_m2, b_m2):
    zeros = jnp.zeros((RPA, HH), jnp.float32)
    zeros16 = jnp.zeros((RPS, DW), jnp.float32)
    ones = jnp.ones((C, DW), jnp.float32)

    (deg,) = _deg(edge_index, zeros16, ones)
    hlo, hhi = _embed(x, W_emb, b_emb.reshape(1, H))
    alo, ahi = _agg(edge_index, hlo, hhi, zeros)
    hlo, hhi, _ = _update(hlo, hhi, alo, ahi, deg, W_l0, b_l0.reshape(1, H))
    alo, ahi = _agg(edge_index, hlo, hhi, zeros)
    hlo, hhi, _ = _update(hlo, hhi, alo, ahi, deg, W_l1, b_l1.reshape(1, H))
    ge = jnp.concatenate([hlo, hhi], axis=1).mean(axis=0)
    hidden = jax.nn.relu(ge @ W_m1 + b_m1)
    return hidden @ W_m2 + b_m2

# --- scband reference (transcript-rebuilt; emitter-appended) ---
"""Pipeline reference for scband-reward-gnn-6373731467803 (READ-ONLY COPY).

The authoritative reference and input builder live on the scoring server;
editing this copy changes nothing except your own understanding.
"""

import jax, jax.numpy as jnp
import numpy as np

N = 50000
E = 800000
F = 111
H = 64  # embedding_dim == hidden_dim == output_dim == 64


def setup_inputs(seed: int = 0) -> dict:
    key = jax.random.key(seed)
    ks = jax.random.split(key, 12)
    x = jax.random.normal(ks[0], (N, F), dtype=jnp.float32)
    edge_index = jax.random.randint(ks[1], (2, E), 0, N, dtype=jnp.int32)
    s = 1.0 / np.sqrt(H)
    W_emb = jax.random.normal(ks[2], (F, H), dtype=jnp.float32) / np.sqrt(F)
    b_emb = jnp.zeros((H,), dtype=jnp.float32)
    W_l0 = jax.random.normal(ks[3], (H, H), dtype=jnp.float32) * s
    b_l0 = jnp.zeros((H,), dtype=jnp.float32)
    W_l1 = jax.random.normal(ks[4], (H, H), dtype=jnp.float32) * s
    b_l1 = jnp.zeros((H,), dtype=jnp.float32)
    W_m1 = jax.random.normal(ks[5], (H, H), dtype=jnp.float32) * s
    b_m1 = jnp.zeros((H,), dtype=jnp.float32)
    W_m2 = jax.random.normal(ks[6], (H, 1), dtype=jnp.float32) * s
    b_m2 = jnp.zeros((1,), dtype=jnp.float32)
    return {"x": x, "edge_index": edge_index, "W_emb": W_emb, "b_emb": b_emb,
            "W_l0": W_l0, "b_l0": b_l0, "W_l1": W_l1, "b_l1": b_l1,
            "W_m1": W_m1, "b_m1": b_m1, "W_m2": W_m2, "b_m2": b_m2}


def reference(x, edge_index, W_emb, b_emb, W_l0, b_l0, W_l1, b_l1, W_m1, b_m1, W_m2, b_m2):
    # SchenkerGNN: embed node features, then num_layers=2 rounds of mean-aggregation
    # message passing (GCN-style, eval mode so dropout is identity)
    src = edge_index[0]
    dst = edge_index[1]
    h = x @ W_emb + b_emb
    deg = jnp.zeros((N,), dtype=jnp.float32).at[dst].add(1.0)
    denom = jnp.maximum(deg, 1.0)[:, None]
    for W, b in ((W_l0, b_l0), (W_l1, b_l1)):
        msgs = h[src]                                   # gather over edges
        agg = jax.ops.segment_sum(msgs, dst, num_segments=N) / denom  # scatter-add
        h = jax.nn.relu((h + agg) @ W + b)
    # RewardGNN head: graph mean pool + MLP -> scalar reward
    graph_embedding = h.mean(axis=0)
    hidden = jax.nn.relu(graph_embedding @ W_m1 + b_m1)
    reward = hidden @ W_m2 + b_m2
    return reward

if __name__ == "__main__":
    import jax
    _d = setup_inputs()
    print(jax.jit(kernel)(*tuple(_d.values())))

</pallas_src>

<mosaic_0001>
#map = affine_map<(d0, d1) -> (0, 0)>
module attributes {stable_mosaic.version = 14 : i64} {
  func.func @_agg_body(%arg0: i32, %arg1: i32, %arg2: memref<2x800000xi32, #tpu.memory_space<hbm>>, %arg3: memref<50000x32xf32, #tpu.memory_space<hbm>>, %arg4: memref<50000x32xf32, #tpu.memory_space<hbm>>, %arg5: memref<3128x32xf32, #tpu.memory_space<hbm>>, %arg6: memref<50000x32xf32, #tpu.memory_space<hbm>>, %arg7: memref<50000x32xf32, #tpu.memory_space<hbm>>, %arg8: memref<50048x32xf32, #tpu.memory_space<vmem_shared>>, %arg9: memref<2x384xi32, #tpu.memory_space<vmem>>, %arg10: memref<3x3x128xi32, #tpu.memory_space<vmem>>, %arg11: memref<2x3x128x32xf32, #tpu.memory_space<vmem>>, %arg12: memref<!tpu.dma_semaphore, #tpu.memory_space<semaphore_mem>>, %arg13: memref<!tpu.dma_semaphore, #tpu.memory_space<semaphore_mem>>, %arg14: memref<!tpu.dma_semaphore, #tpu.memory_space<semaphore_mem>>, %arg15: memref<!tpu.dma_semaphore, #tpu.memory_space<semaphore_mem>>, %arg16: memref<!tpu.dma_semaphore, #tpu.memory_space<semaphore_mem>>, %arg17: memref<!tpu.dma_semaphore, #tpu.memory_space<semaphore_mem>>, %arg18: memref<!tpu.dma_semaphore, #tpu.memory_space<semaphore_mem>>, %arg19: memref<!tpu.dma_semaphore, #tpu.memory_space<semaphore_mem>>) attributes {dimension_semantics = [#tpu.dimension_semantics<core_parallel>, #tpu.dimension_semantics<subcore_parallel>], iteration_bounds = array<i64: 2, 16>, scalar_prefetch = 0 : i64, scratch_operands = 12 : i64, tpu.core_type = #tpu.core_type<sc_vector_subcore>, window_params = [{transform_indices = #map}, {transform_indices = #map}, {transform_indices = #map}, {transform_indices = #map}, {transform_indices = #map}, {transform_indices = #map}]} {
    %add3A = arith.constant 50000 : i32
    %add3A_0 = arith.addi %add3A, %arg1 : i32
    %mul3A = arith.constant 50000 : i32
    %mul3A_1 = arith.muli %arg1, %mul3A : i32
    %mul3A_2 = arith.constant 3128 : i32
    %mul3A_3 = arith.muli %arg1, %mul3A_2 : i32
    "tpu.region"() ({
      %run_scoped3A_284 = tpu.sem_alloc : memref<!tpu.dma_semaphore, #tpu.memory_space<semaphore_mem>>
      %dma_start3A_285 = arith.constant 0 : i32
      %dma_start3A_286 = tpu.memref_slice %arg8[%mul3A_3, %dma_start3A_285] : memref<50048x32xf32, #tpu.memory_space<vmem_shared>> -> memref<3128x32xf32, #tpu.memory_space<vmem_shared>>
      %dma_start3A_287 = arith.constant 0 : i32
      %dma_start3A_288 = arith.constant 0 : i32
      %dma_start3A_289 = tpu.memref_slice %arg5[%dma_start3A_287, %dma_start3A_288] : memref<3128x32xf32, #tpu.memory_space<hbm>> -> memref<3128x32xf32, #tpu.memory_space<hbm>>
      tpu.enqueue_dma source(%dma_start3A_289 : memref<3128x32xf32, #tpu.memory_space<hbm>>) target(%dma_start3A_286 : memref<3128x32xf32, #tpu.memory_space<vmem_shared>>) target_semaphore(%run_scoped3A_284 : memref<!tpu.dma_semaphore, #tpu.memory_space<semaphore_mem>>)
      %dma_wait3A_290 = arith.constant 0 : i32
      %dma_wait3A_291 = tpu.memref_slice %arg8[%mul3A_3, %dma_wait3A_290] : memref<50048x32xf32, #tpu.memory_space<vmem_shared>> -> memref<3128x32xf32, #tpu.memory_space<vmem_shared>>
      %dma_wait3A_292 = arith.constant 0 : i32
      %dma_wait3A_293 = arith.constant 0 : i32
      %dma_wait3A_294 = tpu.memref_slice %arg5[%dma_wait3A_292, %dma_wait3A_293] : memref<3128x32xf32, #tpu.memory_space<hbm>> -> memref<3128x32xf32, #tpu.memory_space<hbm>>
      tpu.wait_dma2 semaphore(%run_scoped3A_284 : memref<!tpu.dma_semaphore, #tpu.memory_space<semaphore_mem>>) src(%dma_wait3A_294 : memref<3128x32xf32, #tpu.memory_space<hbm>>) dst(%dma_wait3A_291 : memref<3128x32xf32, #tpu.memory_space<vmem_shared>>)
      tpu.yield
    }) : () -> ()
    %barrier3A = arith.constant 0 : index
    tpu.barrier barrier_id(%barrier3A)
    %add3A_4 = arith.constant 0 : i32
    %add3A_5 = arith.addi %mul3A_1, %add3A_4 : i32
    %dma_start3A = arith.constant 0 : i32
    %dma_start3A_6 = arith.constant 0 : i32
    %dma_start3A_7 = arith.constant 0 : i32
    %dma_start3A_8 = tpu.memref_slice %arg9[%dma_start3A_6, %dma_start3A_7] : memref<2x384xi32, #tpu.memory_space<vmem>> -> memref<1x384xi32, #tpu.memory_space<vmem>>
    %dma_start3A_9 = tpu.memref_squeeze %dma_start3A_8 : memref<1x384xi32, #tpu.memory_space<vmem>> -> memref<384xi32, #tpu.memory_space<vmem>>
    %dma_start3A_10 = tpu.memref_slice %arg2[%dma_start3A, %add3A_5] : memref<2x800000xi32, #tpu.memory_space<hbm>> -> memref<1x384xi32, #tpu.memory_space<hbm>>
    %dma_start3A_11 = tpu.memref_squeeze %dma_start3A_10 : memref<1x384xi32, #tpu.memory_space<hbm>> -> memref<384xi32, #tpu.memory_space<hbm>>
    %dma_start3A_12 = arith.constant 0 : i32
    %dma_start3A_13 = tpu.memref_slice %arg9[%dma_start3A_6, %dma_start3A_12] : memref<2x384xi32, #tpu.memory_space<vmem>> -> memref<1x384xi32, #tpu.memory_space<vmem>>
    %dma_start3A_14 = tpu.memref_squeeze %dma_start3A_13 : memref<1x384xi32, #tpu.memory_space<vmem>> -> memref<384xi32, #tpu.memory_space<vmem>>
    %dma_start3A_15 = tpu.memref_slice %arg2[%dma_start3A, %add3A_5] : memref<2x800000xi32, #tpu.memory_space<hbm>> -> memref<1x384xi32, #tpu.memory_space<hbm>>
    %dma_start3A_16 = tpu.memref_squeeze %dma_start3A_15 : memref<1x384xi32, #tpu.memory_space<hbm>> -> memref<384xi32, #tpu.memory_space<hbm>>
    tpu.enqueue_dma source(%dma_start3A_16 : memref<384xi32, #tpu.memory_space<hbm>>) target(%dma_start3A_14 : memref<384xi32, #tpu.memory_space<vmem>>) target_semaphore(%arg12 : memref<!tpu.dma_semaphore, #tpu.memory_space<semaphore_mem>>)
    %add3A_17 = arith.constant 0 : i32
    %add3A_18 = arith.addi %add3A_5, %add3A_17 : i32
    %rem3A = arith.constant 0 : i32
    %rem3A_19 = arith.constant 3 : i32
    %rem3A_20 = arith.remsi %rem3A, %rem3A_19 : i32
    %dma_start3A_21 = arith.constant 1 : i32
    %dma_start3A_22 = arith.constant 0 : i32
    %dma_start3A_23 = arith.constant 0 : i32
    %dma_start3A_24 = tpu.memref_slice %arg10[%rem3A_20, %dma_start3A_22, %dma_start3A_23] : memref<3x3x128xi32, #tpu.memory_space<vmem>> -> memref<1x1x128xi32, #tpu.memory_space<vmem>>
    %dma_start3A_25 = tpu.memref_squeeze %dma_start3A_24 : memref<1x1x128xi32, #tpu.memory_space<vmem>> -> memref<128xi32, #tpu.memory_space<vmem>>
    %dma_start3A_26 = tpu.memref_slice %arg2[%dma_start3A_21, %add3A_18] : memref<2x800000xi32, #tpu.memory_space<hbm>> -> memref<1x128xi32, #tpu.memory_space<hbm>>
    %dma_start3A_27 = tpu.memref_squeeze %dma_start3A_26 : memref<1x128xi32, #tpu.memory_space<hbm>> -> memref<128xi32, #tpu.memory_space<hbm>>
    %dma_start3A_28 = arith.constant 0 : i32
    %dma_start3A_29 = tpu.memref_slice %arg10[%rem3A_20, %dma_start3A_22, %dma_start3A_28] : memref<3x3x128xi32, #tpu.memory_space<vmem>> -> memref<1x1x128xi32, #tpu.memory_space<vmem>>
    %dma_start3A_30 = tpu.memref_squeeze %dma_start3A_29 : memref<1x1x128xi32, #tpu.memory_space<vmem>> -> memref<128xi32, #tpu.memory_space<vmem>>
    %dma_start3A_31 = tpu.memref_slice %arg2[%dma_start3A_21, %add3A_18] : memref<2x800000xi32, #tpu.memory_space<hbm>> -> memref<1x128xi32, #tpu.memory_space<hbm>>
    %dma_start3A_32 = tpu.memref_squeeze %dma_start3A_31 : memref<1x128xi32, #tpu.memory_space<hbm>> -> memref<128xi32, #tpu.memory_space<hbm>>
    tpu.enqueue_dma source(%dma_start3A_32 : memref<128xi32, #tpu.memory_space<hbm>>) target(%dma_start3A_30 : memref<128xi32, #tpu.memory_space<vmem>>) target_semaphore(%arg12 : memref<!tpu.dma_semaphore, #tpu.memory_space<semaphore_mem>>)
    %add3A_33 = arith.constant 128 : i32
    %add3A_34 = arith.addi %add3A_5, %add3A_33 : i32
    %rem3A_35 = arith.constant 0 : i32
    %rem3A_36 = arith.constant 3 : i32
    %rem3A_37 = arith.remsi %rem3A_35, %rem3A_36 : i32
    %dma_start3A_38 = arith.constant 1 : i32
    %dma_start3A_39 = arith.constant 1 : i32
    %dma_start3A_40 = arith.constant 0 : i32
    %dma_start3A_41 = tpu.memref_slice %arg10[%rem3A_37, %dma_start3A_39, %dma_start3A_40] : memref<3x3x128xi32, #tpu.memory_space<vmem>> -> memref<1x1x128xi32, #tpu.memory_space<vmem>>
    %dma_start3A_42 = tpu.memref_squeeze %dma_start3A_41 : memref<1x1x128xi32, #tpu.memory_space<vmem>> -> memref<128xi32, #tpu.memory_space<vmem>>
    %dma_start3A_43 = tpu.memref_slice %arg2[%dma_start3A_38, %add3A_34] : memref<2x800000xi32, #tpu.memory_space<hbm>> -> memref<1x128xi32, #tpu.memory_space<hbm>>
    %dma_start3A_44 = tpu.memref_squeeze %dma_start3A_43 : memref<1x128xi32, #tpu.memory_space<hbm>> -> memref<128xi32, #tpu.memory_space<hbm>>
    %dma_start3A_45 = arith.constant 0 : i32
    %dma_start3A_46 = tpu.memref_slice %arg10[%rem3A_37, %dma_start3A_39, %dma_start3A_45] : memref<3x3x128xi32, #tpu.memory_space<vmem>> -> memref<1x1x128xi32, #tpu.memory_space<vmem>>
    %dma_start3A_47 = tpu.memref_squeeze %dma_start3A_46 : memref<1x1x128xi32, #tpu.memory_space<vmem>> -> memref<128xi32, #tpu.memory_space<vmem>>
    %dma_start3A_48 = tpu.memref_slice %arg2[%dma_start3A_38, %add3A_34] : memref<2x800000xi32, #tpu.memory_space<hbm>> -> memref<1x128xi32, #tpu.memory_space<hbm>>
    %dma_start3A_49 = tpu.memref_squeeze %dma_start3A_48 : memref<1x128xi32, #tpu.memory_space<hbm>> -> memref<128xi32, #tpu.memory_space<hbm>>
    tpu.enqueue_dma source(%dma_start3A_49 : memref<128xi32, #tpu.memory_space<hbm>>) target(%dma_start3A_47 : memref<128xi32, #tpu.memory_space<vmem>>) target_semaphore(%arg12 : memref<!tpu.dma_semaphore, #tpu.memory_space<semaphore_mem>>)
    %add3A_50 = arith.constant 256 : i32
    %add3A_51 = arith.addi %add3A_5, %add3A_50 : i32
    %rem3A_52 = arith.constant 0 : i32
    %rem3A_53 = arith.constant 3 : i32
    %rem3A_54 = arith.remsi %rem3A_52, %rem3A_53 : i32
    %dma_start3A_55 = arith.constant 1 : i32
    %dma_start3A_56 = arith.constant 2 : i32
    %dma_start3A_57 = arith.constant 0 : i32
    %dma_start3A_58 = tpu.memref_slice %arg10[%rem3A_54, %dma_start3A_56, %dma_start3A_57] : memref<3x3x128xi32, #tpu.memory_space<vmem>> -> memref<1x1x128xi32, #tpu.memory_space<vmem>>
    %dma_start3A_59 = tpu.memref_squeeze %dma_start3A_58 : memref<1x1x128xi32, #tpu.memory_space<vmem>> -> memref<128xi32, #tpu.memory_space<vmem>>
    %dma_start3A_60 = tpu.memref_slice %arg2[%dma_start3A_55, %add3A_51] : memref<2x800000xi32, #tpu.memory_space<hbm>> -> memref<1x128xi32, #tpu.memory_space<hbm>>
    %dma_start3A_61 = tpu.memref_squeeze %dma_start3A_60 : memref<1x128xi32, #tpu.memory_space<hbm>> -> memref<128xi32, #tpu.memory_space<hbm>>
    %dma_start3A_62 = arith.constant 0 : i32
    %dma_start3A_63 = tpu.memref_slice %arg10[%rem3A_54, %dma_start3A_56, %dma_start3A_62] : memref<3x3x128xi32, #tpu.memory_space<vmem>> -> memref<1x1x128xi32, #tpu.memory_space<vmem>>
    %dma_start3A_64 = tpu.memref_squeeze %dma_start3A_63 : memref<1x1x128xi32, #tpu.memory_space<vmem>> -> memref<128xi32, #tpu.memory_space<vmem>>
    %dma_start3A_65 = tpu.memref_slice %arg2[%dma_start3A_55, %add3A_51] : memref<2x800000xi32, #tpu.memory_space<hbm>> -> memref<1x128xi32, #tpu.memory_space<hbm>>
    %dma_start3A_66 = tpu.memref_squeeze %dma_start3A_65 : memref<1x128xi32, #tpu.memory_space<hbm>> -> memref<128xi32, #tpu.memory_space<hbm>>
    tpu.enqueue_dma source(%dma_start3A_66 : memref<128xi32, #tpu.memory_space<hbm>>) target(%dma_start3A_64 : memref<128xi32, #tpu.memory_space<vmem>>) target_semaphore(%arg12 : memref<!tpu.dma_semaphore, #tpu.memory_space<semaphore_mem>>)
    %add3A_67 = arith.constant 0 : i32
    %add3A_68 = arith.addi %mul3A_1, %add3A_67 : i32
    %dma_wait3A = arith.constant 0 : i32
    %dma_wait3A_69 = arith.constant 0 : i32
    %dma_wait3A_70 = arith.constant 0 : i32
    %dma_wait3A_71 = tpu.memref_slice %arg9[%dma_wait3A_69, %dma_wait3A_70] : memref<2x384xi32, #tpu.memory_space<vmem>> -> memref<1x384xi32, #tpu.memory_space<vmem>>
    %dma_wait3A_72 = tpu.memref_squeeze %dma_wait3A_71 : memref<1x384xi32, #tpu.memory_space<vmem>> -> memref<384xi32, #tpu.memory_space<vmem>>
    %dma_wait3A_73 = tpu.memref_slice %arg2[%dma_wait3A, %add3A_68] : memref<2x800000xi32, #tpu.memory_space<hbm>> -> memref<1x384xi32, #tpu.memory_space<hbm>>
    %dma_wait3A_74 = tpu.memref_squeeze %dma_wait3A_73 : memref<1x384xi32, #tpu.memory_space<hbm>> -> memref<384xi32, #tpu.memory_space<hbm>>
    %dma_wait3A_75 = arith.constant 0 : i32
    %dma_wait3A_76 = tpu.memref_slice %arg9[%dma_wait3A_69, %dma_wait3A_75] : memref<2x384xi32, #tpu.memory_space<vmem>> -> memref<1x384xi32, #tpu.memory_space<vmem>>
    %dma_wait3A_77 = tpu.memref_squeeze %dma_wait3A_76 : memref<1x384xi32, #tpu.memory_space<vmem>> -> memref<384xi32, #tpu.memory_space<vmem>>
    %dma_wait3A_78 = tpu.memref_slice %arg2[%dma_wait3A, %add3A_68] : memref<2x800000xi32, #tpu.memory_space<hbm>> -> memref<1x384xi32, #tpu.memory_space<hbm>>
    %dma_wait3A_79 = tpu.memref_squeeze %dma_wait3A_78 : memref<1x384xi32, #tpu.memory_space<hbm>> -> memref<384xi32, #tpu.memory_space<hbm>>
    tpu.wait_dma2 semaphore(%arg12 : memref<!tpu.dma_semaphore, #tpu.memory_space<semaphore_mem>>) src(%dma_wait3A_79 : memref<384xi32, #tpu.memory_space<hbm>>) dst(%dma_wait3A_77 : memref<384xi32, #tpu.memory_space<vmem>>)
    %add3A_80 = arith.constant 0 : i32
    %add3A_81 = arith.addi %add3A_68, %add3A_80 : i32
    %rem3A_82 = arith.constant 0 : i32
    %rem3A_83 = arith.constant 3 : i32
    %rem3A_84 = arith.remsi %rem3A_82, %rem3A_83 : i32
    %dma_wait3A_85 = arith.constant 1 : i32
    %dma_wait3A_86 = arith.constant 0 : i32
    %dma_wait3A_87 = arith.constant 0 : i32
    %dma_wait3A_88 = tpu.memref_slice %arg10[%rem3A_84, %dma_wait3A_86, %dma_wait3A_87] : memref<3x3x128xi32, #tpu.memory_space<vmem>> -> memref<1x1x128xi32, #tpu.memory_space<vmem>>
    %dma_wait3A_89 = tpu.memref_squeeze %dma_wait3A_88 : memref<1x1x128xi32, #tpu.memory_space<vmem>> -> memref<128xi32, #tpu.memory_space<vmem>>
    %dma_wait3A_90 = tpu.memref_slice %arg2[%dma_wait3A_85, %add3A_81] : memref<2x800000xi32, #tpu.memory_space<hbm>> -> memref<1x128xi32, #tpu.memory_space<hbm>>
    %dma_wait3A_91 = tpu.memref_squeeze %dma_wait3A_90 : memref<1x128xi32, #tpu.memory_space<hbm>> -> memref<128xi32, #tpu.memory_space<hbm>>
    %dma_wait3A_92 = arith.constant 0 : i32
    %dma_wait3A_93 = tpu.memref_slice %arg10[%rem3A_84, %dma_wait3A_86, %dma_wait3A_92] : memref<3x3x128xi32, #tpu.memory_space<vmem>> -> memref<1x1x128xi32, #tpu.memory_space<vmem>>
    %dma_wait3A_94 = tpu.memref_squeeze %dma_wait3A_93 : memref<1x1x128xi32, #tpu.memory_space<vmem>> -> memref<128xi32, #tpu.memory_space<vmem>>
    %dma_wait3A_95 = tpu.memref_slice %arg2[%dma_wait3A_85, %add3A_81] : memref<2x800000xi32, #tpu.memory_space<hbm>> -> memref<1x128xi32, #tpu.memory_space<hbm>>
    %dma_wait3A_96 = tpu.memref_squeeze %dma_wait3A_95 : memref<1x128xi32, #tpu.memory_space<hbm>> -> memref<128xi32, #tpu.memory_space<hbm>>
    tpu.wait_dma2 semaphore(%arg12 : memref<!tpu.dma_semaphore, #tpu.memory_space<semaphore_mem>>) src(%dma_wait3A_96 : memref<128xi32, #tpu.memory_space<hbm>>) dst(%dma_wait3A_94 : memref<128xi32, #tpu.memory_space<vmem>>)
    %add3A_97 = arith.constant 128 : i32
    %add3A_98 = arith.addi %add3A_68, %add3A_97 : i32
    %rem3A_99 = arith.constant 0 : i32
    %rem3A_100 = arith.constant 3 : i32
    %rem3A_101 = arith.remsi %rem3A_99, %rem3A_100 : i32
    %dma_wait3A_102 = arith.constant 1 : i32
    %dma_wait3A_103 = arith.constant 1 : i32
    %dma_wait3A_104 = arith.constant 0 : i32
    %dma_wait3A_105 = tpu.memref_slice %arg10[%rem3A_101, %dma_wait3A_103, %dma_wait3A_104] : memref<3x3x128xi32, #tpu.memory_space<vmem>> -> memref<1x1x128xi32, #tpu.memory_space<vmem>>
    %dma_wait3A_106 = tpu.memref_squeeze %dma_wait3A_105 : memref<1x1x128xi32, #tpu.memory_space<vmem>> -> memref<128xi32, #tpu.memory_space<vmem>>
    %dma_wait3A_107 = tpu.memref_slice %arg2[%dma_wait3A_102, %add3A_98] : memref<2x800000xi32, #tpu.memory_space<hbm>> -> memref<1x128xi32, #tpu.memory_space<hbm>>
    %dma_wait3A_108 = tpu.memref_squeeze %dma_wait3A_107 : memref<1x128xi32, #tpu.memory_space<hbm>> -> memref<128xi32, #tpu.memory_space<hbm>>
    %dma_wait3A_109 = arith.constant 0 : i32
    %dma_wait3A_110 = tpu.memref_slice %arg10[%rem3A_101, %dma_wait3A_103, %dma_wait3A_109] : memref<3x3x128xi32, #tpu.memory_space<vmem>> -> memref<1x1x128xi32, #tpu.memory_space<vmem>>
    %dma_wait3A_111 = tpu.memref_squeeze %dma_wait3A_110 : memref<1x1x128xi32, #tpu.memory_space<vmem>> -> memref<128xi32, #tpu.memory_space<vmem>>
    %dma_wait3A_112 = tpu.memref_slice %arg2[%dma_wait3A_102, %add3A_98] : memref<2x800000xi32, #tpu.memory_space<hbm>> -> memref<1x128xi32, #tpu.memory_space<hbm>>
    %dma_wait3A_113 = tpu.memref_squeeze %dma_wait3A_112 : memref<1x128xi32, #tpu.memory_space<hbm>> -> memref<128xi32, #tpu.memory_space<hbm>>
    tpu.wait_dma2 semaphore(%arg12 : memref<!tpu.dma_semaphore, #tpu.memory_space<semaphore_mem>>) src(%dma_wait3A_113 : memref<128xi32, #tpu.memory_space<hbm>>) dst(%dma_wait3A_111 : memref<128xi32, #tpu.memory_space<vmem>>)
    %add3A_114 = arith.constant 256 : i32
    %add3A_115 = arith.addi %add3A_68, %add3A_114 : i32
    %rem3A_116 = arith.constant 0 : i32
    %rem3A_117 = arith.constant 3 : i32
    %rem3A_118 = arith.remsi %rem3A_116, %rem3A_117 : i32
    %dma_wait3A_119 = arith.constant 1 : i32
    %dma_wait3A_120 = arith.constant 2 : i32
    %dma_wait3A_121 = arith.constant 0 : i32
    %dma_wait3A_122 = tpu.memref_slice %arg10[%rem3A_118, %dma_wait3A_120, %dma_wait3A_121] : memref<3x3x128xi32, #tpu.memory_space<vmem>> -> memref<1x1x128xi32, #tpu.memory_space<vmem>>
    %dma_wait3A_123 = tpu.memref_squeeze %dma_wait3A_122 : memref<1x1x128xi32, #tpu.memory_space<vmem>> -> memref<128xi32, #tpu.memory_space<vmem>>
    %dma_wait3A_124 = tpu.memref_slice %arg2[%dma_wait3A_119, %add3A_115] : memref<2x800000xi32, #tpu.memory_space<hbm>> -> memref<1x128xi32, #tpu.memory_space<hbm>>
    %dma_wait3A_125 = tpu.memref_squeeze %dma_wait3A_124 : memref<1x128xi32, #tpu.memory_space<hbm>> -> memref<128xi32, #tpu.memory_space<hbm>>
    %dma_wait3A_126 = arith.constant 0 : i32
    %dma_wait3A_127 = tpu.memref_slice %arg10[%rem3A_118, %dma_wait3A_120, %dma_wait3A_126] : memref<3x3x128xi32, #tpu.memory_space<vmem>> -> memref<1x1x128xi32, #tpu.memory_space<vmem>>
    %dma_wait3A_128 = tpu.memref_squeeze %dma_wait3A_127 : memref<1x1x128xi32, #tpu.memory_space<vmem>> -> memref<128xi32, #tpu.memory_space<vmem>>
    %dma_wait3A_129 = tpu.memref_slice %arg2[%dma_wait3A_119, %add3A_115] : memref<2x800000xi32, #tpu.memory_space<hbm>> -> memref<1x128xi32, #tpu.memory_space<hbm>>
    %dma_wait3A_130 = tpu.memref_squeeze %dma_wait3A_129 : memref<1x128xi32, #tpu.memory_space<hbm>> -> memref<128xi32, #tpu.memory_space<hbm>>
    tpu.wait_dma2 semaphore(%arg12 : memref<!tpu.dma_semaphore, #tpu.memory_space<semaphore_mem>>) src(%dma_wait3A_130 : memref<128xi32, #tpu.memory_space<hbm>>) dst(%dma_wait3A_128 : memref<128xi32, #tpu.memory_space<vmem>>)
    %eq3A = arith.constant 0 : i32
    %eq3A_131 = arith.cmpi eq, %arg0, %eq3A : i32
    %convert_element_type3A = arith.extui %eq3A_131 : i1 to i32
    %cond3A = arith.constant 0 : i32
    %cond3A_132 = arith.cmpi ne, %convert_element_type3A, %cond3A : i32
    scf.if %cond3A_132 {
      %dma_start3A_284 = arith.constant 0 : i32
      %dma_start3A_285 = arith.constant 0 : i32
      %dma_start3A_286 = arith.constant 0 : i32
      %dma_start3A_287 = arith.constant 0 : i32
      %dma_start3A_288 = arith.constant 0 : i32
      %dma_start3A_289 = tpu.memref_slice %arg11[%dma_start3A_285, %dma_start3A_286, %dma_start3A_287, %dma_start3A_288] : memref<2x3x128x32xf32, #tpu.memory_space<vmem>> -> memref<1x1x128x32xf32, #tpu.memory_space<vmem>>
      %dma_start3A_290 = tpu.memref_squeeze %dma_start3A_289 : memref<1x1x128x32xf32, #tpu.memory_space<vmem>> -> memref<128x32xf32, #tpu.memory_space<vmem>>
      %dma_start3A_291 = arith.constant 0 : i32
      %dma_start3A_292 = tpu.memref_slice %arg9[%dma_start3A_284, %dma_start3A_291] : memref<2x384xi32, #tpu.memory_space<vmem>> -> memref<1x128xi32, #tpu.memory_space<vmem>>
      %dma_start3A_293 = tpu.memref_squeeze %dma_start3A_292 : memref<1x128xi32, #tpu.memory_space<vmem>> -> memref<128xi32, #tpu.memory_space<vmem>>
      %dma_start3A_294 = arith.constant 0 : i32
      %dma_start3A_295 = arith.constant 0 : i32
      %dma_start3A_296 = tpu.memref_slice %arg3[%dma_start3A_294, %dma_start3A_295] : memref<50000x32xf32, #tpu.memory_space<hbm>> -> memref<50000x32xf32, #tpu.memory_space<hbm>>
      tpu.enqueue_indirect_dma source(%dma_start3A_296 : memref<50000x32xf32, #tpu.memory_space<hbm>>) target(%dma_start3A_290 : memref<128x32xf32, #tpu.memory_space<vmem>>) offsets(%dma_start3A_293 : memref<128xi32, #tpu.memory_space<vmem>>) semaphore(%arg14 : memref<!tpu.dma_semaphore, #tpu.memory_space<semaphore_mem>>)
      %dma_start3A_297 = arith.constant 0 : i32
      %dma_start3A_298 = arith.constant 0 : i32
      %dma_start3A_299 = arith.constant 1 : i32
      %dma_start3A_300 = arith.constant 0 : i32
      %dma_start3A_301 = arith.constant 0 : i32
      %dma_start3A_302 = tpu.memref_slice %arg11[%dma_start3A_298, %dma_start3A_299, %dma_start3A_300, %dma_start3A_301] : memref<2x3x128x32xf32, #tpu.memory_space<vmem>> -> memref<1x1x128x32xf32, #tpu.memory_space<vmem>>
      %dma_start3A_303 = tpu.memref_squeeze %dma_start3A_302 : memref<1x1x128x32xf32, #tpu.memory_space<vmem>> -> memref<128x32xf32, #tpu.memory_space<vmem>>
      %dma_start3A_304 = arith.constant 128 : i32
      %dma_start3A_305 = tpu.memref_slice %arg9[%dma_start3A_297, %dma_start3A_304] : memref<2x384xi32, #tpu.memory_space<vmem>> -> memref<1x128xi32, #tpu.memory_space<vmem>>
      %dma_start3A_306 = tpu.memref_squeeze %dma_start3A_305 : memref<1x128xi32, #tpu.memory_space<vmem>> -> memref<128xi32, #tpu.memory_space<vmem>>
      %dma_start3A_307 = arith.constant 0 : i32
      %dma_start3A_308 = arith.constant 0 : i32
      %dma_start3A_309 = tpu.memref_slice %arg3[%dma_start3A_307, %dma_start3A_308] : memref<50000x32xf32, #tpu.memory_space<hbm>> -> memref<50000x32xf32, #tpu.memory_space<hbm>>
      tpu.enqueue_indirect_dma source(%dma_start3A_309 : memref<50000x32xf32, #tpu.memory_space<hbm>>) target(%dma_start3A_303 : memref<128x32xf32, #tpu.memory_space<vmem>>) offsets(%dma_start3A_306 : memref<128xi32, #tpu.memory_space<vmem>>) semaphore(%arg15 : memref<!tpu.dma_semaphore, #tpu.memory_space<semaphore_mem>>)
      %dma_start3A_310 = arith.constant 0 : i32
      %dma_start3A_311 = arith.constant 0 : i32
      %dma_start3A_312 = arith.constant 2 : i32
      %dma_start3A_313 = arith.constant 0 : i32
      %dma_start3A_314 = arith.constant 0 : i32
      %dma_start3A_315 = tpu.memref_slice %arg11[%dma_start3A_311, %dma_start3A_312, %dma_start3A_313, %dma_start3A_314] : memref<2x3x128x32xf32, #tpu.memory_space<vmem>> -> memref<1x1x128x32xf32, #tpu.memory_space<vmem>>
      %dma_start3A_316 = tpu.memref_squeeze %dma_start3A_315 : memref<1x1x128x32xf32, #tpu.memory_space<vmem>> -> memref<128x32xf32, #tpu.memory_space<vmem>>
      %dma_start3A_317 = arith.constant 256 : i32
      %dma_start3A_318 = tpu.memref_slice %arg9[%dma_start3A_310, %dma_start3A_317] : memref<2x384xi32, #tpu.memory_space<vmem>> -> memref<1x128xi32, #tpu.memory_space<vmem>>
      %dma_start3A_319 = tpu.memref_squeeze %dma_start3A_318 : memref<1x128xi32, #tpu.memory_space<vmem>> -> memref<128xi32, #tpu.memory_space<vmem>>
      %dma_start3A_320 = arith.constant 0 : i32
      %dma_start3A_321 = arith.constant 0 : i32
      %dma_start3A_322 = tpu.memref_slice %arg3[%dma_start3A_320, %dma_start3A_321] : memref<50000x32xf32, #tpu.memory_space<hbm>> -> memref<50000x32xf32, #tpu.memory_space<hbm>>
      tpu.enqueue_indirect_dma source(%dma_start3A_322 : memref<50000x32xf32, #tpu.memory_space<hbm>>) target(%dma_start3A_316 : memref<128x32xf32, #tpu.memory_space<vmem>>) offsets(%dma_start3A_319 : memref<128xi32, #tpu.memory_space<vmem>>) semaphore(%arg16 : memref<!tpu.dma_semaphore, #tpu.memory_space<semaphore_mem>>)
    } else {
    }
    %eq3A_133 = arith.constant 1 : i32
    %eq3A_134 = arith.cmpi eq, %arg0, %eq3A_133 : i32
    %convert_element_type3A_135 = arith.extui %eq3A_134 : i1 to i32
    %cond3A_136 = arith.constant 0 : i32
    %cond3A_137 = arith.cmpi ne, %convert_element_type3A_135, %cond3A_136 : i32
    scf.if %cond3A_137 {
      %dma_start3A_284 = arith.constant 0 : i32
      %dma_start3A_285 = arith.constant 0 : i32
      %dma_start3A_286 = arith.constant 0 : i32
      %dma_start3A_287 = arith.constant 0 : i32
      %dma_start3A_288 = arith.constant 0 : i32
      %dma_start3A_289 = tpu.memref_slice %arg11[%dma_start3A_285, %dma_start3A_286, %dma_start3A_287, %dma_start3A_288] : memref<2x3x128x32xf32, #tpu.memory_space<vmem>> -> memref<1x1x128x32xf32, #tpu.memory_space<vmem>>
      %dma_start3A_290 = tpu.memref_squeeze %dma_start3A_289 : memref<1x1x128x32xf32, #tpu.memory_space<vmem>> -> memref<128x32xf32, #tpu.memory_space<vmem>>
      %dma_start3A_291 = arith.constant 0 : i32
      %dma_start3A_292 = tpu.memref_slice %arg9[%dma_start3A_284, %dma_start3A_291] : memref<2x384xi32, #tpu.memory_space<vmem>> -> memref<1x128xi32, #tpu.memory_space<vmem>>
      %dma_start3A_293 = tpu.memref_squeeze %dma_start3A_292 : memref<1x128xi32, #tpu.memory_space<vmem>> -> memref<128xi32, #tpu.memory_space<vmem>>
      %dma_start3A_294 = arith.constant 0 : i32
      %dma_start3A_295 = arith.constant 0 : i32
      %dma_start3A_296 = tpu.memref_slice %arg4[%dma_start3A_294, %dma_start3A_295] : memref<50000x32xf32, #tpu.memory_space<hbm>> -> memref<50000x32xf32, #tpu.memory_space<hbm>>
      tpu.enqueue_indirect_dma source(%dma_start3A_296 : memref<50000x32xf32, #tpu.memory_space<hbm>>) target(%dma_start3A_290 : memref<128x32xf32, #tpu.memory_space<vmem>>) offsets(%dma_start3A_293 : memref<128xi32, #tpu.memory_space<vmem>>) semaphore(%arg14 : memref<!tpu.dma_semaphore, #tpu.memory_space<semaphore_mem>>)
      %dma_start3A_297 = arith.constant 0 : i32
      %dma_start3A_298 = arith.constant 0 : i32
      %dma_start3A_299 = arith.constant 1 : i32
      %dma_start3A_300 = arith.constant 0 : i32
      %dma_start3A_301 = arith.constant 0 : i32
      %dma_start3A_302 = tpu.memref_slice %arg11[%dma_start3A_298, %dma_start3A_299, %dma_start3A_300, %dma_start3A_301] : memref<2x3x128x32xf32, #tpu.memory_space<vmem>> -> memref<1x1x128x32xf32, #tpu.memory_space<vmem>>
      %dma_start3A_303 = tpu.memref_squeeze %dma_start3A_302 : memref<1x1x128x32xf32, #tpu.memory_space<vmem>> -> memref<128x32xf32, #tpu.memory_space<vmem>>
      %dma_start3A_304 = arith.constant 128 : i32
      %dma_start3A_305 = tpu.memref_slice %arg9[%dma_start3A_297, %dma_start3A_304] : memref<2x384xi32, #tpu.memory_space<vmem>> -> memref<1x128xi32, #tpu.memory_space<vmem>>
      %dma_start3A_306 = tpu.memref_squeeze %dma_start3A_305 : memref<1x128xi32, #tpu.memory_space<vmem>> -> memref<128xi32, #tpu.memory_space<vmem>>
      %dma_start3A_307 = arith.constant 0 : i32
      %dma_start3A_308 = arith.constant 0 : i32
      %dma_start3A_309 = tpu.memref_slice %arg4[%dma_start3A_307, %dma_start3A_308] : memref<50000x32xf32, #tpu.memory_space<hbm>> -> memref<50000x32xf32, #tpu.memory_space<hbm>>
      tpu.enqueue_indirect_dma source(%dma_start3A_309 : memref<50000x32xf32, #tpu.memory_space<hbm>>) target(%dma_start3A_303 : memref<128x32xf32, #tpu.memory_space<vmem>>) offsets(%dma_start3A_306 : memref<128xi32, #tpu.memory_space<vmem>>) semaphore(%arg15 : memref<!tpu.dma_semaphore, #tpu.memory_space<semaphore_mem>>)
      %dma_start3A_310 = arith.constant 0 : i32
      %dma_start3A_311 = arith.constant 0 : i32
      %dma_start3A_312 = arith.constant 2 : i32
      %dma_start3A_313 = arith.constant 0 : i32
      %dma_start3A_314 = arith.constant 0 : i32
      %dma_start3A_315 = tpu.memref_slice %arg11[%dma_start3A_311, %dma_start3A_312, %dma_start3A_313, %dma_start3A_314] : memref<2x3x128x32xf32, #tpu.memory_space<vmem>> -> memref<1x1x128x32xf32, #tpu.memory_space<vmem>>
      %dma_start3A_316 = tpu.memref_squeeze %dma_start3A_315 : memref<1x1x128x32xf32, #tpu.memory_space<vmem>> -> memref<128x32xf32, #tpu.memory_space<vmem>>
      %dma_start3A_317 = arith.constant 256 : i32
      %dma_start3A_318 = tpu.memref_slice %arg9[%dma_start3A_310, %dma_start3A_317] : memref<2x384xi32, #tpu.memory_space<vmem>> -> memref<1x128xi32, #tpu.memory_space<vmem>>
      %dma_start3A_319 = tpu.memref_squeeze %dma_start3A_318 : memref<1x128xi32, #tpu.memory_space<vmem>> -> memref<128xi32, #tpu.memory_space<vmem>>
      %dma_start3A_320 = arith.constant 0 : i32
      %dma_start3A_321 = arith.constant 0 : i32
      %dma_start3A_322 = tpu.memref_slice %arg4[%dma_start3A_320, %dma_start3A_321] : memref<50000x32xf32, #tpu.memory_space<hbm>> -> memref<50000x32xf32, #tpu.memory_space<hbm>>
      tpu.enqueue_indirect_dma source(%dma_start3A_322 : memref<50000x32xf32, #tpu.memory_space<hbm>>) target(%dma_start3A_316 : memref<128x32xf32, #tpu.memory_space<vmem>>) offsets(%dma_start3A_319 : memref<128xi32, #tpu.memory_space<vmem>>) semaphore(%arg16 : memref<!tpu.dma_semaphore, #tpu.memory_space<semaphore_mem>>)
    } else {
    }
    %scan3A = arith.constant 0 : i32
    %scan3A_138 = arith.constant 0 : i32
    %scan3A_139 = arith.constant 130 : i32
    %scan3A_140 = arith.addi %scan3A_138, %scan3A_139 : i32
    %scan3A_141 = arith.constant 1 : i32
    scf.for %scan3A_284 = %scan3A_138 to %scan3A_140 step %scan3A_141  : i32 {
      %rem3A_285 = arith.constant 2 : i32
      %rem3A_286 = arith.remsi %scan3A_284, %rem3A_285 : i32
      %add3A_287 = arith.constant 1 : i32
      %add3A_288 = arith.addi %scan3A_284, %add3A_287 : i32
      %rem3A_289 = arith.constant 2 : i32
      %rem3A_290 = arith.remsi %add3A_288, %rem3A_289 : i32
      %rem3A_291 = arith.constant 3 : i32
      %rem3A_292 = arith.remsi %scan3A_284, %rem3A_291 : i32
      %add3A_293 = arith.constant 2 : i32
      %add3A_294 = arith.addi %scan3A_284, %add3A_293 : i32
      %rem3A_295 = arith.constant 3 : i32
      %rem3A_296 = arith.remsi %add3A_294, %rem3A_295 : i32
      %ge3A = arith.constant 1 : i32
      %ge3A_297 = arith.cmpi sge, %scan3A_284, %ge3A : i32
      %convert_element_type3A_298 = arith.extui %ge3A_297 : i1 to i32
      %cond3A_299 = arith.constant 0 : i32
      %cond3A_300 = arith.cmpi ne, %convert_element_type3A_298, %cond3A_299 : i32
      scf.if %cond3A_300 {
        %dma_wait3A_417 = arith.constant 0 : i32
        %dma_wait3A_418 = arith.constant 0 : i32
        %dma_wait3A_419 = arith.constant 0 : i32
        %dma_wait3A_420 = arith.constant 0 : i32
        %dma_wait3A_421 = tpu.memref_slice %arg11[%rem3A_290, %dma_wait3A_417, %dma_wait3A_419, %dma_wait3A_420] : memref<2x3x128x32xf32, #tpu.memory_space<vmem>> -> memref<1x1x128x32xf32, #tpu.memory_space<vmem>>
        %dma_wait3A_422 = tpu.memref_squeeze %dma_wait3A_421 : memref<1x1x128x32xf32, #tpu.memory_space<vmem>> -> memref<128x32xf32, #tpu.memory_space<vmem>>
        %dma_wait3A_423 = arith.constant 0 : i32
        %dma_wait3A_424 = tpu.memref_slice %arg10[%rem3A_296, %dma_wait3A_418, %dma_wait3A_423] : memref<3x3x128xi32, #tpu.memory_space<vmem>> -> memref<1x1x128xi32, #tpu.memory_space<vmem>>
        %dma_wait3A_425 = tpu.memref_squeeze %dma_wait3A_424 : memref<1x1x128xi32, #tpu.memory_space<vmem>> -> memref<128xi32, #tpu.memory_space<vmem>>
        %dma_wait3A_426 = arith.constant 0 : i32
        %dma_wait3A_427 = arith.constant 0 : i32
        %dma_wait3A_428 = tpu.memref_slice %arg8[%dma_wait3A_426, %dma_wait3A_427] : memref<50048x32xf32, #tpu.memory_space<vmem_shared>> -> memref<50048x32xf32, #tpu.memory_space<vmem_shared>>
        tpu.wait_indirect_dma semaphore(%arg17 : memref<!tpu.dma_semaphore, #tpu.memory_space<semaphore_mem>>) src(%dma_wait3A_422 : memref<128x32xf32, #tpu.memory_space<vmem>>) dst(%dma_wait3A_428 : memref<50048x32xf32, #tpu.memory_space<vmem_shared>>)
        %dma_wait3A_429 = arith.constant 1 : i32
        %dma_wait3A_430 = arith.constant 1 : i32
        %dma_wait3A_431 = arith.constant 0 : i32
        %dma_wait3A_432 = arith.constant 0 : i32
        %dma_wait3A_433 = tpu.memref_slice %arg11[%rem3A_290, %dma_wait3A_429, %dma_wait3A_431, %dma_wait3A_432] : memref<2x3x128x32xf32, #tpu.memory_space<vmem>> -> memref<1x1x128x32xf32, #tpu.memory_space<vmem>>
        %dma_wait3A_434 = tpu.memref_squeeze %dma_wait3A_433 : memref<1x1x128x32xf32, #tpu.memory_space<vmem>> -> memref<128x32xf32, #tpu.memory_space<vmem>>
        %dma_wait3A_435 = arith.constant 0 : i32
        %dma_wait3A_436 = tpu.memref_slice %arg10[%rem3A_296, %dma_wait3A_430, %dma_wait3A_435] : memref<3x3x128xi32, #tpu.memory_space<vmem>> -> memref<1x1x128xi32, #tpu.memory_space<vmem>>
        %dma_wait3A_437 = tpu.memref_squeeze %dma_wait3A_436 : memref<1x1x128xi32, #tpu.memory_space<vmem>> -> memref<128xi32, #tpu.memory_space<vmem>>
        %dma_wait3A_438 = arith.constant 0 : i32
        %dma_wait3A_439 = arith.constant 0 : i32
        %dma_wait3A_440 = tpu.memref_slice %arg8[%dma_wait3A_438, %dma_wait3A_439] : memref<50048x32xf32, #tpu.memory_space<vmem_shared>> -> memref<50048x32xf32, #tpu.memory_space<vmem_shared>>
        tpu.wait_indirect_dma semaphore(%arg18 : memref<!tpu.dma_semaphore, #tpu.memory_space<semaphore_mem>>) src(%dma_wait3A_434 : memref<128x32xf32, #tpu.memory_space<vmem>>) dst(%dma_wait3A_440 : memref<50048x32xf32, #tpu.memory_space<vmem_shared>>)
        %dma_wait3A_441 = arith.constant 2 : i32
        %dma_wait3A_442 = arith.constant 2 : i32
        %dma_wait3A_443 = arith.constant 0 : i32
        %dma_wait3A_444 = arith.constant 0 : i32
        %dma_wait3A_445 = tpu.memref_slice %arg11[%rem3A_290, %dma_wait3A_441, %dma_wait3A_443, %dma_wait3A_444] : memref<2x3x128x32xf32, #tpu.memory_space<vmem>> -> memref<1x1x128x32xf32, #tpu.memory_space<vmem>>
        %dma_wait3A_446 = tpu.memref_squeeze %dma_wait3A_445 : memref<1x1x128x32xf32, #tpu.memory_space<vmem>> -> memref<128x32xf32, #tpu.memory_space<vmem>>
        %dma_wait3A_447 = arith.constant 0 : i32
        %dma_wait3A_448 = tpu.memref_slice %arg10[%rem3A_296, %dma_wait3A_442, %dma_wait3A_447] : memref<3x3x128xi32, #tpu.memory_space<vmem>> -> memref<1x1x128xi32, #tpu.memory_space<vmem>>
        %dma_wait3A_449 = tpu.memref_squeeze %dma_wait3A_448 : memref<1x1x128xi32, #tpu.memory_space<vmem>> -> memref<128xi32, #tpu.memory_space<vmem>>
        %dma_wait3A_450 = arith.constant 0 : i32
        %dma_wait3A_451 = arith.constant 0 : i32
        %dma_wait3A_452 = tpu.memref_slice %arg8[%dma_wait3A_450, %dma_wait3A_451] : memref<50048x32xf32, #tpu.memory_space<vmem_shared>> -> memref<50048x32xf32, #tpu.memory_space<vmem_shared>>
        tpu.wait_indirect_dma semaphore(%arg19 : memref<!tpu.dma_semaphore, #tpu.memory_space<semaphore_mem>>) src(%dma_wait3A_446 : memref<128x32xf32, #tpu.memory_space<vmem>>) dst(%dma_wait3A_452 : memref<50048x32xf32, #tpu.memory_space<vmem_shared>>)
      } else {
      }
      %add3A_301 = arith.constant 1 : i32
      %add3A_302 = arith.addi %scan3A_284, %add3A_301 : i32
      %lt3A_303 = arith.constant 130 : i32
      %lt3A_304 = arith.cmpi slt, %add3A_302, %lt3A_303 : i32
      %eq3A_305 = arith.constant 0 : i32
      %eq3A_306 = arith.cmpi eq, %rem3A_290, %eq3A_305 : i32
      %and3A_307 = arith.andi %lt3A_304, %eq3A_306 : i1
      %convert_element_type3A_308 = arith.extui %and3A_307 : i1 to i32
      %cond3A_309 = arith.constant 0 : i32
      %cond3A_310 = arith.cmpi ne, %convert_element_type3A_308, %cond3A_309 : i32
      scf.if %cond3A_310 {
        %add3A_417 = arith.constant 1 : i32
        %add3A_418 = arith.addi %scan3A_284, %add3A_417 : i32
        %mul3A_419 = arith.constant 384 : i32
        %mul3A_420 = arith.muli %add3A_418, %mul3A_419 : i32
        %add3A_421 = arith.addi %mul3A_1, %mul3A_420 : i32
        %dma_start3A_422 = arith.constant 0 : i32
        %dma_start3A_423 = arith.constant 0 : i32
        %dma_start3A_424 = arith.constant 0 : i32
        %dma_start3A_425 = tpu.memref_slice %arg9[%dma_start3A_423, %dma_start3A_424] : memref<2x384xi32, #tpu.memory_space<vmem>> -> memref<1x384xi32, #tpu.memory_space<vmem>>
        %dma_start3A_426 = tpu.memref_squeeze %dma_start3A_425 : memref<1x384xi32, #tpu.memory_space<vmem>> -> memref<384xi32, #tpu.memory_space<vmem>>
        %dma_start3A_427 = tpu.memref_slice %arg2[%dma_start3A_422, %add3A_421] : memref<2x800000xi32, #tpu.memory_space<hbm>> -> memref<1x384xi32, #tpu.memory_space<hbm>>
        %dma_start3A_428 = tpu.memref_squeeze %dma_start3A_427 : memref<1x384xi32, #tpu.memory_space<hbm>> -> memref<384xi32, #tpu.memory_space<hbm>>
        %dma_start3A_429 = arith.constant 0 : i32
        %dma_start3A_430 = tpu.memref_slice %arg9[%dma_start3A_423, %dma_start3A_429] : memref<2x384xi32, #tpu.memory_space<vmem>> -> memref<1x384xi32, #tpu.memory_space<vmem>>
        %dma_start3A_431 = tpu.memref_squeeze %dma_start3A_430 : memref<1x384xi32, #tpu.memory_space<vmem>> -> memref<384xi32, #tpu.memory_space<vmem>>
        %dma_start3A_432 = tpu.memref_slice %arg2[%dma_start3A_422, %add3A_421] : memref<2x800000xi32, #tpu.memory_space<hbm>> -> memref<1x384xi32, #tpu.memory_space<hbm>>
        %dma_start3A_433 = tpu.memref_squeeze %dma_start3A_432 : memref<1x384xi32, #tpu.memory_space<hbm>> -> memref<384xi32, #tpu.memory_space<hbm>>
        tpu.enqueue_dma source(%dma_start3A_433 : memref<384xi32, #tpu.memory_space<hbm>>) target(%dma_start3A_431 : memref<384xi32, #tpu.memory_space<vmem>>) target_semaphore(%arg12 : memref<!tpu.dma_semaphore, #tpu.memory_space<semaphore_mem>>)
        %add3A_434 = arith.constant 0 : i32
        %add3A_435 = arith.addi %add3A_421, %add3A_434 : i32
        %rem3A_436 = arith.constant 3 : i32
        %rem3A_437 = arith.remsi %add3A_418, %rem3A_436 : i32
        %dma_start3A_438 = arith.constant 1 : i32
        %dma_start3A_439 = arith.constant 0 : i32
        %dma_start3A_440 = arith.constant 0 : i32
        %dma_start3A_441 = tpu.memref_slice %arg10[%rem3A_437, %dma_start3A_439, %dma_start3A_440] : memref<3x3x128xi32, #tpu.memory_space<vmem>> -> memref<1x1x128xi32, #tpu.memory_space<vmem>>
        %dma_start3A_442 = tpu.memref_squeeze %dma_start3A_441 : memref<1x1x128xi32, #tpu.memory_space<vmem>> -> memref<128xi32, #tpu.memory_space<vmem>>
        %dma_start3A_443 = tpu.memref_slice %arg2[%dma_start3A_438, %add3A_435] : memref<2x800000xi32, #tpu.memory_space<hbm>> -> memref<1x128xi32, #tpu.memory_space<hbm>>
        %dma_start3A_444 = tpu.memref_squeeze %dma_start3A_443 : memref<1x128xi32, #tpu.memory_space<hbm>> -> memref<128xi32, #tpu.memory_space<hbm>>
        %dma_start3A_445 = arith.constant 0 : i32
        %dma_start3A_446 = tpu.memref_slice %arg10[%rem3A_437, %dma_start3A_439, %dma_start3A_445] : memref<3x3x128xi32, #tpu.memory_space<vmem>> -> memref<1x1x128xi32, #tpu.memory_space<vmem>>
        %dma_start3A_447 = tpu.memref_squeeze %dma_start3A_446 : memref<1x1x128xi32, #tpu.memory_space<vmem>> -> memref<128xi32, #tpu.memory_space<vmem>>
        %dma_start3A_448 = tpu.memref_slice %arg2[%dma_start3A_438, %add3A_435] : memref<2x800000xi32, #tpu.memory_space<hbm>> -> memref<1x128xi32, #tpu.memory_space<hbm>>
        %dma_start3A_449 = tpu.memref_squeeze %dma_start3A_448 : memref<1x128xi32, #tpu.memory_space<hbm>> -> memref<128xi32, #tpu.memory_space<hbm>>
        tpu.enqueue_dma source(%dma_start3A_449 : memref<128xi32, #tpu.memory_space<hbm>>) target(%dma_start3A_447 : memref<128xi32, #tpu.memory_space<vmem>>) target_semaphore(%arg12 : memref<!tpu.dma_semaphore, #tpu.memory_space<semaphore_mem>>)
        %add3A_450 = arith.constant 128 : i32
        %add3A_451 = arith.addi %add3A_421, %add3A_450 : i32
        %rem3A_452 = arith.constant 3 : i32
        %rem3A_453 = arith.remsi %add3A_418, %rem3A_452 : i32
        %dma_start3A_454 = arith.constant 1 : i32
        %dma_start3A_455 = arith.constant 1 : i32
        %dma_start3A_456 = arith.constant 0 : i32
        %dma_start3A_457 = tpu.memref_slice %arg10[%rem3A_453, %dma_start3A_455, %dma_start3A_456] : memref<3x3x128xi32, #tpu.memory_space<vmem>> -> memref<1x1x128xi32, #tpu.memory_space<vmem>>
        %dma_start3A_458 = tpu.memref_squeeze %dma_start3A_457 : memref<1x1x128xi32, #tpu.memory_space<vmem>> -> memref<128xi32, #tpu.memory_space<vmem>>
        %dma_start3A_459 = tpu.memref_slice %arg2[%dma_start3A_454, %add3A_451] : memref<2x800000xi32, #tpu.memory_space<hbm>> -> memref<1x128xi32, #tpu.memory_space<hbm>>
        %dma_start3A_460 = tpu.memref_squeeze %dma_start3A_459 : memref<1x128xi32, #tpu.memory_space<hbm>> -> memref<128xi32, #tpu.memory_space<hbm>>
        %dma_start3A_461 = arith.constant 0 : i32
        %dma_start3A_462 = tpu.memref_slice %arg10[%rem3A_453, %dma_start3A_455, %dma_start3A_461] : memref<3x3x128xi32, #tpu.memory_space<vmem>> -> memref<1x1x128xi32, #tpu.memory_space<vmem>>
        %dma_start3A_463 = tpu.memref_squeeze %dma_start3A_462 : memref<1x1x128xi32, #tpu.memory_space<vmem>> -> memref<128xi32, #tpu.memory_space<vmem>>
        %dma_start3A_464 = tpu.memref_slice %arg2[%dma_start3A_454, %add3A_451] : memref<2x800000xi32, #tpu.memory_space<hbm>> -> memref<1x128xi32, #tpu.memory_space<hbm>>
        %dma_start3A_465 = tpu.memref_squeeze %dma_start3A_464 : memref<1x128xi32, #tpu.memory_space<hbm>> -> memref<128xi32, #tpu.memory_space<hbm>>
        tpu.enqueue_dma source(%dma_start3A_465 : memref<128xi32, #tpu.memory_space<hbm>>) target(%dma_start3A_463 : memref<128xi32, #tpu.memory_space<vmem>>) target_semaphore(%arg12 : memref<!tpu.dma_semaphore, #tpu.memory_space<semaphore_mem>>)
        %add3A_466 = arith.constant 256 : i32
        %add3A_467 = arith.addi %add3A_421, %add3A_466 : i32
        %rem3A_468 = arith.constant 3 : i32
        %rem3A_469 = arith.remsi %add3A_418, %rem3A_468 : i32
        %dma_start3A_470 = arith.constant 1 : i32
        %dma_start3A_471 = arith.constant 2 : i32
        %dma_start3A_472 = arith.constant 0 : i32
        %dma_start3A_473 = tpu.memref_slice %arg10[%rem3A_469, %dma_start3A_471, %dma_start3A_472] : memref<3x3x128xi32, #tpu.memory_space<vmem>> -> memref<1x1x128xi32, #tpu.memory_space<vmem>>
        %dma_start3A_474 = tpu.memref_squeeze %dma_start3A_473 : memref<1x1x128xi32, #tpu.memory_space<vmem>> -> memref<128xi32, #tpu.memory_space<vmem>>
        %dma_start3A_475 = tpu.memref_slice %arg2[%dma_start3A_470, %add3A_467] : memref<2x800000xi32, #tpu.memory_space<hbm>> -> memref<1x128xi32, #tpu.memory_space<hbm>>
        %dma_start3A_476 = tpu.memref_squeeze %dma_start3A_475 : memref<1x128xi32, #tpu.memory_space<hbm>> -> memref<128xi32, #tpu.memory_space<hbm>>
        %dma_start3A_477 = arith.constant 0 : i32
        %dma_start3A_478 = tpu.memref_slice %arg10[%rem3A_469, %dma_start3A_471, %dma_start3A_477] : memref<3x3x128xi32, #tpu.memory_space<vmem>> -> memref<1x1x128xi32, #tpu.memory_space<vmem>>
        %dma_start3A_479 = tpu.memref_squeeze %dma_start3A_478 : memref<1x1x128xi32, #tpu.memory_space<vmem>> -> memref<128xi32, #tpu.memory_space<vmem>>
        %dma_start3A_480 = tpu.memref_slice %arg2[%dma_start3A_470, %add3A_467] : memref<2x800000xi32, #tpu.memory_space<hbm>> -> memref<1x128xi32, #tpu.memory_space<hbm>>
        %dma_start3A_481 = tpu.memref_squeeze %dma_start3A_480 : memref<1x128xi32, #tpu.memory_space<hbm>> -> memref<128xi32, #tpu.memory_space<hbm>>
        tpu.enqueue_dma source(%dma_start3A_481 : memref<128xi32, #tpu.memory_space<hbm>>) target(%dma_start3A_479 : memref<128xi32, #tpu.memory_space<vmem>>) target_semaphore(%arg12 : memref<!tpu.dma_semaphore, #tpu.memory_space<semaphore_mem>>)
      } else {
      }
      %add3A_311 = arith.constant 1 : i32
      %add3A_312 = arith.addi %scan3A_284, %add3A_311 : i32
      %lt3A_313 = arith.constant 130 : i32
      %lt3A_314 = arith.cmpi slt, %add3A_312, %lt3A_313 : i32
      %eq3A_315 = arith.constant 1 : i32
      %eq3A_316 = arith.cmpi eq, %rem3A_290, %eq3A_315 : i32
      %and3A_317 = arith.andi %lt3A_314, %eq3A_316 : i1
      %convert_element_type3A_318 = arith.extui %and3A_317 : i1 to i32
      %cond3A_319 = arith.constant 0 : i32
      %cond3A_320 = arith.cmpi ne, %convert_element_type3A_318, %cond3A_319 : i32
      scf.if %cond3A_320 {
        %add3A_417 = arith.constant 1 : i32
        %add3A_418 = arith.addi %scan3A_284, %add3A_417 : i32
        %mul3A_419 = arith.constant 384 : i32
        %mul3A_420 = arith.muli %add3A_418, %mul3A_419 : i32
        %add3A_421 = arith.addi %mul3A_1, %mul3A_420 : i32
        %dma_start3A_422 = arith.constant 0 : i32
        %dma_start3A_423 = arith.constant 1 : i32
        %dma_start3A_424 = arith.constant 0 : i32
        %dma_start3A_425 = tpu.memref_slice %arg9[%dma_start3A_423, %dma_start3A_424] : memref<2x384xi32, #tpu.memory_space<vmem>> -> memref<1x384xi32, #tpu.memory_space<vmem>>
        %dma_start3A_426 = tpu.memref_squeeze %dma_start3A_425 : memref<1x384xi32, #tpu.memory_space<vmem>> -> memref<384xi32, #tpu.memory_space<vmem>>
        %dma_start3A_427 = tpu.memref_slice %arg2[%dma_start3A_422, %add3A_421] : memref<2x800000xi32, #tpu.memory_space<hbm>> -> memref<1x384xi32, #tpu.memory_space<hbm>>
        %dma_start3A_428 = tpu.memref_squeeze %dma_start3A_427 : memref<1x384xi32, #tpu.memory_space<hbm>> -> memref<384xi32, #tpu.memory_space<hbm>>
        %dma_start3A_429 = arith.constant 0 : i32
        %dma_start3A_430 = tpu.memref_slice %arg9[%dma_start3A_423, %dma_start3A_429] : memref<2x384xi32, #tpu.memory_space<vmem>> -> memref<1x384xi32, #tpu.memory_space<vmem>>
        %dma_start3A_431 = tpu.memref_squeeze %dma_start3A_430 : memref<1x384xi32, #tpu.memory_space<vmem>> -> memref<384xi32, #tpu.memory_space<vmem>>
        %dma_start3A_432 = tpu.memref_slice %arg2[%dma_start3A_422, %add3A_421] : memref<2x800000xi32, #tpu.memory_space<hbm>> -> memref<1x384xi32, #tpu.memory_space<hbm>>
        %dma_start3A_433 = tpu.memref_squeeze %dma_start3A_432 : memref<1x384xi32, #tpu.memory_space<hbm>> -> memref<384xi32, #tpu.memory_space<hbm>>
        tpu.enqueue_dma source(%dma_start3A_433 : memref<384xi32, #tpu.memory_space<hbm>>) target(%dma_start3A_431 : memref<384xi32, #tpu.memory_space<vmem>>) target_semaphore(%arg13 : memref<!tpu.dma_semaphore, #tpu.memory_space<semaphore_mem>>)
        %add3A_434 = arith.constant 0 : i32
        %add3A_435 = arith.addi %add3A_421, %add3A_434 : i32
        %rem3A_436 = arith.constant 3 : i32
        %rem3A_437 = arith.remsi %add3A_418, %rem3A_436 : i32
        %dma_start3A_438 = arith.constant 1 : i32
        %dma_start3A_439 = arith.constant 0 : i32
        %dma_start3A_440 = arith.constant 0 : i32
        %dma_start3A_441 = tpu.memref_slice %arg10[%rem3A_437, %dma_start3A_439, %dma_start3A_440] : memref<3x3x128xi32, #tpu.memory_space<vmem>> -> memref<1x1x128xi32, #tpu.memory_space<vmem>>
        %dma_start3A_442 = tpu.memref_squeeze %dma_start3A_441 : memref<1x1x128xi32, #tpu.memory_space<vmem>> -> memref<128xi32, #tpu.memory_space<vmem>>
        %dma_start3A_443 = tpu.memref_slice %arg2[%dma_start3A_438, %add3A_435] : memref<2x800000xi32, #tpu.memory_space<hbm>> -> memref<1x128xi32, #tpu.memory_space<hbm>>
        %dma_start3A_444 = tpu.memref_squeeze %dma_start3A_443 : memref<1x128xi32, #tpu.memory_space<hbm>> -> memref<128xi32, #tpu.memory_space<hbm>>
        %dma_start3A_445 = arith.constant 0 : i32
        %dma_start3A_446 = tpu.memref_slice %arg10[%rem3A_437, %dma_start3A_439, %dma_start3A_445] : memref<3x3x128xi32, #tpu.memory_space<vmem>> -> memref<1x1x128xi32, #tpu.memory_space<vmem>>
        %dma_start3A_447 = tpu.memref_squeeze %dma_start3A_446 : memref<1x1x128xi32, #tpu.memory_space<vmem>> -> memref<128xi32, #tpu.memory_space<vmem>>
        %dma_start3A_448 = tpu.memref_slice %arg2[%dma_start3A_438, %add3A_435] : memref<2x800000xi32, #tpu.memory_space<hbm>> -> memref<1x128xi32, #tpu.memory_space<hbm>>
        %dma_start3A_449 = tpu.memref_squeeze %dma_start3A_448 : memref<1x128xi32, #tpu.memory_space<hbm>> -> memref<128xi32, #tpu.memory_space<hbm>>
        tpu.enqueue_dma source(%dma_start3A_449 : memref<128xi32, #tpu.memory_space<hbm>>) target(%dma_start3A_447 : memref<128xi32, #tpu.memory_space<vmem>>) target_semaphore(%arg13 : memref<!tpu.dma_semaphore, #tpu.memory_space<semaphore_mem>>)
        %add3A_450 = arith.constant 128 : i32
        %add3A_451 = arith.addi %add3A_421, %add3A_450 : i32
        %rem3A_452 = arith.constant 3 : i32
        %rem3A_453 = arith.remsi %add3A_418, %rem3A_452 : i32
        %dma_start3A_454 = arith.constant 1 : i32
        %dma_start3A_455 = arith.constant 1 : i32
        %dma_start3A_456 = arith.constant 0 : i32
        %dma_start3A_457 = tpu.memref_slice %arg10[%rem3A_453, %dma_start3A_455, %dma_start3A_456] : memref<3x3x128xi32, #tpu.memory_space<vmem>> -> memref<1x1x128xi32, #tpu.memory_space<vmem>>
        %dma_start3A_458 = tpu.memref_squeeze %dma_start3A_457 : memref<1x1x128xi32, #tpu.memory_space<vmem>> -> memref<128xi32, #tpu.memory_space<vmem>>
        %dma_start3A_459 = tpu.memref_slice %arg2[%dma_start3A_454, %add3A_451] : memref<2x800000xi32, #tpu.memory_space<hbm>> -> memref<1x128xi32, #tpu.memory_space<hbm>>
        %dma_start3A_460 = tpu.memref_squeeze %dma_start3A_459 : memref<1x128xi32, #tpu.memory_space<hbm>> -> memref<128xi32, #tpu.memory_space<hbm>>
        %dma_start3A_461 = arith.constant 0 : i32
        %dma_start3A_462 = tpu.memref_slice %arg10[%rem3A_453, %dma_start3A_455, %dma_start3A_461] : memref<3x3x128xi32, #tpu.memory_space<vmem>> -> memref<1x1x128xi32, #tpu.memory_space<vmem>>
        %dma_start3A_463 = tpu.memref_squeeze %dma_start3A_462 : memref<1x1x128xi32, #tpu.memory_space<vmem>> -> memref<128xi32, #tpu.memory_space<vmem>>
        %dma_start3A_464 = tpu.memref_slice %arg2[%dma_start3A_454, %add3A_451] : memref<2x800000xi32, #tpu.memory_space<hbm>> -> memref<1x128xi32, #tpu.memory_space<hbm>>
        %dma_start3A_465 = tpu.memref_squeeze %dma_start3A_464 : memref<1x128xi32, #tpu.memory_space<hbm>> -> memref<128xi32, #tpu.memory_space<hbm>>
        tpu.enqueue_dma source(%dma_start3A_465 : memref<128xi32, #tpu.memory_space<hbm>>) target(%dma_start3A_463 : memref<128xi32, #tpu.memory_space<vmem>>) target_semaphore(%arg13 : memref<!tpu.dma_semaphore, #tpu.memory_space<semaphore_mem>>)
        %add3A_466 = arith.constant 256 : i32
        %add3A_467 = arith.addi %add3A_421, %add3A_466 : i32
        %rem3A_468 = arith.constant 3 : i32
        %rem3A_469 = arith.remsi %add3A_418, %rem3A_468 : i32
        %dma_start3A_470 = arith.constant 1 : i32
        %dma_start3A_471 = arith.constant 2 : i32
        %dma_start3A_472 = arith.constant 0 : i32
        %dma_start3A_473 = tpu.memref_slice %arg10[%rem3A_469, %dma_start3A_471, %dma_start3A_472] : memref<3x3x128xi32, #tpu.memory_space<vmem>> -> memref<1x1x128xi32, #tpu.memory_space<vmem>>
        %dma_start3A_474 = tpu.memref_squeeze %dma_start3A_473 : memref<1x1x128xi32, #tpu.memory_space<vmem>> -> memref<128xi32, #tpu.memory_space<vmem>>
        %dma_start3A_475 = tpu.memref_slice %arg2[%dma_start3A_470, %add3A_467] : memref<2x800000xi32, #tpu.memory_space<hbm>> -> memref<1x128xi32, #tpu.memory_space<hbm>>
        %dma_start3A_476 = tpu.memref_squeeze %dma_start3A_475 : memref<1x128xi32, #tpu.memory_space<hbm>> -> memref<128xi32, #tpu.memory_space<hbm>>
        %dma_start3A_477 = arith.constant 0 : i32
        %dma_start3A_478 = tpu.memref_slice %arg10[%rem3A_469, %dma_start3A_471, %dma_start3A_477] : memref<3x3x128xi32, #tpu.memory_space<vmem>> -> memref<1x1x128xi32, #tpu.memory_space<vmem>>
        %dma_start3A_479 = tpu.memref_squeeze %dma_start3A_478 : memref<1x1x128xi32, #tpu.memory_space<vmem>> -> memref<128xi32, #tpu.memory_space<vmem>>
        %dma_start3A_480 = tpu.memref_slice %arg2[%dma_start3A_470, %add3A_467] : memref<2x800000xi32, #tpu.memory_space<hbm>> -> memref<1x128xi32, #tpu.memory_space<hbm>>
        %dma_start3A_481 = tpu.memref_squeeze %dma_start3A_480 : memref<1x128xi32, #tpu.memory_space<hbm>> -> memref<128xi32, #tpu.memory_space<hbm>>
        tpu.enqueue_dma source(%dma_start3A_481 : memref<128xi32, #tpu.memory_space<hbm>>) target(%dma_start3A_479 : memref<128xi32, #tpu.memory_space<vmem>>) target_semaphore(%arg13 : memref<!tpu.dma_semaphore, #tpu.memory_space<semaphore_mem>>)
      } else {
      }
      %dma_wait3A_321 = arith.constant 0 : i32
      %dma_wait3A_322 = arith.constant 0 : i32
      %dma_wait3A_323 = arith.constant 0 : i32
      %dma_wait3A_324 = tpu.memref_slice %arg11[%rem3A_286, %dma_wait3A_321, %dma_wait3A_322, %dma_wait3A_323] : memref<2x3x128x32xf32, #tpu.memory_space<vmem>> -> memref<1x1x128x32xf32, #tpu.memory_space<vmem>>
      %dma_wait3A_325 = tpu.memref_squeeze %dma_wait3A_324 : memref<1x1x128x32xf32, #tpu.memory_space<vmem>> -> memref<128x32xf32, #tpu.memory_space<vmem>>
      %dma_wait3A_326 = arith.constant 0 : i32
      %dma_wait3A_327 = tpu.memref_slice %arg9[%rem3A_286, %dma_wait3A_326] : memref<2x384xi32, #tpu.memory_space<vmem>> -> memref<1x128xi32, #tpu.memory_space<vmem>>
      %dma_wait3A_328 = tpu.memref_squeeze %dma_wait3A_327 : memref<1x128xi32, #tpu.memory_space<vmem>> -> memref<128xi32, #tpu.memory_space<vmem>>
      %dma_wait3A_329 = arith.constant 0 : i32
      %dma_wait3A_330 = arith.constant 0 : i32
      %dma_wait3A_331 = tpu.memref_slice %arg3[%dma_wait3A_329, %dma_wait3A_330] : memref<50000x32xf32, #tpu.memory_space<hbm>> -> memref<50000x32xf32, #tpu.memory_space<hbm>>
      tpu.wait_indirect_dma semaphore(%arg14 : memref<!tpu.dma_semaphore, #tpu.memory_space<semaphore_mem>>) src(%dma_wait3A_331 : memref<50000x32xf32, #tpu.memory_space<hbm>>) dst(%dma_wait3A_325 : memref<128x32xf32, #tpu.memory_space<vmem>>)
      %dma_start3A_332 = arith.constant 0 : i32
      %dma_start3A_333 = arith.constant 0 : i32
      %dma_start3A_334 = arith.constant 0 : i32
      %dma_start3A_335 = arith.constant 0 : i32
      %dma_start3A_336 = tpu.memref_slice %arg11[%rem3A_286, %dma_start3A_332, %dma_start3A_334, %dma_start3A_335] : memref<2x3x128x32xf32, #tpu.memory_space<vmem>> -> memref<1x1x128x32xf32, #tpu.memory_space<vmem>>
      %dma_start3A_337 = tpu.memref_squeeze %dma_start3A_336 : memref<1x1x128x32xf32, #tpu.memory_space<vmem>> -> memref<128x32xf32, #tpu.memory_space<vmem>>
      %dma_start3A_338 = arith.constant 0 : i32
      %dma_start3A_339 = tpu.memref_slice %arg10[%rem3A_292, %dma_start3A_333, %dma_start3A_338] : memref<3x3x128xi32, #tpu.memory_space<vmem>> -> memref<1x1x128xi32, #tpu.memory_space<vmem>>
      %dma_start3A_340 = tpu.memref_squeeze %dma_start3A_339 : memref<1x1x128xi32, #tpu.memory_space<vmem>> -> memref<128xi32, #tpu.memory_space<vmem>>
      %dma_start3A_341 = arith.constant 0 : i32
      %dma_start3A_342 = arith.constant 0 : i32
      %dma_start3A_343 = tpu.memref_slice %arg8[%dma_start3A_341, %dma_start3A_342] : memref<50048x32xf32, #tpu.memory_space<vmem_shared>> -> memref<50048x32xf32, #tpu.memory_space<vmem_shared>>
      tpu.enqueue_indirect_dma source(%dma_start3A_337 : memref<128x32xf32, #tpu.memory_space<vmem>>) target(%dma_start3A_343 : memref<50048x32xf32, #tpu.memory_space<vmem_shared>>) offsets(%dma_start3A_340 : memref<128xi32, #tpu.memory_space<vmem>>) semaphore(%arg17 : memref<!tpu.dma_semaphore, #tpu.memory_space<semaphore_mem>>) {add = true}
      %dma_wait3A_344 = arith.constant 1 : i32
      %dma_wait3A_345 = arith.constant 0 : i32
      %dma_wait3A_346 = arith.constant 0 : i32
      %dma_wait3A_347 = tpu.memref_slice %arg11[%rem3A_286, %dma_wait3A_344, %dma_wait3A_345, %dma_wait3A_346] : memref<2x3x128x32xf32, #tpu.memory_space<vmem>> -> memref<1x1x128x32xf32, #tpu.memory_space<vmem>>
      %dma_wait3A_348 = tpu.memref_squeeze %dma_wait3A_347 : memref<1x1x128x32xf32, #tpu.memory_space<vmem>> -> memref<128x32xf32, #tpu.memory_space<vmem>>
      %dma_wait3A_349 = arith.constant 128 : i32
      %dma_wait3A_350 = tpu.memref_slice %arg9[%rem3A_286, %dma_wait3A_349] : memref<2x384xi32, #tpu.memory_space<vmem>> -> memref<1x128xi32, #tpu.memory_space<vmem>>
      %dma_wait3A_351 = tpu.memref_squeeze %dma_wait3A_350 : memref<1x128xi32, #tpu.memory_space<vmem>> -> memref<128xi32, #tpu.memory_space<vmem>>
      %dma_wait3A_352 = arith.constant 0 : i32
      %dma_wait3A_353 = arith.constant 0 : i32
      %dma_wait3A_354 = tpu.memref_slice %arg3[%dma_wait3A_352, %dma_wait3A_353] : memref<50000x32xf32, #tpu.memory_space<hbm>> -> memref<50000x32xf32, #tpu.memory_space<hbm>>
      tpu.wait_indirect_dma semaphore(%arg15 : memref<!tpu.dma_semaphore, #tpu.memory_space<semaphore_mem>>) src(%dma_wait3A_354 : memref<50000x32xf32, #tpu.memory_space<hbm>>) dst(%dma_wait3A_348 : memref<128x32xf32, #tpu.memory_space<vmem>>)
      %dma_start3A_355 = arith.constant 1 : i32
      %dma_start3A_356 = arith.constant 1 : i32
      %dma_start3A_357 = arith.constant 0 : i32
      %dma_start3A_358 = arith.constant 0 : i32
      %dma_start3A_359 = tpu.memref_slice %arg11[%rem3A_286, %dma_start3A_355, %dma_start3A_357, %dma_start3A_358] : memref<2x3x128x32xf32, #tpu.memory_space<vmem>> -> memref<1x1x128x32xf32, #tpu.memory_space<vmem>>
      %dma_start3A_360 = tpu.memref_squeeze %dma_start3A_359 : memref<1x1x128x32xf32, #tpu.memory_space<vmem>> -> memref<128x32xf32, #tpu.memory_space<vmem>>
      %dma_start3A_361 = arith.constant 0 : i32
      %dma_start3A_362 = tpu.memref_slice %arg10[%rem3A_292, %dma_start3A_356, %dma_start3A_361] : memref<3x3x128xi32, #tpu.memory_space<vmem>> -> memref<1x1x128xi32, #tpu.memory_space<vmem>>
      %dma_start3A_363 = tpu.memref_squeeze %dma_start3A_362 : memref<1x1x128xi32, #tpu.memory_space<vmem>> -> memref<128xi32, #tpu.memory_space<vmem>>
      %dma_start3A_364 = arith.constant 0 : i32
      %dma_start3A_365 = arith.constant 0 : i32
      %dma_start3A_366 = tpu.memref_slice %arg8[%dma_start3A_364, %dma_start3A_365] : memref<50048x32xf32, #tpu.memory_space<vmem_shared>> -> memref<50048x32xf32, #tpu.memory_space<vmem_shared>>
      tpu.enqueue_indirect_dma source(%dma_start3A_360 : memref<128x32xf32, #tpu.memory_space<vmem>>) target(%dma_start3A_366 : memref<50048x32xf32, #tpu.memory_space<vmem_shared>>) offsets(%dma_start3A_363 : memref<128xi32, #tpu.memory_space<vmem>>) semaphore(%arg18 : memref<!tpu.dma_semaphore, #tpu.memory_space<semaphore_mem>>) {add = true}
      %dma_wait3A_367 = arith.constant 2 : i32
      %dma_wait3A_368 = arith.constant 0 : i32
      %dma_wait3A_369 = arith.constant 0 : i32
      %dma_wait3A_370 = tpu.memref_slice %arg11[%rem3A_286, %dma_wait3A_367, %dma_wait3A_368, %dma_wait3A_369] : memref<2x3x128x32xf32, #tpu.memory_space<vmem>> -> memref<1x1x128x32xf32, #tpu.memory_space<vmem>>
      %dma_wait3A_371 = tpu.memref_squeeze %dma_wait3A_370 : memref<1x1x128x32xf32, #tpu.memory_space<vmem>> -> memref<128x32xf32, #tpu.memory_space<vmem>>
      %dma_wait3A_372 = arith.constant 256 : i32
      %dma_wait3A_373 = tpu.memref_slice %arg9[%rem3A_286, %dma_wait3A_372] : memref<2x384xi32, #tpu.memory_space<vmem>> -> memref<1x128xi32, #tpu.memory_space<vmem>>
      %dma_wait3A_374 = tpu.memref_squeeze %dma_wait3A_373 : memref<1x128xi32, #tpu.memory_space<vmem>> -> memref<128xi32, #tpu.memory_space<vmem>>
      %dma_wait3A_375 = arith.constant 0 : i32
      %dma_wait3A_376 = arith.constant 0 : i32
      %dma_wait3A_377 = tpu.memref_slice %arg3[%dma_wait3A_375, %dma_wait3A_376] : memref<50000x32xf32, #tpu.memory_space<hbm>> -> memref<50000x32xf32, #tpu.memory_space<hbm>>
      tpu.wait_indirect_dma semaphore(%arg16 : memref<!tpu.dma_semaphore, #tpu.memory_space<semaphore_mem>>) src(%dma_wait3A_377 : memref<50000x32xf32, #tpu.memory_space<hbm>>) dst(%dma_wait3A_371 : memref<128x32xf32, #tpu.memory_space<vmem>>)
      %dma_start3A_378 = arith.constant 2 : i32
      %dma_start3A_379 = arith.constant 2 : i32
      %dma_start3A_380 = arith.constant 0 : i32
      %dma_start3A_381 = arith.constant 0 : i32
      %dma_start3A_382 = tpu.memref_slice %arg11[%rem3A_286, %dma_start3A_378, %dma_start3A_380, %dma_start3A_381] : memref<2x3x128x32xf32, #tpu.memory_space<vmem>> -> memref<1x1x128x32xf32, #tpu.memory_space<vmem>>
      %dma_start3A_383 = tpu.memref_squeeze %dma_start3A_382 : memref<1x1x128x32xf32, #tpu.memory_space<vmem>> -> memref<128x32xf32, #tpu.memory_space<vmem>>
      %dma_start3A_384 = arith.constant 0 : i32
      %dma_start3A_385 = tpu.memref_slice %arg10[%rem3A_292, %dma_start3A_379, %dma_start3A_384] : memref<3x3x128xi32, #tpu.memory_space<vmem>> -> memref<1x1x128xi32, #tpu.memory_space<vmem>>
      %dma_start3A_386 = tpu.memref_squeeze %dma_start3A_385 : memref<1x1x128xi32, #tpu.memory_space<vmem>> -> memref<128xi32, #tpu.memory_space<vmem>>
      %dma_start3A_387 = arith.constant 0 : i32
      %dma_start3A_388 = arith.constant 0 : i32
      %dma_start3A_389 = tpu.memref_slice %arg8[%dma_start3A_387, %dma_start3A_388] : memref<50048x32xf32, #tpu.memory_space<vmem_shared>> -> memref<50048x32xf32, #tpu.memory_space<vmem_shared>>
      tpu.enqueue_indirect_dma source(%dma_start3A_383 : memref<128x32xf32, #tpu.memory_space<vmem>>) target(%dma_start3A_389 : memref<50048x32xf32, #tpu.memory_space<vmem_shared>>) offsets(%dma_start3A_386 : memref<128xi32, #tpu.memory_space<vmem>>) semaphore(%arg19 : memref<!tpu.dma_semaphore, #tpu.memory_space<semaphore_mem>>) {add = true}
      %add3A_390 = arith.constant 1 : i32
      %add3A_391 = arith.addi %scan3A_284, %add3A_390 : i32
      %lt3A_392 = arith.constant 130 : i32
      %lt3A_393 = arith.cmpi slt, %add3A_391, %lt3A_392 : i32
      %eq3A_394 = arith.constant 0 : i32
      %eq3A_395 = arith.cmpi eq, %rem3A_290, %eq3A_394 : i32
      %and3A_396 = arith.andi %lt3A_393, %eq3A_395 : i1
      %convert_element_type3A_397 = arith.extui %and3A_396 : i1 to i32
      %cond3A_398 = arith.constant 0 : i32
      %cond3A_399 = arith.cmpi ne, %convert_element_type3A_397, %cond3A_398 : i32
      scf.if %cond3A_399 {
        %add3A_417 = arith.constant 1 : i32
        %add3A_418 = arith.addi %scan3A_284, %add3A_417 : i32
        %mul3A_419 = arith.constant 384 : i32
        %mul3A_420 = arith.muli %add3A_418, %mul3A_419 : i32
        %add3A_421 = arith.addi %mul3A_1, %mul3A_420 : i32
        %dma_wait3A_422 = arith.constant 0 : i32
        %dma_wait3A_423 = arith.constant 0 : i32
        %dma_wait3A_424 = arith.constant 0 : i32
        %dma_wait3A_425 = tpu.memref_slice %arg9[%dma_wait3A_423, %dma_wait3A_424] : memref<2x384xi32, #tpu.memory_space<vmem>> -> memref<1x384xi32, #tpu.memory_space<vmem>>
        %dma_wait3A_426 = tpu.memref_squeeze %dma_wait3A_425 : memref<1x384xi32, #tpu.memory_space<vmem>> -> memref<384xi32, #tpu.memory_space<vmem>>
        %dma_wait3A_427 = tpu.memref_slice %arg2[%dma_wait3A_422, %add3A_421] : memref<2x800000xi32, #tpu.memory_space<hbm>> -> memref<1x384xi32, #tpu.memory_space<hbm>>
        %dma_wait3A_428 = tpu.memref_squeeze %dma_wait3A_427 : memref<1x384xi32, #tpu.memory_space<hbm>> -> memref<384xi32, #tpu.memory_space<hbm>>
        %dma_wait3A_429 = arith.constant 0 : i32
        %dma_wait3A_430 = tpu.memref_slice %arg9[%dma_wait3A_423, %dma_wait3A_429] : memref<2x384xi32, #tpu.memory_space<vmem>> -> memref<1x384xi32, #tpu.memory_space<vmem>>
        %dma_wait3A_431 = tpu.memref_squeeze %dma_wait3A_430 : memref<1x384xi32, #tpu.memory_space<vmem>> -> memref<384xi32, #tpu.memory_space<vmem>>
        %dma_wait3A_432 = tpu.memref_slice %arg2[%dma_wait3A_422, %add3A_421] : memref<2x800000xi32, #tpu.memory_space<hbm>> -> memref<1x384xi32, #tpu.memory_space<hbm>>
        %dma_wait3A_433 = tpu.memref_squeeze %dma_wait3A_432 : memref<1x384xi32, #tpu.memory_space<hbm>> -> memref<384xi32, #tpu.memory_space<hbm>>
        tpu.wait_dma2 semaphore(%arg12 : memref<!tpu.dma_semaphore, #tpu.memory_space<semaphore_mem>>) src(%dma_wait3A_433 : memref<384xi32, #tpu.memory_space<hbm>>) dst(%dma_wait3A_431 : memref<384xi32, #tpu.memory_space<vmem>>)
        %add3A_434 = arith.constant 0 : i32
        %add3A_435 = arith.addi %add3A_421, %add3A_434 : i32
        %rem3A_436 = arith.constant 3 : i32
        %rem3A_437 = arith.remsi %add3A_418, %rem3A_436 : i32
        %dma_wait3A_438 = arith.constant 1 : i32
        %dma_wait3A_439 = arith.constant 0 : i32
        %dma_wait3A_440 = arith.constant 0 : i32
        %dma_wait3A_441 = tpu.memref_slice %arg10[%rem3A_437, %dma_wait3A_439, %dma_wait3A_440] : memref<3x3x128xi32, #tpu.memory_space<vmem>> -> memref<1x1x128xi32, #tpu.memory_space<vmem>>
        %dma_wait3A_442 = tpu.memref_squeeze %dma_wait3A_441 : memref<1x1x128xi32, #tpu.memory_space<vmem>> -> memref<128xi32, #tpu.memory_space<vmem>>
        %dma_wait3A_443 = tpu.memref_slice %arg2[%dma_wait3A_438, %add3A_435] : memref<2x800000xi32, #tpu.memory_space<hbm>> -> memref<1x128xi32, #tpu.memory_space<hbm>>
        %dma_wait3A_444 = tpu.memref_squeeze %dma_wait3A_443 : memref<1x128xi32, #tpu.memory_space<hbm>> -> memref<128xi32, #tpu.memory_space<hbm>>
        %dma_wait3A_445 = arith.constant 0 : i32
        %dma_wait3A_446 = tpu.memref_slice %arg10[%rem3A_437, %dma_wait3A_439, %dma_wait3A_445] : memref<3x3x128xi32, #tpu.memory_space<vmem>> -> memref<1x1x128xi32, #tpu.memory_space<vmem>>
        %dma_wait3A_447 = tpu.memref_squeeze %dma_wait3A_446 : memref<1x1x128xi32, #tpu.memory_space<vmem>> -> memref<128xi32, #tpu.memory_space<vmem>>
        %dma_wait3A_448 = tpu.memref_slice %arg2[%dma_wait3A_438, %add3A_435] : memref<2x800000xi32, #tpu.memory_space<hbm>> -> memref<1x128xi32, #tpu.memory_space<hbm>>
        %dma_wait3A_449 = tpu.memref_squeeze %dma_wait3A_448 : memref<1x128xi32, #tpu.memory_space<hbm>> -> memref<128xi32, #tpu.memory_space<hbm>>
        tpu.wait_dma2 semaphore(%arg12 : memref<!tpu.dma_semaphore, #tpu.memory_space<semaphore_mem>>) src(%dma_wait3A_449 : memref<128xi32, #tpu.memory_space<hbm>>) dst(%dma_wait3A_447 : memref<128xi32, #tpu.memory_space<vmem>>)
        %add3A_450 = arith.constant 128 : i32
        %add3A_451 = arith.addi %add3A_421, %add3A_450 : i32
        %rem3A_452 = arith.constant 3 : i32
        %rem3A_453 = arith.remsi %add3A_418, %rem3A_452 : i32
        %dma_wait3A_454 = arith.constant 1 : i32
        %dma_wait3A_455 = arith.constant 1 : i32
        %dma_wait3A_456 = arith.constant 0 : i32
        %dma_wait3A_457 = tpu.memref_slice %arg10[%rem3A_453, %dma_wait3A_455, %dma_wait3A_456] : memref<3x3x128xi32, #tpu.memory_space<vmem>> -> memref<1x1x128xi32, #tpu.memory_space<vmem>>
        %dma_wait3A_458 = tpu.memref_squeeze %dma_wait3A_457 : memref<1x1x128xi32, #tpu.memory_space<vmem>> -> memref<128xi32, #tpu.memory_space<vmem>>
        %dma_wait3A_459 = tpu.memref_slice %arg2[%dma_wait3A_454, %add3A_451] : memref<2x800000xi32, #tpu.memory_space<hbm>> -> memref<1x128xi32, #tpu.memory_space<hbm>>
        %dma_wait3A_460 = tpu.memref_squeeze %dma_wait3A_459 : memref<1x128xi32, #tpu.memory_space<hbm>> -> memref<128xi32, #tpu.memory_space<hbm>>
        %dma_wait3A_461 = arith.constant 0 : i32
        %dma_wait3A_462 = tpu.memref_slice %arg10[%rem3A_453, %dma_wait3A_455, %dma_wait3A_461] : memref<3x3x128xi32, #tpu.memory_space<vmem>> -> memref<1x1x128xi32, #tpu.memory_space<vmem>>
        %dma_wait3A_463 = tpu.memref_squeeze %dma_wait3A_462 : memref<1x1x128xi32, #tpu.memory_space<vmem>> -> memref<128xi32, #tpu.memory_space<vmem>>
        %dma_wait3A_464 = tpu.memref_slice %arg2[%dma_wait3A_454, %add3A_451] : memref<2x800000xi32, #tpu.memory_space<hbm>> -> memref<1x128xi32, #tpu.memory_space<hbm>>
        %dma_wait3A_465 = tpu.memref_squeeze %dma_wait3A_464 : memref<1x128xi32, #tpu.memory_space<hbm>> -> memref<128xi32, #tpu.memory_space<hbm>>
        tpu.wait_dma2 semaphore(%arg12 : memref<!tpu.dma_semaphore, #tpu.memory_space<semaphore_mem>>) src(%dma_wait3A_465 : memref<128xi32, #tpu.memory_space<hbm>>) dst(%dma_wait3A_463 : memref<128xi32, #tpu.memory_space<vmem>>)
        %add3A_466 = arith.constant 256 : i32
        %add3A_467 = arith.addi %add3A_421, %add3A_466 : i32
        %rem3A_468 = arith.constant 3 : i32
        %rem3A_469 = arith.remsi %add3A_418, %rem3A_468 : i32
        %dma_wait3A_470 = arith.constant 1 : i32
        %dma_wait3A_471 = arith.constant 2 : i32
        %dma_wait3A_472 = arith.constant 0 : i32
        %dma_wait3A_473 = tpu.memref_slice %arg10[%rem3A_469, %dma_wait3A_471, %dma_wait3A_472] : memref<3x3x128xi32, #tpu.memory_space<vmem>> -> memref<1x1x128xi32, #tpu.memory_space<vmem>>
        %dma_wait3A_474 = tpu.memref_squeeze %dma_wait3A_473 : memref<1x1x128xi32, #tpu.memory_space<vmem>> -> memref<128xi32, #tpu.memory_space<vmem>>
        %dma_wait3A_475 = tpu.memref_slice %arg2[%dma_wait3A_470, %add3A_467] : memref<2x800000xi32, #tpu.memory_space<hbm>> -> memref<1x128xi32, #tpu.memory_space<hbm>>
        %dma_wait3A_476 = tpu.memref_squeeze %dma_wait3A_475 : memref<1x128xi32, #tpu.memory_space<hbm>> -> memref<128xi32, #tpu.memory_space<hbm>>
        %dma_wait3A_477 = arith.constant 0 : i32
        %dma_wait3A_478 = tpu.memref_slice %arg10[%rem3A_469, %dma_wait3A_471, %dma_wait3A_477] : memref<3x3x128xi32, #tpu.memory_space<vmem>> -> memref<1x1x128xi32, #tpu.memory_space<vmem>>
        %dma_wait3A_479 = tpu.memref_squeeze %dma_wait3A_478 : memref<1x1x128xi32, #tpu.memory_space<vmem>> -> memref<128xi32, #tpu.memory_space<vmem>>
        %dma_wait3A_480 = tpu.memref_slice %arg2[%dma_wait3A_470, %add3A_467] : memref<2x800000xi32, #tpu.memory_space<hbm>> -> memref<1x128xi32, #tpu.memory_space<hbm>>
        %dma_wait3A_481 = tpu.memref_squeeze %dma_wait3A_480 : memref<1x128xi32, #tpu.memory_space<hbm>> -> memref<128xi32, #tpu.memory_space<hbm>>
        tpu.wait_dma2 semaphore(%arg12 : memref<!tpu.dma_semaphore, #tpu.memory_space<semaphore_mem>>) src(%dma_wait3A_481 : memref<128xi32, #tpu.memory_space<hbm>>) dst(%dma_wait3A_479 : memref<128xi32, #tpu.memory_space<vmem>>)
      } else {
      }
      %add3A_400 = arith.constant 1 : i32
      %add3A_401 = arith.addi %scan3A_284, %add3A_400 : i32
      %lt3A_402 = arith.constant 130 : i32
      %lt3A_403 = arith.cmpi slt, %add3A_401, %lt3A_402 : i32
      %eq3A_404 = arith.constant 1 : i32
      %eq3A_405 = arith.cmpi eq, %rem3A_290, %eq3A_404 : i32
      %and3A_406 = arith.andi %lt3A_403, %eq3A_405 : i1
      %convert_element_type3A_407 = arith.extui %and3A_406 : i1 to i32
      %cond3A_408 = arith.constant 0 : i32
      %cond3A_409 = arith.cmpi ne, %convert_element_type3A_407, %cond3A_408 : i32
      scf.if %cond3A_409 {
        %add3A_417 = arith.constant 1 : i32
        %add3A_418 = arith.addi %scan3A_284, %add3A_417 : i32
        %mul3A_419 = arith.constant 384 : i32
        %mul3A_420 = arith.muli %add3A_418, %mul3A_419 : i32
        %add3A_421 = arith.addi %mul3A_1, %mul3A_420 : i32
        %dma_wait3A_422 = arith.constant 0 : i32
        %dma_wait3A_423 = arith.constant 1 : i32
        %dma_wait3A_424 = arith.constant 0 : i32
        %dma_wait3A_425 = tpu.memref_slice %arg9[%dma_wait3A_423, %dma_wait3A_424] : memref<2x384xi32, #tpu.memory_space<vmem>> -> memref<1x384xi32, #tpu.memory_space<vmem>>
        %dma_wait3A_426 = tpu.memref_squeeze %dma_wait3A_425 : memref<1x384xi32, #tpu.memory_space<vmem>> -> memref<384xi32, #tpu.memory_space<vmem>>
        %dma_wait3A_427 = tpu.memref_slice %arg2[%dma_wait3A_422, %add3A_421] : memref<2x800000xi32, #tpu.memory_space<hbm>> -> memref<1x384xi32, #tpu.memory_space<hbm>>
        %dma_wait3A_428 = tpu.memref_squeeze %dma_wait3A_427 : memref<1x384xi32, #tpu.memory_space<hbm>> -> memref<384xi32, #tpu.memory_space<hbm>>
        %dma_wait3A_429 = arith.constant 0 : i32
        %dma_wait3A_430 = tpu.memref_slice %arg9[%dma_wait3A_423, %dma_wait3A_429] : memref<2x384xi32, #tpu.memory_space<vmem>> -> memref<1x384xi32, #tpu.memory_space<vmem>>
        %dma_wait3A_431 = tpu.memref_squeeze %dma_wait3A_430 : memref<1x384xi32, #tpu.memory_space<vmem>> -> memref<384xi32, #tpu.memory_space<vmem>>
        %dma_wait3A_432 = tpu.memref_slice %arg2[%dma_wait3A_422, %add3A_421] : memref<2x800000xi32, #tpu.memory_space<hbm>> -> memref<1x384xi32, #tpu.memory_space<hbm>>
        %dma_wait3A_433 = tpu.memref_squeeze %dma_wait3A_432 : memref<1x384xi32, #tpu.memory_space<hbm>> -> memref<384xi32, #tpu.memory_space<hbm>>
        tpu.wait_dma2 semaphore(%arg13 : memref<!tpu.dma_semaphore, #tpu.memory_space<semaphore_mem>>) src(%dma_wait3A_433 : memref<384xi32, #tpu.memory_space<hbm>>) dst(%dma_wait3A_431 : memref<384xi32, #tpu.memory_space<vmem>>)
        %add3A_434 = arith.constant 0 : i32
        %add3A_435 = arith.addi %add3A_421, %add3A_434 : i32
        %rem3A_436 = arith.constant 3 : i32
        %rem3A_437 = arith.remsi %add3A_418, %rem3A_436 : i32
        %dma_wait3A_438 = arith.constant 1 : i32
        %dma_wait3A_439 = arith.constant 0 : i32
        %dma_wait3A_440 = arith.constant 0 : i32
        %dma_wait3A_441 = tpu.memref_slice %arg10[%rem3A_437, %dma_wait3A_439, %dma_wait3A_440] : memref<3x3x128xi32, #tpu.memory_space<vmem>> -> memref<1x1x128xi32, #tpu.memory_space<vmem>>
        %dma_wait3A_442 = tpu.memref_squeeze %dma_wait3A_441 : memref<1x1x128xi32, #tpu.memory_space<vmem>> -> memref<128xi32, #tpu.memory_space<vmem>>
        %dma_wait3A_443 = tpu.memref_slice %arg2[%dma_wait3A_438, %add3A_435] : memref<2x800000xi32, #tpu.memory_space<hbm>> -> memref<1x128xi32, #tpu.memory_space<hbm>>
        %dma_wait3A_444 = tpu.memref_squeeze %dma_wait3A_443 : memref<1x128xi32, #tpu.memory_space<hbm>> -> memref<128xi32, #tpu.memory_space<hbm>>
        %dma_wait3A_445 = arith.constant 0 : i32
        %dma_wait3A_446 = tpu.memref_slice %arg10[%rem3A_437, %dma_wait3A_439, %dma_wait3A_445] : memref<3x3x128xi32, #tpu.memory_space<vmem>> -> memref<1x1x128xi32, #tpu.memory_space<vmem>>
        %dma_wait3A_447 = tpu.memref_squeeze %dma_wait3A_446 : memref<1x1x128xi32, #tpu.memory_space<vmem>> -> memref<128xi32, #tpu.memory_space<vmem>>
        %dma_wait3A_448 = tpu.memref_slice %arg2[%dma_wait3A_438, %add3A_435] : memref<2x800000xi32, #tpu.memory_space<hbm>> -> memref<1x128xi32, #tpu.memory_space<hbm>>
        %dma_wait3A_449 = tpu.memref_squeeze %dma_wait3A_448 : memref<1x128xi32, #tpu.memory_space<hbm>> -> memref<128xi32, #tpu.memory_space<hbm>>
        tpu.wait_dma2 semaphore(%arg13 : memref<!tpu.dma_semaphore, #tpu.memory_space<semaphore_mem>>) src(%dma_wait3A_449 : memref<128xi32, #tpu.memory_space<hbm>>) dst(%dma_wait3A_447 : memref<128xi32, #tpu.memory_space<vmem>>)
        %add3A_450 = arith.constant 128 : i32
        %add3A_451 = arith.addi %add3A_421, %add3A_450 : i32
        %rem3A_452 = arith.constant 3 : i32
        %rem3A_453 = arith.remsi %add3A_418, %rem3A_452 : i32
        %dma_wait3A_454 = arith.constant 1 : i32
        %dma_wait3A_455 = arith.constant 1 : i32
        %dma_wait3A_456 = arith.constant 0 : i32
        %dma_wait3A_457 = tpu.memref_slice %arg10[%rem3A_453, %dma_wait3A_455, %dma_wait3A_456] : memref<3x3x128xi32, #tpu.memory_space<vmem>> -> memref<1x1x128xi32, #tpu.memory_space<vmem>>
        %dma_wait3A_458 = tpu.memref_squeeze %dma_wait3A_457 : memref<1x1x128xi32, #tpu.memory_space<vmem>> -> memref<128xi32, #tpu.memory_space<vmem>>
        %dma_wait3A_459 = tpu.memref_slice %arg2[%dma_wait3A_454, %add3A_451] : memref<2x800000xi32, #tpu.memory_space<hbm>> -> memref<1x128xi32, #tpu.memory_space<hbm>>
        %dma_wait3A_460 = tpu.memref_squeeze %dma_wait3A_459 : memref<1x128xi32, #tpu.memory_space<hbm>> -> memref<128xi32, #tpu.memory_space<hbm>>
        %dma_wait3A_461 = arith.constant 0 : i32
        %dma_wait3A_462 = tpu.memref_slice %arg10[%rem3A_453, %dma_wait3A_455, %dma_wait3A_461] : memref<3x3x128xi32, #tpu.memory_space<vmem>> -> memref<1x1x128xi32, #tpu.memory_space<vmem>>
        %dma_wait3A_463 = tpu.memref_squeeze %dma_wait3A_462 : memref<1x1x128xi32, #tpu.memory_space<vmem>> -> memref<128xi32, #tpu.memory_space<vmem>>
        %dma_wait3A_464 = tpu.memref_slice %arg2[%dma_wait3A_454, %add3A_451] : memref<2x800000xi32, #tpu.memory_space<hbm>> -> memref<1x128xi32, #tpu.memory_space<hbm>>
        %dma_wait3A_465 = tpu.memref_squeeze %dma_wait3A_464 : memref<1x128xi32, #tpu.memory_space<hbm>> -> memref<128xi32, #tpu.memory_space<hbm>>
        tpu.wait_dma2 semaphore(%arg13 : memref<!tpu.dma_semaphore, #tpu.memory_space<semaphore_mem>>) src(%dma_wait3A_465 : memref<128xi32, #tpu.memory_space<hbm>>) dst(%dma_wait3A_463 : memref<128xi32, #tpu.memory_space<vmem>>)
        %add3A_466 = arith.constant 256 : i32
        %add3A_467 = arith.addi %add3A_421, %add3A_466 : i32
        %rem3A_468 = arith.constant 3 : i32
        %rem3A_469 = arith.remsi %add3A_418, %rem3A_468 : i32
        %dma_wait3A_470 = arith.constant 1 : i32
        %dma_wait3A_471 = arith.constant 2 : i32
        %dma_wait3A_472 = arith.constant 0 : i32
        %dma_wait3A_473 = tpu.memref_slice %arg10[%rem3A_469, %dma_wait3A_471, %dma_wait3A_472] : memref<3x3x128xi32, #tpu.memory_space<vmem>> -> memref<1x1x128xi32, #tpu.memory_space<vmem>>
        %dma_wait3A_474 = tpu.memref_squeeze %dma_wait3A_473 : memref<1x1x128xi32, #tpu.memory_space<vmem>> -> memref<128xi32, #tpu.memory_space<vmem>>
        %dma_wait3A_475 = tpu.memref_slice %arg2[%dma_wait3A_470, %add3A_467] : memref<2x800000xi32, #tpu.memory_space<hbm>> -> memref<1x128xi32, #tpu.memory_space<hbm>>
        %dma_wait3A_476 = tpu.memref_squeeze %dma_wait3A_475 : memref<1x128xi32, #tpu.memory_space<hbm>> -> memref<128xi32, #tpu.memory_space<hbm>>
        %dma_wait3A_477 = arith.constant 0 : i32
        %dma_wait3A_478 = tpu.memref_slice %arg10[%rem3A_469, %dma_wait3A_471, %dma_wait3A_477] : memref<3x3x128xi32, #tpu.memory_space<vmem>> -> memref<1x1x128xi32, #tpu.memory_space<vmem>>
        %dma_wait3A_479 = tpu.memref_squeeze %dma_wait3A_478 : memref<1x1x128xi32, #tpu.memory_space<vmem>> -> memref<128xi32, #tpu.memory_space<vmem>>
        %dma_wait3A_480 = tpu.memref_slice %arg2[%dma_wait3A_470, %add3A_467] : memref<2x800000xi32, #tpu.memory_space<hbm>> -> memref<1x128xi32, #tpu.memory_space<hbm>>
        %dma_wait3A_481 = tpu.memref_squeeze %dma_wait3A_480 : memref<1x128xi32, #tpu.memory_space<hbm>> -> memref<128xi32, #tpu.memory_space<hbm>>
        tpu.wait_dma2 semaphore(%arg13 : memref<!tpu.dma_semaphore, #tpu.memory_space<semaphore_mem>>) src(%dma_wait3A_481 : memref<128xi32, #tpu.memory_space<hbm>>) dst(%dma_wait3A_479 : memref<128xi32, #tpu.memory_space<vmem>>)
      } else {
      }
      %add3A_410 = arith.constant 1 : i32
      %add3A_411 = arith.addi %scan3A_284, %add3A_410 : i32
      %lt3A_412 = arith.constant 130 : i32
      %lt3A_413 = arith.cmpi slt, %add3A_411, %lt3A_412 : i32
      %convert_element_type3A_414 = arith.extui %lt3A_413 : i1 to i32
      %cond3A_415 = arith.constant 0 : i32
      %cond3A_416 = arith.cmpi ne, %convert_element_type3A_414, %cond3A_415 : i32
      scf.if %cond3A_416 {
        %eq3A_417 = arith.constant 0 : i32
        %eq3A_418 = arith.cmpi eq, %arg0, %eq3A_417 : i32
        %convert_element_type3A_419 = arith.extui %eq3A_418 : i1 to i32
        %cond3A_420 = arith.constant 0 : i32
        %cond3A_421 = arith.cmpi ne, %convert_element_type3A_419, %cond3A_420 : i32
        scf.if %cond3A_421 {
          %dma_start3A_427 = arith.constant 0 : i32
          %dma_start3A_428 = arith.constant 0 : i32
          %dma_start3A_429 = arith.constant 0 : i32
          %dma_start3A_430 = tpu.memref_slice %arg11[%rem3A_290, %dma_start3A_427, %dma_start3A_428, %dma_start3A_429] : memref<2x3x128x32xf32, #tpu.memory_space<vmem>> -> memref<1x1x128x32xf32, #tpu.memory_space<vmem>>
          %dma_start3A_431 = tpu.memref_squeeze %dma_start3A_430 : memref<1x1x128x32xf32, #tpu.memory_space<vmem>> -> memref<128x32xf32, #tpu.memory_space<vmem>>
          %dma_start3A_432 = arith.constant 0 : i32
          %dma_start3A_433 = tpu.memref_slice %arg9[%rem3A_290, %dma_start3A_432] : memref<2x384xi32, #tpu.memory_space<vmem>> -> memref<1x128xi32, #tpu.memory_space<vmem>>
          %dma_start3A_434 = tpu.memref_squeeze %dma_start3A_433 : memref<1x128xi32, #tpu.memory_space<vmem>> -> memref<128xi32, #tpu.memory_space<vmem>>
          %dma_start3A_435 = arith.constant 0 : i32
          %dma_start3A_436 = arith.constant 0 : i32
          %dma_start3A_437 = tpu.memref_slice %arg3[%dma_start3A_435, %dma_start3A_436] : memref<50000x32xf32, #tpu.memory_space<hbm>> -> memref<50000x32xf32, #tpu.memory_space<hbm>>
          tpu.enqueue_indirect_dma source(%dma_start3A_437 : memref<50000x32xf32, #tpu.memory_space<hbm>>) target(%dma_start3A_431 : memref<128x32xf32, #tpu.memory_space<vmem>>) offsets(%dma_start3A_434 : memref<128xi32, #tpu.memory_space<vmem>>) semaphore(%arg14 : memref<!tpu.dma_semaphore, #tpu.memory_space<semaphore_mem>>)
          %dma_start3A_438 = arith.constant 1 : i32
          %dma_start3A_439 = arith.constant 0 : i32
          %dma_start3A_440 = arith.constant 0 : i32
          %dma_start3A_441 = tpu.memref_slice %arg11[%rem3A_290, %dma_start3A_438, %dma_start3A_439, %dma_start3A_440] : memref<2x3x128x32xf32, #tpu.memory_space<vmem>> -> memref<1x1x128x32xf32, #tpu.memory_space<vmem>>
          %dma_start3A_442 = tpu.memref_squeeze %dma_start3A_441 : memref<1x1x128x32xf32, #tpu.memory_space<vmem>> -> memref<128x32xf32, #tpu.memory_space<vmem>>
          %dma_start3A_443 = arith.constant 128 : i32
          %dma_start3A_444 = tpu.memref_slice %arg9[%rem3A_290, %dma_start3A_443] : memref<2x384xi32, #tpu.memory_space<vmem>> -> memref<1x128xi32, #tpu.memory_space<vmem>>
          %dma_start3A_445 = tpu.memref_squeeze %dma_start3A_444 : memref<1x128xi32, #tpu.memory_space<vmem>> -> memref<128xi32, #tpu.memory_space<vmem>>
          %dma_start3A_446 = arith.constant 0 : i32
          %dma_start3A_447 = arith.constant 0 : i32
          %dma_start3A_448 = tpu.memref_slice %arg3[%dma_start3A_446, %dma_start3A_447] : memref<50000x32xf32, #tpu.memory_space<hbm>> -> memref<50000x32xf32, #tpu.memory_space<hbm>>
          tpu.enqueue_indirect_dma source(%dma_start3A_448 : memref<50000x32xf32, #tpu.memory_space<hbm>>) target(%dma_start3A_442 : memref<128x32xf32, #tpu.memory_space<vmem>>) offsets(%dma_start3A_445 : memref<128xi32, #tpu.memory_space<vmem>>) semaphore(%arg15 : memref<!tpu.dma_semaphore, #tpu.memory_space<semaphore_mem>>)
          %dma_start3A_449 = arith.constant 2 : i32
          %dma_start3A_450 = arith.constant 0 : i32
          %dma_start3A_451 = arith.constant 0 : i32
          %dma_start3A_452 = tpu.memref_slice %arg11[%rem3A_290, %dma_start3A_449, %dma_start3A_450, %dma_start3A_451] : memref<2x3x128x32xf32, #tpu.memory_space<vmem>> -> memref<1x1x128x32xf32, #tpu.memory_space<vmem>>
          %dma_start3A_453 = tpu.memref_squeeze %dma_start3A_452 : memref<1x1x128x32xf32, #tpu.memory_space<vmem>> -> memref<128x32xf32, #tpu.memory_space<vmem>>
          %dma_start3A_454 = arith.constant 256 : i32
          %dma_start3A_455 = tpu.memref_slice %arg9[%rem3A_290, %dma_start3A_454] : memref<2x384xi32, #tpu.memory_space<vmem>> -> memref<1x128xi32, #tpu.memory_space<vmem>>
          %dma_start3A_456 = tpu.memref_squeeze %dma_start3A_455 : memref<1x128xi32, #tpu.memory_space<vmem>> -> memref<128xi32, #tpu.memory_space<vmem>>
          %dma_start3A_457 = arith.constant 0 : i32
          %dma_start3A_458 = arith.constant 0 : i32
          %dma_start3A_459 = tpu.memref_slice %arg3[%dma_start3A_457, %dma_start3A_458] : memref<50000x32xf32, #tpu.memory_space<hbm>> -> memref<50000x32xf32, #tpu.memory_space<hbm>>
          tpu.enqueue_indirect_dma source(%dma_start3A_459 : memref<50000x32xf32, #tpu.memory_space<hbm>>) target(%dma_start3A_453 : memref<128x32xf32, #tpu.memory_space<vmem>>) offsets(%dma_start3A_456 : memref<128xi32, #tpu.memory_space<vmem>>) semaphore(%arg16 : memref<!tpu.dma_semaphore, #tpu.memory_space<semaphore_mem>>)
        } else {
        }
        %eq3A_422 = arith.constant 1 : i32
        %eq3A_423 = arith.cmpi eq, %arg0, %eq3A_422 : i32
        %convert_element_type3A_424 = arith.extui %eq3A_423 : i1 to i32
        %cond3A_425 = arith.constant 0 : i32
        %cond3A_426 = arith.cmpi ne, %convert_element_type3A_424, %cond3A_425 : i32
        scf.if %cond3A_426 {
          %dma_start3A_427 = arith.constant 0 : i32
          %dma_start3A_428 = arith.constant 0 : i32
          %dma_start3A_429 = arith.constant 0 : i32
          %dma_start3A_430 = tpu.memref_slice %arg11[%rem3A_290, %dma_start3A_427, %dma_start3A_428, %dma_start3A_429] : memref<2x3x128x32xf32, #tpu.memory_space<vmem>> -> memref<1x1x128x32xf32, #tpu.memory_space<vmem>>
          %dma_start3A_431 = tpu.memref_squeeze %dma_start3A_430 : memref<1x1x128x32xf32, #tpu.memory_space<vmem>> -> memref<128x32xf32, #tpu.memory_space<vmem>>
          %dma_start3A_432 = arith.constant 0 : i32
          %dma_start3A_433 = tpu.memref_slice %arg9[%rem3A_290, %dma_start3A_432] : memref<2x384xi32, #tpu.memory_space<vmem>> -> memref<1x128xi32, #tpu.memory_space<vmem>>
          %dma_start3A_434 = tpu.memref_squeeze %dma_start3A_433 : memref<1x128xi32, #tpu.memory_space<vmem>> -> memref<128xi32, #tpu.memory_space<vmem>>
          %dma_start3A_435 = arith.constant 0 : i32
          %dma_start3A_436 = arith.constant 0 : i32
          %dma_start3A_437 = tpu.memref_slice %arg4[%dma_start3A_435, %dma_start3A_436] : memref<50000x32xf32, #tpu.memory_space<hbm>> -> memref<50000x32xf32, #tpu.memory_space<hbm>>
          tpu.enqueue_indirect_dma source(%dma_start3A_437 : memref<50000x32xf32, #tpu.memory_space<hbm>>) target(%dma_start3A_431 : memref<128x32xf32, #tpu.memory_space<vmem>>) offsets(%dma_start3A_434 : memref<128xi32, #tpu.memory_space<vmem>>) semaphore(%arg14 : memref<!tpu.dma_semaphore, #tpu.memory_space<semaphore_mem>>)
          %dma_start3A_438 = arith.constant 1 : i32
          %dma_start3A_439 = arith.constant 0 : i32
          %dma_start3A_440 = arith.constant 0 : i32
          %dma_start3A_441 = tpu.memref_slice %arg11[%rem3A_290, %dma_start3A_438, %dma_start3A_439, %dma_start3A_440] : memref<2x3x128x32xf32, #tpu.memory_space<vmem>> -> memref<1x1x128x32xf32, #tpu.memory_space<vmem>>
          %dma_start3A_442 = tpu.memref_squeeze %dma_start3A_441 : memref<1x1x128x32xf32, #tpu.memory_space<vmem>> -> memref<128x32xf32, #tpu.memory_space<vmem>>
          %dma_start3A_443 = arith.constant 128 : i32
          %dma_start3A_444 = tpu.memref_slice %arg9[%rem3A_290, %dma_start3A_443] : memref<2x384xi32, #tpu.memory_space<vmem>> -> memref<1x128xi32, #tpu.memory_space<vmem>>
          %dma_start3A_445 = tpu.memref_squeeze %dma_start3A_444 : memref<1x128xi32, #tpu.memory_space<vmem>> -> memref<128xi32, #tpu.memory_space<vmem>>
          %dma_start3A_446 = arith.constant 0 : i32
          %dma_start3A_447 = arith.constant 0 : i32
          %dma_start3A_448 = tpu.memref_slice %arg4[%dma_start3A_446, %dma_start3A_447] : memref<50000x32xf32, #tpu.memory_space<hbm>> -> memref<50000x32xf32, #tpu.memory_space<hbm>>
          tpu.enqueue_indirect_dma source(%dma_start3A_448 : memref<50000x32xf32, #tpu.memory_space<hbm>>) target(%dma_start3A_442 : memref<128x32xf32, #tpu.memory_space<vmem>>) offsets(%dma_start3A_445 : memref<128xi32, #tpu.memory_space<vmem>>) semaphore(%arg15 : memref<!tpu.dma_semaphore, #tpu.memory_space<semaphore_mem>>)
          %dma_start3A_449 = arith.constant 2 : i32
          %dma_start3A_450 = arith.constant 0 : i32
          %dma_start3A_451 = arith.constant 0 : i32
          %dma_start3A_452 = tpu.memref_slice %arg11[%rem3A_290, %dma_start3A_449, %dma_start3A_450, %dma_start3A_451] : memref<2x3x128x32xf32, #tpu.memory_space<vmem>> -> memref<1x1x128x32xf32, #tpu.memory_space<vmem>>
          %dma_start3A_453 = tpu.memref_squeeze %dma_start3A_452 : memref<1x1x128x32xf32, #tpu.memory_space<vmem>> -> memref<128x32xf32, #tpu.memory_space<vmem>>
          %dma_start3A_454 = arith.constant 256 : i32
          %dma_start3A_455 = tpu.memref_slice %arg9[%rem3A_290, %dma_start3A_454] : memref<2x384xi32, #tpu.memory_space<vmem>> -> memref<1x128xi32, #tpu.memory_space<vmem>>
          %dma_start3A_456 = tpu.memref_squeeze %dma_start3A_455 : memref<1x128xi32, #tpu.memory_space<vmem>> -> memref<128xi32, #tpu.memory_space<vmem>>
          %dma_start3A_457 = arith.constant 0 : i32
          %dma_start3A_458 = arith.constant 0 : i32
          %dma_start3A_459 = tpu.memref_slice %arg4[%dma_start3A_457, %dma_start3A_458] : memref<50000x32xf32, #tpu.memory_space<hbm>> -> memref<50000x32xf32, #tpu.memory_space<hbm>>
          tpu.enqueue_indirect_dma source(%dma_start3A_459 : memref<50000x32xf32, #tpu.memory_space<hbm>>) target(%dma_start3A_453 : memref<128x32xf32, #tpu.memory_space<vmem>>) offsets(%dma_start3A_456 : memref<128xi32, #tpu.memory_space<vmem>>) semaphore(%arg16 : memref<!tpu.dma_semaphore, #tpu.memory_space<semaphore_mem>>)
        } else {
        }
      } else {
      }
    }
    %scan3A_142 = arith.constant 130 : i32
    %dma_wait3A_143 = arith.constant 1 : i32
    %dma_wait3A_144 = arith.constant 0 : i32
    %dma_wait3A_145 = arith.constant 0 : i32
    %dma_wait3A_146 = arith.constant 0 : i32
    %dma_wait3A_147 = arith.constant 0 : i32
    %dma_wait3A_148 = arith.constant 0 : i32
    %dma_wait3A_149 = tpu.memref_slice %arg11[%dma_wait3A_143, %dma_wait3A_144, %dma_wait3A_147, %dma_wait3A_148] : memref<2x3x128x32xf32, #tpu.memory_space<vmem>> -> memref<1x1x128x32xf32, #tpu.memory_space<vmem>>
    %dma_wait3A_150 = tpu.memref_squeeze %dma_wait3A_149 : memref<1x1x128x32xf32, #tpu.memory_space<vmem>> -> memref<128x32xf32, #tpu.memory_space<vmem>>
    %dma_wait3A_151 = arith.constant 0 : i32
    %dma_wait3A_152 = tpu.memref_slice %arg10[%dma_wait3A_145, %dma_wait3A_146, %dma_wait3A_151] : memref<3x3x128xi32, #tpu.memory_space<vmem>> -> memref<1x1x128xi32, #tpu.memory_space<vmem>>
    %dma_wait3A_153 = tpu.memref_squeeze %dma_wait3A_152 : memref<1x1x128xi32, #tpu.memory_space<vmem>> -> memref<128xi32, #tpu.memory_space<vmem>>
    %dma_wait3A_154 = arith.constant 0 : i32
    %dma_wait3A_155 = arith.constant 0 : i32
    %dma_wait3A_156 = tpu.memref_slice %arg8[%dma_wait3A_154, %dma_wait3A_155] : memref<50048x32xf32, #tpu.memory_space<vmem_shared>> -> memref<50048x32xf32, #tpu.memory_space<vmem_shared>>
    tpu.wait_indirect_dma semaphore(%arg17 : memref<!tpu.dma_semaphore, #tpu.memory_space<semaphore_mem>>) src(%dma_wait3A_150 : memref<128x32xf32, #tpu.memory_space<vmem>>) dst(%dma_wait3A_156 : memref<50048x32xf32, #tpu.memory_space<vmem_shared>>)
    %dma_wait3A_157 = arith.constant 1 : i32
    %dma_wait3A_158 = arith.constant 1 : i32
    %dma_wait3A_159 = arith.constant 0 : i32
    %dma_wait3A_160 = arith.constant 1 : i32
    %dma_wait3A_161 = arith.constant 0 : i32
    %dma_wait3A_162 = arith.constant 0 : i32
    %dma_wait3A_163 = tpu.memref_slice %arg11[%dma_wait3A_157, %dma_wait3A_158, %dma_wait3A_161, %dma_wait3A_162] : memref<2x3x128x32xf32, #tpu.memory_space<vmem>> -> memref<1x1x128x32xf32, #tpu.memory_space<vmem>>
    %dma_wait3A_164 = tpu.memref_squeeze %dma_wait3A_163 : memref<1x1x128x32xf32, #tpu.memory_space<vmem>> -> memref<128x32xf32, #tpu.memory_space<vmem>>
    %dma_wait3A_165 = arith.constant 0 : i32
    %dma_wait3A_166 = tpu.memref_slice %arg10[%dma_wait3A_159, %dma_wait3A_160, %dma_wait3A_165] : memref<3x3x128xi32, #tpu.memory_space<vmem>> -> memref<1x1x128xi32, #tpu.memory_space<vmem>>
    %dma_wait3A_167 = tpu.memref_squeeze %dma_wait3A_166 : memref<1x1x128xi32, #tpu.memory_space<vmem>> -> memref<128xi32, #tpu.memory_space<vmem>>
    %dma_wait3A_168 = arith.constant 0 : i32
    %dma_wait3A_169 = arith.constant 0 : i32
    %dma_wait3A_170 = tpu.memref_slice %arg8[%dma_wait3A_168, %dma_wait3A_169] : memref<50048x32xf32, #tpu.memory_space<vmem_shared>> -> memref<50048x32xf32, #tpu.memory_space<vmem_shared>>
    tpu.wait_indirect_dma semaphore(%arg18 : memref<!tpu.dma_semaphore, #tpu.memory_space<semaphore_mem>>) src(%dma_wait3A_164 : memref<128x32xf32, #tpu.memory_space<vmem>>) dst(%dma_wait3A_170 : memref<50048x32xf32, #tpu.memory_space<vmem_shared>>)
    %dma_wait3A_171 = arith.constant 1 : i32
    %dma_wait3A_172 = arith.constant 2 : i32
    %dma_wait3A_173 = arith.constant 0 : i32
    %dma_wait3A_174 = arith.constant 2 : i32
    %dma_wait3A_175 = arith.constant 0 : i32
    %dma_wait3A_176 = arith.constant 0 : i32
    %dma_wait3A_177 = tpu.memref_slice %arg11[%dma_wait3A_171, %dma_wait3A_172, %dma_wait3A_175, %dma_wait3A_176] : memref<2x3x128x32xf32, #tpu.memory_space<vmem>> -> memref<1x1x128x32xf32, #tpu.memory_space<vmem>>
    %dma_wait3A_178 = tpu.memref_squeeze %dma_wait3A_177 : memref<1x1x128x32xf32, #tpu.memory_space<vmem>> -> memref<128x32xf32, #tpu.memory_space<vmem>>
    %dma_wait3A_179 = arith.constant 0 : i32
    %dma_wait3A_180 = tpu.memref_slice %arg10[%dma_wait3A_173, %dma_wait3A_174, %dma_wait3A_179] : memref<3x3x128xi32, #tpu.memory_space<vmem>> -> memref<1x1x128xi32, #tpu.memory_space<vmem>>
    %dma_wait3A_181 = tpu.memref_squeeze %dma_wait3A_180 : memref<1x1x128xi32, #tpu.memory_space<vmem>> -> memref<128xi32, #tpu.memory_space<vmem>>
    %dma_wait3A_182 = arith.constant 0 : i32
    %dma_wait3A_183 = arith.constant 0 : i32
    %dma_wait3A_184 = tpu.memref_slice %arg8[%dma_wait3A_182, %dma_wait3A_183] : memref<50048x32xf32, #tpu.memory_space<vmem_shared>> -> memref<50048x32xf32, #tpu.memory_space<vmem_shared>>
    tpu.wait_indirect_dma semaphore(%arg19 : memref<!tpu.dma_semaphore, #tpu.memory_space<semaphore_mem>>) src(%dma_wait3A_178 : memref<128x32xf32, #tpu.memory_space<vmem>>) dst(%dma_wait3A_184 : memref<50048x32xf32, #tpu.memory_space<vmem_shared>>)
    %add3A_185 = arith.constant 49920 : i32
    %add3A_186 = arith.addi %mul3A_1, %add3A_185 : i32
    %run_scoped3A = arith.constant 0 : i32
    %run_scoped3A_187 = arith.constant 0 : i32
    "tpu.region"() ({
      %run_scoped3A_284 = tpu.sem_alloc : memref<!tpu.dma_semaphore, #tpu.memory_space<semaphore_mem>>
      %dma_start3A_285 = arith.constant 0 : i32
      %dma_start3A_286 = tpu.memref_slice %arg9[%run_scoped3A_187, %dma_start3A_285] : memref<2x384xi32, #tpu.memory_space<vmem>> -> memref<1x80xi32, #tpu.memory_space<vmem>>
      %dma_start3A_287 = tpu.memref_squeeze %dma_start3A_286 : memref<1x80xi32, #tpu.memory_space<vmem>> -> memref<80xi32, #tpu.memory_space<vmem>>
      %dma_start3A_288 = tpu.memref_slice %arg2[%run_scoped3A, %add3A_186] : memref<2x800000xi32, #tpu.memory_space<hbm>> -> memref<1x80xi32, #tpu.memory_space<hbm>>
      %dma_start3A_289 = tpu.memref_squeeze %dma_start3A_288 : memref<1x80xi32, #tpu.memory_space<hbm>> -> memref<80xi32, #tpu.memory_space<hbm>>
      %dma_start3A_290 = arith.constant 0 : i32
      %dma_start3A_291 = tpu.memref_slice %arg9[%run_scoped3A_187, %dma_start3A_290] : memref<2x384xi32, #tpu.memory_space<vmem>> -> memref<1x80xi32, #tpu.memory_space<vmem>>
      %dma_start3A_292 = tpu.memref_squeeze %dma_start3A_291 : memref<1x80xi32, #tpu.memory_space<vmem>> -> memref<80xi32, #tpu.memory_space<vmem>>
      %dma_start3A_293 = tpu.memref_slice %arg2[%run_scoped3A, %add3A_186] : memref<2x800000xi32, #tpu.memory_space<hbm>> -> memref<1x80xi32, #tpu.memory_space<hbm>>
      %dma_start3A_294 = tpu.memref_squeeze %dma_start3A_293 : memref<1x80xi32, #tpu.memory_space<hbm>> -> memref<80xi32, #tpu.memory_space<hbm>>
      tpu.enqueue_dma source(%dma_start3A_294 : memref<80xi32, #tpu.memory_space<hbm>>) target(%dma_start3A_292 : memref<80xi32, #tpu.memory_space<vmem>>) target_semaphore(%run_scoped3A_284 : memref<!tpu.dma_semaphore, #tpu.memory_space<semaphore_mem>>)
      %dma_wait3A_295 = arith.constant 0 : i32
      %dma_wait3A_296 = tpu.memref_slice %arg9[%run_scoped3A_187, %dma_wait3A_295] : memref<2x384xi32, #tpu.memory_space<vmem>> -> memref<1x80xi32, #tpu.memory_space<vmem>>
      %dma_wait3A_297 = tpu.memref_squeeze %dma_wait3A_296 : memref<1x80xi32, #tpu.memory_space<vmem>> -> memref<80xi32, #tpu.memory_space<vmem>>
      %dma_wait3A_298 = tpu.memref_slice %arg2[%run_scoped3A, %add3A_186] : memref<2x800000xi32, #tpu.memory_space<hbm>> -> memref<1x80xi32, #tpu.memory_space<hbm>>
      %dma_wait3A_299 = tpu.memref_squeeze %dma_wait3A_298 : memref<1x80xi32, #tpu.memory_space<hbm>> -> memref<80xi32, #tpu.memory_space<hbm>>
      %dma_wait3A_300 = arith.constant 0 : i32
      %dma_wait3A_301 = tpu.memref_slice %arg9[%run_scoped3A_187, %dma_wait3A_300] : memref<2x384xi32, #tpu.memory_space<vmem>> -> memref<1x80xi32, #tpu.memory_space<vmem>>
      %dma_wait3A_302 = tpu.memref_squeeze %dma_wait3A_301 : memref<1x80xi32, #tpu.memory_space<vmem>> -> memref<80xi32, #tpu.memory_space<vmem>>
      %dma_wait3A_303 = tpu.memref_slice %arg2[%run_scoped3A, %add3A_186] : memref<2x800000xi32, #tpu.memory_space<hbm>> -> memref<1x80xi32, #tpu.memory_space<hbm>>
      %dma_wait3A_304 = tpu.memref_squeeze %dma_wait3A_303 : memref<1x80xi32, #tpu.memory_space<hbm>> -> memref<80xi32, #tpu.memory_space<hbm>>
      tpu.wait_dma2 semaphore(%run_scoped3A_284 : memref<!tpu.dma_semaphore, #tpu.memory_space<semaphore_mem>>) src(%dma_wait3A_304 : memref<80xi32, #tpu.memory_space<hbm>>) dst(%dma_wait3A_302 : memref<80xi32, #tpu.memory_space<vmem>>)
      tpu.yield
    }) : () -> ()
    %run_scoped3A_188 = arith.constant 1 : i32
    %run_scoped3A_189 = arith.constant 0 : i32
    %run_scoped3A_190 = arith.constant 0 : i32
    "tpu.region"() ({
      %run_scoped3A_284 = tpu.sem_alloc : memref<!tpu.dma_semaphore, #tpu.memory_space<semaphore_mem>>
      %dma_start3A_285 = arith.constant 0 : i32
      %dma_start3A_286 = tpu.memref_slice %arg10[%run_scoped3A_189, %run_scoped3A_190, %dma_start3A_285] : memref<3x3x128xi32, #tpu.memory_space<vmem>> -> memref<1x1x80xi32, #tpu.memory_space<vmem>>
      %dma_start3A_287 = tpu.memref_squeeze %dma_start3A_286 : memref<1x1x80xi32, #tpu.memory_space<vmem>> -> memref<80xi32, #tpu.memory_space<vmem>>
      %dma_start3A_288 = tpu.memref_slice %arg2[%run_scoped3A_188, %add3A_186] : memref<2x800000xi32, #tpu.memory_space<hbm>> -> memref<1x80xi32, #tpu.memory_space<hbm>>
      %dma_start3A_289 = tpu.memref_squeeze %dma_start3A_288 : memref<1x80xi32, #tpu.memory_space<hbm>> -> memref<80xi32, #tpu.memory_space<hbm>>
      %dma_start3A_290 = arith.constant 0 : i32
      %dma_start3A_291 = tpu.memref_slice %arg10[%run_scoped3A_189, %run_scoped3A_190, %dma_start3A_290] : memref<3x3x128xi32, #tpu.memory_space<vmem>> -> memref<1x1x80xi32, #tpu.memory_space<vmem>>
      %dma_start3A_292 = tpu.memref_squeeze %dma_start3A_291 : memref<1x1x80xi32, #tpu.memory_space<vmem>> -> memref<80xi32, #tpu.memory_space<vmem>>
      %dma_start3A_293 = tpu.memref_slice %arg2[%run_scoped3A_188, %add3A_186] : memref<2x800000xi32, #tpu.memory_space<hbm>> -> memref<1x80xi32, #tpu.memory_space<hbm>>
      %dma_start3A_294 = tpu.memref_squeeze %dma_start3A_293 : memref<1x80xi32, #tpu.memory_space<hbm>> -> memref<80xi32, #tpu.memory_space<hbm>>
      tpu.enqueue_dma source(%dma_start3A_294 : memref<80xi32, #tpu.memory_space<hbm>>) target(%dma_start3A_292 : memref<80xi32, #tpu.memory_space<vmem>>) target_semaphore(%run_scoped3A_284 : memref<!tpu.dma_semaphore, #tpu.memory_space<semaphore_mem>>)
      %dma_wait3A_295 = arith.constant 0 : i32
      %dma_wait3A_296 = tpu.memref_slice %arg10[%run_scoped3A_189, %run_scoped3A_190, %dma_wait3A_295] : memref<3x3x128xi32, #tpu.memory_space<vmem>> -> memref<1x1x80xi32, #tpu.memory_space<vmem>>
      %dma_wait3A_297 = tpu.memref_squeeze %dma_wait3A_296 : memref<1x1x80xi32, #tpu.memory_space<vmem>> -> memref<80xi32, #tpu.memory_space<vmem>>
      %dma_wait3A_298 = tpu.memref_slice %arg2[%run_scoped3A_188, %add3A_186] : memref<2x800000xi32, #tpu.memory_space<hbm>> -> memref<1x80xi32, #tpu.memory_space<hbm>>
      %dma_wait3A_299 = tpu.memref_squeeze %dma_wait3A_298 : memref<1x80xi32, #tpu.memory_space<hbm>> -> memref<80xi32, #tpu.memory_space<hbm>>
      %dma_wait3A_300 = arith.constant 0 : i32
      %dma_wait3A_301 = tpu.memref_slice %arg10[%run_scoped3A_189, %run_scoped3A_190, %dma_wait3A_300] : memref<3x3x128xi32, #tpu.memory_space<vmem>> -> memref<1x1x80xi32, #tpu.memory_space<vmem>>
      %dma_wait3A_302 = tpu.memref_squeeze %dma_wait3A_301 : memref<1x1x80xi32, #tpu.memory_space<vmem>> -> memref<80xi32, #tpu.memory_space<vmem>>
      %dma_wait3A_303 = tpu.memref_slice %arg2[%run_scoped3A_188, %add3A_186] : memref<2x800000xi32, #tpu.memory_space<hbm>> -> memref<1x80xi32, #tpu.memory_space<hbm>>
      %dma_wait3A_304 = tpu.memref_squeeze %dma_wait3A_303 : memref<1x80xi32, #tpu.memory_space<hbm>> -> memref<80xi32, #tpu.memory_space<hbm>>
      tpu.wait_dma2 semaphore(%run_scoped3A_284 : memref<!tpu.dma_semaphore, #tpu.memory_space<semaphore_mem>>) src(%dma_wait3A_304 : memref<80xi32, #tpu.memory_space<hbm>>) dst(%dma_wait3A_302 : memref<80xi32, #tpu.memory_space<vmem>>)
      tpu.yield
    }) : () -> ()
    %broadcast_in_dim3A = arith.constant 0 : i32
    %broadcast_in_dim3A_191 = vector.broadcast %broadcast_in_dim3A : i32 to vector<16xi32>
    %swap3A = arith.constant 0 : i32
    %swap3A_192 = arith.index_cast %swap3A : i32 to index
    %swap3A_193 = arith.constant 80 : index
    %swap3A_194 = tpu.vector_load %arg9[%swap3A_192, %swap3A_193] {strides = array<i32>} : memref<2x384xi32, #tpu.memory_space<vmem>>, vector<1x16xi32>,
    %swap3A_195 = vector.shape_cast %swap3A_194 : vector<1x16xi32> to vector<16xi32>
    %swap3A_196 = vector.shape_cast %broadcast_in_dim3A_191 : vector<16xi32> to vector<1x16xi32>
    tpu.vector_store %arg9[%swap3A_192, %swap3A_193], %swap3A_196 {strides = array<i32>} : memref<2x384xi32, #tpu.memory_space<vmem>>, vector<1x16xi32>,
    %add3A_197 = vector.broadcast %add3A_0 : i32 to vector<16xi32>
    %add3A_198 = arith.addi %broadcast_in_dim3A_191, %add3A_197 : vector<16xi32>
    %swap3A_199 = arith.constant 0 : i32
    %swap3A_200 = arith.constant 0 : i32
    %swap3A_201 = arith.index_cast %swap3A_199 : i32 to index
    %swap3A_202 = arith.index_cast %swap3A_200 : i32 to index
    %swap3A_203 = arith.constant 80 : index
    %swap3A_204 = tpu.vector_load %arg10[%swap3A_201, %swap3A_202, %swap3A_203] {strides = array<i32>} : memref<3x3x128xi32, #tpu.memory_space<vmem>>, vector<1x1x16xi32>,
    %swap3A_205 = vector.shape_cast %swap3A_204 : vector<1x1x16xi32> to vector<16xi32>
    %swap3A_206 = vector.shape_cast %add3A_198 : vector<16xi32> to vector<1x1x16xi32>
    tpu.vector_store %arg10[%swap3A_201, %swap3A_202, %swap3A_203], %swap3A_206 {strides = array<i32>} : memref<3x3x128xi32, #tpu.memory_space<vmem>>, vector<1x1x16xi32>,
    %swap3A_207 = arith.constant 0 : i32
    %swap3A_208 = arith.index_cast %swap3A_207 : i32 to index
    %swap3A_209 = arith.constant 96 : index
    %swap3A_210 = tpu.vector_load %arg9[%swap3A_208, %swap3A_209] {strides = array<i32>} : memref<2x384xi32, #tpu.memory_space<vmem>>, vector<1x16xi32>,
    %swap3A_211 = vector.shape_cast %swap3A_210 : vector<1x16xi32> to vector<16xi32>
    %swap3A_212 = vector.shape_cast %broadcast_in_dim3A_191 : vector<16xi32> to vector<1x16xi32>
    tpu.vector_store %arg9[%swap3A_208, %swap3A_209], %swap3A_212 {strides = array<i32>} : memref<2x384xi32, #tpu.memory_space<vmem>>, vector<1x16xi32>,
    %add3A_213 = vector.broadcast %add3A_0 : i32 to vector<16xi32>
    %add3A_214 = arith.addi %broadcast_in_dim3A_191, %add3A_213 : vector<16xi32>
    %swap3A_215 = arith.constant 0 : i32
    %swap3A_216 = arith.constant 0 : i32
    %swap3A_217 = arith.index_cast %swap3A_215 : i32 to index
    %swap3A_218 = arith.index_cast %swap3A_216 : i32 to index
    %swap3A_219 = arith.constant 96 : index
    %swap3A_220 = tpu.vector_load %arg10[%swap3A_217, %swap3A_218, %swap3A_219] {strides = array<i32>} : memref<3x3x128xi32, #tpu.memory_space<vmem>>, vector<1x1x16xi32>,
    %swap3A_221 = vector.shape_cast %swap3A_220 : vector<1x1x16xi32> to vector<16xi32>
    %swap3A_222 = vector.shape_cast %add3A_214 : vector<16xi32> to vector<1x1x16xi32>
    tpu.vector_store %arg10[%swap3A_217, %swap3A_218, %swap3A_219], %swap3A_222 {strides = array<i32>} : memref<3x3x128xi32, #tpu.memory_space<vmem>>, vector<1x1x16xi32>,
    %swap3A_223 = arith.constant 0 : i32
    %swap3A_224 = arith.index_cast %swap3A_223 : i32 to index
    %swap3A_225 = arith.constant 112 : index
    %swap3A_226 = tpu.vector_load %arg9[%swap3A_224, %swap3A_225] {strides = array<i32>} : memref<2x384xi32, #tpu.memory_space<vmem>>, vector<1x16xi32>,
    %swap3A_227 = vector.shape_cast %swap3A_226 : vector<1x16xi32> to vector<16xi32>
    %swap3A_228 = vector.shape_cast %broadcast_in_dim3A_191 : vector<16xi32> to vector<1x16xi32>
    tpu.vector_store %arg9[%swap3A_224, %swap3A_225], %swap3A_228 {strides = array<i32>} : memref<2x384xi32, #tpu.memory_space<vmem>>, vector<1x16xi32>,
    %add3A_229 = vector.broadcast %add3A_0 : i32 to vector<16xi32>
    %add3A_230 = arith.addi %broadcast_in_dim3A_191, %add3A_229 : vector<16xi32>
    %swap3A_231 = arith.constant 0 : i32
    %swap3A_232 = arith.constant 0 : i32
    %swap3A_233 = arith.index_cast %swap3A_231 : i32 to index
    %swap3A_234 = arith.index_cast %swap3A_232 : i32 to index
    %swap3A_235 = arith.constant 112 : index
    %swap3A_236 = tpu.vector_load %arg10[%swap3A_233, %swap3A_234, %swap3A_235] {strides = array<i32>} : memref<3x3x128xi32, #tpu.memory_space<vmem>>, vector<1x1x16xi32>,
    %swap3A_237 = vector.shape_cast %swap3A_236 : vector<1x1x16xi32> to vector<16xi32>
    %swap3A_238 = vector.shape_cast %add3A_230 : vector<16xi32> to vector<1x1x16xi32>
    tpu.vector_store %arg10[%swap3A_233, %swap3A_234, %swap3A_235], %swap3A_238 {strides = array<i32>} : memref<3x3x128xi32, #tpu.memory_space<vmem>>, vector<1x1x16xi32>,
    %eq3A_239 = arith.constant 0 : i32
    %eq3A_240 = arith.cmpi eq, %arg0, %eq3A_239 : i32
    %convert_element_type3A_241 = arith.extui %eq3A_240 : i1 to i32
    %cond3A_242 = arith.constant 0 : i32
    %cond3A_243 = arith.cmpi ne, %convert_element_type3A_241, %cond3A_242 : i32
    scf.if %cond3A_243 {
      %dma_start3A_284 = arith.constant 0 : i32
      %dma_start3A_285 = arith.constant 0 : i32
      %dma_start3A_286 = arith.constant 0 : i32
      %dma_start3A_287 = arith.constant 0 : i32
      %dma_start3A_288 = arith.constant 0 : i32
      %dma_start3A_289 = tpu.memref_slice %arg11[%dma_start3A_285, %dma_start3A_286, %dma_start3A_287, %dma_start3A_288] : memref<2x3x128x32xf32, #tpu.memory_space<vmem>> -> memref<1x1x128x32xf32, #tpu.memory_space<vmem>>
      %dma_start3A_290 = tpu.memref_squeeze %dma_start3A_289 : memref<1x1x128x32xf32, #tpu.memory_space<vmem>> -> memref<128x32xf32, #tpu.memory_space<vmem>>
      %dma_start3A_291 = arith.constant 0 : i32
      %dma_start3A_292 = tpu.memref_slice %arg9[%dma_start3A_284, %dma_start3A_291] : memref<2x384xi32, #tpu.memory_space<vmem>> -> memref<1x128xi32, #tpu.memory_space<vmem>>
      %dma_start3A_293 = tpu.memref_squeeze %dma_start3A_292 : memref<1x128xi32, #tpu.memory_space<vmem>> -> memref<128xi32, #tpu.memory_space<vmem>>
      %dma_start3A_294 = arith.constant 0 : i32
      %dma_start3A_295 = arith.constant 0 : i32
      %dma_start3A_296 = tpu.memref_slice %arg3[%dma_start3A_294, %dma_start3A_295] : memref<50000x32xf32, #tpu.memory_space<hbm>> -> memref<50000x32xf32, #tpu.memory_space<hbm>>
      tpu.enqueue_indirect_dma source(%dma_start3A_296 : memref<50000x32xf32, #tpu.memory_space<hbm>>) target(%dma_start3A_290 : memref<128x32xf32, #tpu.memory_space<vmem>>) offsets(%dma_start3A_293 : memref<128xi32, #tpu.memory_space<vmem>>) semaphore(%arg14 : memref<!tpu.dma_semaphore, #tpu.memory_space<semaphore_mem>>)
      %dma_wait3A_297 = arith.constant 0 : i32
      %dma_wait3A_298 = arith.constant 0 : i32
      %dma_wait3A_299 = arith.constant 0 : i32
      %dma_wait3A_300 = arith.constant 0 : i32
      %dma_wait3A_301 = arith.constant 0 : i32
      %dma_wait3A_302 = tpu.memref_slice %arg11[%dma_wait3A_298, %dma_wait3A_299, %dma_wait3A_300, %dma_wait3A_301] : memref<2x3x128x32xf32, #tpu.memory_space<vmem>> -> memref<1x1x128x32xf32, #tpu.memory_space<vmem>>
      %dma_wait3A_303 = tpu.memref_squeeze %dma_wait3A_302 : memref<1x1x128x32xf32, #tpu.memory_space<vmem>> -> memref<128x32xf32, #tpu.memory_space<vmem>>
      %dma_wait3A_304 = arith.constant 0 : i32
      %dma_wait3A_305 = tpu.memref_slice %arg9[%dma_wait3A_297, %dma_wait3A_304] : memref<2x384xi32, #tpu.memory_space<vmem>> -> memref<1x128xi32, #tpu.memory_space<vmem>>
      %dma_wait3A_306 = tpu.memref_squeeze %dma_wait3A_305 : memref<1x128xi32, #tpu.memory_space<vmem>> -> memref<128xi32, #tpu.memory_space<vmem>>
      %dma_wait3A_307 = arith.constant 0 : i32
      %dma_wait3A_308 = arith.constant 0 : i32
      %dma_wait3A_309 = tpu.memref_slice %arg3[%dma_wait3A_307, %dma_wait3A_308] : memref<50000x32xf32, #tpu.memory_space<hbm>> -> memref<50000x32xf32, #tpu.memory_space<hbm>>
      tpu.wait_indirect_dma semaphore(%arg14 : memref<!tpu.dma_semaphore, #tpu.memory_space<semaphore_mem>>) src(%dma_wait3A_309 : memref<50000x32xf32, #tpu.memory_space<hbm>>) dst(%dma_wait3A_303 : memref<128x32xf32, #tpu.memory_space<vmem>>)
    } else {
    }
    %eq3A_244 = arith.constant 1 : i32
    %eq3A_245 = arith.cmpi eq, %arg0, %eq3A_244 : i32
    %convert_element_type3A_246 = arith.extui %eq3A_245 : i1 to i32
    %cond3A_247 = arith.constant 0 : i32
    %cond3A_248 = arith.cmpi ne, %convert_element_type3A_246, %cond3A_247 : i32
    scf.if %cond3A_248 {
      %dma_start3A_284 = arith.constant 0 : i32
      %dma_start3A_285 = arith.constant 0 : i32
      %dma_start3A_286 = arith.constant 0 : i32
      %dma_start3A_287 = arith.constant 0 : i32
      %dma_start3A_288 = arith.constant 0 : i32
      %dma_start3A_289 = tpu.memref_slice %arg11[%dma_start3A_285, %dma_start3A_286, %dma_start3A_287, %dma_start3A_288] : memref<2x3x128x32xf32, #tpu.memory_space<vmem>> -> memref<1x1x128x32xf32, #tpu.memory_space<vmem>>
      %dma_start3A_290 = tpu.memref_squeeze %dma_start3A_289 : memref<1x1x128x32xf32, #tpu.memory_space<vmem>> -> memref<128x32xf32, #tpu.memory_space<vmem>>
      %dma_start3A_291 = arith.constant 0 : i32
      %dma_start3A_292 = tpu.memref_slice %arg9[%dma_start3A_284, %dma_start3A_291] : memref<2x384xi32, #tpu.memory_space<vmem>> -> memref<1x128xi32, #tpu.memory_space<vmem>>
      %dma_start3A_293 = tpu.memref_squeeze %dma_start3A_292 : memref<1x128xi32, #tpu.memory_space<vmem>> -> memref<128xi32, #tpu.memory_space<vmem>>
      %dma_start3A_294 = arith.constant 0 : i32
      %dma_start3A_295 = arith.constant 0 : i32
      %dma_start3A_296 = tpu.memref_slice %arg4[%dma_start3A_294, %dma_start3A_295] : memref<50000x32xf32, #tpu.memory_space<hbm>> -> memref<50000x32xf32, #tpu.memory_space<hbm>>
      tpu.enqueue_indirect_dma source(%dma_start3A_296 : memref<50000x32xf32, #tpu.memory_space<hbm>>) target(%dma_start3A_290 : memref<128x32xf32, #tpu.memory_space<vmem>>) offsets(%dma_start3A_293 : memref<128xi32, #tpu.memory_space<vmem>>) semaphore(%arg14 : memref<!tpu.dma_semaphore, #tpu.memory_space<semaphore_mem>>)
      %dma_wait3A_297 = arith.constant 0 : i32
      %dma_wait3A_298 = arith.constant 0 : i32
      %dma_wait3A_299 = arith.constant 0 : i32
      %dma_wait3A_300 = arith.constant 0 : i32
      %dma_wait3A_301 = arith.constant 0 : i32
      %dma_wait3A_302 = tpu.memref_slice %arg11[%dma_wait3A_298, %dma_wait3A_299, %dma_wait3A_300, %dma_wait3A_301] : memref<2x3x128x32xf32, #tpu.memory_space<vmem>> -> memref<1x1x128x32xf32, #tpu.memory_space<vmem>>
      %dma_wait3A_303 = tpu.memref_squeeze %dma_wait3A_302 : memref<1x1x128x32xf32, #tpu.memory_space<vmem>> -> memref<128x32xf32, #tpu.memory_space<vmem>>
      %dma_wait3A_304 = arith.constant 0 : i32
      %dma_wait3A_305 = tpu.memref_slice %arg9[%dma_wait3A_297, %dma_wait3A_304] : memref<2x384xi32, #tpu.memory_space<vmem>> -> memref<1x128xi32, #tpu.memory_space<vmem>>
      %dma_wait3A_306 = tpu.memref_squeeze %dma_wait3A_305 : memref<1x128xi32, #tpu.memory_space<vmem>> -> memref<128xi32, #tpu.memory_space<vmem>>
      %dma_wait3A_307 = arith.constant 0 : i32
      %dma_wait3A_308 = arith.constant 0 : i32
      %dma_wait3A_309 = tpu.memref_slice %arg4[%dma_wait3A_307, %dma_wait3A_308] : memref<50000x32xf32, #tpu.memory_space<hbm>> -> memref<50000x32xf32, #tpu.memory_space<hbm>>
      tpu.wait_indirect_dma semaphore(%arg14 : memref<!tpu.dma_semaphore, #tpu.memory_space<semaphore_mem>>) src(%dma_wait3A_309 : memref<50000x32xf32, #tpu.memory_space<hbm>>) dst(%dma_wait3A_303 : memref<128x32xf32, #tpu.memory_space<vmem>>)
    } else {
    }
    %run_scoped3A_249 = arith.constant 0 : i32
    %run_scoped3A_250 = arith.constant 0 : i32
    %run_scoped3A_251 = arith.constant 0 : i32
    %run_scoped3A_252 = arith.constant 0 : i32
    "tpu.region"() ({
      %run_scoped3A_284 = tpu.sem_alloc : memref<!tpu.dma_semaphore, #tpu.memory_space<semaphore_mem>>
      %dma_start3A_285 = arith.constant 0 : i32
      %dma_start3A_286 = arith.constant 0 : i32
      %dma_start3A_287 = tpu.memref_slice %arg11[%run_scoped3A_249, %run_scoped3A_250, %dma_start3A_285, %dma_start3A_286] : memref<2x3x128x32xf32, #tpu.memory_space<vmem>> -> memref<1x1x128x32xf32, #tpu.memory_space<vmem>>
      %dma_start3A_288 = tpu.memref_squeeze %dma_start3A_287 : memref<1x1x128x32xf32, #tpu.memory_space<vmem>> -> memref<128x32xf32, #tpu.memory_space<vmem>>
      %dma_start3A_289 = arith.constant 0 : i32
      %dma_start3A_290 = tpu.memref_slice %arg10[%run_scoped3A_251, %run_scoped3A_252, %dma_start3A_289] : memref<3x3x128xi32, #tpu.memory_space<vmem>> -> memref<1x1x128xi32, #tpu.memory_space<vmem>>
      %dma_start3A_291 = tpu.memref_squeeze %dma_start3A_290 : memref<1x1x128xi32, #tpu.memory_space<vmem>> -> memref<128xi32, #tpu.memory_space<vmem>>
      %dma_start3A_292 = arith.constant 0 : i32
      %dma_start3A_293 = arith.constant 0 : i32
      %dma_start3A_294 = tpu.memref_slice %arg8[%dma_start3A_292, %dma_start3A_293] : memref<50048x32xf32, #tpu.memory_space<vmem_shared>> -> memref<50048x32xf32, #tpu.memory_space<vmem_shared>>
      tpu.enqueue_indirect_dma source(%dma_start3A_288 : memref<128x32xf32, #tpu.memory_space<vmem>>) target(%dma_start3A_294 : memref<50048x32xf32, #tpu.memory_space<vmem_shared>>) offsets(%dma_start3A_291 : memref<128xi32, #tpu.memory_space<vmem>>) semaphore(%run_scoped3A_284 : memref<!tpu.dma_semaphore, #tpu.memory_space<semaphore_mem>>) {add = true}
      %dma_wait3A_295 = arith.constant 0 : i32
      %dma_wait3A_296 = arith.constant 0 : i32
      %dma_wait3A_297 = tpu.memref_slice %arg11[%run_scoped3A_249, %run_scoped3A_250, %dma_wait3A_295, %dma_wait3A_296] : memref<2x3x128x32xf32, #tpu.memory_space<vmem>> -> memref<1x1x128x32xf32, #tpu.memory_space<vmem>>
      %dma_wait3A_298 = tpu.memref_squeeze %dma_wait3A_297 : memref<1x1x128x32xf32, #tpu.memory_space<vmem>> -> memref<128x32xf32, #tpu.memory_space<vmem>>
      %dma_wait3A_299 = arith.constant 0 : i32
      %dma_wait3A_300 = tpu.memref_slice %arg10[%run_scoped3A_251, %run_scoped3A_252, %dma_wait3A_299] : memref<3x3x128xi32, #tpu.memory_space<vmem>> -> memref<1x1x128xi32, #tpu.memory_space<vmem>>
      %dma_wait3A_301 = tpu.memref_squeeze %dma_wait3A_300 : memref<1x1x128xi32, #tpu.memory_space<vmem>> -> memref<128xi32, #tpu.memory_space<vmem>>
      %dma_wait3A_302 = arith.constant 0 : i32
      %dma_wait3A_303 = arith.constant 0 : i32
      %dma_wait3A_304 = tpu.memref_slice %arg8[%dma_wait3A_302, %dma_wait3A_303] : memref<50048x32xf32, #tpu.memory_space<vmem_shared>> -> memref<50048x32xf32, #tpu.memory_space<vmem_shared>>
      tpu.wait_indirect_dma semaphore(%run_scoped3A_284 : memref<!tpu.dma_semaphore, #tpu.memory_space<semaphore_mem>>) src(%dma_wait3A_298 : memref<128x32xf32, #tpu.memory_space<vmem>>) dst(%dma_wait3A_304 : memref<50048x32xf32, #tpu.memory_space<vmem_shared>>)
      tpu.yield
    }) : () -> ()
    %barrier3A_253 = arith.constant 0 : index
    tpu.barrier barrier_id(%barrier3A_253)
    %eq3A_254 = arith.constant 0 : i32
    %eq3A_255 = arith.cmpi eq, %arg0, %eq3A_254 : i32
    %lt3A = arith.constant 15 : i32
    %lt3A_256 = arith.cmpi slt, %arg1, %lt3A : i32
    %and3A = arith.andi %eq3A_255, %lt3A_256 : i1
    %convert_element_type3A_257 = arith.extui %and3A : i1 to i32
    %cond3A_258 = arith.constant 0 : i32
    %cond3A_259 = arith.cmpi ne, %convert_element_type3A_257, %cond3A_258 : i32
    scf.if %cond3A_259 {
      %mul3A_284 = arith.constant 3128 : i32
      %mul3A_285 = arith.muli %arg1, %mul3A_284 : i32
      %mul3A_286 = arith.constant 3128 : i32
      %mul3A_287 = arith.muli %arg1, %mul3A_286 : i32
      "tpu.region"() ({
        %run_scoped3A_288 = tpu.sem_alloc : memref<!tpu.dma_semaphore, #tpu.memory_space<semaphore_mem>>
        %dma_start3A_289 = arith.constant 0 : i32
        %dma_start3A_290 = tpu.memref_slice %arg6[%mul3A_287, %dma_start3A_289] : memref<50000x32xf32, #tpu.memory_space<hbm>> -> memref<3128x32xf32, #tpu.memory_space<hbm>>
        %dma_start3A_291 = arith.constant 0 : i32
        %dma_start3A_292 = tpu.memref_slice %arg8[%mul3A_285, %dma_start3A_291] : memref<50048x32xf32, #tpu.memory_space<vmem_shared>> -> memref<3128x32xf32, #tpu.memory_space<vmem_shared>>
        tpu.enqueue_dma source(%dma_start3A_292 : memref<3128x32xf32, #tpu.memory_space<vmem_shared>>) target(%dma_start3A_290 : memref<3128x32xf32, #tpu.memory_space<hbm>>) target_semaphore(%run_scoped3A_288 : memref<!tpu.dma_semaphore, #tpu.memory_space<semaphore_mem>>)
        %dma_wait3A_293 = arith.constant 0 : i32
        %dma_wait3A_294 = tpu.memref_slice %arg6[%mul3A_287, %dma_wait3A_293] : memref<50000x32xf32, #tpu.memory_space<hbm>> -> memref<3128x32xf32, #tpu.memory_space<hbm>>
        %dma_wait3A_295 = arith.constant 0 : i32
        %dma_wait3A_296 = tpu.memref_slice %arg8[%mul3A_285, %dma_wait3A_295] : memref<50048x32xf32, #tpu.memory_space<vmem_shared>> -> memref<3128x32xf32, #tpu.memory_space<vmem_shared>>
        tpu.wait_dma2 semaphore(%run_scoped3A_288 : memref<!tpu.dma_semaphore, #tpu.memory_space<semaphore_mem>>) src(%dma_wait3A_296 : memref<3128x32xf32, #tpu.memory_space<vmem_shared>>) dst(%dma_wait3A_294 : memref<3128x32xf32, #tpu.memory_space<hbm>>)
        tpu.yield
      }) : () -> ()
    } else {
    }
    %eq3A_260 = arith.constant 0 : i32
    %eq3A_261 = arith.cmpi eq, %arg0, %eq3A_260 : i32
    %eq3A_262 = arith.constant 15 : i32
    %eq3A_263 = arith.cmpi eq, %arg1, %eq3A_262 : i32
    %and3A_264 = arith.andi %eq3A_261, %eq3A_263 : i1
    %convert_element_type3A_265 = arith.extui %and3A_264 : i1 to i32
    %cond3A_266 = arith.constant 0 : i32
    %cond3A_267 = arith.cmpi ne, %convert_element_type3A_265, %cond3A_266 : i32
    scf.if %cond3A_267 {
      "tpu.region"() ({
        %run_scoped3A_284 = tpu.sem_alloc : memref<!tpu.dma_semaphore, #tpu.memory_space<semaphore_mem>>
        %dma_start3A_285 = arith.constant 46920 : i32
        %dma_start3A_286 = arith.constant 0 : i32
        %dma_start3A_287 = tpu.memref_slice %arg6[%dma_start3A_285, %dma_start3A_286] : memref<50000x32xf32, #tpu.memory_space<hbm>> -> memref<3080x32xf32, #tpu.memory_space<hbm>>
        %dma_start3A_288 = arith.constant 46920 : i32
        %dma_start3A_289 = arith.constant 0 : i32
        %dma_start3A_290 = tpu.memref_slice %arg8[%dma_start3A_288, %dma_start3A_289] : memref<50048x32xf32, #tpu.memory_space<vmem_shared>> -> memref<3080x32xf32, #tpu.memory_space<vmem_shared>>
        tpu.enqueue_dma source(%dma_start3A_290 : memref<3080x32xf32, #tpu.memory_space<vmem_shared>>) target(%dma_start3A_287 : memref<3080x32xf32, #tpu.memory_space<hbm>>) target_semaphore(%run_scoped3A_284 : memref<!tpu.dma_semaphore, #tpu.memory_space<semaphore_mem>>)
        %dma_wait3A_291 = arith.constant 46920 : i32
        %dma_wait3A_292 = arith.constant 0 : i32
        %dma_wait3A_293 = tpu.memref_slice %arg6[%dma_wait3A_291, %dma_wait3A_292] : memref<50000x32xf32, #tpu.memory_space<hbm>> -> memref<3080x32xf32, #tpu.memory_space<hbm>>
        %dma_wait3A_294 = arith.constant 46920 : i32
        %dma_wait3A_295 = arith.constant 0 : i32
        %dma_wait3A_296 = tpu.memref_slice %arg8[%dma_wait3A_294, %dma_wait3A_295] : memref<50048x32xf32, #tpu.memory_space<vmem_shared>> -> memref<3080x32xf32, #tpu.memory_space<vmem_shared>>
        tpu.wait_dma2 semaphore(%run_scoped3A_284 : memref<!tpu.dma_semaphore, #tpu.memory_space<semaphore_mem>>) src(%dma_wait3A_296 : memref<3080x32xf32, #tpu.memory_space<vmem_shared>>) dst(%dma_wait3A_293 : memref<3080x32xf32, #tpu.memory_space<hbm>>)
        tpu.yield
      }) : () -> ()
    } else {
    }
    %eq3A_268 = arith.constant 1 : i32
    %eq3A_269 = arith.cmpi eq, %arg0, %eq3A_268 : i32
    %lt3A_270 = arith.constant 15 : i32
    %lt3A_271 = arith.cmpi slt, %arg1, %lt3A_270 : i32
    %and3A_272 = arith.andi %eq3A_269, %lt3A_271 : i1
    %convert_element_type3A_273 = arith.extui %and3A_272 : i1 to i32
    %cond3A_274 = arith.constant 0 : i32
    %cond3A_275 = arith.cmpi ne, %convert_element_type3A_273, %cond3A_274 : i32
    scf.if %cond3A_275 {
      %mul3A_284 = arith.constant 3128 : i32
      %mul3A_285 = arith.muli %arg1, %mul3A_284 : i32
      %mul3A_286 = arith.constant 3128 : i32
      %mul3A_287 = arith.muli %arg1, %mul3A_286 : i32
      "tpu.region"() ({
        %run_scoped3A_288 = tpu.sem_alloc : memref<!tpu.dma_semaphore, #tpu.memory_space<semaphore_mem>>
        %dma_start3A_289 = arith.constant 0 : i32
        %dma_start3A_290 = tpu.memref_slice %arg7[%mul3A_287, %dma_start3A_289] : memref<50000x32xf32, #tpu.memory_space<hbm>> -> memref<3128x32xf32, #tpu.memory_space<hbm>>
        %dma_start3A_291 = arith.constant 0 : i32
        %dma_start3A_292 = tpu.memref_slice %arg8[%mul3A_285, %dma_start3A_291] : memref<50048x32xf32, #tpu.memory_space<vmem_shared>> -> memref<3128x32xf32, #tpu.memory_space<vmem_shared>>
        tpu.enqueue_dma source(%dma_start3A_292 : memref<3128x32xf32, #tpu.memory_space<vmem_shared>>) target(%dma_start3A_290 : memref<3128x32xf32, #tpu.memory_space<hbm>>) target_semaphore(%run_scoped3A_288 : memref<!tpu.dma_semaphore, #tpu.memory_space<semaphore_mem>>)
        %dma_wait3A_293 = arith.constant 0 : i32
        %dma_wait3A_294 = tpu.memref_slice %arg7[%mul3A_287, %dma_wait3A_293] : memref<50000x32xf32, #tpu.memory_space<hbm>> -> memref<3128x32xf32, #tpu.memory_space<hbm>>
        %dma_wait3A_295 = arith.constant 0 : i32
        %dma_wait3A_296 = tpu.memref_slice %arg8[%mul3A_285, %dma_wait3A_295] : memref<50048x32xf32, #tpu.memory_space<vmem_shared>> -> memref<3128x32xf32, #tpu.memory_space<vmem_shared>>
        tpu.wait_dma2 semaphore(%run_scoped3A_288 : memref<!tpu.dma_semaphore, #tpu.memory_space<semaphore_mem>>) src(%dma_wait3A_296 : memref<3128x32xf32, #tpu.memory_space<vmem_shared>>) dst(%dma_wait3A_294 : memref<3128x32xf32, #tpu.memory_space<hbm>>)
        tpu.yield
      }) : () -> ()
    } else {
    }
    %eq3A_276 = arith.constant 1 : i32
    %eq3A_277 = arith.cmpi eq, %arg0, %eq3A_276 : i32
    %eq3A_278 = arith.constant 15 : i32
    %eq3A_279 = arith.cmpi eq, %arg1, %eq3A_278 : i32
    %and3A_280 = arith.andi %eq3A_277, %eq3A_279 : i1
    %convert_element_type3A_281 = arith.extui %and3A_280 : i1 to i32
    %cond3A_282 = arith.constant 0 : i32
    %cond3A_283 = arith.cmpi ne, %convert_element_type3A_281, %cond3A_282 : i32
    scf.if %cond3A_283 {
      "tpu.region"() ({
        %run_scoped3A_284 = tpu.sem_alloc : memref<!tpu.dma_semaphore, #tpu.memory_space<semaphore_mem>>
        %dma_start3A_285 = arith.constant 46920 : i32
        %dma_start3A_286 = arith.constant 0 : i32
        %dma_start3A_287 = tpu.memref_slice %arg7[%dma_start3A_285, %dma_start3A_286] : memref<50000x32xf32, #tpu.memory_space<hbm>> -> memref<3080x32xf32, #tpu.memory_space<hbm>>
        %dma_start3A_288 = arith.constant 46920 : i32
        %dma_start3A_289 = arith.constant 0 : i32
        %dma_start3A_290 = tpu.memref_slice %arg8[%dma_start3A_288, %dma_start3A_289] : memref<50048x32xf32, #tpu.memory_space<vmem_shared>> -> memref<3080x32xf32, #tpu.memory_space<vmem_shared>>
        tpu.enqueue_dma source(%dma_start3A_290 : memref<3080x32xf32, #tpu.memory_space<vmem_shared>>) target(%dma_start3A_287 : memref<3080x32xf32, #tpu.memory_space<hbm>>) target_semaphore(%run_scoped3A_284 : memref<!tpu.dma_semaphore, #tpu.memory_space<semaphore_mem>>)
        %dma_wait3A_291 = arith.constant 46920 : i32
        %dma_wait3A_292 = arith.constant 0 : i32
        %dma_wait3A_293 = tpu.memref_slice %arg7[%dma_wait3A_291, %dma_wait3A_292] : memref<50000x32xf32, #tpu.memory_space<hbm>> -> memref<3080x32xf32, #tpu.memory_space<hbm>>
        %dma_wait3A_294 = arith.constant 46920 : i32
        %dma_wait3A_295 = arith.constant 0 : i32
        %dma_wait3A_296 = tpu.memref_slice %arg8[%dma_wait3A_294, %dma_wait3A_295] : memref<50048x32xf32, #tpu.memory_space<vmem_shared>> -> memref<3080x32xf32, #tpu.memory_space<vmem_shared>>
        tpu.wait_dma2 semaphore(%run_scoped3A_284 : memref<!tpu.dma_semaphore, #tpu.memory_space<semaphore_mem>>) src(%dma_wait3A_296 : memref<3080x32xf32, #tpu.memory_space<vmem_shared>>) dst(%dma_wait3A_293 : memref<3080x32xf32, #tpu.memory_space<hbm>>)
        tpu.yield
      }) : () -> ()
    } else {
    }
    return
  }
}

#map = affine_map<(d0, d1) -> (0, 0)>
module attributes {stable_mosaic.version = 14 : i64} {
  func.func @_agg_body(%arg0: i32, %arg1: i32, %arg2: memref<2x800000xi32, #tpu.memory_space<hbm>>, %arg3: memref<50000x32xf32, #tpu.memory_space<hbm>>, %arg4: memref<50000x32xf32, #tpu.memory_space<hbm>>, %arg5: memref<3128x32xf32, #tpu.memory_space<hbm>>, %arg6: memref<50000x32xf32, #tpu.memory_space<hbm>>, %arg7: memref<50000x32xf32, #tpu.memory_space<hbm>>, %arg8: memref<50048x32xf32, #tpu.memory_space<vmem_shared>>, %arg9: memref<2x384xi32, #tpu.memory_space<vmem>>, %arg10: memref<3x3x128xi32, #tpu.memory_space<vmem>>, %arg11: memref<2x3x128x32xf32, #tpu.memory_space<vmem>>, %arg12: memref<!tpu.dma_semaphore, #tpu.memory_space<semaphore_mem>>, %arg13: memref<!tpu.dma_semaphore, #tpu.memory_space<semaphore_mem>>, %arg14: memref<!tpu.dma_semaphore, #tpu.memory_space<semaphore_mem>>, %arg15: memref<!tpu.dma_semaphore, #tpu.memory_space<semaphore_mem>>, %arg16: memref<!tpu.dma_semaphore, #tpu.memory_space<semaphore_mem>>, %arg17: memref<!tpu.dma_semaphore, #tpu.memory_space<semaphore_mem>>, %arg18: memref<!tpu.dma_semaphore, #tpu.memory_space<semaphore_mem>>, %arg19: memref<!tpu.dma_semaphore, #tpu.memory_space<semaphore_mem>>) attributes {dimension_semantics = [#tpu.dimension_semantics<core_parallel>, #tpu.dimension_semantics<subcore_parallel>], iteration_bounds = array<i64: 2, 16>, scalar_prefetch = 0 : i64, scratch_operands = 12 : i64, tpu.core_type = #tpu.core_type<sc_vector_subcore>, window_params = [{transform_indices = #map}, {transform_indices = #map}, {transform_indices = #map}, {transform_indices = #map}, {transform_indices = #map}, {transform_indices = #map}]} {
    %add3A = arith.constant 50000 : i32
    %add3A_0 = arith.addi %add3A, %arg1 : i32
    %mul3A = arith.constant 50000 : i32
    %mul3A_1 = arith.muli %arg1, %mul3A : i32
    %mul3A_2 = arith.constant 3128 : i32
    %mul3A_3 = arith.muli %arg1, %mul3A_2 : i32
    "tpu.region"() ({
      %run_scoped3A_284 = tpu.sem_alloc : memref<!tpu.dma_semaphore, #tpu.memory_space<semaphore_mem>>
      %dma_start3A_285 = arith.constant 0 : i32
      %dma_start3A_286 = tpu.memref_slice %arg8[%mul3A_3, %dma_start3A_285] : memref<50048x32xf32, #tpu.memory_space<vmem_shared>> -> memref<3128x32xf32, #tpu.memory_space<vmem_shared>>
      %dma_start3A_287 = arith.constant 0 : i32
      %dma_start3A_288 = arith.constant 0 : i32
      %dma_start3A_289 = tpu.memref_slice %arg5[%dma_start3A_287, %dma_start3A_288] : memref<3128x32xf32, #tpu.memory_space<hbm>> -> memref<3128x32xf32, #tpu.memory_space<hbm>>
      tpu.enqueue_dma source(%dma_start3A_289 : memref<3128x32xf32, #tpu.memory_space<hbm>>) target(%dma_start3A_286 : memref<3128x32xf32, #tpu.memory_space<vmem_shared>>) target_semaphore(%run_scoped3A_284 : memref<!tpu.dma_semaphore, #tpu.memory_space<semaphore_mem>>)
      %dma_wait3A_290 = arith.constant 0 : i32
      %dma_wait3A_291 = tpu.memref_slice %arg8[%mul3A_3, %dma_wait3A_290] : memref<50048x32xf32, #tpu.memory_space<vmem_shared>> -> memref<3128x32xf32, #tpu.memory_space<vmem_shared>>
      %dma_wait3A_292 = arith.constant 0 : i32
      %dma_wait3A_293 = arith.constant 0 : i32
      %dma_wait3A_294 = tpu.memref_slice %arg5[%dma_wait3A_292, %dma_wait3A_293] : memref<3128x32xf32, #tpu.memory_space<hbm>> -> memref<3128x32xf32, #tpu.memory_space<hbm>>
      tpu.wait_dma2 semaphore(%run_scoped3A_284 : memref<!tpu.dma_semaphore, #tpu.memory_space<semaphore_mem>>) src(%dma_wait3A_294 : memref<3128x32xf32, #tpu.memory_space<hbm>>) dst(%dma_wait3A_291 : memref<3128x32xf32, #tpu.memory_space<vmem_shared>>)
      tpu.yield
    }) : () -> ()
    %barrier3A = arith.constant 0 : index
    tpu.barrier barrier_id(%barrier3A)
    %add3A_4 = arith.constant 0 : i32
    %add3A_5 = arith.addi %mul3A_1, %add3A_4 : i32
    %dma_start3A = arith.constant 0 : i32
    %dma_start3A_6 = arith.constant 0 : i32
    %dma_start3A_7 = arith.constant 0 : i32
    %dma_start3A_8 = tpu.memref_slice %arg9[%dma_start3A_6, %dma_start3A_7] : memref<2x384xi32, #tpu.memory_space<vmem>> -> memref<1x384xi32, #tpu.memory_space<vmem>>
    %dma_start3A_9 = tpu.memref_squeeze %dma_start3A_8 : memref<1x384xi32, #tpu.memory_space<vmem>> -> memref<384xi32, #tpu.memory_space<vmem>>
    %dma_start3A_10 = tpu.memref_slice %arg2[%dma_start3A, %add3A_5] : memref<2x800000xi32, #tpu.memory_space<hbm>> -> memref<1x384xi32, #tpu.memory_space<hbm>>
    %dma_start3A_11 = tpu.memref_squeeze %dma_start3A_10 : memref<1x384xi32, #tpu.memory_space<hbm>> -> memref<384xi32, #tpu.memory_space<hbm>>
    %dma_start3A_12 = arith.constant 0 : i32
    %dma_start3A_13 = tpu.memref_slice %arg9[%dma_start3A_6, %dma_start3A_12] : memref<2x384xi32, #tpu.memory_space<vmem>> -> memref<1x384xi32, #tpu.memory_space<vmem>>
    %dma_start3A_14 = tpu.memref_squeeze %dma_start3A_13 : memref<1x384xi32, #tpu.memory_space<vmem>> -> memref<384xi32, #tpu.memory_space<vmem>>
    %dma_start3A_15 = tpu.memref_slice %arg2[%dma_start3A, %add3A_5] : memref<2x800000xi32, #tpu.memory_space<hbm>> -> memref<1x384xi32, #tpu.memory_space<hbm>>
    %dma_start3A_16 = tpu.memref_squeeze %dma_start3A_15 : memref<1x384xi32, #tpu.memory_space<hbm>> -> memref<384xi32, #tpu.memory_space<hbm>>
    tpu.enqueue_dma source(%dma_start3A_16 : memref<384xi32, #tpu.memory_space<hbm>>) target(%dma_start3A_14 : memref<384xi32, #tpu.memory_space<vmem>>) target_semaphore(%arg12 : memref<!tpu.dma_semaphore, #tpu.memory_space<semaphore_mem>>)
    %add3A_17 = arith.constant 0 : i32
    %add3A_18 = arith.addi %add3A_5, %add3A_17 : i32
    %rem3A = arith.constant 0 : i32
    %rem3A_19 = arith.constant 3 : i32
    %rem3A_20 = arith.remsi %rem3A, %rem3A_19 : i32
    %dma_start3A_21 = arith.constant 1 : i32
    %dma_start3A_22 = arith.constant 0 : i32
    %dma_start3A_23 = arith.constant 0 : i32
    %dma_start3A_24 = tpu.memref_slice %arg10[%rem3A_20, %dma_start3A_22, %dma_start3A_23] : memref<3x3x128xi32, #tpu.memory_space<vmem>> -> memref<1x1x128xi32, #tpu.memory_space<vmem>>
    %dma_start3A_25 = tpu.memref_squeeze %dma_start3A_24 : memref<1x1x128xi32, #tpu.memory_space<vmem>> -> memref<128xi32, #tpu.memory_space<vmem>>
    %dma_start3A_26 = tpu.memref_slice %arg2[%dma_start3A_21, %add3A_18] : memref<2x800000xi32, #tpu.memory_space<hbm>> -> memref<1x128xi32, #tpu.memory_space<hbm>>
    %dma_start3A_27 = tpu.memref_squeeze %dma_start3A_26 : memref<1x128xi32, #tpu.memory_space<hbm>> -> memref<128xi32, #tpu.memory_space<hbm>>
    %dma_start3A_28 = arith.constant 0 : i32
    %dma_start3A_29 = tpu.memref_slice %arg10[%rem3A_20, %dma_start3A_22, %dma_start3A_28] : memref<3x3x128xi32, #tpu.memory_space<vmem>> -> memref<1x1x128xi32, #tpu.memory_space<vmem>>
    %dma_start3A_30 = tpu.memref_squeeze %dma_start3A_29 : memref<1x1x128xi32, #tpu.memory_space<vmem>> -> memref<128xi32, #tpu.memory_space<vmem>>
    %dma_start3A_31 = tpu.memref_slice %arg2[%dma_start3A_21, %add3A_18] : memref<2x800000xi32, #tpu.memory_space<hbm>> -> memref<1x128xi32, #tpu.memory_space<hbm>>
    %dma_start3A_32 = tpu.memref_squeeze %dma_start3A_31 : memref<1x128xi32, #tpu.memory_space<hbm>> -> memref<128xi32, #tpu.memory_space<hbm>>
    tpu.enqueue_dma source(%dma_start3A_32 : memref<128xi32, #tpu.memory_space<hbm>>) target(%dma_start3A_30 : memref<128xi32, #tpu.memory_space<vmem>>) target_semaphore(%arg12 : memref<!tpu.dma_semaphore, #tpu.memory_space<semaphore_mem>>)
    %add3A_33 = arith.constant 128 : i32
    %add3A_34 = arith.addi %add3A_5, %add3A_33 : i32
    %rem3A_35 = arith.constant 0 : i32
    %rem3A_36 = arith.constant 3 : i32
    %rem3A_37 = arith.remsi %rem3A_35, %rem3A_36 : i32
    %dma_start3A_38 = arith.constant 1 : i32
    %dma_start3A_39 = arith.constant 1 : i32
    %dma_start3A_40 = arith.constant 0 : i32
    %dma_start3A_41 = tpu.memref_slice %arg10[%rem3A_37, %dma_start3A_39, %dma_start3A_40] : memref<3x3x128xi32, #tpu.memory_space<vmem>> -> memref<1x1x128xi32, #tpu.memory_space<vmem>>
    %dma_start3A_42 = tpu.memref_squeeze %dma_start3A_41 : memref<1x1x128xi32, #tpu.memory_space<vmem>> -> memref<128xi32, #tpu.memory_space<vmem>>
    %dma_start3A_43 = tpu.memref_slice %arg2[%dma_start3A_38, %add3A_34] : memref<2x800000xi32, #tpu.memory_space<hbm>> -> memref<1x128xi32, #tpu.memory_space<hbm>>
    %dma_start3A_44 = tpu.memref_squeeze %dma_start3A_43 : memref<1x128xi32, #tpu.memory_space<hbm>> -> memref<128xi32, #tpu.memory_space<hbm>>
    %dma_start3A_45 = arith.constant 0 : i32
    %dma_start3A_46 = tpu.memref_slice %arg10[%rem3A_37, %dma_start3A_39, %dma_start3A_45] : memref<3x3x128xi32, #tpu.memory_space<vmem>> -> memref<1x1x128xi32, #tpu.memory_space<vmem>>
    %dma_start3A_47 = tpu.memref_squeeze %dma_start3A_46 : memref<1x1x128xi32, #tpu.memory_space<vmem>> -> memref<128xi32, #tpu.memory_space<vmem>>
    %dma_start3A_48 = tpu.memref_slice %arg2[%dma_start3A_38, %add3A_34] : memref<2x800000xi32, #tpu.memory_space<hbm>> -> memref<1x128xi32, #tpu.memory_space<hbm>>
    %dma_start3A_49 = tpu.memref_squeeze %dma_start3A_48 : memref<1x128xi32, #tpu.memory_space<hbm>> -> memref<128xi32, #tpu.memory_space<hbm>>
    tpu.enqueue_dma source(%dma_start3A_49 : memref<128xi32, #tpu.memory_space<hbm>>) target(%dma_start3A_47 : memref<128xi32, #tpu.memory_space<vmem>>) target_semaphore(%arg12 : memref<!tpu.dma_semaphore, #tpu.memory_space<semaphore_mem>>)
    %add3A_50 = arith.constant 256 : i32
    %add3A_51 = arith.addi %add3A_5, %add3A_50 : i32
    %rem3A_52 = arith.constant 0 : i32
    %rem3A_53 = arith.constant 3 : i32
    %rem3A_54 = arith.remsi %rem3A_52, %rem3A_53 : i32
    %dma_start3A_55 = arith.constant 1 : i32
    %dma_start3A_56 = arith.constant 2 : i32
    %dma_start3A_57 = arith.constant 0 : i32
    %dma_start3A_58 = tpu.memref_slice %arg10[%rem3A_54, %dma_start3A_56, %dma_start3A_57] : memref<3x3x128xi32, #tpu.memory_space<vmem>> -> memref<1x1x128xi32, #tpu.memory_space<vmem>>
    %dma_start3A_59 = tpu.memref_squeeze %dma_start3A_58 : memref<1x1x128xi32, #tpu.memory_space<vmem>> -> memref<128xi32, #tpu.memory_space<vmem>>
    %dma_start3A_60 = tpu.memref_slice %arg2[%dma_start3A_55, %add3A_51] : memref<2x800000xi32, #tpu.memory_space<hbm>> -> memref<1x128xi32, #tpu.memory_space<hbm>>
    %dma_start3A_61 = tpu.memref_squeeze %dma_start3A_60 : memref<1x128xi32, #tpu.memory_space<hbm>> -> memref<128xi32, #tpu.memory_space<hbm>>
    %dma_start3A_62 = arith.constant 0 : i32
    %dma_start3A_63 = tpu.memref_slice %arg10[%rem3A_54, %dma_start3A_56, %dma_start3A_62] : memref<3x3x128xi32, #tpu.memory_space<vmem>> -> memref<1x1x128xi32, #tpu.memory_space<vmem>>
    %dma_start3A_64 = tpu.memref_squeeze %dma_start3A_63 : memref<1x1x128xi32, #tpu.memory_space<vmem>> -> memref<128xi32, #tpu.memory_space<vmem>>
    %dma_start3A_65 = tpu.memref_slice %arg2[%dma_start3A_55, %add3A_51] : memref<2x800000xi32, #tpu.memory_space<hbm>> -> memref<1x128xi32, #tpu.memory_space<hbm>>
    %dma_start3A_66 = tpu.memref_squeeze %dma_start3A_65 : memref<1x128xi32, #tpu.memory_space<hbm>> -> memref<128xi32, #tpu.memory_space<hbm>>
    tpu.enqueue_dma source(%dma_start3A_66 : memref<128xi32, #tpu.memory_space<hbm>>) target(%dma_start3A_64 : memref<128xi32, #tpu.memory_space<vmem>>) target_semaphore(%arg12 : memref<!tpu.dma_semaphore, #tpu.memory_space<semaphore_mem>>)
    %add3A_67 = arith.constant 0 : i32
    %add3A_68 = arith.addi %mul3A_1, %add3A_67 : i32
    %dma_wait3A = arith.constant 0 : i32
    %dma_wait3A_69 = arith.constant 0 : i32
    %dma_wait3A_70 = arith.constant 0 : i32
    %dma_wait3A_71 = tpu.memref_slice %arg9[%dma_wait3A_69, %dma_wait3A_70] : memref<2x384xi32, #tpu.memory_space<vmem>> -> memref<1x384xi32, #tpu.memory_space<vmem>>
    %dma_wait3A_72 = tpu.memref_squeeze %dma_wait3A_71 : memref<1x384xi32, #tpu.memory_space<vmem>> -> memref<384xi32, #tpu.memory_space<vmem>>
    %dma_wait3A_73 = tpu.memref_slice %arg2[%dma_wait3A, %add3A_68] : memref<2x800000xi32, #tpu.memory_space<hbm>> -> memref<1x384xi32, #tpu.memory_space<hbm>>
    %dma_wait3A_74 = tpu.memref_squeeze %dma_wait3A_73 : memref<1x384xi32, #tpu.memory_space<hbm>> -> memref<384xi32, #tpu.memory_space<hbm>>
    %dma_wait3A_75 = arith.constant 0 : i32
    %dma_wait3A_76 = tpu.memref_slice %arg9[%dma_wait3A_69, %dma_wait3A_75] : memref<2x384xi32, #tpu.memory_space<vmem>> -> memref<1x384xi32, #tpu.memory_space<vmem>>
    %dma_wait3A_77 = tpu.memref_squeeze %dma_wait3A_76 : memref<1x384xi32, #tpu.memory_space<vmem>> -> memref<384xi32, #tpu.memory_space<vmem>>
    %dma_wait3A_78 = tpu.memref_slice %arg2[%dma_wait3A, %add3A_68] : memref<2x800000xi32, #tpu.memory_space<hbm>> -> memref<1x384xi32, #tpu.memory_space<hbm>>
    %dma_wait3A_79 = tpu.memref_squeeze %dma_wait3A_78 : memref<1x384xi32, #tpu.memory_space<hbm>> -> memref<384xi32, #tpu.memory_space<hbm>>
    tpu.wait_dma2 semaphore(%arg12 : memref<!tpu.dma_semaphore, #tpu.memory_space<semaphore_mem>>) src(%dma_wait3A_79 : memref<384xi32, #tpu.memory_space<hbm>>) dst(%dma_wait3A_77 : memref<384xi32, #tpu.memory_space<vmem>>)
    %add3A_80 = arith.constant 0 : i32
    %add3A_81 = arith.addi %add3A_68, %add3A_80 : i32
    %rem3A_82 = arith.constant 0 : i32
    %rem3A_83 = arith.constant 3 : i32
    %rem3A_84 = arith.remsi %rem3A_82, %rem3A_83 : i32
    %dma_wait3A_85 = arith.constant 1 : i32
    %dma_wait3A_86 = arith.constant 0 : i32
    %dma_wait3A_87 = arith.constant 0 : i32
    %dma_wait3A_88 = tpu.memref_slice %arg10[%rem3A_84, %dma_wait3A_86, %dma_wait3A_87] : memref<3x3x128xi32, #tpu.memory_space<vmem>> -> memref<1x1x128xi32, #tpu.memory_space<vmem>>
    %dma_wait3A_89 = tpu.memref_squeeze %dma_wait3A_88 : memref<1x1x128xi32, #tpu.memory_space<vmem>> -> memref<128xi32, #tpu.memory_space<vmem>>
    %dma_wait3A_90 = tpu.memref_slice %arg2[%dma_wait3A_85, %add3A_81] : memref<2x800000xi32, #tpu.memory_space<hbm>> -> memref<1x128xi32, #tpu.memory_space<hbm>>
    %dma_wait3A_91 = tpu.memref_squeeze %dma_wait3A_90 : memref<1x128xi32, #tpu.memory_space<hbm>> -> memref<128xi32, #tpu.memory_space<hbm>>
    %dma_wait3A_92 = arith.constant 0 : i32
    %dma_wait3A_93 = tpu.memref_slice %arg10[%rem3A_84, %dma_wait3A_86, %dma_wait3A_92] : memref<3x3x128xi32, #tpu.memory_space<vmem>> -> memref<1x1x128xi32, #tpu.memory_space<vmem>>
    %dma_wait3A_94 = tpu.memref_squeeze %dma_wait3A_93 : memref<1x1x128xi32, #tpu.memory_space<vmem>> -> memref<128xi32, #tpu.memory_space<vmem>>
    %dma_wait3A_95 = tpu.memref_slice %arg2[%dma_wait3A_85, %add3A_81] : memref<2x800000xi32, #tpu.memory_space<hbm>> -> memref<1x128xi32, #tpu.memory_space<hbm>>
    %dma_wait3A_96 = tpu.memref_squeeze %dma_wait3A_95 : memref<1x128xi32, #tpu.memory_space<hbm>> -> memref<128xi32, #tpu.memory_space<hbm>>
    tpu.wait_dma2 semaphore(%arg12 : memref<!tpu.dma_semaphore, #tpu.memory_space<semaphore_mem>>) src(%dma_wait3A_96 : memref<128xi32, #tpu.memory_space<hbm>>) dst(%dma_wait3A_94 : memref<128xi32, #tpu.memory_space<vmem>>)
    %add3A_97 = arith.constant 128 : i32
    %add3A_98 = arith.addi %add3A_68, %add3A_97 : i32
    %rem3A_99 = arith.constant 0 : i32
    %rem3A_100 = arith.constant 3 : i32
    %rem3A_101 = arith.remsi %rem3A_99, %rem3A_100 : i32
    %dma_wait3A_102 = arith.constant 1 : i32
    %dma_wait3A_103 = arith.constant 1 : i32
    %dma_wait3A_104 = arith.constant 0 : i32
    %dma_wait3A_105 = tpu.memref_slice %arg10[%rem3A_101, %dma_wait3A_103, %dma_wait3A_104] : memref<3x3x128xi32, #tpu.memory_space<vmem>> -> memref<1x1x128xi32, #tpu.memory_space<vmem>>
    %dma_wait3A_106 = tpu.memref_squeeze %dma_wait3A_105 : memref<1x1x128xi32, #tpu.memory_space<vmem>> -> memref<128xi32, #tpu.memory_space<vmem>>
    %dma_wait3A_107 = tpu.memref_slice %arg2[%dma_wait3A_102, %add3A_98] : memref<2x800000xi32, #tpu.memory_space<hbm>> -> memref<1x128xi32, #tpu.memory_space<hbm>>
    %dma_wait3A_108 = tpu.memref_squeeze %dma_wait3A_107 : memref<1x128xi32, #tpu.memory_space<hbm>> -> memref<128xi32, #tpu.memory_space<hbm>>
    %dma_wait3A_109 = arith.constant 0 : i32
    %dma_wait3A_110 = tpu.memref_slice %arg10[%rem3A_101, %dma_wait3A_103, %dma_wait3A_109] : memref<3x3x128xi32, #tpu.memory_space<vmem>> -> memref<1x1x128xi32, #tpu.memory_space<vmem>>
    %dma_wait3A_111 = tpu.memref_squeeze %dma_wait3A_110 : memref<1x1x128xi32, #tpu.memory_space<vmem>> -> memref<128xi32, #tpu.memory_space<vmem>>
    %dma_wait3A_112 = tpu.memref_slice %arg2[%dma_wait3A_102, %add3A_98] : memref<2x800000xi32, #tpu.memory_space<hbm>> -> memref<1x128xi32, #tpu.memory_space<hbm>>
    %dma_wait3A_113 = tpu.memref_squeeze %dma_wait3A_112 : memref<1x128xi32, #tpu.memory_space<hbm>> -> memref<128xi32, #tpu.memory_space<hbm>>
    tpu.wait_dma2 semaphore(%arg12 : memref<!tpu.dma_semaphore, #tpu.memory_space<semaphore_mem>>) src(%dma_wait3A_113 : memref<128xi32, #tpu.memory_space<hbm>>) dst(%dma_wait3A_111 : memref<128xi32, #tpu.memory_space<vmem>>)
    %add3A_114 = arith.constant 256 : i32
    %add3A_115 = arith.addi %add3A_68, %add3A_114 : i32
    %rem3A_116 = arith.constant 0 : i32
    %rem3A_117 = arith.constant 3 : i32
    %rem3A_118 = arith.remsi %rem3A_116, %rem3A_117 : i32
    %dma_wait3A_119 = arith.constant 1 : i32
    %dma_wait3A_120 = arith.constant 2 : i32
    %dma_wait3A_121 = arith.constant 0 : i32
    %dma_wait3A_122 = tpu.memref_slice %arg10[%rem3A_118, %dma_wait3A_120, %dma_wait3A_121] : memref<3x3x128xi32, #tpu.memory_space<vmem>> -> memref<1x1x128xi32, #tpu.memory_space<vmem>>
    %dma_wait3A_123 = tpu.memref_squeeze %dma_wait3A_122 : memref<1x1x128xi32, #tpu.memory_space<vmem>> -> memref<128xi32, #tpu.memory_space<vmem>>
    %dma_wait3A_124 = tpu.memref_slice %arg2[%dma_wait3A_119, %add3A_115] : memref<2x800000xi32, #tpu.memory_space<hbm>> -> memref<1x128xi32, #tpu.memory_space<hbm>>
    %dma_wait3A_125 = tpu.memref_squeeze %dma_wait3A_124 : memref<1x128xi32, #tpu.memory_space<hbm>> -> memref<128xi32, #tpu.memory_space<hbm>>
    %dma_wait3A_126 = arith.constant 0 : i32
    %dma_wait3A_127 = tpu.memref_slice %arg10[%rem3A_118, %dma_wait3A_120, %dma_wait3A_126] : memref<3x3x128xi32, #tpu.memory_space<vmem>> -> memref<1x1x128xi32, #tpu.memory_space<vmem>>
    %dma_wait3A_128 = tpu.memref_squeeze %dma_wait3A_127 : memref<1x1x128xi32, #tpu.memory_space<vmem>> -> memref<128xi32, #tpu.memory_space<vmem>>
    %dma_wait3A_129 = tpu.memref_slice %arg2[%dma_wait3A_119, %add3A_115] : memref<2x800000xi32, #tpu.memory_space<hbm>> -> memref<1x128xi32, #tpu.memory_space<hbm>>
    %dma_wait3A_130 = tpu.memref_squeeze %dma_wait3A_129 : memref<1x128xi32, #tpu.memory_space<hbm>> -> memref<128xi32, #tpu.memory_space<hbm>>
    tpu.wait_dma2 semaphore(%arg12 : memref<!tpu.dma_semaphore, #tpu.memory_space<semaphore_mem>>) src(%dma_wait3A_130 : memref<128xi32, #tpu.memory_space<hbm>>) dst(%dma_wait3A_128 : memref<128xi32, #tpu.memory_space<vmem>>)
    %eq3A = arith.constant 0 : i32
    %eq3A_131 = arith.cmpi eq, %arg0, %eq3A : i32
    %convert_element_type3A = arith.extui %eq3A_131 : i1 to i32
    %cond3A = arith.constant 0 : i32
    %cond3A_132 = arith.cmpi ne, %convert_element_type3A, %cond3A : i32
    scf.if %cond3A_132 {
      %dma_start3A_284 = arith.constant 0 : i32
      %dma_start3A_285 = arith.constant 0 : i32
      %dma_start3A_286 = arith.constant 0 : i32
      %dma_start3A_287 = arith.constant 0 : i32
      %dma_start3A_288 = arith.constant 0 : i32
      %dma_start3A_289 = tpu.memref_slice %arg11[%dma_start3A_285, %dma_start3A_286, %dma_start3A_287, %dma_start3A_288] : memref<2x3x128x32xf32, #tpu.memory_space<vmem>> -> memref<1x1x128x32xf32, #tpu.memory_space<vmem>>
      %dma_start3A_290 = tpu.memref_squeeze %dma_start3A_289 : memref<1x1x128x32xf32, #tpu.memory_space<vmem>> -> memref<128x32xf32, #tpu.memory_space<vmem>>
      %dma_start3A_291 = arith.constant 0 : i32
      %dma_start3A_292 = tpu.memref_slice %arg9[%dma_start3A_284, %dma_start3A_291] : memref<2x384xi32, #tpu.memory_space<vmem>> -> memref<1x128xi32, #tpu.memory_space<vmem>>
      %dma_start3A_293 = tpu.memref_squeeze %dma_start3A_292 : memref<1x128xi32, #tpu.memory_space<vmem>> -> memref<128xi32, #tpu.memory_space<vmem>>
      %dma_start3A_294 = arith.constant 0 : i32
      %dma_start3A_295 = arith.constant 0 : i32
      %dma_start3A_296 = tpu.memref_slice %arg3[%dma_start3A_294, %dma_start3A_295] : memref<50000x32xf32, #tpu.memory_space<hbm>> -> memref<50000x32xf32, #tpu.memory_space<hbm>>
      tpu.enqueue_indirect_dma source(%dma_start3A_296 : memref<50000x32xf32, #tpu.memory_space<hbm>>) target(%dma_start3A_290 : memref<128x32xf32, #tpu.memory_space<vmem>>) offsets(%dma_start3A_293 : memref<128xi32, #tpu.memory_space<vmem>>) semaphore(%arg14 : memref<!tpu.dma_semaphore, #tpu.memory_space<semaphore_mem>>)
      %dma_start3A_297 = arith.constant 0 : i32
      %dma_start3A_298 = arith.constant 0 : i32
      %dma_start3A_299 = arith.constant 1 : i32
      %dma_start3A_300 = arith.constant 0 : i32
      %dma_start3A_301 = arith.constant 0 : i32
      %dma_start3A_302 = tpu.memref_slice %arg11[%dma_start3A_298, %dma_start3A_299, %dma_start3A_300, %dma_start3A_301] : memref<2x3x128x32xf32, #tpu.memory_space<vmem>> -> memref<1x1x128x32xf32, #tpu.memory_space<vmem>>
      %dma_start3A_303 = tpu.memref_squeeze %dma_start3A_302 : memref<1x1x128x32xf32, #tpu.memory_space<vmem>> -> memref<128x32xf32, #tpu.memory_space<vmem>>
      %dma_start3A_304 = arith.constant 128 : i32
      %dma_start3A_305 = tpu.memref_slice %arg9[%dma_start3A_297, %dma_start3A_304] : memref<2x384xi32, #tpu.memory_space<vmem>> -> memref<1x128xi32, #tpu.memory_space<vmem>>
      %dma_start3A_306 = tpu.memref_squeeze %dma_start3A_305 : memref<1x128xi32, #tpu.memory_space<vmem>> -> memref<128xi32, #tpu.memory_space<vmem>>
      %dma_start3A_307 = arith.constant 0 : i32
      %dma_start3A_308 = arith.constant 0 : i32
      %dma_start3A_309 = tpu.memref_slice %arg3[%dma_start3A_307, %dma_start3A_308] : memref<50000x32xf32, #tpu.memory_space<hbm>> -> memref<50000x32xf32, #tpu.memory_space<hbm>>
      tpu.enqueue_indirect_dma source(%dma_start3A_309 : memref<50000x32xf32, #tpu.memory_space<hbm>>) target(%dma_start3A_303 : memref<128x32xf32, #tpu.memory_space<vmem>>) offsets(%dma_start3A_306 : memref<128xi32, #tpu.memory_space<vmem>>) semaphore(%arg15 : memref<!tpu.dma_semaphore, #tpu.memory_space<semaphore_mem>>)
      %dma_start3A_310 = arith.constant 0 : i32
      %dma_start3A_311 = arith.constant 0 : i32
      %dma_start3A_312 = arith.constant 2 : i32
      %dma_start3A_313 = arith.constant 0 : i32
      %dma_start3A_314 = arith.constant 0 : i32
      %dma_start3A_315 = tpu.memref_slice %arg11[%dma_start3A_311, %dma_start3A_312, %dma_start3A_313, %dma_start3A_314] : memref<2x3x128x32xf32, #tpu.memory_space<vmem>> -> memref<1x1x128x32xf32, #tpu.memory_space<vmem>>
      %dma_start3A_316 = tpu.memref_squeeze %dma_start3A_315 : memref<1x1x128x32xf32, #tpu.memory_space<vmem>> -> memref<128x32xf32, #tpu.memory_space<vmem>>
      %dma_start3A_317 = arith.constant 256 : i32
      %dma_start3A_318 = tpu.memref_slice %arg9[%dma_start3A_310, %dma_start3A_317] : memref<2x384xi32, #tpu.memory_space<vmem>> -> memref<1x128xi32, #tpu.memory_space<vmem>>
      %dma_start3A_319 = tpu.memref_squeeze %dma_start3A_318 : memref<1x128xi32, #tpu.memory_space<vmem>> -> memref<128xi32, #tpu.memory_space<vmem>>
      %dma_start3A_320 = arith.constant 0 : i32
      %dma_start3A_321 = arith.constant 0 : i32
      %dma_start3A_322 = tpu.memref_slice %arg3[%dma_start3A_320, %dma_start3A_321] : memref<50000x32xf32, #tpu.memory_space<hbm>> -> memref<50000x32xf32, #tpu.memory_space<hbm>>
      tpu.enqueue_indirect_dma source(%dma_start3A_322 : memref<50000x32xf32, #tpu.memory_space<hbm>>) target(%dma_start3A_316 : memref<128x32xf32, #tpu.memory_space<vmem>>) offsets(%dma_start3A_319 : memref<128xi32, #tpu.memory_space<vmem>>) semaphore(%arg16 : memref<!tpu.dma_semaphore, #tpu.memory_space<semaphore_mem>>)
    } else {
    }
    %eq3A_133 = arith.constant 1 : i32
    %eq3A_134 = arith.cmpi eq, %arg0, %eq3A_133 : i32
    %convert_element_type3A_135 = arith.extui %eq3A_134 : i1 to i32
    %cond3A_136 = arith.constant 0 : i32
    %cond3A_137 = arith.cmpi ne, %convert_element_type3A_135, %cond3A_136 : i32
    scf.if %cond3A_137 {
      %dma_start3A_284 = arith.constant 0 : i32
      %dma_start3A_285 = arith.constant 0 : i32
      %dma_start3A_286 = arith.constant 0 : i32
      %dma_start3A_287 = arith.constant 0 : i32
      %dma_start3A_288 = arith.constant 0 : i32
      %dma_start3A_289 = tpu.memref_slice %arg11[%dma_start3A_285, %dma_start3A_286, %dma_start3A_287, %dma_start3A_288] : memref<2x3x128x32xf32, #tpu.memory_space<vmem>> -> memref<1x1x128x32xf32, #tpu.memory_space<vmem>>
      %dma_start3A_290 = tpu.memref_squeeze %dma_start3A_289 : memref<1x1x128x32xf32, #tpu.memory_space<vmem>> -> memref<128x32xf32, #tpu.memory_space<vmem>>
      %dma_start3A_291 = arith.constant 0 : i32
      %dma_start3A_292 = tpu.memref_slice %arg9[%dma_start3A_284, %dma_start3A_291] : memref<2x384xi32, #tpu.memory_space<vmem>> -> memref<1x128xi32, #tpu.memory_space<vmem>>
      %dma_start3A_293 = tpu.memref_squeeze %dma_start3A_292 : memref<1x128xi32, #tpu.memory_space<vmem>> -> memref<128xi32, #tpu.memory_space<vmem>>
      %dma_start3A_294 = arith.constant 0 : i32
      %dma_start3A_295 = arith.constant 0 : i32
      %dma_start3A_296 = tpu.memref_slice %arg4[%dma_start3A_294, %dma_start3A_295] : memref<50000x32xf32, #tpu.memory_space<hbm>> -> memref<50000x32xf32, #tpu.memory_space<hbm>>
      tpu.enqueue_indirect_dma source(%dma_start3A_296 : memref<50000x32xf32, #tpu.memory_space<hbm>>) target(%dma_start3A_290 : memref<128x32xf32, #tpu.memory_space<vmem>>) offsets(%dma_start3A_293 : memref<128xi32, #tpu.memory_space<vmem>>) semaphore(%arg14 : memref<!tpu.dma_semaphore, #tpu.memory_space<semaphore_mem>>)
      %dma_start3A_297 = arith.constant 0 : i32
      %dma_start3A_298 = arith.constant 0 : i32
      %dma_start3A_299 = arith.constant 1 : i32
      %dma_start3A_300 = arith.constant 0 : i32
      %dma_start3A_301 = arith.constant 0 : i32
      %dma_start3A_302 = tpu.memref_slice %arg11[%dma_start3A_298, %dma_start3A_299, %dma_start3A_300, %dma_start3A_301] : memref<2x3x128x32xf32, #tpu.memory_space<vmem>> -> memref<1x1x128x32xf32, #tpu.memory_space<vmem>>
      %dma_start3A_303 = tpu.memref_squeeze %dma_start3A_302 : memref<1x1x128x32xf32, #tpu.memory_space<vmem>> -> memref<128x32xf32, #tpu.memory_space<vmem>>
      %dma_start3A_304 = arith.constant 128 : i32
      %dma_start3A_305 = tpu.memref_slice %arg9[%dma_start3A_297, %dma_start3A_304] : memref<2x384xi32, #tpu.memory_space<vmem>> -> memref<1x128xi32, #tpu.memory_space<vmem>>
      %dma_start3A_306 = tpu.memref_squeeze %dma_start3A_305 : memref<1x128xi32, #tpu.memory_space<vmem>> -> memref<128xi32, #tpu.memory_space<vmem>>
      %dma_start3A_307 = arith.constant 0 : i32
      %dma_start3A_308 = arith.constant 0 : i32
      %dma_start3A_309 = tpu.memref_slice %arg4[%dma_start3A_307, %dma_start3A_308] : memref<50000x32xf32, #tpu.memory_space<hbm>> -> memref<50000x32xf32, #tpu.memory_space<hbm>>
      tpu.enqueue_indirect_dma source(%dma_start3A_309 : memref<50000x32xf32, #tpu.memory_space<hbm>>) target(%dma_start3A_303 : memref<128x32xf32, #tpu.memory_space<vmem>>) offsets(%dma_start3A_306 : memref<128xi32, #tpu.memory_space<vmem>>) semaphore(%arg15 : memref<!tpu.dma_semaphore, #tpu.memory_space<semaphore_mem>>)
      %dma_start3A_310 = arith.constant 0 : i32
      %dma_start3A_311 = arith.constant 0 : i32
      %dma_start3A_312 = arith.constant 2 : i32
      %dma_start3A_313 = arith.constant 0 : i32
      %dma_start3A_314 = arith.constant 0 : i32
      %dma_start3A_315 = tpu.memref_slice %arg11[%dma_start3A_311, %dma_start3A_312, %dma_start3A_313, %dma_start3A_314] : memref<2x3x128x32xf32, #tpu.memory_space<vmem>> -> memref<1x1x128x32xf32, #tpu.memory_space<vmem>>
      %dma_start3A_316 = tpu.memref_squeeze %dma_start3A_315 : memref<1x1x128x32xf32, #tpu.memory_space<vmem>> -> memref<128x32xf32, #tpu.memory_space<vmem>>
      %dma_start3A_317 = arith.constant 256 : i32
      %dma_start3A_318 = tpu.memref_slice %arg9[%dma_start3A_310, %dma_start3A_317] : memref<2x384xi32, #tpu.memory_space<vmem>> -> memref<1x128xi32, #tpu.memory_space<vmem>>
      %dma_start3A_319 = tpu.memref_squeeze %dma_start3A_318 : memref<1x128xi32, #tpu.memory_space<vmem>> -> memref<128xi32, #tpu.memory_space<vmem>>
      %dma_start3A_320 = arith.constant 0 : i32
      %dma_start3A_321 = arith.constant 0 : i32
      %dma_start3A_322 = tpu.memref_slice %arg4[%dma_start3A_320, %dma_start3A_321] : memref<50000x32xf32, #tpu.memory_space<hbm>> -> memref<50000x32xf32, #tpu.memory_space<hbm>>
      tpu.enqueue_indirect_dma source(%dma_start3A_322 : memref<50000x32xf32, #tpu.memory_space<hbm>>) target(%dma_start3A_316 : memref<128x32xf32, #tpu.memory_space<vmem>>) offsets(%dma_start3A_319 : memref<128xi32, #tpu.memory_space<vmem>>) semaphore(%arg16 : memref<!tpu.dma_semaphore, #tpu.memory_space<semaphore_mem>>)
    } else {
    }
    %scan3A = arith.constant 0 : i32
    %scan3A_138 = arith.constant 0 : i32
    %scan3A_139 = arith.constant 130 : i32
    %scan3A_140 = arith.addi %scan3A_138, %scan3A_139 : i32
    %scan3A_141 = arith.constant 1 : i32
    scf.for %scan3A_284 = %scan3A_138 to %scan3A_140 step %scan3A_141  : i32 {
      %rem3A_285 = arith.constant 2 : i32
      %rem3A_286 = arith.remsi %scan3A_284, %rem3A_285 : i32
      %add3A_287 = arith.constant 1 : i32
      %add3A_288 = arith.addi %scan3A_284, %add3A_287 : i32
      %rem3A_289 = arith.constant 2 : i32
      %rem3A_290 = arith.remsi %add3A_288, %rem3A_289 : i32
      %rem3A_291 = arith.constant 3 : i32
      %rem3A_292 = arith.remsi %scan3A_284, %rem3A_291 : i32
      %add3A_293 = arith.constant 2 : i32
      %add3A_294 = arith.addi %scan3A_284, %add3A_293 : i32
      %rem3A_295 = arith.constant 3 : i32
      %rem3A_296 = arith.remsi %add3A_294, %rem3A_295 : i32
      %ge3A = arith.constant 1 : i32
      %ge3A_297 = arith.cmpi sge, %scan3A_284, %ge3A : i32
      %convert_element_type3A_298 = arith.extui %ge3A_297 : i1 to i32
      %cond3A_299 = arith.constant 0 : i32
      %cond3A_300 = arith.cmpi ne, %convert_element_type3A_298, %cond3A_299 : i32
      scf.if %cond3A_300 {
        %dma_wait3A_417 = arith.constant 0 : i32
        %dma_wait3A_418 = arith.constant 0 : i32
        %dma_wait3A_419 = arith.constant 0 : i32
        %dma_wait3A_420 = arith.constant 0 : i32
        %dma_wait3A_421 = tpu.memref_slice %arg11[%rem3A_290, %dma_wait3A_417, %dma_wait3A_419, %dma_wait3A_420] : memref<2x3x128x32xf32, #tpu.memory_space<vmem>> -> memref<1x1x128x32xf32, #tpu.memory_space<vmem>>
        %dma_wait3A_422 = tpu.memref_squeeze %dma_wait3A_421 : memref<1x1x128x32xf32, #tpu.memory_space<vmem>> -> memref<128x32xf32, #tpu.memory_space<vmem>>
        %dma_wait3A_423 = arith.constant 0 : i32
        %dma_wait3A_424 = tpu.memref_slice %arg10[%rem3A_296, %dma_wait3A_418, %dma_wait3A_423] : memref<3x3x128xi32, #tpu.memory_space<vmem>> -> memref<1x1x128xi32, #tpu.memory_space<vmem>>
        %dma_wait3A_425 = tpu.memref_squeeze %dma_wait3A_424 : memref<1x1x128xi32, #tpu.memory_space<vmem>> -> memref<128xi32, #tpu.memory_space<vmem>>
        %dma_wait3A_426 = arith.constant 0 : i32
        %dma_wait3A_427 = arith.constant 0 : i32
        %dma_wait3A_428 = tpu.memref_slice %arg8[%dma_wait3A_426, %dma_wait3A_427] : memref<50048x32xf32, #tpu.memory_space<vmem_shared>> -> memref<50048x32xf32, #tpu.memory_space<vmem_shared>>
        tpu.wait_indirect_dma semaphore(%arg17 : memref<!tpu.dma_semaphore, #tpu.memory_space<semaphore_mem>>) src(%dma_wait3A_422 : memref<128x32xf32, #tpu.memory_space<vmem>>) dst(%dma_wait3A_428 : memref<50048x32xf32, #tpu.memory_space<vmem_shared>>)
        %dma_wait3A_429 = arith.constant 1 : i32
        %dma_wait3A_430 = arith.constant 1 : i32
        %dma_wait3A_431 = arith.constant 0 : i32
        %dma_wait3A_432 = arith.constant 0 : i32
        %dma_wait3A_433 = tpu.memref_slice %arg11[%rem3A_290, %dma_wait3A_429, %dma_wait3A_431, %dma_wait3A_432] : memref<2x3x128x32xf32, #tpu.memory_space<vmem>> -> memref<1x1x128x32xf32, #tpu.memory_space<vmem>>
        %dma_wait3A_434 = tpu.memref_squeeze %dma_wait3A_433 : memref<1x1x128x32xf32, #tpu.memory_space<vmem>> -> memref<128x32xf32, #tpu.memory_space<vmem>>
        %dma_wait3A_435 = arith.constant 0 : i32
        %dma_wait3A_436 = tpu.memref_slice %arg10[%rem3A_296, %dma_wait3A_430, %dma_wait3A_435] : memref<3x3x128xi32, #tpu.memory_space<vmem>> -> memref<1x1x128xi32, #tpu.memory_space<vmem>>
        %dma_wait3A_437 = tpu.memref_squeeze %dma_wait3A_436 : memref<1x1x128xi32, #tpu.memory_space<vmem>> -> memref<128xi32, #tpu.memory_space<vmem>>
        %dma_wait3A_438 = arith.constant 0 : i32
        %dma_wait3A_439 = arith.constant 0 : i32
        %dma_wait3A_440 = tpu.memref_slice %arg8[%dma_wait3A_438, %dma_wait3A_439] : memref<50048x32xf32, #tpu.memory_space<vmem_shared>> -> memref<50048x32xf32, #tpu.memory_space<vmem_shared>>
        tpu.wait_indirect_dma semaphore(%arg18 : memref<!tpu.dma_semaphore, #tpu.memory_space<semaphore_mem>>) src(%dma_wait3A_434 : memref<128x32xf32, #tpu.memory_space<vmem>>) dst(%dma_wait3A_440 : memref<50048x32xf32, #tpu.memory_space<vmem_shared>>)
        %dma_wait3A_441 = arith.constant 2 : i32
        %dma_wait3A_442 = arith.constant 2 : i32
        %dma_wait3A_443 = arith.constant 0 : i32
        %dma_wait3A_444 = arith.constant 0 : i32
        %dma_wait3A_445 = tpu.memref_slice %arg11[%rem3A_290, %dma_wait3A_441, %dma_wait3A_443, %dma_wait3A_444] : memref<2x3x128x32xf32, #tpu.memory_space<vmem>> -> memref<1x1x128x32xf32, #tpu.memory_space<vmem>>
        %dma_wait3A_446 = tpu.memref_squeeze %dma_wait3A_445 : memref<1x1x128x32xf32, #tpu.memory_space<vmem>> -> memref<128x32xf32, #tpu.memory_space<vmem>>
        %dma_wait3A_447 = arith.constant 0 : i32
        %dma_wait3A_448 = tpu.memref_slice %arg10[%rem3A_296, %dma_wait3A_442, %dma_wait3A_447] : memref<3x3x128xi32, #tpu.memory_space<vmem>> -> memref<1x1x128xi32, #tpu.memory_space<vmem>>
        %dma_wait3A_449 = tpu.memref_squeeze %dma_wait3A_448 : memref<1x1x128xi32, #tpu.memory_space<vmem>> -> memref<128xi32, #tpu.memory_space<vmem>>
        %dma_wait3A_450 = arith.constant 0 : i32
        %dma_wait3A_451 = arith.constant 0 : i32
        %dma_wait3A_452 = tpu.memref_slice %arg8[%dma_wait3A_450, %dma_wait3A_451] : memref<50048x32xf32, #tpu.memory_space<vmem_shared>> -> memref<50048x32xf32, #tpu.memory_space<vmem_shared>>
        tpu.wait_indirect_dma semaphore(%arg19 : memref<!tpu.dma_semaphore, #tpu.memory_space<semaphore_mem>>) src(%dma_wait3A_446 : memref<128x32xf32, #tpu.memory_space<vmem>>) dst(%dma_wait3A_452 : memref<50048x32xf32, #tpu.memory_space<vmem_shared>>)
      } else {
      }
      %add3A_301 = arith.constant 1 : i32
      %add3A_302 = arith.addi %scan3A_284, %add3A_301 : i32
      %lt3A_303 = arith.constant 130 : i32
      %lt3A_304 = arith.cmpi slt, %add3A_302, %lt3A_303 : i32
      %eq3A_305 = arith.constant 0 : i32
      %eq3A_306 = arith.cmpi eq, %rem3A_290, %eq3A_305 : i32
      %and3A_307 = arith.andi %lt3A_304, %eq3A_306 : i1
      %convert_element_type3A_308 = arith.extui %and3A_307 : i1 to i32
      %cond3A_309 = arith.constant 0 : i32
      %cond3A_310 = arith.cmpi ne, %convert_element_type3A_308, %cond3A_309 : i32
      scf.if %cond3A_310 {
        %add3A_417 = arith.constant 1 : i32
        %add3A_418 = arith.addi %scan3A_284, %add3A_417 : i32
        %mul3A_419 = arith.constant 384 : i32
        %mul3A_420 = arith.muli %add3A_418, %mul3A_419 : i32
        %add3A_421 = arith.addi %mul3A_1, %mul3A_420 : i32
        %dma_start3A_422 = arith.constant 0 : i32
        %dma_start3A_423 = arith.constant 0 : i32
        %dma_start3A_424 = arith.constant 0 : i32
        %dma_start3A_425 = tpu.memref_slice %arg9[%dma_start3A_423, %dma_start3A_424] : memref<2x384xi32, #tpu.memory_space<vmem>> -> memref<1x384xi32, #tpu.memory_space<vmem>>
        %dma_start3A_426 = tpu.memref_squeeze %dma_start3A_425 : memref<1x384xi32, #tpu.memory_space<vmem>> -> memref<384xi32, #tpu.memory_space<vmem>>
        %dma_start3A_427 = tpu.memref_slice %arg2[%dma_start3A_422, %add3A_421] : memref<2x800000xi32, #tpu.memory_space<hbm>> -> memref<1x384xi32, #tpu.memory_space<hbm>>
        %dma_start3A_428 = tpu.memref_squeeze %dma_start3A_427 : memref<1x384xi32, #tpu.memory_space<hbm>> -> memref<384xi32, #tpu.memory_space<hbm>>
        %dma_start3A_429 = arith.constant 0 : i32
        %dma_start3A_430 = tpu.memref_slice %arg9[%dma_start3A_423, %dma_start3A_429] : memref<2x384xi32, #tpu.memory_space<vmem>> -> memref<1x384xi32, #tpu.memory_space<vmem>>
        %dma_start3A_431 = tpu.memref_squeeze %dma_start3A_430 : memref<1x384xi32, #tpu.memory_space<vmem>> -> memref<384xi32, #tpu.memory_space<vmem>>
        %dma_start3A_432 = tpu.memref_slice %arg2[%dma_start3A_422, %add3A_421] : memref<2x800000xi32, #tpu.memory_space<hbm>> -> memref<1x384xi32, #tpu.memory_space<hbm>>
        %dma_start3A_433 = tpu.memref_squeeze %dma_start3A_432 : memref<1x384xi32, #tpu.memory_space<hbm>> -> memref<384xi32, #tpu.memory_space<hbm>>
        tpu.enqueue_dma source(%dma_start3A_433 : memref<384xi32, #tpu.memory_space<hbm>>) target(%dma_start3A_431 : memref<384xi32, #tpu.memory_space<vmem>>) target_semaphore(%arg12 : memref<!tpu.dma_semaphore, #tpu.memory_space<semaphore_mem>>)
        %add3A_434 = arith.constant 0 : i32
        %add3A_435 = arith.addi %add3A_421, %add3A_434 : i32
        %rem3A_436 = arith.constant 3 : i32
        %rem3A_437 = arith.remsi %add3A_418, %rem3A_436 : i32
        %dma_start3A_438 = arith.constant 1 : i32
        %dma_start3A_439 = arith.constant 0 : i32
        %dma_start3A_440 = arith.constant 0 : i32
        %dma_start3A_441 = tpu.memref_slice %arg10[%rem3A_437, %dma_start3A_439, %dma_start3A_440] : memref<3x3x128xi32, #tpu.memory_space<vmem>> -> memref<1x1x128xi32, #tpu.memory_space<vmem>>
        %dma_start3A_442 = tpu.memref_squeeze %dma_start3A_441 : memref<1x1x128xi32, #tpu.memory_space<vmem>> -> memref<128xi32, #tpu.memory_space<vmem>>
        %dma_start3A_443 = tpu.memref_slice %arg2[%dma_start3A_438, %add3A_435] : memref<2x800000xi32, #tpu.memory_space<hbm>> -> memref<1x128xi32, #tpu.memory_space<hbm>>
        %dma_start3A_444 = tpu.memref_squeeze %dma_start3A_443 : memref<1x128xi32, #tpu.memory_space<hbm>> -> memref<128xi32, #tpu.memory_space<hbm>>
        %dma_start3A_445 = arith.constant 0 : i32
        %dma_start3A_446 = tpu.memref_slice %arg10[%rem3A_437, %dma_start3A_439, %dma_start3A_445] : memref<3x3x128xi32, #tpu.memory_space<vmem>> -> memref<1x1x128xi32, #tpu.memory_space<vmem>>
        %dma_start3A_447 = tpu.memref_squeeze %dma_start3A_446 : memref<1x1x128xi32, #tpu.memory_space<vmem>> -> memref<128xi32, #tpu.memory_space<vmem>>
        %dma_start3A_448 = tpu.memref_slice %arg2[%dma_start3A_438, %add3A_435] : memref<2x800000xi32, #tpu.memory_space<hbm>> -> memref<1x128xi32, #tpu.memory_space<hbm>>
        %dma_start3A_449 = tpu.memref_squeeze %dma_start3A_448 : memref<1x128xi32, #tpu.memory_space<hbm>> -> memref<128xi32, #tpu.memory_space<hbm>>
        tpu.enqueue_dma source(%dma_start3A_449 : memref<128xi32, #tpu.memory_space<hbm>>) target(%dma_start3A_447 : memref<128xi32, #tpu.memory_space<vmem>>) target_semaphore(%arg12 : memref<!tpu.dma_semaphore, #tpu.memory_space<semaphore_mem>>)
        %add3A_450 = arith.constant 128 : i32
        %add3A_451 = arith.addi %add3A_421, %add3A_450 : i32
        %rem3A_452 = arith.constant 3 : i32
        %rem3A_453 = arith.remsi %add3A_418, %rem3A_452 : i32
        %dma_start3A_454 = arith.constant 1 : i32
        %dma_start3A_455 = arith.constant 1 : i32
        %dma_start3A_456 = arith.constant 0 : i32
        %dma_start3A_457 = tpu.memref_slice %arg10[%rem3A_453, %dma_start3A_455, %dma_start3A_456] : memref<3x3x128xi32, #tpu.memory_space<vmem>> -> memref<1x1x128xi32, #tpu.memory_space<vmem>>
        %dma_start3A_458 = tpu.memref_squeeze %dma_start3A_457 : memref<1x1x128xi32, #tpu.memory_space<vmem>> -> memref<128xi32, #tpu.memory_space<vmem>>
        %dma_start3A_459 = tpu.memref_slice %arg2[%dma_start3A_454, %add3A_451] : memref<2x800000xi32, #tpu.memory_space<hbm>> -> memref<1x128xi32, #tpu.memory_space<hbm>>
        %dma_start3A_460 = tpu.memref_squeeze %dma_start3A_459 : memref<1x128xi32, #tpu.memory_space<hbm>> -> memref<128xi32, #tpu.memory_space<hbm>>
        %dma_start3A_461 = arith.constant 0 : i32
        %dma_start3A_462 = tpu.memref_slice %arg10[%rem3A_453, %dma_start3A_455, %dma_start3A_461] : memref<3x3x128xi32, #tpu.memory_space<vmem>> -> memref<1x1x128xi32, #tpu.memory_space<vmem>>
        %dma_start3A_463 = tpu.memref_squeeze %dma_start3A_462 : memref<1x1x128xi32, #tpu.memory_space<vmem>> -> memref<128xi32, #tpu.memory_space<vmem>>
        %dma_start3A_464 = tpu.memref_slice %arg2[%dma_start3A_454, %add3A_451] : memref<2x800000xi32, #tpu.memory_space<hbm>> -> memref<1x128xi32, #tpu.memory_space<hbm>>
        %dma_start3A_465 = tpu.memref_squeeze %dma_start3A_464 : memref<1x128xi32, #tpu.memory_space<hbm>> -> memref<128xi32, #tpu.memory_space<hbm>>
        tpu.enqueue_dma source(%dma_start3A_465 : memref<128xi32, #tpu.memory_space<hbm>>) target(%dma_start3A_463 : memref<128xi32, #tpu.memory_space<vmem>>) target_semaphore(%arg12 : memref<!tpu.dma_semaphore, #tpu.memory_space<semaphore_mem>>)
        %add3A_466 = arith.constant 256 : i32
        %add3A_467 = arith.addi %add3A_421, %add3A_466 : i32
        %rem3A_468 = arith.constant 3 : i32
        %rem3A_469 = arith.remsi %add3A_418, %rem3A_468 : i32
        %dma_start3A_470 = arith.constant 1 : i32
        %dma_start3A_471 = arith.constant 2 : i32
        %dma_start3A_472 = arith.constant 0 : i32
        %dma_start3A_473 = tpu.memref_slice %arg10[%rem3A_469, %dma_start3A_471, %dma_start3A_472] : memref<3x3x128xi32, #tpu.memory_space<vmem>> -> memref<1x1x128xi32, #tpu.memory_space<vmem>>
        %dma_start3A_474 = tpu.memref_squeeze %dma_start3A_473 : memref<1x1x128xi32, #tpu.memory_space<vmem>> -> memref<128xi32, #tpu.memory_space<vmem>>
        %dma_start3A_475 = tpu.memref_slice %arg2[%dma_start3A_470, %add3A_467] : memref<2x800000xi32, #tpu.memory_space<hbm>> -> memref<1x128xi32, #tpu.memory_space<hbm>>
        %dma_start3A_476 = tpu.memref_squeeze %dma_start3A_475 : memref<1x128xi32, #tpu.memory_space<hbm>> -> memref<128xi32, #tpu.memory_space<hbm>>
        %dma_start3A_477 = arith.constant 0 : i32
        %dma_start3A_478 = tpu.memref_slice %arg10[%rem3A_469, %dma_start3A_471, %dma_start3A_477] : memref<3x3x128xi32, #tpu.memory_space<vmem>> -> memref<1x1x128xi32, #tpu.memory_space<vmem>>
        %dma_start3A_479 = tpu.memref_squeeze %dma_start3A_478 : memref<1x1x128xi32, #tpu.memory_space<vmem>> -> memref<128xi32, #tpu.memory_space<vmem>>
        %dma_start3A_480 = tpu.memref_slice %arg2[%dma_start3A_470, %add3A_467] : memref<2x800000xi32, #tpu.memory_space<hbm>> -> memref<1x128xi32, #tpu.memory_space<hbm>>
        %dma_start3A_481 = tpu.memref_squeeze %dma_start3A_480 : memref<1x128xi32, #tpu.memory_space<hbm>> -> memref<128xi32, #tpu.memory_space<hbm>>
        tpu.enqueue_dma source(%dma_start3A_481 : memref<128xi32, #tpu.memory_space<hbm>>) target(%dma_start3A_479 : memref<128xi32, #tpu.memory_space<vmem>>) target_semaphore(%arg12 : memref<!tpu.dma_semaphore, #tpu.memory_space<semaphore_mem>>)
      } else {
      }
      %add3A_311 = arith.constant 1 : i32
      %add3A_312 = arith.addi %scan3A_284, %add3A_311 : i32
      %lt3A_313 = arith.constant 130 : i32
      %lt3A_314 = arith.cmpi slt, %add3A_312, %lt3A_313 : i32
      %eq3A_315 = arith.constant 1 : i32
      %eq3A_316 = arith.cmpi eq, %rem3A_290, %eq3A_315 : i32
      %and3A_317 = arith.andi %lt3A_314, %eq3A_316 : i1
      %convert_element_type3A_318 = arith.extui %and3A_317 : i1 to i32
      %cond3A_319 = arith.constant 0 : i32
      %cond3A_320 = arith.cmpi ne, %convert_element_type3A_318, %cond3A_319 : i32
      scf.if %cond3A_320 {
        %add3A_417 = arith.constant 1 : i32
        %add3A_418 = arith.addi %scan3A_284, %add3A_417 : i32
        %mul3A_419 = arith.constant 384 : i32
        %mul3A_420 = arith.muli %add3A_418, %mul3A_419 : i32
        %add3A_421 = arith.addi %mul3A_1, %mul3A_420 : i32
        %dma_start3A_422 = arith.constant 0 : i32
        %dma_start3A_423 = arith.constant 1 : i32
        %dma_start3A_424 = arith.constant 0 : i32
        %dma_start3A_425 = tpu.memref_slice %arg9[%dma_start3A_423, %dma_start3A_424] : memref<2x384xi32, #tpu.memory_space<vmem>> -> memref<1x384xi32, #tpu.memory_space<vmem>>
        %dma_start3A_426 = tpu.memref_squeeze %dma_start3A_425 : memref<1x384xi32, #tpu.memory_space<vmem>> -> memref<384xi32, #tpu.memory_space<vmem>>
        %dma_start3A_427 = tpu.memref_slice %arg2[%dma_start3A_422, %add3A_421] : memref<2x800000xi32, #tpu.memory_space<hbm>> -> memref<1x384xi32, #tpu.memory_space<hbm>>
        %dma_start3A_428 = tpu.memref_squeeze %dma_start3A_427 : memref<1x384xi32, #tpu.memory_space<hbm>> -> memref<384xi32, #tpu.memory_space<hbm>>
        %dma_start3A_429 = arith.constant 0 : i32
        %dma_start3A_430 = tpu.memref_slice %arg9[%dma_start3A_423, %dma_start3A_429] : memref<2x384xi32, #tpu.memory_space<vmem>> -> memref<1x384xi32, #tpu.memory_space<vmem>>
        %dma_start3A_431 = tpu.memref_squeeze %dma_start3A_430 : memref<1x384xi32, #tpu.memory_space<vmem>> -> memref<384xi32, #tpu.memory_space<vmem>>
        %dma_start3A_432 = tpu.memref_slice %arg2[%dma_start3A_422, %add3A_421] : memref<2x800000xi32, #tpu.memory_space<hbm>> -> memref<1x384xi32, #tpu.memory_space<hbm>>
        %dma_start3A_433 = tpu.memref_squeeze %dma_start3A_432 : memref<1x384xi32, #tpu.memory_space<hbm>> -> memref<384xi32, #tpu.memory_space<hbm>>
        tpu.enqueue_dma source(%dma_start3A_433 : memref<384xi32, #tpu.memory_space<hbm>>) target(%dma_start3A_431 : memref<384xi32, #tpu.memory_space<vmem>>) target_semaphore(%arg13 : memref<!tpu.dma_semaphore, #tpu.memory_space<semaphore_mem>>)
        %add3A_434 = arith.constant 0 : i32
        %add3A_435 = arith.addi %add3A_421, %add3A_434 : i32
        %rem3A_436 = arith.constant 3 : i32
        %rem3A_437 = arith.remsi %add3A_418, %rem3A_436 : i32
        %dma_start3A_438 = arith.constant 1 : i32
        %dma_start3A_439 = arith.constant 0 : i32
        %dma_start3A_440 = arith.constant 0 : i32
        %dma_start3A_441 = tpu.memref_slice %arg10[%rem3A_437, %dma_start3A_439, %dma_start3A_440] : memref<3x3x128xi32, #tpu.memory_space<vmem>> -> memref<1x1x128xi32, #tpu.memory_space<vmem>>
        %dma_start3A_442 = tpu.memref_squeeze %dma_start3A_441 : memref<1x1x128xi32, #tpu.memory_space<vmem>> -> memref<128xi32, #tpu.memory_space<vmem>>
        %dma_start3A_443 = tpu.memref_slice %arg2[%dma_start3A_438, %add3A_435] : memref<2x800000xi32, #tpu.memory_space<hbm>> -> memref<1x128xi32, #tpu.memory_space<hbm>>
        %dma_start3A_444 = tpu.memref_squeeze %dma_start3A_443 : memref<1x128xi32, #tpu.memory_space<hbm>> -> memref<128xi32, #tpu.memory_space<hbm>>
        %dma_start3A_445 = arith.constant 0 : i32
        %dma_start3A_446 = tpu.memref_slice %arg10[%rem3A_437, %dma_start3A_439, %dma_start3A_445] : memref<3x3x128xi32, #tpu.memory_space<vmem>> -> memref<1x1x128xi32, #tpu.memory_space<vmem>>
        %dma_start3A_447 = tpu.memref_squeeze %dma_start3A_446 : memref<1x1x128xi32, #tpu.memory_space<vmem>> -> memref<128xi32, #tpu.memory_space<vmem>>
        %dma_start3A_448 = tpu.memref_slice %arg2[%dma_start3A_438, %add3A_435] : memref<2x800000xi32, #tpu.memory_space<hbm>> -> memref<1x128xi32, #tpu.memory_space<hbm>>
        %dma_start3A_449 = tpu.memref_squeeze %dma_start3A_448 : memref<1x128xi32, #tpu.memory_space<hbm>> -> memref<128xi32, #tpu.memory_space<hbm>>
        tpu.enqueue_dma source(%dma_start3A_449 : memref<128xi32, #tpu.memory_space<hbm>>) target(%dma_start3A_447 : memref<128xi32, #tpu.memory_space<vmem>>) target_semaphore(%arg13 : memref<!tpu.dma_semaphore, #tpu.memory_space<semaphore_mem>>)
        %add3A_450 = arith.constant 128 : i32
        %add3A_451 = arith.addi %add3A_421, %add3A_450 : i32
        %rem3A_452 = arith.constant 3 : i32
        %rem3A_453 = arith.remsi %add3A_418, %rem3A_452 : i32
        %dma_start3A_454 = arith.constant 1 : i32
        %dma_start3A_455 = arith.constant 1 : i32
        %dma_start3A_456 = arith.constant 0 : i32
        %dma_start3A_457 = tpu.memref_slice %arg10[%rem3A_453, %dma_start3A_455, %dma_start3A_456] : memref<3x3x128xi32, #tpu.memory_space<vmem>> -> memref<1x1x128xi32, #tpu.memory_space<vmem>>
        %dma_start3A_458 = tpu.memref_squeeze %dma_start3A_457 : memref<1x1x128xi32, #tpu.memory_space<vmem>> -> memref<128xi32, #tpu.memory_space<vmem>>
        %dma_start3A_459 = tpu.memref_slice %arg2[%dma_start3A_454, %add3A_451] : memref<2x800000xi32, #tpu.memory_space<hbm>> -> memref<1x128xi32, #tpu.memory_space<hbm>>
        %dma_start3A_460 = tpu.memref_squeeze %dma_start3A_459 : memref<1x128xi32, #tpu.memory_space<hbm>> -> memref<128xi32, #tpu.memory_space<hbm>>
        %dma_start3A_461 = arith.constant 0 : i32
        %dma_start3A_462 = tpu.memref_slice %arg10[%rem3A_453, %dma_start3A_455, %dma_start3A_461] : memref<3x3x128xi32, #tpu.memory_space<vmem>> -> memref<1x1x128xi32, #tpu.memory_space<vmem>>
        %dma_start3A_463 = tpu.memref_squeeze %dma_start3A_462 : memref<1x1x128xi32, #tpu.memory_space<vmem>> -> memref<128xi32, #tpu.memory_space<vmem>>
        %dma_start3A_464 = tpu.memref_slice %arg2[%dma_start3A_454, %add3A_451] : memref<2x800000xi32, #tpu.memory_space<hbm>> -> memref<1x128xi32, #tpu.memory_space<hbm>>
        %dma_start3A_465 = tpu.memref_squeeze %dma_start3A_464 : memref<1x128xi32, #tpu.memory_space<hbm>> -> memref<128xi32, #tpu.memory_space<hbm>>
        tpu.enqueue_dma source(%dma_start3A_465 : memref<128xi32, #tpu.memory_space<hbm>>) target(%dma_start3A_463 : memref<128xi32, #tpu.memory_space<vmem>>) target_semaphore(%arg13 : memref<!tpu.dma_semaphore, #tpu.memory_space<semaphore_mem>>)
        %add3A_466 = arith.constant 256 : i32
        %add3A_467 = arith.addi %add3A_421, %add3A_466 : i32
        %rem3A_468 = arith.constant 3 : i32
        %rem3A_469 = arith.remsi %add3A_418, %rem3A_468 : i32
        %dma_start3A_470 = arith.constant 1 : i32
        %dma_start3A_471 = arith.constant 2 : i32
        %dma_start3A_472 = arith.constant 0 : i32
        %dma_start3A_473 = tpu.memref_slice %arg10[%rem3A_469, %dma_start3A_471, %dma_start3A_472] : memref<3x3x128xi32, #tpu.memory_space<vmem>> -> memref<1x1x128xi32, #tpu.memory_space<vmem>>
        %dma_start3A_474 = tpu.memref_squeeze %dma_start3A_473 : memref<1x1x128xi32, #tpu.memory_space<vmem>> -> memref<128xi32, #tpu.memory_space<vmem>>
        %dma_start3A_475 = tpu.memref_slice %arg2[%dma_start3A_470, %add3A_467] : memref<2x800000xi32, #tpu.memory_space<hbm>> -> memref<1x128xi32, #tpu.memory_space<hbm>>
        %dma_start3A_476 = tpu.memref_squeeze %dma_start3A_475 : memref<1x128xi32, #tpu.memory_space<hbm>> -> memref<128xi32, #tpu.memory_space<hbm>>
        %dma_start3A_477 = arith.constant 0 : i32
        %dma_start3A_478 = tpu.memref_slice %arg10[%rem3A_469, %dma_start3A_471, %dma_start3A_477] : memref<3x3x128xi32, #tpu.memory_space<vmem>> -> memref<1x1x128xi32, #tpu.memory_space<vmem>>
        %dma_start3A_479 = tpu.memref_squeeze %dma_start3A_478 : memref<1x1x128xi32, #tpu.memory_space<vmem>> -> memref<128xi32, #tpu.memory_space<vmem>>
        %dma_start3A_480 = tpu.memref_slice %arg2[%dma_start3A_470, %add3A_467] : memref<2x800000xi32, #tpu.memory_space<hbm>> -> memref<1x128xi32, #tpu.memory_space<hbm>>
        %dma_start3A_481 = tpu.memref_squeeze %dma_start3A_480 : memref<1x128xi32, #tpu.memory_space<hbm>> -> memref<128xi32, #tpu.memory_space<hbm>>
        tpu.enqueue_dma source(%dma_start3A_481 : memref<128xi32, #tpu.memory_space<hbm>>) target(%dma_start3A_479 : memref<128xi32, #tpu.memory_space<vmem>>) target_semaphore(%arg13 : memref<!tpu.dma_semaphore, #tpu.memory_space<semaphore_mem>>)
      } else {
      }
      %dma_wait3A_321 = arith.constant 0 : i32
      %dma_wait3A_322 = arith.constant 0 : i32
      %dma_wait3A_323 = arith.constant 0 : i32
      %dma_wait3A_324 = tpu.memref_slice %arg11[%rem3A_286, %dma_wait3A_321, %dma_wait3A_322, %dma_wait3A_323] : memref<2x3x128x32xf32, #tpu.memory_space<vmem>> -> memref<1x1x128x32xf32, #tpu.memory_space<vmem>>
      %dma_wait3A_325 = tpu.memref_squeeze %dma_wait3A_324 : memref<1x1x128x32xf32, #tpu.memory_space<vmem>> -> memref<128x32xf32, #tpu.memory_space<vmem>>
      %dma_wait3A_326 = arith.constant 0 : i32
      %dma_wait3A_327 = tpu.memref_slice %arg9[%rem3A_286, %dma_wait3A_326] : memref<2x384xi32, #tpu.memory_space<vmem>> -> memref<1x128xi32, #tpu.memory_space<vmem>>
      %dma_wait3A_328 = tpu.memref_squeeze %dma_wait3A_327 : memref<1x128xi32, #tpu.memory_space<vmem>> -> memref<128xi32, #tpu.memory_space<vmem>>
      %dma_wait3A_329 = arith.constant 0 : i32
      %dma_wait3A_330 = arith.constant 0 : i32
      %dma_wait3A_331 = tpu.memref_slice %arg3[%dma_wait3A_329, %dma_wait3A_330] : memref<50000x32xf32, #tpu.memory_space<hbm>> -> memref<50000x32xf32, #tpu.memory_space<hbm>>
      tpu.wait_indirect_dma semaphore(%arg14 : memref<!tpu.dma_semaphore, #tpu.memory_space<semaphore_mem>>) src(%dma_wait3A_331 : memref<50000x32xf32, #tpu.memory_space<hbm>>) dst(%dma_wait3A_325 : memref<128x32xf32, #tpu.memory_space<vmem>>)
      %dma_start3A_332 = arith.constant 0 : i32
      %dma_start3A_333 = arith.constant 0 : i32
      %dma_start3A_334 = arith.constant 0 : i32
      %dma_start3A_335 = arith.constant 0 : i32
      %dma_start3A_336 = tpu.memref_slice %arg11[%rem3A_286, %dma_start3A_332, %dma_start3A_334, %dma_start3A_335] : memref<2x3x128x32xf32, #tpu.memory_space<vmem>> -> memref<1x1x128x32xf32, #tpu.memory_space<vmem>>
      %dma_start3A_337 = tpu.memref_squeeze %dma_start3A_336 : memref<1x1x128x32xf32, #tpu.memory_space<vmem>> -> memref<128x32xf32, #tpu.memory_space<vmem>>
      %dma_start3A_338 = arith.constant 0 : i32
      %dma_start3A_339 = tpu.memref_slice %arg10[%rem3A_292, %dma_start3A_333, %dma_start3A_338] : memref<3x3x128xi32, #tpu.memory_space<vmem>> -> memref<1x1x128xi32, #tpu.memory_space<vmem>>
      %dma_start3A_340 = tpu.memref_squeeze %dma_start3A_339 : memref<1x1x128xi32, #tpu.memory_space<vmem>> -> memref<128xi32, #tpu.memory_space<vmem>>
      %dma_start3A_341 = arith.constant 0 : i32
      %dma_start3A_342 = arith.constant 0 : i32
      %dma_start3A_343 = tpu.memref_slice %arg8[%dma_start3A_341, %dma_start3A_342] : memref<50048x32xf32, #tpu.memory_space<vmem_shared>> -> memref<50048x32xf32, #tpu.memory_space<vmem_shared>>
      tpu.enqueue_indirect_dma source(%dma_start3A_337 : memref<128x32xf32, #tpu.memory_space<vmem>>) target(%dma_start3A_343 : memref<50048x32xf32, #tpu.memory_space<vmem_shared>>) offsets(%dma_start3A_340 : memref<128xi32, #tpu.memory_space<vmem>>) semaphore(%arg17 : memref<!tpu.dma_semaphore, #tpu.memory_space<semaphore_mem>>) {add = true}
      %dma_wait3A_344 = arith.constant 1 : i32
      %dma_wait3A_345 = arith.constant 0 : i32
      %dma_wait3A_346 = arith.constant 0 : i32
      %dma_wait3A_347 = tpu.memref_slice %arg11[%rem3A_286, %dma_wait3A_344, %dma_wait3A_345, %dma_wait3A_346] : memref<2x3x128x32xf32, #tpu.memory_space<vmem>> -> memref<1x1x128x32xf32, #tpu.memory_space<vmem>>
      %dma_wait3A_348 = tpu.memref_squeeze %dma_wait3A_347 : memref<1x1x128x32xf32, #tpu.memory_space<vmem>> -> memref<128x32xf32, #tpu.memory_space<vmem>>
      %dma_wait3A_349 = arith.constant 128 : i32
      %dma_wait3A_350 = tpu.memref_slice %arg9[%rem3A_286, %dma_wait3A_349] : memref<2x384xi32, #tpu.memory_space<vmem>> -> memref<1x128xi32, #tpu.memory_space<vmem>>
      %dma_wait3A_351 = tpu.memref_squeeze %dma_wait3A_350 : memref<1x128xi32, #tpu.memory_space<vmem>> -> memref<128xi32, #tpu.memory_space<vmem>>
      %dma_wait3A_352 = arith.constant 0 : i32
      %dma_wait3A_353 = arith.constant 0 : i32
      %dma_wait3A_354 = tpu.memref_slice %arg3[%dma_wait3A_352, %dma_wait3A_353] : memref<50000x32xf32, #tpu.memory_space<hbm>> -> memref<50000x32xf32, #tpu.memory_space<hbm>>
      tpu.wait_indirect_dma semaphore(%arg15 : memref<!tpu.dma_semaphore, #tpu.memory_space<semaphore_mem>>) src(%dma_wait3A_354 : memref<50000x32xf32, #tpu.memory_space<hbm>>) dst(%dma_wait3A_348 : memref<128x32xf32, #tpu.memory_space<vmem>>)
      %dma_start3A_355 = arith.constant 1 : i32
      %dma_start3A_356 = arith.constant 1 : i32
      %dma_start3A_357 = arith.constant 0 : i32
      %dma_start3A_358 = arith.constant 0 : i32
      %dma_start3A_359 = tpu.memref_slice %arg11[%rem3A_286, %dma_start3A_355, %dma_start3A_357, %dma_start3A_358] : memref<2x3x128x32xf32, #tpu.memory_space<vmem>> -> memref<1x1x128x32xf32, #tpu.memory_space<vmem>>
      %dma_start3A_360 = tpu.memref_squeeze %dma_start3A_359 : memref<1x1x128x32xf32, #tpu.memory_space<vmem>> -> memref<128x32xf32, #tpu.memory_space<vmem>>
      %dma_start3A_361 = arith.constant 0 : i32
      %dma_start3A_362 = tpu.memref_slice %arg10[%rem3A_292, %dma_start3A_356, %dma_start3A_361] : memref<3x3x128xi32, #tpu.memory_space<vmem>> -> memref<1x1x128xi32, #tpu.memory_space<vmem>>
      %dma_start3A_363 = tpu.memref_squeeze %dma_start3A_362 : memref<1x1x128xi32, #tpu.memory_space<vmem>> -> memref<128xi32, #tpu.memory_space<vmem>>
      %dma_start3A_364 = arith.constant 0 : i32
      %dma_start3A_365 = arith.constant 0 : i32
      %dma_start3A_366 = tpu.memref_slice %arg8[%dma_start3A_364, %dma_start3A_365] : memref<50048x32xf32, #tpu.memory_space<vmem_shared>> -> memref<50048x32xf32, #tpu.memory_space<vmem_shared>>
      tpu.enqueue_indirect_dma source(%dma_start3A_360 : memref<128x32xf32, #tpu.memory_space<vmem>>) target(%dma_start3A_366 : memref<50048x32xf32, #tpu.memory_space<vmem_shared>>) offsets(%dma_start3A_363 : memref<128xi32, #tpu.memory_space<vmem>>) semaphore(%arg18 : memref<!tpu.dma_semaphore, #tpu.memory_space<semaphore_mem>>) {add = true}
      %dma_wait3A_367 = arith.constant 2 : i32
      %dma_wait3A_368 = arith.constant 0 : i32
      %dma_wait3A_369 = arith.constant 0 : i32
      %dma_wait3A_370 = tpu.memref_slice %arg11[%rem3A_286, %dma_wait3A_367, %dma_wait3A_368, %dma_wait3A_369] : memref<2x3x128x32xf32, #tpu.memory_space<vmem>> -> memref<1x1x128x32xf32, #tpu.memory_space<vmem>>
      %dma_wait3A_371 = tpu.memref_squeeze %dma_wait3A_370 : memref<1x1x128x32xf32, #tpu.memory_space<vmem>> -> memref<128x32xf32, #tpu.memory_space<vmem>>
      %dma_wait3A_372 = arith.constant 256 : i32
      %dma_wait3A_373 = tpu.memref_slice %arg9[%rem3A_286, %dma_wait3A_372] : memref<2x384xi32, #tpu.memory_space<vmem>> -> memref<1x128xi32, #tpu.memory_space<vmem>>
      %dma_wait3A_374 = tpu.memref_squeeze %dma_wait3A_373 : memref<1x128xi32, #tpu.memory_space<vmem>> -> memref<128xi32, #tpu.memory_space<vmem>>
      %dma_wait3A_375 = arith.constant 0 : i32
      %dma_wait3A_376 = arith.constant 0 : i32
      %dma_wait3A_377 = tpu.memref_slice %arg3[%dma_wait3A_375, %dma_wait3A_376] : memref<50000x32xf32, #tpu.memory_space<hbm>> -> memref<50000x32xf32, #tpu.memory_space<hbm>>
      tpu.wait_indirect_dma semaphore(%arg16 : memref<!tpu.dma_semaphore, #tpu.memory_space<semaphore_mem>>) src(%dma_wait3A_377 : memref<50000x32xf32, #tpu.memory_space<hbm>>) dst(%dma_wait3A_371 : memref<128x32xf32, #tpu.memory_space<vmem>>)
      %dma_start3A_378 = arith.constant 2 : i32
      %dma_start3A_379 = arith.constant 2 : i32
      %dma_start3A_380 = arith.constant 0 : i32
      %dma_start3A_381 = arith.constant 0 : i32
      %dma_start3A_382 = tpu.memref_slice %arg11[%rem3A_286, %dma_start3A_378, %dma_start3A_380, %dma_start3A_381] : memref<2x3x128x32xf32, #tpu.memory_space<vmem>> -> memref<1x1x128x32xf32, #tpu.memory_space<vmem>>
      %dma_start3A_383 = tpu.memref_squeeze %dma_start3A_382 : memref<1x1x128x32xf32, #tpu.memory_space<vmem>> -> memref<128x32xf32, #tpu.memory_space<vmem>>
      %dma_start3A_384 = arith.constant 0 : i32
      %dma_start3A_385 = tpu.memref_slice %arg10[%rem3A_292, %dma_start3A_379, %dma_start3A_384] : memref<3x3x128xi32, #tpu.memory_space<vmem>> -> memref<1x1x128xi32, #tpu.memory_space<vmem>>
      %dma_start3A_386 = tpu.memref_squeeze %dma_start3A_385 : memref<1x1x128xi32, #tpu.memory_space<vmem>> -> memref<128xi32, #tpu.memory_space<vmem>>
      %dma_start3A_387 = arith.constant 0 : i32
      %dma_start3A_388 = arith.constant 0 : i32
      %dma_start3A_389 = tpu.memref_slice %arg8[%dma_start3A_387, %dma_start3A_388] : memref<50048x32xf32, #tpu.memory_space<vmem_shared>> -> memref<50048x32xf32, #tpu.memory_space<vmem_shared>>
      tpu.enqueue_indirect_dma source(%dma_start3A_383 : memref<128x32xf32, #tpu.memory_space<vmem>>) target(%dma_start3A_389 : memref<50048x32xf32, #tpu.memory_space<vmem_shared>>) offsets(%dma_start3A_386 : memref<128xi32, #tpu.memory_space<vmem>>) semaphore(%arg19 : memref<!tpu.dma_semaphore, #tpu.memory_space<semaphore_mem>>) {add = true}
      %add3A_390 = arith.constant 1 : i32
      %add3A_391 = arith.addi %scan3A_284, %add3A_390 : i32
      %lt3A_392 = arith.constant 130 : i32
      %lt3A_393 = arith.cmpi slt, %add3A_391, %lt3A_392 : i32
      %eq3A_394 = arith.constant 0 : i32
      %eq3A_395 = arith.cmpi eq, %rem3A_290, %eq3A_394 : i32
      %and3A_396 = arith.andi %lt3A_393, %eq3A_395 : i1
      %convert_element_type3A_397 = arith.extui %and3A_396 : i1 to i32
      %cond3A_398 = arith.constant 0 : i32
      %cond3A_399 = arith.cmpi ne, %convert_element_type3A_397, %cond3A_398 : i32
      scf.if %cond3A_399 {
        %add3A_417 = arith.constant 1 : i32
        %add3A_418 = arith.addi %scan3A_284, %add3A_417 : i32
        %mul3A_419 = arith.constant 384 : i32
        %mul3A_420 = arith.muli %add3A_418, %mul3A_419 : i32
        %add3A_421 = arith.addi %mul3A_1, %mul3A_420 : i32
        %dma_wait3A_422 = arith.constant 0 : i32
        %dma_wait3A_423 = arith.constant 0 : i32
        %dma_wait3A_424 = arith.constant 0 : i32
        %dma_wait3A_425 = tpu.memref_slice %arg9[%dma_wait3A_423, %dma_wait3A_424] : memref<2x384xi32, #tpu.memory_space<vmem>> -> memref<1x384xi32, #tpu.memory_space<vmem>>
        %dma_wait3A_426 = tpu.memref_squeeze %dma_wait3A_425 : memref<1x384xi32, #tpu.memory_space<vmem>> -> memref<384xi32, #tpu.memory_space<vmem>>
        %dma_wait3A_427 = tpu.memref_slice %arg2[%dma_wait3A_422, %add3A_421] : memref<2x800000xi32, #tpu.memory_space<hbm>> -> memref<1x384xi32, #tpu.memory_space<hbm>>
        %dma_wait3A_428 = tpu.memref_squeeze %dma_wait3A_427 : memref<1x384xi32, #tpu.memory_space<hbm>> -> memref<384xi32, #tpu.memory_space<hbm>>
        %dma_wait3A_429 = arith.constant 0 : i32
        %dma_wait3A_430 = tpu.memref_slice %arg9[%dma_wait3A_423, %dma_wait3A_429] : memref<2x384xi32, #tpu.memory_space<vmem>> -> memref<1x384xi32, #tpu.memory_space<vmem>>
        %dma_wait3A_431 = tpu.memref_squeeze %dma_wait3A_430 : memref<1x384xi32, #tpu.memory_space<vmem>> -> memref<384xi32, #tpu.memory_space<vmem>>
        %dma_wait3A_432 = tpu.memref_slice %arg2[%dma_wait3A_422, %add3A_421] : memref<2x800000xi32, #tpu.memory_space<hbm>> -> memref<1x384xi32, #tpu.memory_space<hbm>>
        %dma_wait3A_433 = tpu.memref_squeeze %dma_wait3A_432 : memref<1x384xi32, #tpu.memory_space<hbm>> -> memref<384xi32, #tpu.memory_space<hbm>>
        tpu.wait_dma2 semaphore(%arg12 : memref<!tpu.dma_semaphore, #tpu.memory_space<semaphore_mem>>) src(%dma_wait3A_433 : memref<384xi32, #tpu.memory_space<hbm>>) dst(%dma_wait3A_431 : memref<384xi32, #tpu.memory_space<vmem>>)
        %add3A_434 = arith.constant 0 : i32
        %add3A_435 = arith.addi %add3A_421, %add3A_434 : i32
        %rem3A_436 = arith.constant 3 : i32
        %rem3A_437 = arith.remsi %add3A_418, %rem3A_436 : i32
        %dma_wait3A_438 = arith.constant 1 : i32
        %dma_wait3A_439 = arith.constant 0 : i32
        %dma_wait3A_440 = arith.constant 0 : i32
        %dma_wait3A_441 = tpu.memref_slice %arg10[%rem3A_437, %dma_wait3A_439, %dma_wait3A_440] : memref<3x3x128xi32, #tpu.memory_space<vmem>> -> memref<1x1x128xi32, #tpu.memory_space<vmem>>
        %dma_wait3A_442 = tpu.memref_squeeze %dma_wait3A_441 : memref<1x1x128xi32, #tpu.memory_space<vmem>> -> memref<128xi32, #tpu.memory_space<vmem>>
        %dma_wait3A_443 = tpu.memref_slice %arg2[%dma_wait3A_438, %add3A_435] : memref<2x800000xi32, #tpu.memory_space<hbm>> -> memref<1x128xi32, #tpu.memory_space<hbm>>
        %dma_wait3A_444 = tpu.memref_squeeze %dma_wait3A_443 : memref<1x128xi32, #tpu.memory_space<hbm>> -> memref<128xi32, #tpu.memory_space<hbm>>
        %dma_wait3A_445 = arith.constant 0 : i32
        %dma_wait3A_446 = tpu.memref_slice %arg10[%rem3A_437, %dma_wait3A_439, %dma_wait3A_445] : memref<3x3x128xi32, #tpu.memory_space<vmem>> -> memref<1x1x128xi32, #tpu.memory_space<vmem>>
        %dma_wait3A_447 = tpu.memref_squeeze %dma_wait3A_446 : memref<1x1x128xi32, #tpu.memory_space<vmem>> -> memref<128xi32, #tpu.memory_space<vmem>>
        %dma_wait3A_448 = tpu.memref_slice %arg2[%dma_wait3A_438, %add3A_435] : memref<2x800000xi32, #tpu.memory_space<hbm>> -> memref<1x128xi32, #tpu.memory_space<hbm>>
        %dma_wait3A_449 = tpu.memref_squeeze %dma_wait3A_448 : memref<1x128xi32, #tpu.memory_space<hbm>> -> memref<128xi32, #tpu.memory_space<hbm>>
        tpu.wait_dma2 semaphore(%arg12 : memref<!tpu.dma_semaphore, #tpu.memory_space<semaphore_mem>>) src(%dma_wait3A_449 : memref<128xi32, #tpu.memory_space<hbm>>) dst(%dma_wait3A_447 : memref<128xi32, #tpu.memory_space<vmem>>)
        %add3A_450 = arith.constant 128 : i32
        %add3A_451 = arith.addi %add3A_421, %add3A_450 : i32
        %rem3A_452 = arith.constant 3 : i32
        %rem3A_453 = arith.remsi %add3A_418, %rem3A_452 : i32
        %dma_wait3A_454 = arith.constant 1 : i32
        %dma_wait3A_455 = arith.constant 1 : i32
        %dma_wait3A_456 = arith.constant 0 : i32
        %dma_wait3A_457 = tpu.memref_slice %arg10[%rem3A_453, %dma_wait3A_455, %dma_wait3A_456] : memref<3x3x128xi32, #tpu.memory_space<vmem>> -> memref<1x1x128xi32, #tpu.memory_space<vmem>>
        %dma_wait3A_458 = tpu.memref_squeeze %dma_wait3A_457 : memref<1x1x128xi32, #tpu.memory_space<vmem>> -> memref<128xi32, #tpu.memory_space<vmem>>
        %dma_wait3A_459 = tpu.memref_slice %arg2[%dma_wait3A_454, %add3A_451] : memref<2x800000xi32, #tpu.memory_space<hbm>> -> memref<1x128xi32, #tpu.memory_space<hbm>>
        %dma_wait3A_460 = tpu.memref_squeeze %dma_wait3A_459 : memref<1x128xi32, #tpu.memory_space<hbm>> -> memref<128xi32, #tpu.memory_space<hbm>>
        %dma_wait3A_461 = arith.constant 0 : i32
        %dma_wait3A_462 = tpu.memref_slice %arg10[%rem3A_453, %dma_wait3A_455, %dma_wait3A_461] : memref<3x3x128xi32, #tpu.memory_space<vmem>> -> memref<1x1x128xi32, #tpu.memory_space<vmem>>
        %dma_wait3A_463 = tpu.memref_squeeze %dma_wait3A_462 : memref<1x1x128xi32, #tpu.memory_space<vmem>> -> memref<128xi32, #tpu.memory_space<vmem>>
        %dma_wait3A_464 = tpu.memref_slice %arg2[%dma_wait3A_454, %add3A_451] : memref<2x800000xi32, #tpu.memory_space<hbm>> -> memref<1x128xi32, #tpu.memory_space<hbm>>
        %dma_wait3A_465 = tpu.memref_squeeze %dma_wait3A_464 : memref<1x128xi32, #tpu.memory_space<hbm>> -> memref<128xi32, #tpu.memory_space<hbm>>
        tpu.wait_dma2 semaphore(%arg12 : memref<!tpu.dma_semaphore, #tpu.memory_space<semaphore_mem>>) src(%dma_wait3A_465 : memref<128xi32, #tpu.memory_space<hbm>>) dst(%dma_wait3A_463 : memref<128xi32, #tpu.memory_space<vmem>>)
        %add3A_466 = arith.constant 256 : i32
        %add3A_467 = arith.addi %add3A_421, %add3A_466 : i32
        %rem3A_468 = arith.constant 3 : i32
        %rem3A_469 = arith.remsi %add3A_418, %rem3A_468 : i32
        %dma_wait3A_470 = arith.constant 1 : i32
        %dma_wait3A_471 = arith.constant 2 : i32
        %dma_wait3A_472 = arith.constant 0 : i32
        %dma_wait3A_473 = tpu.memref_slice %arg10[%rem3A_469, %dma_wait3A_471, %dma_wait3A_472] : memref<3x3x128xi32, #tpu.memory_space<vmem>> -> memref<1x1x128xi32, #tpu.memory_space<vmem>>
        %dma_wait3A_474 = tpu.memref_squeeze %dma_wait3A_473 : memref<1x1x128xi32, #tpu.memory_space<vmem>> -> memref<128xi32, #tpu.memory_space<vmem>>
        %dma_wait3A_475 = tpu.memref_slice %arg2[%dma_wait3A_470, %add3A_467] : memref<2x800000xi32, #tpu.memory_space<hbm>> -> memref<1x128xi32, #tpu.memory_space<hbm>>
        %dma_wait3A_476 = tpu.memref_squeeze %dma_wait3A_475 : memref<1x128xi32, #tpu.memory_space<hbm>> -> memref<128xi32, #tpu.memory_space<hbm>>
        %dma_wait3A_477 = arith.constant 0 : i32
        %dma_wait3A_478 = tpu.memref_slice %arg10[%rem3A_469, %dma_wait3A_471, %dma_wait3A_477] : memref<3x3x128xi32, #tpu.memory_space<vmem>> -> memref<1x1x128xi32, #tpu.memory_space<vmem>>
        %dma_wait3A_479 = tpu.memref_squeeze %dma_wait3A_478 : memref<1x1x128xi32, #tpu.memory_space<vmem>> -> memref<128xi32, #tpu.memory_space<vmem>>
        %dma_wait3A_480 = tpu.memref_slice %arg2[%dma_wait3A_470, %add3A_467] : memref<2x800000xi32, #tpu.memory_space<hbm>> -> memref<1x128xi32, #tpu.memory_space<hbm>>
        %dma_wait3A_481 = tpu.memref_squeeze %dma_wait3A_480 : memref<1x128xi32, #tpu.memory_space<hbm>> -> memref<128xi32, #tpu.memory_space<hbm>>
        tpu.wait_dma2 semaphore(%arg12 : memref<!tpu.dma_semaphore, #tpu.memory_space<semaphore_mem>>) src(%dma_wait3A_481 : memref<128xi32, #tpu.memory_space<hbm>>) dst(%dma_wait3A_479 : memref<128xi32, #tpu.memory_space<vmem>>)
      } else {
      }
      %add3A_400 = arith.constant 1 : i32
      %add3A_401 = arith.addi %scan3A_284, %add3A_400 : i32
      %lt3A_402 = arith.constant 130 : i32
      %lt3A_403 = arith.cmpi slt, %add3A_401, %lt3A_402 : i32
      %eq3A_404 = arith.constant 1 : i32
      %eq3A_405 = arith.cmpi eq, %rem3A_290, %eq3A_404 : i32
      %and3A_406 = arith.andi %lt3A_403, %eq3A_405 : i1
      %convert_element_type3A_407 = arith.extui %and3A_406 : i1 to i32
      %cond3A_408 = arith.constant 0 : i32
      %cond3A_409 = arith.cmpi ne, %convert_element_type3A_407, %cond3A_408 : i32
      scf.if %cond3A_409 {
        %add3A_417 = arith.constant 1 : i32
        %add3A_418 = arith.addi %scan3A_284, %add3A_417 : i32
        %mul3A_419 = arith.constant 384 : i32
        %mul3A_420 = arith.muli %add3A_418, %mul3A_419 : i32
        %add3A_421 = arith.addi %mul3A_1, %mul3A_420 : i32
        %dma_wait3A_422 = arith.constant 0 : i32
        %dma_wait3A_423 = arith.constant 1 : i32
        %dma_wait3A_424 = arith.constant 0 : i32
        %dma_wait3A_425 = tpu.memref_slice %arg9[%dma_wait3A_423, %dma_wait3A_424] : memref<2x384xi32, #tpu.memory_space<vmem>> -> memref<1x384xi32, #tpu.memory_space<vmem>>
        %dma_wait3A_426 = tpu.memref_squeeze %dma_wait3A_425 : memref<1x384xi32, #tpu.memory_space<vmem>> -> memref<384xi32, #tpu.memory_space<vmem>>
        %dma_wait3A_427 = tpu.memref_slice %arg2[%dma_wait3A_422, %add3A_421] : memref<2x800000xi32, #tpu.memory_space<hbm>> -> memref<1x384xi32, #tpu.memory_space<hbm>>
        %dma_wait3A_428 = tpu.memref_squeeze %dma_wait3A_427 : memref<1x384xi32, #tpu.memory_space<hbm>> -> memref<384xi32, #tpu.memory_space<hbm>>
        %dma_wait3A_429 = arith.constant 0 : i32
        %dma_wait3A_430 = tpu.memref_slice %arg9[%dma_wait3A_423, %dma_wait3A_429] : memref<2x384xi32, #tpu.memory_space<vmem>> -> memref<1x384xi32, #tpu.memory_space<vmem>>
        %dma_wait3A_431 = tpu.memref_squeeze %dma_wait3A_430 : memref<1x384xi32, #tpu.memory_space<vmem>> -> memref<384xi32, #tpu.memory_space<vmem>>
        %dma_wait3A_432 = tpu.memref_slice %arg2[%dma_wait3A_422, %add3A_421] : memref<2x800000xi32, #tpu.memory_space<hbm>> -> memref<1x384xi32, #tpu.memory_space<hbm>>
        %dma_wait3A_433 = tpu.memref_squeeze %dma_wait3A_432 : memref<1x384xi32, #tpu.memory_space<hbm>> -> memref<384xi32, #tpu.memory_space<hbm>>
        tpu.wait_dma2 semaphore(%arg13 : memref<!tpu.dma_semaphore, #tpu.memory_space<semaphore_mem>>) src(%dma_wait3A_433 : memref<384xi32, #tpu.memory_space<hbm>>) dst(%dma_wait3A_431 : memref<384xi32, #tpu.memory_space<vmem>>)
        %add3A_434 = arith.constant 0 : i32
        %add3A_435 = arith.addi %add3A_421, %add3A_434 : i32
        %rem3A_436 = arith.constant 3 : i32
        %rem3A_437 = arith.remsi %add3A_418, %rem3A_436 : i32
        %dma_wait3A_438 = arith.constant 1 : i32
        %dma_wait3A_439 = arith.constant 0 : i32
        %dma_wait3A_440 = arith.constant 0 : i32
        %dma_wait3A_441 = tpu.memref_slice %arg10[%rem3A_437, %dma_wait3A_439, %dma_wait3A_440] : memref<3x3x128xi32, #tpu.memory_space<vmem>> -> memref<1x1x128xi32, #tpu.memory_space<vmem>>
        %dma_wait3A_442 = tpu.memref_squeeze %dma_wait3A_441 : memref<1x1x128xi32, #tpu.memory_space<vmem>> -> memref<128xi32, #tpu.memory_space<vmem>>
        %dma_wait3A_443 = tpu.memref_slice %arg2[%dma_wait3A_438, %add3A_435] : memref<2x800000xi32, #tpu.memory_space<hbm>> -> memref<1x128xi32, #tpu.memory_space<hbm>>
        %dma_wait3A_444 = tpu.memref_squeeze %dma_wait3A_443 : memref<1x128xi32, #tpu.memory_space<hbm>> -> memref<128xi32, #tpu.memory_space<hbm>>
        %dma_wait3A_445 = arith.constant 0 : i32
        %dma_wait3A_446 = tpu.memref_slice %arg10[%rem3A_437, %dma_wait3A_439, %dma_wait3A_445] : memref<3x3x128xi32, #tpu.memory_space<vmem>> -> memref<1x1x128xi32, #tpu.memory_space<vmem>>
        %dma_wait3A_447 = tpu.memref_squeeze %dma_wait3A_446 : memref<1x1x128xi32, #tpu.memory_space<vmem>> -> memref<128xi32, #tpu.memory_space<vmem>>
        %dma_wait3A_448 = tpu.memref_slice %arg2[%dma_wait3A_438, %add3A_435] : memref<2x800000xi32, #tpu.memory_space<hbm>> -> memref<1x128xi32, #tpu.memory_space<hbm>>
        %dma_wait3A_449 = tpu.memref_squeeze %dma_wait3A_448 : memref<1x128xi32, #tpu.memory_space<hbm>> -> memref<128xi32, #tpu.memory_space<hbm>>
        tpu.wait_dma2 semaphore(%arg13 : memref<!tpu.dma_semaphore, #tpu.memory_space<semaphore_mem>>) src(%dma_wait3A_449 : memref<128xi32, #tpu.memory_space<hbm>>) dst(%dma_wait3A_447 : memref<128xi32, #tpu.memory_space<vmem>>)
        %add3A_450 = arith.constant 128 : i32
        %add3A_451 = arith.addi %add3A_421, %add3A_450 : i32
        %rem3A_452 = arith.constant 3 : i32
        %rem3A_453 = arith.remsi %add3A_418, %rem3A_452 : i32
        %dma_wait3A_454 = arith.constant 1 : i32
        %dma_wait3A_455 = arith.constant 1 : i32
        %dma_wait3A_456 = arith.constant 0 : i32
        %dma_wait3A_457 = tpu.memref_slice %arg10[%rem3A_453, %dma_wait3A_455, %dma_wait3A_456] : memref<3x3x128xi32, #tpu.memory_space<vmem>> -> memref<1x1x128xi32, #tpu.memory_space<vmem>>
        %dma_wait3A_458 = tpu.memref_squeeze %dma_wait3A_457 : memref<1x1x128xi32, #tpu.memory_space<vmem>> -> memref<128xi32, #tpu.memory_space<vmem>>
        %dma_wait3A_459 = tpu.memref_slice %arg2[%dma_wait3A_454, %add3A_451] : memref<2x800000xi32, #tpu.memory_space<hbm>> -> memref<1x128xi32, #tpu.memory_space<hbm>>
        %dma_wait3A_460 = tpu.memref_squeeze %dma_wait3A_459 : memref<1x128xi32, #tpu.memory_space<hbm>> -> memref<128xi32, #tpu.memory_space<hbm>>
        %dma_wait3A_461 = arith.constant 0 : i32
        %dma_wait3A_462 = tpu.memref_slice %arg10[%rem3A_453, %dma_wait3A_455, %dma_wait3A_461] : memref<3x3x128xi32, #tpu.memory_space<vmem>> -> memref<1x1x128xi32, #tpu.memory_space<vmem>>
        %dma_wait3A_463 = tpu.memref_squeeze %dma_wait3A_462 : memref<1x1x128xi32, #tpu.memory_space<vmem>> -> memref<128xi32, #tpu.memory_space<vmem>>
        %dma_wait3A_464 = tpu.memref_slice %arg2[%dma_wait3A_454, %add3A_451] : memref<2x800000xi32, #tpu.memory_space<hbm>> -> memref<1x128xi32, #tpu.memory_space<hbm>>
        %dma_wait3A_465 = tpu.memref_squeeze %dma_wait3A_464 : memref<1x128xi32, #tpu.memory_space<hbm>> -> memref<128xi32, #tpu.memory_space<hbm>>
        tpu.wait_dma2 semaphore(%arg13 : memref<!tpu.dma_semaphore, #tpu.memory_space<semaphore_mem>>) src(%dma_wait3A_465 : memref<128xi32, #tpu.memory_space<hbm>>) dst(%dma_wait3A_463 : memref<128xi32, #tpu.memory_space<vmem>>)
        %add3A_466 = arith.constant 256 : i32
        %add3A_467 = arith.addi %add3A_421, %add3A_466 : i32
        %rem3A_468 = arith.constant 3 : i32
        %rem3A_469 = arith.remsi %add3A_418, %rem3A_468 : i32
        %dma_wait3A_470 = arith.constant 1 : i32
        %dma_wait3A_471 = arith.constant 2 : i32
        %dma_wait3A_472 = arith.constant 0 : i32
        %dma_wait3A_473 = tpu.memref_slice %arg10[%rem3A_469, %dma_wait3A_471, %dma_wait3A_472] : memref<3x3x128xi32, #tpu.memory_space<vmem>> -> memref<1x1x128xi32, #tpu.memory_space<vmem>>
        %dma_wait3A_474 = tpu.memref_squeeze %dma_wait3A_473 : memref<1x1x128xi32, #tpu.memory_space<vmem>> -> memref<128xi32, #tpu.memory_space<vmem>>
        %dma_wait3A_475 = tpu.memref_slice %arg2[%dma_wait3A_470, %add3A_467] : memref<2x800000xi32, #tpu.memory_space<hbm>> -> memref<1x128xi32, #tpu.memory_space<hbm>>
        %dma_wait3A_476 = tpu.memref_squeeze %dma_wait3A_475 : memref<1x128xi32, #tpu.memory_space<hbm>> -> memref<128xi32, #tpu.memory_space<hbm>>
        %dma_wait3A_477 = arith.constant 0 : i32
        %dma_wait3A_478 = tpu.memref_slice %arg10[%rem3A_469, %dma_wait3A_471, %dma_wait3A_477] : memref<3x3x128xi32, #tpu.memory_space<vmem>> -> memref<1x1x128xi32, #tpu.memory_space<vmem>>
        %dma_wait3A_479 = tpu.memref_squeeze %dma_wait3A_478 : memref<1x1x128xi32, #tpu.memory_space<vmem>> -> memref<128xi32, #tpu.memory_space<vmem>>
        %dma_wait3A_480 = tpu.memref_slice %arg2[%dma_wait3A_470, %add3A_467] : memref<2x800000xi32, #tpu.memory_space<hbm>> -> memref<1x128xi32, #tpu.memory_space<hbm>>
        %dma_wait3A_481 = tpu.memref_squeeze %dma_wait3A_480 : memref<1x128xi32, #tpu.memory_space<hbm>> -> memref<128xi32, #tpu.memory_space<hbm>>
        tpu.wait_dma2 semaphore(%arg13 : memref<!tpu.dma_semaphore, #tpu.memory_space<semaphore_mem>>) src(%dma_wait3A_481 : memref<128xi32, #tpu.memory_space<hbm>>) dst(%dma_wait3A_479 : memref<128xi32, #tpu.memory_space<vmem>>)
      } else {
      }
      %add3A_410 = arith.constant 1 : i32
      %add3A_411 = arith.addi %scan3A_284, %add3A_410 : i32
      %lt3A_412 = arith.constant 130 : i32
      %lt3A_413 = arith.cmpi slt, %add3A_411, %lt3A_412 : i32
      %convert_element_type3A_414 = arith.extui %lt3A_413 : i1 to i32
      %cond3A_415 = arith.constant 0 : i32
      %cond3A_416 = arith.cmpi ne, %convert_element_type3A_414, %cond3A_415 : i32
      scf.if %cond3A_416 {
        %eq3A_417 = arith.constant 0 : i32
        %eq3A_418 = arith.cmpi eq, %arg0, %eq3A_417 : i32
        %convert_element_type3A_419 = arith.extui %eq3A_418 : i1 to i32
        %cond3A_420 = arith.constant 0 : i32
        %cond3A_421 = arith.cmpi ne, %convert_element_type3A_419, %cond3A_420 : i32
        scf.if %cond3A_421 {
          %dma_start3A_427 = arith.constant 0 : i32
          %dma_start3A_428 = arith.constant 0 : i32
          %dma_start3A_429 = arith.constant 0 : i32
          %dma_start3A_430 = tpu.memref_slice %arg11[%rem3A_290, %dma_start3A_427, %dma_start3A_428, %dma_start3A_429] : memref<2x3x128x32xf32, #tpu.memory_space<vmem>> -> memref<1x1x128x32xf32, #tpu.memory_space<vmem>>
          %dma_start3A_431 = tpu.memref_squeeze %dma_start3A_430 : memref<1x1x128x32xf32, #tpu.memory_space<vmem>> -> memref<128x32xf32, #tpu.memory_space<vmem>>
          %dma_start3A_432 = arith.constant 0 : i32
          %dma_start3A_433 = tpu.memref_slice %arg9[%rem3A_290, %dma_start3A_432] : memref<2x384xi32, #tpu.memory_space<vmem>> -> memref<1x128xi32, #tpu.memory_space<vmem>>
          %dma_start3A_434 = tpu.memref_squeeze %dma_start3A_433 : memref<1x128xi32, #tpu.memory_space<vmem>> -> memref<128xi32, #tpu.memory_space<vmem>>
          %dma_start3A_435 = arith.constant 0 : i32
          %dma_start3A_436 = arith.constant 0 : i32
          %dma_start3A_437 = tpu.memref_slice %arg3[%dma_start3A_435, %dma_start3A_436] : memref<50000x32xf32, #tpu.memory_space<hbm>> -> memref<50000x32xf32, #tpu.memory_space<hbm>>
          tpu.enqueue_indirect_dma source(%dma_start3A_437 : memref<50000x32xf32, #tpu.memory_space<hbm>>) target(%dma_start3A_431 : memref<128x32xf32, #tpu.memory_space<vmem>>) offsets(%dma_start3A_434 : memref<128xi32, #tpu.memory_space<vmem>>) semaphore(%arg14 : memref<!tpu.dma_semaphore, #tpu.memory_space<semaphore_mem>>)
          %dma_start3A_438 = arith.constant 1 : i32
          %dma_start3A_439 = arith.constant 0 : i32
          %dma_start3A_440 = arith.constant 0 : i32
          %dma_start3A_441 = tpu.memref_slice %arg11[%rem3A_290, %dma_start3A_438, %dma_start3A_439, %dma_start3A_440] : memref<2x3x128x32xf32, #tpu.memory_space<vmem>> -> memref<1x1x128x32xf32, #tpu.memory_space<vmem>>
          %dma_start3A_442 = tpu.memref_squeeze %dma_start3A_441 : memref<1x1x128x32xf32, #tpu.memory_space<vmem>> -> memref<128x32xf32, #tpu.memory_space<vmem>>
          %dma_start3A_443 = arith.constant 128 : i32
          %dma_start3A_444 = tpu.memref_slice %arg9[%rem3A_290, %dma_start3A_443] : memref<2x384xi32, #tpu.memory_space<vmem>> -> memref<1x128xi32, #tpu.memory_space<vmem>>
          %dma_start3A_445 = tpu.memref_squeeze %dma_start3A_444 : memref<1x128xi32, #tpu.memory_space<vmem>> -> memref<128xi32, #tpu.memory_space<vmem>>
          %dma_start3A_446 = arith.constant 0 : i32
          %dma_start3A_447 = arith.constant 0 : i32
          %dma_start3A_448 = tpu.memref_slice %arg3[%dma_start3A_446, %dma_start3A_447] : memref<50000x32xf32, #tpu.memory_space<hbm>> -> memref<50000x32xf32, #tpu.memory_space<hbm>>
          tpu.enqueue_indirect_dma source(%dma_start3A_448 : memref<50000x32xf32, #tpu.memory_space<hbm>>) target(%dma_start3A_442 : memref<128x32xf32, #tpu.memory_space<vmem>>) offsets(%dma_start3A_445 : memref<128xi32, #tpu.memory_space<vmem>>) semaphore(%arg15 : memref<!tpu.dma_semaphore, #tpu.memory_space<semaphore_mem>>)
          %dma_start3A_449 = arith.constant 2 : i32
          %dma_start3A_450 = arith.constant 0 : i32
          %dma_start3A_451 = arith.constant 0 : i32
          %dma_start3A_452 = tpu.memref_slice %arg11[%rem3A_290, %dma_start3A_449, %dma_start3A_450, %dma_start3A_451] : memref<2x3x128x32xf32, #tpu.memory_space<vmem>> -> memref<1x1x128x32xf32, #tpu.memory_space<vmem>>
          %dma_start3A_453 = tpu.memref_squeeze %dma_start3A_452 : memref<1x1x128x32xf32, #tpu.memory_space<vmem>> -> memref<128x32xf32, #tpu.memory_space<vmem>>
          %dma_start3A_454 = arith.constant 256 : i32
          %dma_start3A_455 = tpu.memref_slice %arg9[%rem3A_290, %dma_start3A_454] : memref<2x384xi32, #tpu.memory_space<vmem>> -> memref<1x128xi32, #tpu.memory_space<vmem>>
          %dma_start3A_456 = tpu.memref_squeeze %dma_start3A_455 : memref<1x128xi32, #tpu.memory_space<vmem>> -> memref<128xi32, #tpu.memory_space<vmem>>
          %dma_start3A_457 = arith.constant 0 : i32
          %dma_start3A_458 = arith.constant 0 : i32
          %dma_start3A_459 = tpu.memref_slice %arg3[%dma_start3A_457, %dma_start3A_458] : memref<50000x32xf32, #tpu.memory_space<hbm>> -> memref<50000x32xf32, #tpu.memory_space<hbm>>
          tpu.enqueue_indirect_dma source(%dma_start3A_459 : memref<50000x32xf32, #tpu.memory_space<hbm>>) target(%dma_start3A_453 : memref<128x32xf32, #tpu.memory_space<vmem>>) offsets(%dma_start3A_456 : memref<128xi32, #tpu.memory_space<vmem>>) semaphore(%arg16 : memref<!tpu.dma_semaphore, #tpu.memory_space<semaphore_mem>>)
        } else {
        }
        %eq3A_422 = arith.constant 1 : i32
        %eq3A_423 = arith.cmpi eq, %arg0, %eq3A_422 : i32
        %convert_element_type3A_424 = arith.extui %eq3A_423 : i1 to i32
        %cond3A_425 = arith.constant 0 : i32
        %cond3A_426 = arith.cmpi ne, %convert_element_type3A_424, %cond3A_425 : i32
        scf.if %cond3A_426 {
          %dma_start3A_427 = arith.constant 0 : i32
          %dma_start3A_428 = arith.constant 0 : i32
          %dma_start3A_429 = arith.constant 0 : i32
          %dma_start3A_430 = tpu.memref_slice %arg11[%rem3A_290, %dma_start3A_427, %dma_start3A_428, %dma_start3A_429] : memref<2x3x128x32xf32, #tpu.memory_space<vmem>> -> memref<1x1x128x32xf32, #tpu.memory_space<vmem>>
          %dma_start3A_431 = tpu.memref_squeeze %dma_start3A_430 : memref<1x1x128x32xf32, #tpu.memory_space<vmem>> -> memref<128x32xf32, #tpu.memory_space<vmem>>
          %dma_start3A_432 = arith.constant 0 : i32
          %dma_start3A_433 = tpu.memref_slice %arg9[%rem3A_290, %dma_start3A_432] : memref<2x384xi32, #tpu.memory_space<vmem>> -> memref<1x128xi32, #tpu.memory_space<vmem>>
          %dma_start3A_434 = tpu.memref_squeeze %dma_start3A_433 : memref<1x128xi32, #tpu.memory_space<vmem>> -> memref<128xi32, #tpu.memory_space<vmem>>
          %dma_start3A_435 = arith.constant 0 : i32
          %dma_start3A_436 = arith.constant 0 : i32
          %dma_start3A_437 = tpu.memref_slice %arg4[%dma_start3A_435, %dma_start3A_436] : memref<50000x32xf32, #tpu.memory_space<hbm>> -> memref<50000x32xf32, #tpu.memory_space<hbm>>
          tpu.enqueue_indirect_dma source(%dma_start3A_437 : memref<50000x32xf32, #tpu.memory_space<hbm>>) target(%dma_start3A_431 : memref<128x32xf32, #tpu.memory_space<vmem>>) offsets(%dma_start3A_434 : memref<128xi32, #tpu.memory_space<vmem>>) semaphore(%arg14 : memref<!tpu.dma_semaphore, #tpu.memory_space<semaphore_mem>>)
          %dma_start3A_438 = arith.constant 1 : i32
          %dma_start3A_439 = arith.constant 0 : i32
          %dma_start3A_440 = arith.constant 0 : i32
          %dma_start3A_441 = tpu.memref_slice %arg11[%rem3A_290, %dma_start3A_438, %dma_start3A_439, %dma_start3A_440] : memref<2x3x128x32xf32, #tpu.memory_space<vmem>> -> memref<1x1x128x32xf32, #tpu.memory_space<vmem>>
          %dma_start3A_442 = tpu.memref_squeeze %dma_start3A_441 : memref<1x1x128x32xf32, #tpu.memory_space<vmem>> -> memref<128x32xf32, #tpu.memory_space<vmem>>
          %dma_start3A_443 = arith.constant 128 : i32
          %dma_start3A_444 = tpu.memref_slice %arg9[%rem3A_290, %dma_start3A_443] : memref<2x384xi32, #tpu.memory_space<vmem>> -> memref<1x128xi32, #tpu.memory_space<vmem>>
          %dma_start3A_445 = tpu.memref_squeeze %dma_start3A_444 : memref<1x128xi32, #tpu.memory_space<vmem>> -> memref<128xi32, #tpu.memory_space<vmem>>
          %dma_start3A_446 = arith.constant 0 : i32
          %dma_start3A_447 = arith.constant 0 : i32
          %dma_start3A_448 = tpu.memref_slice %arg4[%dma_start3A_446, %dma_start3A_447] : memref<50000x32xf32, #tpu.memory_space<hbm>> -> memref<50000x32xf32, #tpu.memory_space<hbm>>
          tpu.enqueue_indirect_dma source(%dma_start3A_448 : memref<50000x32xf32, #tpu.memory_space<hbm>>) target(%dma_start3A_442 : memref<128x32xf32, #tpu.memory_space<vmem>>) offsets(%dma_start3A_445 : memref<128xi32, #tpu.memory_space<vmem>>) semaphore(%arg15 : memref<!tpu.dma_semaphore, #tpu.memory_space<semaphore_mem>>)
          %dma_start3A_449 = arith.constant 2 : i32
          %dma_start3A_450 = arith.constant 0 : i32
          %dma_start3A_451 = arith.constant 0 : i32
          %dma_start3A_452 = tpu.memref_slice %arg11[%rem3A_290, %dma_start3A_449, %dma_start3A_450, %dma_start3A_451] : memref<2x3x128x32xf32, #tpu.memory_space<vmem>> -> memref<1x1x128x32xf32, #tpu.memory_space<vmem>>
          %dma_start3A_453 = tpu.memref_squeeze %dma_start3A_452 : memref<1x1x128x32xf32, #tpu.memory_space<vmem>> -> memref<128x32xf32, #tpu.memory_space<vmem>>
          %dma_start3A_454 = arith.constant 256 : i32
          %dma_start3A_455 = tpu.memref_slice %arg9[%rem3A_290, %dma_start3A_454] : memref<2x384xi32, #tpu.memory_space<vmem>> -> memref<1x128xi32, #tpu.memory_space<vmem>>
          %dma_start3A_456 = tpu.memref_squeeze %dma_start3A_455 : memref<1x128xi32, #tpu.memory_space<vmem>> -> memref<128xi32, #tpu.memory_space<vmem>>
          %dma_start3A_457 = arith.constant 0 : i32
          %dma_start3A_458 = arith.constant 0 : i32
          %dma_start3A_459 = tpu.memref_slice %arg4[%dma_start3A_457, %dma_start3A_458] : memref<50000x32xf32, #tpu.memory_space<hbm>> -> memref<50000x32xf32, #tpu.memory_space<hbm>>
          tpu.enqueue_indirect_dma source(%dma_start3A_459 : memref<50000x32xf32, #tpu.memory_space<hbm>>) target(%dma_start3A_453 : memref<128x32xf32, #tpu.memory_space<vmem>>) offsets(%dma_start3A_456 : memref<128xi32, #tpu.memory_space<vmem>>) semaphore(%arg16 : memref<!tpu.dma_semaphore, #tpu.memory_space<semaphore_mem>>)
        } else {
        }
      } else {
      }
    }
    %scan3A_142 = arith.constant 130 : i32
    %dma_wait3A_143 = arith.constant 1 : i32
    %dma_wait3A_144 = arith.constant 0 : i32
    %dma_wait3A_145 = arith.constant 0 : i32
    %dma_wait3A_146 = arith.constant 0 : i32
    %dma_wait3A_147 = arith.constant 0 : i32
    %dma_wait3A_148 = arith.constant 0 : i32
    %dma_wait3A_149 = tpu.memref_slice %arg11[%dma_wait3A_143, %dma_wait3A_144, %dma_wait3A_147, %dma_wait3A_148] : memref<2x3x128x32xf32, #tpu.memory_space<vmem>> -> memref<1x1x128x32xf32, #tpu.memory_space<vmem>>
    %dma_wait3A_150 = tpu.memref_squeeze %dma_wait3A_149 : memref<1x1x128x32xf32, #tpu.memory_space<vmem>> -> memref<128x32xf32, #tpu.memory_space<vmem>>
    %dma_wait3A_151 = arith.constant 0 : i32
    %dma_wait3A_152 = tpu.memref_slice %arg10[%dma_wait3A_145, %dma_wait3A_146, %dma_wait3A_151] : memref<3x3x128xi32, #tpu.memory_space<vmem>> -> memref<1x1x128xi32, #tpu.memory_space<vmem>>
    %dma_wait3A_153 = tpu.memref_squeeze %dma_wait3A_152 : memref<1x1x128xi32, #tpu.memory_space<vmem>> -> memref<128xi32, #tpu.memory_space<vmem>>
    %dma_wait3A_154 = arith.constant 0 : i32
    %dma_wait3A_155 = arith.constant 0 : i32
    %dma_wait3A_156 = tpu.memref_slice %arg8[%dma_wait3A_154, %dma_wait3A_155] : memref<50048x32xf32, #tpu.memory_space<vmem_shared>> -> memref<50048x32xf32, #tpu.memory_space<vmem_shared>>
    tpu.wait_indirect_dma semaphore(%arg17 : memref<!tpu.dma_semaphore, #tpu.memory_space<semaphore_mem>>) src(%dma_wait3A_150 : memref<128x32xf32, #tpu.memory_space<vmem>>) dst(%dma_wait3A_156 : memref<50048x32xf32, #tpu.memory_space<vmem_shared>>)
    %dma_wait3A_157 = arith.constant 1 : i32
    %dma_wait3A_158 = arith.constant 1 : i32
    %dma_wait3A_159 = arith.constant 0 : i32
    %dma_wait3A_160 = arith.constant 1 : i32
    %dma_wait3A_161 = arith.constant 0 : i32
    %dma_wait3A_162 = arith.constant 0 : i32
    %dma_wait3A_163 = tpu.memref_slice %arg11[%dma_wait3A_157, %dma_wait3A_158, %dma_wait3A_161, %dma_wait3A_162] : memref<2x3x128x32xf32, #tpu.memory_space<vmem>> -> memref<1x1x128x32xf32, #tpu.memory_space<vmem>>
    %dma_wait3A_164 = tpu.memref_squeeze %dma_wait3A_163 : memref<1x1x128x32xf32, #tpu.memory_space<vmem>> -> memref<128x32xf32, #tpu.memory_space<vmem>>
    %dma_wait3A_165 = arith.constant 0 : i32
    %dma_wait3A_166 = tpu.memref_slice %arg10[%dma_wait3A_159, %dma_wait3A_160, %dma_wait3A_165] : memref<3x3x128xi32, #tpu.memory_space<vmem>> -> memref<1x1x128xi32, #tpu.memory_space<vmem>>
    %dma_wait3A_167 = tpu.memref_squeeze %dma_wait3A_166 : memref<1x1x128xi32, #tpu.memory_space<vmem>> -> memref<128xi32, #tpu.memory_space<vmem>>
    %dma_wait3A_168 = arith.constant 0 : i32
    %dma_wait3A_169 = arith.constant 0 : i32
    %dma_wait3A_170 = tpu.memref_slice %arg8[%dma_wait3A_168, %dma_wait3A_169] : memref<50048x32xf32, #tpu.memory_space<vmem_shared>> -> memref<50048x32xf32, #tpu.memory_space<vmem_shared>>
    tpu.wait_indirect_dma semaphore(%arg18 : memref<!tpu.dma_semaphore, #tpu.memory_space<semaphore_mem>>) src(%dma_wait3A_164 : memref<128x32xf32, #tpu.memory_space<vmem>>) dst(%dma_wait3A_170 : memref<50048x32xf32, #tpu.memory_space<vmem_shared>>)
    %dma_wait3A_171 = arith.constant 1 : i32
    %dma_wait3A_172 = arith.constant 2 : i32
    %dma_wait3A_173 = arith.constant 0 : i32
    %dma_wait3A_174 = arith.constant 2 : i32
    %dma_wait3A_175 = arith.constant 0 : i32
    %dma_wait3A_176 = arith.constant 0 : i32
    %dma_wait3A_177 = tpu.memref_slice %arg11[%dma_wait3A_171, %dma_wait3A_172, %dma_wait3A_175, %dma_wait3A_176] : memref<2x3x128x32xf32, #tpu.memory_space<vmem>> -> memref<1x1x128x32xf32, #tpu.memory_space<vmem>>
    %dma_wait3A_178 = tpu.memref_squeeze %dma_wait3A_177 : memref<1x1x128x32xf32, #tpu.memory_space<vmem>> -> memref<128x32xf32, #tpu.memory_space<vmem>>
    %dma_wait3A_179 = arith.constant 0 : i32
    %dma_wait3A_180 = tpu.memref_slice %arg10[%dma_wait3A_173, %dma_wait3A_174, %dma_wait3A_179] : memref<3x3x128xi32, #tpu.memory_space<vmem>> -> memref<1x1x128xi32, #tpu.memory_space<vmem>>
    %dma_wait3A_181 = tpu.memref_squeeze %dma_wait3A_180 : memref<1x1x128xi32, #tpu.memory_space<vmem>> -> memref<128xi32, #tpu.memory_space<vmem>>
    %dma_wait3A_182 = arith.constant 0 : i32
    %dma_wait3A_183 = arith.constant 0 : i32
    %dma_wait3A_184 = tpu.memref_slice %arg8[%dma_wait3A_182, %dma_wait3A_183] : memref<50048x32xf32, #tpu.memory_space<vmem_shared>> -> memref<50048x32xf32, #tpu.memory_space<vmem_shared>>
    tpu.wait_indirect_dma semaphore(%arg19 : memref<!tpu.dma_semaphore, #tpu.memory_space<semaphore_mem>>) src(%dma_wait3A_178 : memref<128x32xf32, #tpu.memory_space<vmem>>) dst(%dma_wait3A_184 : memref<50048x32xf32, #tpu.memory_space<vmem_shared>>)
    %add3A_185 = arith.constant 49920 : i32
    %add3A_186 = arith.addi %mul3A_1, %add3A_185 : i32
    %run_scoped3A = arith.constant 0 : i32
    %run_scoped3A_187 = arith.constant 0 : i32
    "tpu.region"() ({
      %run_scoped3A_284 = tpu.sem_alloc : memref<!tpu.dma_semaphore, #tpu.memory_space<semaphore_mem>>
      %dma_start3A_285 = arith.constant 0 : i32
      %dma_start3A_286 = tpu.memref_slice %arg9[%run_scoped3A_187, %dma_start3A_285] : memref<2x384xi32, #tpu.memory_space<vmem>> -> memref<1x80xi32, #tpu.memory_space<vmem>>
      %dma_start3A_287 = tpu.memref_squeeze %dma_start3A_286 : memref<1x80xi32, #tpu.memory_space<vmem>> -> memref<80xi32, #tpu.memory_space<vmem>>
      %dma_start3A_288 = tpu.memref_slice %arg2[%run_scoped3A, %add3A_186] : memref<2x800000xi32, #tpu.memory_space<hbm>> -> memref<1x80xi32, #tpu.memory_space<hbm>>
      %dma_start3A_289 = tpu.memref_squeeze %dma_start3A_288 : memref<1x80xi32, #tpu.memory_space<hbm>> -> memref<80xi32, #tpu.memory_space<hbm>>
      %dma_start3A_290 = arith.constant 0 : i32
      %dma_start3A_291 = tpu.memref_slice %arg9[%run_scoped3A_187, %dma_start3A_290] : memref<2x384xi32, #tpu.memory_space<vmem>> -> memref<1x80xi32, #tpu.memory_space<vmem>>
      %dma_start3A_292 = tpu.memref_squeeze %dma_start3A_291 : memref<1x80xi32, #tpu.memory_space<vmem>> -> memref<80xi32, #tpu.memory_space<vmem>>
      %dma_start3A_293 = tpu.memref_slice %arg2[%run_scoped3A, %add3A_186] : memref<2x800000xi32, #tpu.memory_space<hbm>> -> memref<1x80xi32, #tpu.memory_space<hbm>>
      %dma_start3A_294 = tpu.memref_squeeze %dma_start3A_293 : memref<1x80xi32, #tpu.memory_space<hbm>> -> memref<80xi32, #tpu.memory_space<hbm>>
      tpu.enqueue_dma source(%dma_start3A_294 : memref<80xi32, #tpu.memory_space<hbm>>) target(%dma_start3A_292 : memref<80xi32, #tpu.memory_space<vmem>>) target_semaphore(%run_scoped3A_284 : memref<!tpu.dma_semaphore, #tpu.memory_space<semaphore_mem>>)
      %dma_wait3A_295 = arith.constant 0 : i32
      %dma_wait3A_296 = tpu.memref_slice %arg9[%run_scoped3A_187, %dma_wait3A_295] : memref<2x384xi32, #tpu.memory_space<vmem>> -> memref<1x80xi32, #tpu.memory_space<vmem>>
      %dma_wait3A_297 = tpu.memref_squeeze %dma_wait3A_296 : memref<1x80xi32, #tpu.memory_space<vmem>> -> memref<80xi32, #tpu.memory_space<vmem>>
      %dma_wait3A_298 = tpu.memref_slice %arg2[%run_scoped3A, %add3A_186] : memref<2x800000xi32, #tpu.memory_space<hbm>> -> memref<1x80xi32, #tpu.memory_space<hbm>>
      %dma_wait3A_299 = tpu.memref_squeeze %dma_wait3A_298 : memref<1x80xi32, #tpu.memory_space<hbm>> -> memref<80xi32, #tpu.memory_space<hbm>>
      %dma_wait3A_300 = arith.constant 0 : i32
      %dma_wait3A_301 = tpu.memref_slice %arg9[%run_scoped3A_187, %dma_wait3A_300] : memref<2x384xi32, #tpu.memory_space<vmem>> -> memref<1x80xi32, #tpu.memory_space<vmem>>
      %dma_wait3A_302 = tpu.memref_squeeze %dma_wait3A_301 : memref<1x80xi32, #tpu.memory_space<vmem>> -> memref<80xi32, #tpu.memory_space<vmem>>
      %dma_wait3A_303 = tpu.memref_slice %arg2[%run_scoped3A, %add3A_186] : memref<2x800000xi32, #tpu.memory_space<hbm>> -> memref<1x80xi32, #tpu.memory_space<hbm>>
      %dma_wait3A_304 = tpu.memref_squeeze %dma_wait3A_303 : memref<1x80xi32, #tpu.memory_space<hbm>> -> memref<80xi32, #tpu.memory_space<hbm>>
      tpu.wait_dma2 semaphore(%run_scoped3A_284 : memref<!tpu.dma_semaphore, #tpu.memory_space<semaphore_mem>>) src(%dma_wait3A_304 : memref<80xi32, #tpu.memory_space<hbm>>) dst(%dma_wait3A_302 : memref<80xi32, #tpu.memory_space<vmem>>)
      tpu.yield
    }) : () -> ()
    %run_scoped3A_188 = arith.constant 1 : i32
    %run_scoped3A_189 = arith.constant 0 : i32
    %run_scoped3A_190 = arith.constant 0 : i32
    "tpu.region"() ({
      %run_scoped3A_284 = tpu.sem_alloc : memref<!tpu.dma_semaphore, #tpu.memory_space<semaphore_mem>>
      %dma_start3A_285 = arith.constant 0 : i32
      %dma_start3A_286 = tpu.memref_slice %arg10[%run_scoped3A_189, %run_scoped3A_190, %dma_start3A_285] : memref<3x3x128xi32, #tpu.memory_space<vmem>> -> memref<1x1x80xi32, #tpu.memory_space<vmem>>
      %dma_start3A_287 = tpu.memref_squeeze %dma_start3A_286 : memref<1x1x80xi32, #tpu.memory_space<vmem>> -> memref<80xi32, #tpu.memory_space<vmem>>
      %dma_start3A_288 = tpu.memref_slice %arg2[%run_scoped3A_188, %add3A_186] : memref<2x800000xi32, #tpu.memory_space<hbm>> -> memref<1x80xi32, #tpu.memory_space<hbm>>
      %dma_start3A_289 = tpu.memref_squeeze %dma_start3A_288 : memref<1x80xi32, #tpu.memory_space<hbm>> -> memref<80xi32, #tpu.memory_space<hbm>>
      %dma_start3A_290 = arith.constant 0 : i32
      %dma_start3A_291 = tpu.memref_slice %arg10[%run_scoped3A_189, %run_scoped3A_190, %dma_start3A_290] : memref<3x3x128xi32, #tpu.memory_space<vmem>> -> memref<1x1x80xi32, #tpu.memory_space<vmem>>
      %dma_start3A_292 = tpu.memref_squeeze %dma_start3A_291 : memref<1x1x80xi32, #tpu.memory_space<vmem>> -> memref<80xi32, #tpu.memory_space<vmem>>
      %dma_start3A_293 = tpu.memref_slice %arg2[%run_scoped3A_188, %add3A_186] : memref<2x800000xi32, #tpu.memory_space<hbm>> -> memref<1x80xi32, #tpu.memory_space<hbm>>
      %dma_start3A_294 = tpu.memref_squeeze %dma_start3A_293 : memref<1x80xi32, #tpu.memory_space<hbm>> -> memref<80xi32, #tpu.memory_space<hbm>>
      tpu.enqueue_dma source(%dma_start3A_294 : memref<80xi32, #tpu.memory_space<hbm>>) target(%dma_start3A_292 : memref<80xi32, #tpu.memory_space<vmem>>) target_semaphore(%run_scoped3A_284 : memref<!tpu.dma_semaphore, #tpu.memory_space<semaphore_mem>>)
      %dma_wait3A_295 = arith.constant 0 : i32
      %dma_wait3A_296 = tpu.memref_slice %arg10[%run_scoped3A_189, %run_scoped3A_190, %dma_wait3A_295] : memref<3x3x128xi32, #tpu.memory_space<vmem>> -> memref<1x1x80xi32, #tpu.memory_space<vmem>>
      %dma_wait3A_297 = tpu.memref_squeeze %dma_wait3A_296 : memref<1x1x80xi32, #tpu.memory_space<vmem>> -> memref<80xi32, #tpu.memory_space<vmem>>
      %dma_wait3A_298 = tpu.memref_slice %arg2[%run_scoped3A_188, %add3A_186] : memref<2x800000xi32, #tpu.memory_space<hbm>> -> memref<1x80xi32, #tpu.memory_space<hbm>>
      %dma_wait3A_299 = tpu.memref_squeeze %dma_wait3A_298 : memref<1x80xi32, #tpu.memory_space<hbm>> -> memref<80xi32, #tpu.memory_space<hbm>>
      %dma_wait3A_300 = arith.constant 0 : i32
      %dma_wait3A_301 = tpu.memref_slice %arg10[%run_scoped3A_189, %run_scoped3A_190, %dma_wait3A_300] : memref<3x3x128xi32, #tpu.memory_space<vmem>> -> memref<1x1x80xi32, #tpu.memory_space<vmem>>
      %dma_wait3A_302 = tpu.memref_squeeze %dma_wait3A_301 : memref<1x1x80xi32, #tpu.memory_space<vmem>> -> memref<80xi32, #tpu.memory_space<vmem>>
      %dma_wait3A_303 = tpu.memref_slice %arg2[%run_scoped3A_188, %add3A_186] : memref<2x800000xi32, #tpu.memory_space<hbm>> -> memref<1x80xi32, #tpu.memory_space<hbm>>
      %dma_wait3A_304 = tpu.memref_squeeze %dma_wait3A_303 : memref<1x80xi32, #tpu.memory_space<hbm>> -> memref<80xi32, #tpu.memory_space<hbm>>
      tpu.wait_dma2 semaphore(%run_scoped3A_284 : memref<!tpu.dma_semaphore, #tpu.memory_space<semaphore_mem>>) src(%dma_wait3A_304 : memref<80xi32, #tpu.memory_space<hbm>>) dst(%dma_wait3A_302 : memref<80xi32, #tpu.memory_space<vmem>>)
      tpu.yield
    }) : () -> ()
    %broadcast_in_dim3A = arith.constant 0 : i32
    %broadcast_in_dim3A_191 = vector.broadcast %broadcast_in_dim3A : i32 to vector<16xi32>
    %swap3A = arith.constant 0 : i32
    %swap3A_192 = arith.index_cast %swap3A : i32 to index
    %swap3A_193 = arith.constant 80 : index
    %swap3A_194 = tpu.vector_load %arg9[%swap3A_192, %swap3A_193] {strides = array<i32>} : memref<2x384xi32, #tpu.memory_space<vmem>>, vector<1x16xi32>,
    %swap3A_195 = vector.shape_cast %swap3A_194 : vector<1x16xi32> to vector<16xi32>
    %swap3A_196 = vector.shape_cast %broadcast_in_dim3A_191 : vector<16xi32> to vector<1x16xi32>
    tpu.vector_store %arg9[%swap3A_192, %swap3A_193], %swap3A_196 {strides = array<i32>} : memref<2x384xi32, #tpu.memory_space<vmem>>, vector<1x16xi32>,
    %add3A_197 = vector.broadcast %add3A_0 : i32 to vector<16xi32>
    %add3A_198 = arith.addi %broadcast_in_dim3A_191, %add3A_197 : vector<16xi32>
    %swap3A_199 = arith.constant 0 : i32
    %swap3A_200 = arith.constant 0 : i32
    %swap3A_201 = arith.index_cast %swap3A_199 : i32 to index
    %swap3A_202 = arith.index_cast %swap3A_200 : i32 to index
    %swap3A_203 = arith.constant 80 : index
    %swap3A_204 = tpu.vector_load %arg10[%swap3A_201, %swap3A_202, %swap3A_203] {strides = array<i32>} : memref<3x3x128xi32, #tpu.memory_space<vmem>>, vector<1x1x16xi32>,
    %swap3A_205 = vector.shape_cast %swap3A_204 : vector<1x1x16xi32> to vector<16xi32>
    %swap3A_206 = vector.shape_cast %add3A_198 : vector<16xi32> to vector<1x1x16xi32>
    tpu.vector_store %arg10[%swap3A_201, %swap3A_202, %swap3A_203], %swap3A_206 {strides = array<i32>} : memref<3x3x128xi32, #tpu.memory_space<vmem>>, vector<1x1x16xi32>,
    %swap3A_207 = arith.constant 0 : i32
    %swap3A_208 = arith.index_cast %swap3A_207 : i32 to index
    %swap3A_209 = arith.constant 96 : index
    %swap3A_210 = tpu.vector_load %arg9[%swap3A_208, %swap3A_209] {strides = array<i32>} : memref<2x384xi32, #tpu.memory_space<vmem>>, vector<1x16xi32>,
    %swap3A_211 = vector.shape_cast %swap3A_210 : vector<1x16xi32> to vector<16xi32>
    %swap3A_212 = vector.shape_cast %broadcast_in_dim3A_191 : vector<16xi32> to vector<1x16xi32>
    tpu.vector_store %arg9[%swap3A_208, %swap3A_209], %swap3A_212 {strides = array<i32>} : memref<2x384xi32, #tpu.memory_space<vmem>>, vector<1x16xi32>,
    %add3A_213 = vector.broadcast %add3A_0 : i32 to vector<16xi32>
    %add3A_214 = arith.addi %broadcast_in_dim3A_191, %add3A_213 : vector<16xi32>
    %swap3A_215 = arith.constant 0 : i32
    %swap3A_216 = arith.constant 0 : i32
    %swap3A_217 = arith.index_cast %swap3A_215 : i32 to index
    %swap3A_218 = arith.index_cast %swap3A_216 : i32 to index
    %swap3A_219 = arith.constant 96 : index
    %swap3A_220 = tpu.vector_load %arg10[%swap3A_217, %swap3A_218, %swap3A_219] {strides = array<i32>} : memref<3x3x128xi32, #tpu.memory_space<vmem>>, vector<1x1x16xi32>,
    %swap3A_221 = vector.shape_cast %swap3A_220 : vector<1x1x16xi32> to vector<16xi32>
    %swap3A_222 = vector.shape_cast %add3A_214 : vector<16xi32> to vector<1x1x16xi32>
    tpu.vector_store %arg10[%swap3A_217, %swap3A_218, %swap3A_219], %swap3A_222 {strides = array<i32>} : memref<3x3x128xi32, #tpu.memory_space<vmem>>, vector<1x1x16xi32>,
    %swap3A_223 = arith.constant 0 : i32
    %swap3A_224 = arith.index_cast %swap3A_223 : i32 to index
    %swap3A_225 = arith.constant 112 : index
    %swap3A_226 = tpu.vector_load %arg9[%swap3A_224, %swap3A_225] {strides = array<i32>} : memref<2x384xi32, #tpu.memory_space<vmem>>, vector<1x16xi32>,
    %swap3A_227 = vector.shape_cast %swap3A_226 : vector<1x16xi32> to vector<16xi32>
    %swap3A_228 = vector.shape_cast %broadcast_in_dim3A_191 : vector<16xi32> to vector<1x16xi32>
    tpu.vector_store %arg9[%swap3A_224, %swap3A_225], %swap3A_228 {strides = array<i32>} : memref<2x384xi32, #tpu.memory_space<vmem>>, vector<1x16xi32>,
    %add3A_229 = vector.broadcast %add3A_0 : i32 to vector<16xi32>
    %add3A_230 = arith.addi %broadcast_in_dim3A_191, %add3A_229 : vector<16xi32>
    %swap3A_231 = arith.constant 0 : i32
    %swap3A_232 = arith.constant 0 : i32
    %swap3A_233 = arith.index_cast %swap3A_231 : i32 to index
    %swap3A_234 = arith.index_cast %swap3A_232 : i32 to index
    %swap3A_235 = arith.constant 112 : index
    %swap3A_236 = tpu.vector_load %arg10[%swap3A_233, %swap3A_234, %swap3A_235] {strides = array<i32>} : memref<3x3x128xi32, #tpu.memory_space<vmem>>, vector<1x1x16xi32>,
    %swap3A_237 = vector.shape_cast %swap3A_236 : vector<1x1x16xi32> to vector<16xi32>
    %swap3A_238 = vector.shape_cast %add3A_230 : vector<16xi32> to vector<1x1x16xi32>
    tpu.vector_store %arg10[%swap3A_233, %swap3A_234, %swap3A_235], %swap3A_238 {strides = array<i32>} : memref<3x3x128xi32, #tpu.memory_space<vmem>>, vector<1x1x16xi32>,
    %eq3A_239 = arith.constant 0 : i32
    %eq3A_240 = arith.cmpi eq, %arg0, %eq3A_239 : i32
    %convert_element_type3A_241 = arith.extui %eq3A_240 : i1 to i32
    %cond3A_242 = arith.constant 0 : i32
    %cond3A_243 = arith.cmpi ne, %convert_element_type3A_241, %cond3A_242 : i32
    scf.if %cond3A_243 {
      %dma_start3A_284 = arith.constant 0 : i32
      %dma_start3A_285 = arith.constant 0 : i32
      %dma_start3A_286 = arith.constant 0 : i32
      %dma_start3A_287 = arith.constant 0 : i32
      %dma_start3A_288 = arith.constant 0 : i32
      %dma_start3A_289 = tpu.memref_slice %arg11[%dma_start3A_285, %dma_start3A_286, %dma_start3A_287, %dma_start3A_288] : memref<2x3x128x32xf32, #tpu.memory_space<vmem>> -> memref<1x1x128x32xf32, #tpu.memory_space<vmem>>
      %dma_start3A_290 = tpu.memref_squeeze %dma_start3A_289 : memref<1x1x128x32xf32, #tpu.memory_space<vmem>> -> memref<128x32xf32, #tpu.memory_space<vmem>>
      %dma_start3A_291 = arith.constant 0 : i32
      %dma_start3A_292 = tpu.memref_slice %arg9[%dma_start3A_284, %dma_start3A_291] : memref<2x384xi32, #tpu.memory_space<vmem>> -> memref<1x128xi32, #tpu.memory_space<vmem>>
      %dma_start3A_293 = tpu.memref_squeeze %dma_start3A_292 : memref<1x128xi32, #tpu.memory_space<vmem>> -> memref<128xi32, #tpu.memory_space<vmem>>
      %dma_start3A_294 = arith.constant 0 : i32
      %dma_start3A_295 = arith.constant 0 : i32
      %dma_start3A_296 = tpu.memref_slice %arg3[%dma_start3A_294, %dma_start3A_295] : memref<50000x32xf32, #tpu.memory_space<hbm>> -> memref<50000x32xf32, #tpu.memory_space<hbm>>
      tpu.enqueue_indirect_dma source(%dma_start3A_296 : memref<50000x32xf32, #tpu.memory_space<hbm>>) target(%dma_start3A_290 : memref<128x32xf32, #tpu.memory_space<vmem>>) offsets(%dma_start3A_293 : memref<128xi32, #tpu.memory_space<vmem>>) semaphore(%arg14 : memref<!tpu.dma_semaphore, #tpu.memory_space<semaphore_mem>>)
      %dma_wait3A_297 = arith.constant 0 : i32
      %dma_wait3A_298 = arith.constant 0 : i32
      %dma_wait3A_299 = arith.constant 0 : i32
      %dma_wait3A_300 = arith.constant 0 : i32
      %dma_wait3A_301 = arith.constant 0 : i32
      %dma_wait3A_302 = tpu.memref_slice %arg11[%dma_wait3A_298, %dma_wait3A_299, %dma_wait3A_300, %dma_wait3A_301] : memref<2x3x128x32xf32, #tpu.memory_space<vmem>> -> memref<1x1x128x32xf32, #tpu.memory_space<vmem>>
      %dma_wait3A_303 = tpu.memref_squeeze %dma_wait3A_302 : memref<1x1x128x32xf32, #tpu.memory_space<vmem>> -> memref<128x32xf32, #tpu.memory_space<vmem>>
      %dma_wait3A_304 = arith.constant 0 : i32
      %dma_wait3A_305 = tpu.memref_slice %arg9[%dma_wait3A_297, %dma_wait3A_304] : memref<2x384xi32, #tpu.memory_space<vmem>> -> memref<1x128xi32, #tpu.memory_space<vmem>>
      %dma_wait3A_306 = tpu.memref_squeeze %dma_wait3A_305 : memref<1x128xi32, #tpu.memory_space<vmem>> -> memref<128xi32, #tpu.memory_space<vmem>>
      %dma_wait3A_307 = arith.constant 0 : i32
      %dma_wait3A_308 = arith.constant 0 : i32
      %dma_wait3A_309 = tpu.memref_slice %arg3[%dma_wait3A_307, %dma_wait3A_308] : memref<50000x32xf32, #tpu.memory_space<hbm>> -> memref<50000x32xf32, #tpu.memory_space<hbm>>
      tpu.wait_indirect_dma semaphore(%arg14 : memref<!tpu.dma_semaphore, #tpu.memory_space<semaphore_mem>>) src(%dma_wait3A_309 : memref<50000x32xf32, #tpu.memory_space<hbm>>) dst(%dma_wait3A_303 : memref<128x32xf32, #tpu.memory_space<vmem>>)
    } else {
    }
    %eq3A_244 = arith.constant 1 : i32
    %eq3A_245 = arith.cmpi eq, %arg0, %eq3A_244 : i32
    %convert_element_type3A_246 = arith.extui %eq3A_245 : i1 to i32
    %cond3A_247 = arith.constant 0 : i32
    %cond3A_248 = arith.cmpi ne, %convert_element_type3A_246, %cond3A_247 : i32
    scf.if %cond3A_248 {
      %dma_start3A_284 = arith.constant 0 : i32
      %dma_start3A_285 = arith.constant 0 : i32
      %dma_start3A_286 = arith.constant 0 : i32
      %dma_start3A_287 = arith.constant 0 : i32
      %dma_start3A_288 = arith.constant 0 : i32
      %dma_start3A_289 = tpu.memref_slice %arg11[%dma_start3A_285, %dma_start3A_286, %dma_start3A_287, %dma_start3A_288] : memref<2x3x128x32xf32, #tpu.memory_space<vmem>> -> memref<1x1x128x32xf32, #tpu.memory_space<vmem>>
      %dma_start3A_290 = tpu.memref_squeeze %dma_start3A_289 : memref<1x1x128x32xf32, #tpu.memory_space<vmem>> -> memref<128x32xf32, #tpu.memory_space<vmem>>
      %dma_start3A_291 = arith.constant 0 : i32
      %dma_start3A_292 = tpu.memref_slice %arg9[%dma_start3A_284, %dma_start3A_291] : memref<2x384xi32, #tpu.memory_space<vmem>> -> memref<1x128xi32, #tpu.memory_space<vmem>>
      %dma_start3A_293 = tpu.memref_squeeze %dma_start3A_292 : memref<1x128xi32, #tpu.memory_space<vmem>> -> memref<128xi32, #tpu.memory_space<vmem>>
      %dma_start3A_294 = arith.constant 0 : i32
      %dma_start3A_295 = arith.constant 0 : i32
      %dma_start3A_296 = tpu.memref_slice %arg4[%dma_start3A_294, %dma_start3A_295] : memref<50000x32xf32, #tpu.memory_space<hbm>> -> memref<50000x32xf32, #tpu.memory_space<hbm>>
      tpu.enqueue_indirect_dma source(%dma_start3A_296 : memref<50000x32xf32, #tpu.memory_space<hbm>>) target(%dma_start3A_290 : memref<128x32xf32, #tpu.memory_space<vmem>>) offsets(%dma_start3A_293 : memref<128xi32, #tpu.memory_space<vmem>>) semaphore(%arg14 : memref<!tpu.dma_semaphore, #tpu.memory_space<semaphore_mem>>)
      %dma_wait3A_297 = arith.constant 0 : i32
      %dma_wait3A_298 = arith.constant 0 : i32
      %dma_wait3A_299 = arith.constant 0 : i32
      %dma_wait3A_300 = arith.constant 0 : i32
      %dma_wait3A_301 = arith.constant 0 : i32
      %dma_wait3A_302 = tpu.memref_slice %arg11[%dma_wait3A_298, %dma_wait3A_299, %dma_wait3A_300, %dma_wait3A_301] : memref<2x3x128x32xf32, #tpu.memory_space<vmem>> -> memref<1x1x128x32xf32, #tpu.memory_space<vmem>>
      %dma_wait3A_303 = tpu.memref_squeeze %dma_wait3A_302 : memref<1x1x128x32xf32, #tpu.memory_space<vmem>> -> memref<128x32xf32, #tpu.memory_space<vmem>>
      %dma_wait3A_304 = arith.constant 0 : i32
      %dma_wait3A_305 = tpu.memref_slice %arg9[%dma_wait3A_297, %dma_wait3A_304] : memref<2x384xi32, #tpu.memory_space<vmem>> -> memref<1x128xi32, #tpu.memory_space<vmem>>
      %dma_wait3A_306 = tpu.memref_squeeze %dma_wait3A_305 : memref<1x128xi32, #tpu.memory_space<vmem>> -> memref<128xi32, #tpu.memory_space<vmem>>
      %dma_wait3A_307 = arith.constant 0 : i32
      %dma_wait3A_308 = arith.constant 0 : i32
      %dma_wait3A_309 = tpu.memref_slice %arg4[%dma_wait3A_307, %dma_wait3A_308] : memref<50000x32xf32, #tpu.memory_space<hbm>> -> memref<50000x32xf32, #tpu.memory_space<hbm>>
      tpu.wait_indirect_dma semaphore(%arg14 : memref<!tpu.dma_semaphore, #tpu.memory_space<semaphore_mem>>) src(%dma_wait3A_309 : memref<50000x32xf32, #tpu.memory_space<hbm>>) dst(%dma_wait3A_303 : memref<128x32xf32, #tpu.memory_space<vmem>>)
    } else {
    }
    %run_scoped3A_249 = arith.constant 0 : i32
    %run_scoped3A_250 = arith.constant 0 : i32
    %run_scoped3A_251 = arith.constant 0 : i32
    %run_scoped3A_252 = arith.constant 0 : i32
    "tpu.region"() ({
      %run_scoped3A_284 = tpu.sem_alloc : memref<!tpu.dma_semaphore, #tpu.memory_space<semaphore_mem>>
      %dma_start3A_285 = arith.constant 0 : i32
      %dma_start3A_286 = arith.constant 0 : i32
      %dma_start3A_287 = tpu.memref_slice %arg11[%run_scoped3A_249, %run_scoped3A_250, %dma_start3A_285, %dma_start3A_286] : memref<2x3x128x32xf32, #tpu.memory_space<vmem>> -> memref<1x1x128x32xf32, #tpu.memory_space<vmem>>
      %dma_start3A_288 = tpu.memref_squeeze %dma_start3A_287 : memref<1x1x128x32xf32, #tpu.memory_space<vmem>> -> memref<128x32xf32, #tpu.memory_space<vmem>>
      %dma_start3A_289 = arith.constant 0 : i32
      %dma_start3A_290 = tpu.memref_slice %arg10[%run_scoped3A_251, %run_scoped3A_252, %dma_start3A_289] : memref<3x3x128xi32, #tpu.memory_space<vmem>> -> memref<1x1x128xi32, #tpu.memory_space<vmem>>
      %dma_start3A_291 = tpu.memref_squeeze %dma_start3A_290 : memref<1x1x128xi32, #tpu.memory_space<vmem>> -> memref<128xi32, #tpu.memory_space<vmem>>
      %dma_start3A_292 = arith.constant 0 : i32
      %dma_start3A_293 = arith.constant 0 : i32
      %dma_start3A_294 = tpu.memref_slice %arg8[%dma_start3A_292, %dma_start3A_293] : memref<50048x32xf32, #tpu.memory_space<vmem_shared>> -> memref<50048x32xf32, #tpu.memory_space<vmem_shared>>
      tpu.enqueue_indirect_dma source(%dma_start3A_288 : memref<128x32xf32, #tpu.memory_space<vmem>>) target(%dma_start3A_294 : memref<50048x32xf32, #tpu.memory_space<vmem_shared>>) offsets(%dma_start3A_291 : memref<128xi32, #tpu.memory_space<vmem>>) semaphore(%run_scoped3A_284 : memref<!tpu.dma_semaphore, #tpu.memory_space<semaphore_mem>>) {add = true}
      %dma_wait3A_295 = arith.constant 0 : i32
      %dma_wait3A_296 = arith.constant 0 : i32
      %dma_wait3A_297 = tpu.memref_slice %arg11[%run_scoped3A_249, %run_scoped3A_250, %dma_wait3A_295, %dma_wait3A_296] : memref<2x3x128x32xf32, #tpu.memory_space<vmem>> -> memref<1x1x128x32xf32, #tpu.memory_space<vmem>>
      %dma_wait3A_298 = tpu.memref_squeeze %dma_wait3A_297 : memref<1x1x128x32xf32, #tpu.memory_space<vmem>> -> memref<128x32xf32, #tpu.memory_space<vmem>>
      %dma_wait3A_299 = arith.constant 0 : i32
      %dma_wait3A_300 = tpu.memref_slice %arg10[%run_scoped3A_251, %run_scoped3A_252, %dma_wait3A_299] : memref<3x3x128xi32, #tpu.memory_space<vmem>> -> memref<1x1x128xi32, #tpu.memory_space<vmem>>
      %dma_wait3A_301 = tpu.memref_squeeze %dma_wait3A_300 : memref<1x1x128xi32, #tpu.memory_space<vmem>> -> memref<128xi32, #tpu.memory_space<vmem>>
      %dma_wait3A_302 = arith.constant 0 : i32
      %dma_wait3A_303 = arith.constant 0 : i32
      %dma_wait3A_304 = tpu.memref_slice %arg8[%dma_wait3A_302, %dma_wait3A_303] : memref<50048x32xf32, #tpu.memory_space<vmem_shared>> -> memref<50048x32xf32, #tpu.memory_space<vmem_shared>>
      tpu.wait_indirect_dma semaphore(%run_scoped3A_284 : memref<!tpu.dma_semaphore, #tpu.memory_space<semaphore_mem>>) src(%dma_wait3A_298 : memref<128x32xf32, #tpu.memory_space<vmem>>) dst(%dma_wait3A_304 : memref<50048x32xf32, #tpu.memory_space<vmem_shared>>)
      tpu.yield
    }) : () -> ()
    %barrier3A_253 = arith.constant 0 : index
    tpu.barrier barrier_id(%barrier3A_253)
    %eq3A_254 = arith.constant 0 : i32
    %eq3A_255 = arith.cmpi eq, %arg0, %eq3A_254 : i32
    %lt3A = arith.constant 15 : i32
    %lt3A_256 = arith.cmpi slt, %arg1, %lt3A : i32
    %and3A = arith.andi %eq3A_255, %lt3A_256 : i1
    %convert_element_type3A_257 = arith.extui %and3A : i1 to i32
    %cond3A_258 = arith.constant 0 : i32
    %cond3A_259 = arith.cmpi ne, %convert_element_type3A_257, %cond3A_258 : i32
    scf.if %cond3A_259 {
      %mul3A_284 = arith.constant 3128 : i32
      %mul3A_285 = arith.muli %arg1, %mul3A_284 : i32
      %mul3A_286 = arith.constant 3128 : i32
      %mul3A_287 = arith.muli %arg1, %mul3A_286 : i32
      "tpu.region"() ({
        %run_scoped3A_288 = tpu.sem_alloc : memref<!tpu.dma_semaphore, #tpu.memory_space<semaphore_mem>>
        %dma_start3A_289 = arith.constant 0 : i32
        %dma_start3A_290 = tpu.memref_slice %arg6[%mul3A_287, %dma_start3A_289] : memref<50000x32xf32, #tpu.memory_space<hbm>> -> memref<3128x32xf32, #tpu.memory_space<hbm>>
        %dma_start3A_291 = arith.constant 0 : i32
        %dma_start3A_292 = tpu.memref_slice %arg8[%mul3A_285, %dma_start3A_291] : memref<50048x32xf32, #tpu.memory_space<vmem_shared>> -> memref<3128x32xf32, #tpu.memory_space<vmem_shared>>
        tpu.enqueue_dma source(%dma_start3A_292 : memref<3128x32xf32, #tpu.memory_space<vmem_shared>>) target(%dma_start3A_290 : memref<3128x32xf32, #tpu.memory_space<hbm>>) target_semaphore(%run_scoped3A_288 : memref<!tpu.dma_semaphore, #tpu.memory_space<semaphore_mem>>)
        %dma_wait3A_293 = arith.constant 0 : i32
        %dma_wait3A_294 = tpu.memref_slice %arg6[%mul3A_287, %dma_wait3A_293] : memref<50000x32xf32, #tpu.memory_space<hbm>> -> memref<3128x32xf32, #tpu.memory_space<hbm>>
        %dma_wait3A_295 = arith.constant 0 : i32
        %dma_wait3A_296 = tpu.memref_slice %arg8[%mul3A_285, %dma_wait3A_295] : memref<50048x32xf32, #tpu.memory_space<vmem_shared>> -> memref<3128x32xf32, #tpu.memory_space<vmem_shared>>
        tpu.wait_dma2 semaphore(%run_scoped3A_288 : memref<!tpu.dma_semaphore, #tpu.memory_space<semaphore_mem>>) src(%dma_wait3A_296 : memref<3128x32xf32, #tpu.memory_space<vmem_shared>>) dst(%dma_wait3A_294 : memref<3128x32xf32, #tpu.memory_space<hbm>>)
        tpu.yield
      }) : () -> ()
    } else {
    }
    %eq3A_260 = arith.constant 0 : i32
    %eq3A_261 = arith.cmpi eq, %arg0, %eq3A_260 : i32
    %eq3A_262 = arith.constant 15 : i32
    %eq3A_263 = arith.cmpi eq, %arg1, %eq3A_262 : i32
    %and3A_264 = arith.andi %eq3A_261, %eq3A_263 : i1
    %convert_element_type3A_265 = arith.extui %and3A_264 : i1 to i32
    %cond3A_266 = arith.constant 0 : i32
    %cond3A_267 = arith.cmpi ne, %convert_element_type3A_265, %cond3A_266 : i32
    scf.if %cond3A_267 {
      "tpu.region"() ({
        %run_scoped3A_284 = tpu.sem_alloc : memref<!tpu.dma_semaphore, #tpu.memory_space<semaphore_mem>>
        %dma_start3A_285 = arith.constant 46920 : i32
        %dma_start3A_286 = arith.constant 0 : i32
        %dma_start3A_287 = tpu.memref_slice %arg6[%dma_start3A_285, %dma_start3A_286] : memref<50000x32xf32, #tpu.memory_space<hbm>> -> memref<3080x32xf32, #tpu.memory_space<hbm>>
        %dma_start3A_288 = arith.constant 46920 : i32
        %dma_start3A_289 = arith.constant 0 : i32
        %dma_start3A_290 = tpu.memref_slice %arg8[%dma_start3A_288, %dma_start3A_289] : memref<50048x32xf32, #tpu.memory_space<vmem_shared>> -> memref<3080x32xf32, #tpu.memory_space<vmem_shared>>
        tpu.enqueue_dma source(%dma_start3A_290 : memref<3080x32xf32, #tpu.memory_space<vmem_shared>>) target(%dma_start3A_287 : memref<3080x32xf32, #tpu.memory_space<hbm>>) target_semaphore(%run_scoped3A_284 : memref<!tpu.dma_semaphore, #tpu.memory_space<semaphore_mem>>)
        %dma_wait3A_291 = arith.constant 46920 : i32
        %dma_wait3A_292 = arith.constant 0 : i32
        %dma_wait3A_293 = tpu.memref_slice %arg6[%dma_wait3A_291, %dma_wait3A_292] : memref<50000x32xf32, #tpu.memory_space<hbm>> -> memref<3080x32xf32, #tpu.memory_space<hbm>>
        %dma_wait3A_294 = arith.constant 46920 : i32
        %dma_wait3A_295 = arith.constant 0 : i32
        %dma_wait3A_296 = tpu.memref_slice %arg8[%dma_wait3A_294, %dma_wait3A_295] : memref<50048x32xf32, #tpu.memory_space<vmem_shared>> -> memref<3080x32xf32, #tpu.memory_space<vmem_shared>>
        tpu.wait_dma2 semaphore(%run_scoped3A_284 : memref<!tpu.dma_semaphore, #tpu.memory_space<semaphore_mem>>) src(%dma_wait3A_296 : memref<3080x32xf32, #tpu.memory_space<vmem_shared>>) dst(%dma_wait3A_293 : memref<3080x32xf32, #tpu.memory_space<hbm>>)
        tpu.yield
      }) : () -> ()
    } else {
    }
    %eq3A_268 = arith.constant 1 : i32
    %eq3A_269 = arith.cmpi eq, %arg0, %eq3A_268 : i32
    %lt3A_270 = arith.constant 15 : i32
    %lt3A_271 = arith.cmpi slt, %arg1, %lt3A_270 : i32
    %and3A_272 = arith.andi %eq3A_269, %lt3A_271 : i1
    %convert_element_type3A_273 = arith.extui %and3A_272 : i1 to i32
    %cond3A_274 = arith.constant 0 : i32
    %cond3A_275 = arith.cmpi ne, %convert_element_type3A_273, %cond3A_274 : i32
    scf.if %cond3A_275 {
      %mul3A_284 = arith.constant 3128 : i32
      %mul3A_285 = arith.muli %arg1, %mul3A_284 : i32
      %mul3A_286 = arith.constant 3128 : i32
      %mul3A_287 = arith.muli %arg1, %mul3A_286 : i32
      "tpu.region"() ({
        %run_scoped3A_288 = tpu.sem_alloc : memref<!tpu.dma_semaphore, #tpu.memory_space<semaphore_mem>>
        %dma_start3A_289 = arith.constant 0 : i32
        %dma_start3A_290 = tpu.memref_slice %arg7[%mul3A_287, %dma_start3A_289] : memref<50000x32xf32, #tpu.memory_space<hbm>> -> memref<3128x32xf32, #tpu.memory_space<hbm>>
        %dma_start3A_291 = arith.constant 0 : i32
        %dma_start3A_292 = tpu.memref_slice %arg8[%mul3A_285, %dma_start3A_291] : memref<50048x32xf32, #tpu.memory_space<vmem_shared>> -> memref<3128x32xf32, #tpu.memory_space<vmem_shared>>
        tpu.enqueue_dma source(%dma_start3A_292 : memref<3128x32xf32, #tpu.memory_space<vmem_shared>>) target(%dma_start3A_290 : memref<3128x32xf32, #tpu.memory_space<hbm>>) target_semaphore(%run_scoped3A_288 : memref<!tpu.dma_semaphore, #tpu.memory_space<semaphore_mem>>)
        %dma_wait3A_293 = arith.constant 0 : i32
        %dma_wait3A_294 = tpu.memref_slice %arg7[%mul3A_287, %dma_wait3A_293] : memref<50000x32xf32, #tpu.memory_space<hbm>> -> memref<3128x32xf32, #tpu.memory_space<hbm>>
        %dma_wait3A_295 = arith.constant 0 : i32
        %dma_wait3A_296 = tpu.memref_slice %arg8[%mul3A_285, %dma_wait3A_295] : memref<50048x32xf32, #tpu.memory_space<vmem_shared>> -> memref<3128x32xf32, #tpu.memory_space<vmem_shared>>
        tpu.wait_dma2 semaphore(%run_scoped3A_288 : memref<!tpu.dma_semaphore, #tpu.memory_space<semaphore_mem>>) src(%dma_wait3A_296 : memref<3128x32xf32, #tpu.memory_space<vmem_shared>>) dst(%dma_wait3A_294 : memref<3128x32xf32, #tpu.memory_space<hbm>>)
        tpu.yield
      }) : () -> ()
    } else {
    }
    %eq3A_276 = arith.constant 1 : i32
    %eq3A_277 = arith.cmpi eq, %arg0, %eq3A_276 : i32
    %eq3A_278 = arith.constant 15 : i32
    %eq3A_279 = arith.cmpi eq, %arg1, %eq3A_278 : i32
    %and3A_280 = arith.andi %eq3A_277, %eq3A_279 : i1
    %convert_element_type3A_281 = arith.extui %and3A_280 : i1 to i32
    %cond3A_282 = arith.constant 0 : i32
    %cond3A_283 = arith.cmpi ne, %convert_element_type3A_281, %cond3A_282 : i32
    scf.if %cond3A_283 {
      "tpu.region"() ({
        %run_scoped3A_284 = tpu.sem_alloc : memref<!tpu.dma_semaphore, #tpu.memory_space<semaphore_mem>>
        %dma_start3A_285 = arith.constant 46920 : i32
        %dma_start3A_286 = arith.constant 0 : i32
        %dma_start3A_287 = tpu.memref_slice %arg7[%dma_start3A_285, %dma_start3A_286] : memref<50000x32xf32, #tpu.memory_space<hbm>> -> memref<3080x32xf32, #tpu.memory_space<hbm>>
        %dma_start3A_288 = arith.constant 46920 : i32
        %dma_start3A_289 = arith.constant 0 : i32
        %dma_start3A_290 = tpu.memref_slice %arg8[%dma_start3A_288, %dma_start3A_289] : memref<50048x32xf32, #tpu.memory_space<vmem_shared>> -> memref<3080x32xf32, #tpu.memory_space<vmem_shared>>
        tpu.enqueue_dma source(%dma_start3A_290 : memref<3080x32xf32, #tpu.memory_space<vmem_shared>>) target(%dma_start3A_287 : memref<3080x32xf32, #tpu.memory_space<hbm>>) target_semaphore(%run_scoped3A_284 : memref<!tpu.dma_semaphore, #tpu.memory_space<semaphore_mem>>)
        %dma_wait3A_291 = arith.constant 46920 : i32
        %dma_wait3A_292 = arith.constant 0 : i32
        %dma_wait3A_293 = tpu.memref_slice %arg7[%dma_wait3A_291, %dma_wait3A_292] : memref<50000x32xf32, #tpu.memory_space<hbm>> -> memref<3080x32xf32, #tpu.memory_space<hbm>>
        %dma_wait3A_294 = arith.constant 46920 : i32
        %dma_wait3A_295 = arith.constant 0 : i32
        %dma_wait3A_296 = tpu.memref_slice %arg8[%dma_wait3A_294, %dma_wait3A_295] : memref<50048x32xf32, #tpu.memory_space<vmem_shared>> -> memref<3080x32xf32, #tpu.memory_space<vmem_shared>>
        tpu.wait_dma2 semaphore(%run_scoped3A_284 : memref<!tpu.dma_semaphore, #tpu.memory_space<semaphore_mem>>) src(%dma_wait3A_296 : memref<3080x32xf32, #tpu.memory_space<vmem_shared>>) dst(%dma_wait3A_293 : memref<3080x32xf32, #tpu.memory_space<hbm>>)
        tpu.yield
      }) : () -> ()
    } else {
    }
    return
  }
}

#map = affine_map<(d0, d1) -> (0, 0)>
module attributes {stable_mosaic.version = 14 : i64} {
  func.func @_deg_body(%arg0: i32, %arg1: i32, %arg2: memref<2x800000xi32, #tpu.memory_space<hbm>>, %arg3: memref<1568x8xf32, #tpu.memory_space<hbm>>, %arg4: memref<128x8xf32, #tpu.memory_space<hbm>>, %arg5: memref<50000x8xf32, #tpu.memory_space<hbm>>, %arg6: memref<25088x8xf32, #tpu.memory_space<vmem_shared>>, %arg7: memref<2x384xi32, #tpu.memory_space<vmem>>, %arg8: memref<3x128xi32, #tpu.memory_space<vmem>>, %arg9: memref<128x8xf32, #tpu.memory_space<vmem>>, %arg10: memref<!tpu.dma_semaphore, #tpu.memory_space<semaphore_mem>>, %arg11: memref<!tpu.dma_semaphore, #tpu.memory_space<semaphore_mem>>, %arg12: memref<!tpu.dma_semaphore, #tpu.memory_space<semaphore_mem>>, %arg13: memref<!tpu.dma_semaphore, #tpu.memory_space<semaphore_mem>>, %arg14: memref<!tpu.dma_semaphore, #tpu.memory_space<semaphore_mem>>) attributes {dimension_semantics = [#tpu.dimension_semantics<core_parallel>, #tpu.dimension_semantics<subcore_parallel>], iteration_bounds = array<i64: 2, 16>, scalar_prefetch = 0 : i64, scratch_operands = 9 : i64, tpu.core_type = #tpu.core_type<sc_vector_subcore>, window_params = [{transform_indices = #map}, {transform_indices = #map}, {transform_indices = #map}, {transform_indices = #map}]} {
    %mul3A = arith.constant 25000 : i32
    %mul3A_0 = arith.muli %arg0, %mul3A : i32
    %add3A = arith.constant 25000 : i32
    %add3A_1 = arith.addi %add3A, %arg1 : i32
    %mul3A_2 = arith.constant 50000 : i32
    %mul3A_3 = arith.muli %arg1, %mul3A_2 : i32
    %mul3A_4 = arith.constant 1568 : i32
    %mul3A_5 = arith.muli %arg1, %mul3A_4 : i32
    "tpu.region"() ({
      %run_scoped3A_182 = tpu.sem_alloc : memref<!tpu.dma_semaphore, #tpu.memory_space<semaphore_mem>>
      %dma_start3A_183 = arith.constant 0 : i32
      %dma_start3A_184 = tpu.memref_slice %arg6[%mul3A_5, %dma_start3A_183] : memref<25088x8xf32, #tpu.memory_space<vmem_shared>> -> memref<1568x8xf32, #tpu.memory_space<vmem_shared>>
      tpu.enqueue_dma source(%arg3 : memref<1568x8xf32, #tpu.memory_space<hbm>>) target(%dma_start3A_184 : memref<1568x8xf32, #tpu.memory_space<vmem_shared>>) target_semaphore(%run_scoped3A_182 : memref<!tpu.dma_semaphore, #tpu.memory_space<semaphore_mem>>)
      %dma_wait3A_185 = arith.constant 0 : i32
      %dma_wait3A_186 = tpu.memref_slice %arg6[%mul3A_5, %dma_wait3A_185] : memref<25088x8xf32, #tpu.memory_space<vmem_shared>> -> memref<1568x8xf32, #tpu.memory_space<vmem_shared>>
      tpu.wait_dma2 semaphore(%run_scoped3A_182 : memref<!tpu.dma_semaphore, #tpu.memory_space<semaphore_mem>>) src(%arg3 : memref<1568x8xf32, #tpu.memory_space<hbm>>) dst(%dma_wait3A_186 : memref<1568x8xf32, #tpu.memory_space<vmem_shared>>)
      tpu.yield
    }) : () -> ()
    "tpu.region"() ({
      %run_scoped3A_182 = tpu.sem_alloc : memref<!tpu.dma_semaphore, #tpu.memory_space<semaphore_mem>>
      tpu.enqueue_dma source(%arg4 : memref<128x8xf32, #tpu.memory_space<hbm>>) target(%arg9 : memref<128x8xf32, #tpu.memory_space<vmem>>) target_semaphore(%run_scoped3A_182 : memref<!tpu.dma_semaphore, #tpu.memory_space<semaphore_mem>>)
      tpu.wait_dma2 semaphore(%run_scoped3A_182 : memref<!tpu.dma_semaphore, #tpu.memory_space<semaphore_mem>>) src(%arg4 : memref<128x8xf32, #tpu.memory_space<hbm>>) dst(%arg9 : memref<128x8xf32, #tpu.memory_space<vmem>>)
      tpu.yield
    }) : () -> ()
    %barrier3A = arith.constant 0 : index
    tpu.barrier barrier_id(%barrier3A)
    %dma_start3A = arith.constant 1 : i32
    %dma_start3A_6 = arith.constant 0 : i32
    %dma_start3A_7 = arith.constant 0 : i32
    %dma_start3A_8 = tpu.memref_slice %arg7[%dma_start3A_6, %dma_start3A_7] : memref<2x384xi32, #tpu.memory_space<vmem>> -> memref<1x384xi32, #tpu.memory_space<vmem>>
    %dma_start3A_9 = tpu.memref_squeeze %dma_start3A_8 : memref<1x384xi32, #tpu.memory_space<vmem>> -> memref<384xi32, #tpu.memory_space<vmem>>
    %dma_start3A_10 = tpu.memref_slice %arg2[%dma_start3A, %mul3A_3] : memref<2x800000xi32, #tpu.memory_space<hbm>> -> memref<1x384xi32, #tpu.memory_space<hbm>>
    %dma_start3A_11 = tpu.memref_squeeze %dma_start3A_10 : memref<1x384xi32, #tpu.memory_space<hbm>> -> memref<384xi32, #tpu.memory_space<hbm>>
    %dma_start3A_12 = arith.constant 0 : i32
    %dma_start3A_13 = tpu.memref_slice %arg7[%dma_start3A_6, %dma_start3A_12] : memref<2x384xi32, #tpu.memory_space<vmem>> -> memref<1x384xi32, #tpu.memory_space<vmem>>
    %dma_start3A_14 = tpu.memref_squeeze %dma_start3A_13 : memref<1x384xi32, #tpu.memory_space<vmem>> -> memref<384xi32, #tpu.memory_space<vmem>>
    %dma_start3A_15 = tpu.memref_slice %arg2[%dma_start3A, %mul3A_3] : memref<2x800000xi32, #tpu.memory_space<hbm>> -> memref<1x384xi32, #tpu.memory_space<hbm>>
    %dma_start3A_16 = tpu.memref_squeeze %dma_start3A_15 : memref<1x384xi32, #tpu.memory_space<hbm>> -> memref<384xi32, #tpu.memory_space<hbm>>
    tpu.enqueue_dma source(%dma_start3A_16 : memref<384xi32, #tpu.memory_space<hbm>>) target(%dma_start3A_14 : memref<384xi32, #tpu.memory_space<vmem>>) target_semaphore(%arg10 : memref<!tpu.dma_semaphore, #tpu.memory_space<semaphore_mem>>)
    %scan3A = arith.constant 0 : i32
    %scan3A_17 = arith.constant 0 : i32
    %scan3A_18 = arith.constant 130 : i32
    %scan3A_19 = arith.addi %scan3A_17, %scan3A_18 : i32
    %scan3A_20 = arith.constant 1 : i32
    scf.for %scan3A_182 = %scan3A_17 to %scan3A_19 step %scan3A_20  : i32 {
      %mul3A_183 = arith.constant 384 : i32
      %mul3A_184 = arith.muli %scan3A_182, %mul3A_183 : i32
      %add3A_185 = arith.addi %mul3A_3, %mul3A_184 : i32
      %rem3A = arith.constant 2 : i32
      %rem3A_186 = arith.remsi %scan3A_182, %rem3A : i32
      %add3A_187 = arith.constant 1 : i32
      %add3A_188 = arith.addi %scan3A_182, %add3A_187 : i32
      %lt3A_189 = arith.constant 130 : i32
      %lt3A_190 = arith.cmpi slt, %add3A_188, %lt3A_189 : i32
      %eq3A_191 = arith.constant 0 : i32
      %eq3A_192 = arith.cmpi eq, %rem3A_186, %eq3A_191 : i32
      %and3A_193 = arith.andi %lt3A_190, %eq3A_192 : i1
      %convert_element_type3A_194 = arith.extui %and3A_193 : i1 to i32
      %cond3A_195 = arith.constant 0 : i32
      %cond3A_196 = arith.cmpi ne, %convert_element_type3A_194, %cond3A_195 : i32
      scf.if %cond3A_196 {
        %add3A_747 = arith.constant 384 : i32
        %add3A_748 = arith.addi %add3A_185, %add3A_747 : i32
        %dma_start3A_749 = arith.constant 1 : i32
        %dma_start3A_750 = arith.constant 1 : i32
        %dma_start3A_751 = arith.constant 0 : i32
        %dma_start3A_752 = tpu.memref_slice %arg7[%dma_start3A_750, %dma_start3A_751] : memref<2x384xi32, #tpu.memory_space<vmem>> -> memref<1x384xi32, #tpu.memory_space<vmem>>
        %dma_start3A_753 = tpu.memref_squeeze %dma_start3A_752 : memref<1x384xi32, #tpu.memory_space<vmem>> -> memref<384xi32, #tpu.memory_space<vmem>>
        %dma_start3A_754 = tpu.memref_slice %arg2[%dma_start3A_749, %add3A_748] : memref<2x800000xi32, #tpu.memory_space<hbm>> -> memref<1x384xi32, #tpu.memory_space<hbm>>
        %dma_start3A_755 = tpu.memref_squeeze %dma_start3A_754 : memref<1x384xi32, #tpu.memory_space<hbm>> -> memref<384xi32, #tpu.memory_space<hbm>>
        %dma_start3A_756 = arith.constant 0 : i32
        %dma_start3A_757 = tpu.memref_slice %arg7[%dma_start3A_750, %dma_start3A_756] : memref<2x384xi32, #tpu.memory_space<vmem>> -> memref<1x384xi32, #tpu.memory_space<vmem>>
        %dma_start3A_758 = tpu.memref_squeeze %dma_start3A_757 : memref<1x384xi32, #tpu.memory_space<vmem>> -> memref<384xi32, #tpu.memory_space<vmem>>
        %dma_start3A_759 = tpu.memref_slice %arg2[%dma_start3A_749, %add3A_748] : memref<2x800000xi32, #tpu.memory_space<hbm>> -> memref<1x384xi32, #tpu.memory_space<hbm>>
        %dma_start3A_760 = tpu.memref_squeeze %dma_start3A_759 : memref<1x384xi32, #tpu.memory_space<hbm>> -> memref<384xi32, #tpu.memory_space<hbm>>
        tpu.enqueue_dma source(%dma_start3A_760 : memref<384xi32, #tpu.memory_space<hbm>>) target(%dma_start3A_758 : memref<384xi32, #tpu.memory_space<vmem>>) target_semaphore(%arg11 : memref<!tpu.dma_semaphore, #tpu.memory_space<semaphore_mem>>)
      } else {
      }
      %add3A_197 = arith.constant 1 : i32
      %add3A_198 = arith.addi %scan3A_182, %add3A_197 : i32
      %lt3A_199 = arith.constant 130 : i32
      %lt3A_200 = arith.cmpi slt, %add3A_198, %lt3A_199 : i32
      %eq3A_201 = arith.constant 1 : i32
      %eq3A_202 = arith.cmpi eq, %rem3A_186, %eq3A_201 : i32
      %and3A_203 = arith.andi %lt3A_200, %eq3A_202 : i1
      %convert_element_type3A_204 = arith.extui %and3A_203 : i1 to i32
      %cond3A_205 = arith.constant 0 : i32
      %cond3A_206 = arith.cmpi ne, %convert_element_type3A_204, %cond3A_205 : i32
      scf.if %cond3A_206 {
        %add3A_747 = arith.constant 384 : i32
        %add3A_748 = arith.addi %add3A_185, %add3A_747 : i32
        %dma_start3A_749 = arith.constant 1 : i32
        %dma_start3A_750 = arith.constant 0 : i32
        %dma_start3A_751 = arith.constant 0 : i32
        %dma_start3A_752 = tpu.memref_slice %arg7[%dma_start3A_750, %dma_start3A_751] : memref<2x384xi32, #tpu.memory_space<vmem>> -> memref<1x384xi32, #tpu.memory_space<vmem>>
        %dma_start3A_753 = tpu.memref_squeeze %dma_start3A_752 : memref<1x384xi32, #tpu.memory_space<vmem>> -> memref<384xi32, #tpu.memory_space<vmem>>
        %dma_start3A_754 = tpu.memref_slice %arg2[%dma_start3A_749, %add3A_748] : memref<2x800000xi32, #tpu.memory_space<hbm>> -> memref<1x384xi32, #tpu.memory_space<hbm>>
        %dma_start3A_755 = tpu.memref_squeeze %dma_start3A_754 : memref<1x384xi32, #tpu.memory_space<hbm>> -> memref<384xi32, #tpu.memory_space<hbm>>
        %dma_start3A_756 = arith.constant 0 : i32
        %dma_start3A_757 = tpu.memref_slice %arg7[%dma_start3A_750, %dma_start3A_756] : memref<2x384xi32, #tpu.memory_space<vmem>> -> memref<1x384xi32, #tpu.memory_space<vmem>>
        %dma_start3A_758 = tpu.memref_squeeze %dma_start3A_757 : memref<1x384xi32, #tpu.memory_space<vmem>> -> memref<384xi32, #tpu.memory_space<vmem>>
        %dma_start3A_759 = tpu.memref_slice %arg2[%dma_start3A_749, %add3A_748] : memref<2x800000xi32, #tpu.memory_space<hbm>> -> memref<1x384xi32, #tpu.memory_space<hbm>>
        %dma_start3A_760 = tpu.memref_squeeze %dma_start3A_759 : memref<1x384xi32, #tpu.memory_space<hbm>> -> memref<384xi32, #tpu.memory_space<hbm>>
        tpu.enqueue_dma source(%dma_start3A_760 : memref<384xi32, #tpu.memory_space<hbm>>) target(%dma_start3A_758 : memref<384xi32, #tpu.memory_space<vmem>>) target_semaphore(%arg10 : memref<!tpu.dma_semaphore, #tpu.memory_space<semaphore_mem>>)
      } else {
      }
      %ge3A_207 = arith.constant 1 : i32
      %ge3A_208 = arith.cmpi sge, %scan3A_182, %ge3A_207 : i32
      %convert_element_type3A_209 = arith.extui %ge3A_208 : i1 to i32
      %cond3A_210 = arith.constant 0 : i32
      %cond3A_211 = arith.cmpi ne, %convert_element_type3A_209, %cond3A_210 : i32
      scf.if %cond3A_211 {
        %dma_wait3A_747 = arith.constant 0 : i32
        %dma_wait3A_748 = arith.constant 0 : i32
        %dma_wait3A_749 = tpu.memref_slice %arg8[%dma_wait3A_747, %dma_wait3A_748] : memref<3x128xi32, #tpu.memory_space<vmem>> -> memref<1x128xi32, #tpu.memory_space<vmem>>
        %dma_wait3A_750 = tpu.memref_squeeze %dma_wait3A_749 : memref<1x128xi32, #tpu.memory_space<vmem>> -> memref<128xi32, #tpu.memory_space<vmem>>
        %dma_wait3A_751 = arith.constant 0 : i32
        %dma_wait3A_752 = arith.constant 0 : i32
        %dma_wait3A_753 = tpu.memref_slice %arg6[%dma_wait3A_751, %dma_wait3A_752] : memref<25088x8xf32, #tpu.memory_space<vmem_shared>> -> memref<25088x8xf32, #tpu.memory_space<vmem_shared>>
        tpu.wait_indirect_dma semaphore(%arg12 : memref<!tpu.dma_semaphore, #tpu.memory_space<semaphore_mem>>) src(%arg9 : memref<128x8xf32, #tpu.memory_space<vmem>>) dst(%dma_wait3A_753 : memref<25088x8xf32, #tpu.memory_space<vmem_shared>>)
        %dma_wait3A_754 = arith.constant 1 : i32
        %dma_wait3A_755 = arith.constant 0 : i32
        %dma_wait3A_756 = tpu.memref_slice %arg8[%dma_wait3A_754, %dma_wait3A_755] : memref<3x128xi32, #tpu.memory_space<vmem>> -> memref<1x128xi32, #tpu.memory_space<vmem>>
        %dma_wait3A_757 = tpu.memref_squeeze %dma_wait3A_756 : memref<1x128xi32, #tpu.memory_space<vmem>> -> memref<128xi32, #tpu.memory_space<vmem>>
        %dma_wait3A_758 = arith.constant 0 : i32
        %dma_wait3A_759 = arith.constant 0 : i32
        %dma_wait3A_760 = tpu.memref_slice %arg6[%dma_wait3A_758, %dma_wait3A_759] : memref<25088x8xf32, #tpu.memory_space<vmem_shared>> -> memref<25088x8xf32, #tpu.memory_space<vmem_shared>>
        tpu.wait_indirect_dma semaphore(%arg13 : memref<!tpu.dma_semaphore, #tpu.memory_space<semaphore_mem>>) src(%arg9 : memref<128x8xf32, #tpu.memory_space<vmem>>) dst(%dma_wait3A_760 : memref<25088x8xf32, #tpu.memory_space<vmem_shared>>)
        %dma_wait3A_761 = arith.constant 2 : i32
        %dma_wait3A_762 = arith.constant 0 : i32
        %dma_wait3A_763 = tpu.memref_slice %arg8[%dma_wait3A_761, %dma_wait3A_762] : memref<3x128xi32, #tpu.memory_space<vmem>> -> memref<1x128xi32, #tpu.memory_space<vmem>>
        %dma_wait3A_764 = tpu.memref_squeeze %dma_wait3A_763 : memref<1x128xi32, #tpu.memory_space<vmem>> -> memref<128xi32, #tpu.memory_space<vmem>>
        %dma_wait3A_765 = arith.constant 0 : i32
        %dma_wait3A_766 = arith.constant 0 : i32
        %dma_wait3A_767 = tpu.memref_slice %arg6[%dma_wait3A_765, %dma_wait3A_766] : memref<25088x8xf32, #tpu.memory_space<vmem_shared>> -> memref<25088x8xf32, #tpu.memory_space<vmem_shared>>
        tpu.wait_indirect_dma semaphore(%arg14 : memref<!tpu.dma_semaphore, #tpu.memory_space<semaphore_mem>>) src(%arg9 : memref<128x8xf32, #tpu.memory_space<vmem>>) dst(%dma_wait3A_767 : memref<25088x8xf32, #tpu.memory_space<vmem_shared>>)
      } else {
      }
      %eq3A_212 = arith.constant 0 : i32
      %eq3A_213 = arith.cmpi eq, %rem3A_186, %eq3A_212 : i32
      %convert_element_type3A_214 = arith.extui %eq3A_213 : i1 to i32
      %cond3A_215 = arith.constant 0 : i32
      %cond3A_216 = arith.cmpi ne, %convert_element_type3A_214, %cond3A_215 : i32
      scf.if %cond3A_216 {
        %dma_wait3A_747 = arith.constant 1 : i32
        %dma_wait3A_748 = arith.constant 0 : i32
        %dma_wait3A_749 = arith.constant 0 : i32
        %dma_wait3A_750 = tpu.memref_slice %arg7[%dma_wait3A_748, %dma_wait3A_749] : memref<2x384xi32, #tpu.memory_space<vmem>> -> memref<1x384xi32, #tpu.memory_space<vmem>>
        %dma_wait3A_751 = tpu.memref_squeeze %dma_wait3A_750 : memref<1x384xi32, #tpu.memory_space<vmem>> -> memref<384xi32, #tpu.memory_space<vmem>>
        %dma_wait3A_752 = tpu.memref_slice %arg2[%dma_wait3A_747, %add3A_185] : memref<2x800000xi32, #tpu.memory_space<hbm>> -> memref<1x384xi32, #tpu.memory_space<hbm>>
        %dma_wait3A_753 = tpu.memref_squeeze %dma_wait3A_752 : memref<1x384xi32, #tpu.memory_space<hbm>> -> memref<384xi32, #tpu.memory_space<hbm>>
        %dma_wait3A_754 = arith.constant 0 : i32
        %dma_wait3A_755 = tpu.memref_slice %arg7[%dma_wait3A_748, %dma_wait3A_754] : memref<2x384xi32, #tpu.memory_space<vmem>> -> memref<1x384xi32, #tpu.memory_space<vmem>>
        %dma_wait3A_756 = tpu.memref_squeeze %dma_wait3A_755 : memref<1x384xi32, #tpu.memory_space<vmem>> -> memref<384xi32, #tpu.memory_space<vmem>>
        %dma_wait3A_757 = tpu.memref_slice %arg2[%dma_wait3A_747, %add3A_185] : memref<2x800000xi32, #tpu.memory_space<hbm>> -> memref<1x384xi32, #tpu.memory_space<hbm>>
        %dma_wait3A_758 = tpu.memref_squeeze %dma_wait3A_757 : memref<1x384xi32, #tpu.memory_space<hbm>> -> memref<384xi32, #tpu.memory_space<hbm>>
        tpu.wait_dma2 semaphore(%arg10 : memref<!tpu.dma_semaphore, #tpu.memory_space<semaphore_mem>>) src(%dma_wait3A_758 : memref<384xi32, #tpu.memory_space<hbm>>) dst(%dma_wait3A_756 : memref<384xi32, #tpu.memory_space<vmem>>)
      } else {
      }
      %eq3A_217 = arith.constant 1 : i32
      %eq3A_218 = arith.cmpi eq, %rem3A_186, %eq3A_217 : i32
      %convert_element_type3A_219 = arith.extui %eq3A_218 : i1 to i32
      %cond3A_220 = arith.constant 0 : i32
      %cond3A_221 = arith.cmpi ne, %convert_element_type3A_219, %cond3A_220 : i32
      scf.if %cond3A_221 {
        %dma_wait3A_747 = arith.constant 1 : i32
        %dma_wait3A_748 = arith.constant 1 : i32
        %dma_wait3A_749 = arith.constant 0 : i32
        %dma_wait3A_750 = tpu.memref_slice %arg7[%dma_wait3A_748, %dma_wait3A_749] : memref<2x384xi32, #tpu.memory_space<vmem>> -> memref<1x384xi32, #tpu.memory_space<vmem>>
        %dma_wait3A_751 = tpu.memref_squeeze %dma_wait3A_750 : memref<1x384xi32, #tpu.memory_space<vmem>> -> memref<384xi32, #tpu.memory_space<vmem>>
        %dma_wait3A_752 = tpu.memref_slice %arg2[%dma_wait3A_747, %add3A_185] : memref<2x800000xi32, #tpu.memory_space<hbm>> -> memref<1x384xi32, #tpu.memory_space<hbm>>
        %dma_wait3A_753 = tpu.memref_squeeze %dma_wait3A_752 : memref<1x384xi32, #tpu.memory_space<hbm>> -> memref<384xi32, #tpu.memory_space<hbm>>
        %dma_wait3A_754 = arith.constant 0 : i32
        %dma_wait3A_755 = tpu.memref_slice %arg7[%dma_wait3A_748, %dma_wait3A_754] : memref<2x384xi32, #tpu.memory_space<vmem>> -> memref<1x384xi32, #tpu.memory_space<vmem>>
        %dma_wait3A_756 = tpu.memref_squeeze %dma_wait3A_755 : memref<1x384xi32, #tpu.memory_space<vmem>> -> memref<384xi32, #tpu.memory_space<vmem>>
        %dma_wait3A_757 = tpu.memref_slice %arg2[%dma_wait3A_747, %add3A_185] : memref<2x800000xi32, #tpu.memory_space<hbm>> -> memref<1x384xi32, #tpu.memory_space<hbm>>
        %dma_wait3A_758 = tpu.memref_squeeze %dma_wait3A_757 : memref<1x384xi32, #tpu.memory_space<hbm>> -> memref<384xi32, #tpu.memory_space<hbm>>
        tpu.wait_dma2 semaphore(%arg11 : memref<!tpu.dma_semaphore, #tpu.memory_space<semaphore_mem>>) src(%dma_wait3A_758 : memref<384xi32, #tpu.memory_space<hbm>>) dst(%dma_wait3A_756 : memref<384xi32, #tpu.memory_space<vmem>>)
      } else {
      }
      %get3A_222 = arith.index_cast %rem3A_186 : i32 to index
      %get3A_223 = arith.constant 0 : index
      %get3A_224 = tpu.vector_load %arg7[%get3A_222, %get3A_223] {strides = array<i32>} : memref<2x384xi32, #tpu.memory_space<vmem>>, vector<1x16xi32>,
      %get3A_225 = vector.shape_cast %get3A_224 : vector<1x16xi32> to vector<16xi32>
      %sub3A_226 = vector.broadcast %mul3A_0 : i32 to vector<16xi32>
      %sub3A_227 = arith.subi %get3A_225, %sub3A_226 : vector<16xi32>
      %ge3A_228 = arith.constant 0 : i32
      %ge3A_229 = vector.broadcast %ge3A_228 : i32 to vector<16xi32>
      %ge3A_230 = arith.cmpi sge, %sub3A_227, %ge3A_229 : vector<16xi32>
      %lt3A_231 = arith.constant 25000 : i32
      %lt3A_232 = vector.broadcast %lt3A_231 : i32 to vector<16xi32>
      %lt3A_233 = arith.cmpi slt, %sub3A_227, %lt3A_232 : vector<16xi32>
      %and3A_234 = arith.andi %ge3A_230, %lt3A_233 : vector<16xi1>
      %broadcast_in_dim3A_235 = vector.broadcast %add3A_1 : i32 to vector<16xi32>
      %select_n3A_236 = arith.select %and3A_234, %sub3A_227, %broadcast_in_dim3A_235 : vector<16xi1>, vector<16xi32>
      %swap3A_237 = arith.constant 0 : i32
      %swap3A_238 = arith.index_cast %swap3A_237 : i32 to index
      %swap3A_239 = arith.constant 0 : index
      %swap3A_240 = tpu.vector_load %arg8[%swap3A_238, %swap3A_239] {strides = array<i32>} : memref<3x128xi32, #tpu.memory_space<vmem>>, vector<1x16xi32>,
      %swap3A_241 = vector.shape_cast %swap3A_240 : vector<1x16xi32> to vector<16xi32>
      %swap3A_242 = vector.shape_cast %select_n3A_236 : vector<16xi32> to vector<1x16xi32>
      tpu.vector_store %arg8[%swap3A_238, %swap3A_239], %swap3A_242 {strides = array<i32>} : memref<3x128xi32, #tpu.memory_space<vmem>>, vector<1x16xi32>,
      %get3A_243 = arith.index_cast %rem3A_186 : i32 to index
      %get3A_244 = arith.constant 16 : index
      %get3A_245 = tpu.vector_load %arg7[%get3A_243, %get3A_244] {strides = array<i32>} : memref<2x384xi32, #tpu.memory_space<vmem>>, vector<1x16xi32>,
      %get3A_246 = vector.shape_cast %get3A_245 : vector<1x16xi32> to vector<16xi32>
      %sub3A_247 = vector.broadcast %mul3A_0 : i32 to vector<16xi32>
      %sub3A_248 = arith.subi %get3A_246, %sub3A_247 : vector<16xi32>
      %ge3A_249 = arith.constant 0 : i32
      %ge3A_250 = vector.broadcast %ge3A_249 : i32 to vector<16xi32>
      %ge3A_251 = arith.cmpi sge, %sub3A_248, %ge3A_250 : vector<16xi32>
      %lt3A_252 = arith.constant 25000 : i32
      %lt3A_253 = vector.broadcast %lt3A_252 : i32 to vector<16xi32>
      %lt3A_254 = arith.cmpi slt, %sub3A_248, %lt3A_253 : vector<16xi32>
      %and3A_255 = arith.andi %ge3A_251, %lt3A_254 : vector<16xi1>
      %broadcast_in_dim3A_256 = vector.broadcast %add3A_1 : i32 to vector<16xi32>
      %select_n3A_257 = arith.select %and3A_255, %sub3A_248, %broadcast_in_dim3A_256 : vector<16xi1>, vector<16xi32>
      %swap3A_258 = arith.constant 0 : i32
      %swap3A_259 = arith.index_cast %swap3A_258 : i32 to index
      %swap3A_260 = arith.constant 16 : index
      %swap3A_261 = tpu.vector_load %arg8[%swap3A_259, %swap3A_260] {strides = array<i32>} : memref<3x128xi32, #tpu.memory_space<vmem>>, vector<1x16xi32>,
      %swap3A_262 = vector.shape_cast %swap3A_261 : vector<1x16xi32> to vector<16xi32>
      %swap3A_263 = vector.shape_cast %select_n3A_257 : vector<16xi32> to vector<1x16xi32>
      tpu.vector_store %arg8[%swap3A_259, %swap3A_260], %swap3A_263 {strides = array<i32>} : memref<3x128xi32, #tpu.memory_space<vmem>>, vector<1x16xi32>,
      %get3A_264 = arith.index_cast %rem3A_186 : i32 to index
      %get3A_265 = arith.constant 32 : index
      %get3A_266 = tpu.vector_load %arg7[%get3A_264, %get3A_265] {strides = array<i32>} : memref<2x384xi32, #tpu.memory_space<vmem>>, vector<1x16xi32>,
      %get3A_267 = vector.shape_cast %get3A_266 : vector<1x16xi32> to vector<16xi32>
      %sub3A_268 = vector.broadcast %mul3A_0 : i32 to vector<16xi32>
      %sub3A_269 = arith.subi %get3A_267, %sub3A_268 : vector<16xi32>
      %ge3A_270 = arith.constant 0 : i32
      %ge3A_271 = vector.broadcast %ge3A_270 : i32 to vector<16xi32>
      %ge3A_272 = arith.cmpi sge, %sub3A_269, %ge3A_271 : vector<16xi32>
      %lt3A_273 = arith.constant 25000 : i32
      %lt3A_274 = vector.broadcast %lt3A_273 : i32 to vector<16xi32>
      %lt3A_275 = arith.cmpi slt, %sub3A_269, %lt3A_274 : vector<16xi32>
      %and3A_276 = arith.andi %ge3A_272, %lt3A_275 : vector<16xi1>
      %broadcast_in_dim3A_277 = vector.broadcast %add3A_1 : i32 to vector<16xi32>
      %select_n3A_278 = arith.select %and3A_276, %sub3A_269, %broadcast_in_dim3A_277 : vector<16xi1>, vector<16xi32>
      %swap3A_279 = arith.constant 0 : i32
      %swap3A_280 = arith.index_cast %swap3A_279 : i32 to index
      %swap3A_281 = arith.constant 32 : index
      %swap3A_282 = tpu.vector_load %arg8[%swap3A_280, %swap3A_281] {strides = array<i32>} : memref<3x128xi32, #tpu.memory_space<vmem>>, vector<1x16xi32>,
      %swap3A_283 = vector.shape_cast %swap3A_282 : vector<1x16xi32> to vector<16xi32>
      %swap3A_284 = vector.shape_cast %select_n3A_278 : vector<16xi32> to vector<1x16xi32>
      tpu.vector_store %arg8[%swap3A_280, %swap3A_281], %swap3A_284 {strides = array<i32>} : memref<3x128xi32, #tpu.memory_space<vmem>>, vector<1x16xi32>,
      %get3A_285 = arith.index_cast %rem3A_186 : i32 to index
      %get3A_286 = arith.constant 48 : index
      %get3A_287 = tpu.vector_load %arg7[%get3A_285, %get3A_286] {strides = array<i32>} : memref<2x384xi32, #tpu.memory_space<vmem>>, vector<1x16xi32>,
      %get3A_288 = vector.shape_cast %get3A_287 : vector<1x16xi32> to vector<16xi32>
      %sub3A_289 = vector.broadcast %mul3A_0 : i32 to vector<16xi32>
      %sub3A_290 = arith.subi %get3A_288, %sub3A_289 : vector<16xi32>
      %ge3A_291 = arith.constant 0 : i32
      %ge3A_292 = vector.broadcast %ge3A_291 : i32 to vector<16xi32>
      %ge3A_293 = arith.cmpi sge, %sub3A_290, %ge3A_292 : vector<16xi32>
      %lt3A_294 = arith.constant 25000 : i32
      %lt3A_295 = vector.broadcast %lt3A_294 : i32 to vector<16xi32>
      %lt3A_296 = arith.cmpi slt, %sub3A_290, %lt3A_295 : vector<16xi32>
      %and3A_297 = arith.andi %ge3A_293, %lt3A_296 : vector<16xi1>
      %broadcast_in_dim3A_298 = vector.broadcast %add3A_1 : i32 to vector<16xi32>
      %select_n3A_299 = arith.select %and3A_297, %sub3A_290, %broadcast_in_dim3A_298 : vector<16xi1>, vector<16xi32>
      %swap3A_300 = arith.constant 0 : i32
      %swap3A_301 = arith.index_cast %swap3A_300 : i32 to index
      %swap3A_302 = arith.constant 48 : index
      %swap3A_303 = tpu.vector_load %arg8[%swap3A_301, %swap3A_302] {strides = array<i32>} : memref<3x128xi32, #tpu.memory_space<vmem>>, vector<1x16xi32>,
      %swap3A_304 = vector.shape_cast %swap3A_303 : vector<1x16xi32> to vector<16xi32>
      %swap3A_305 = vector.shape_cast %select_n3A_299 : vector<16xi32> to vector<1x16xi32>
      tpu.vector_store %arg8[%swap3A_301, %swap3A_302], %swap3A_305 {strides = array<i32>} : memref<3x128xi32, #tpu.memory_space<vmem>>, vector<1x16xi32>,
      %get3A_306 = arith.index_cast %rem3A_186 : i32 to index
      %get3A_307 = arith.constant 64 : index
      %get3A_308 = tpu.vector_load %arg7[%get3A_306, %get3A_307] {strides = array<i32>} : memref<2x384xi32, #tpu.memory_space<vmem>>, vector<1x16xi32>,
      %get3A_309 = vector.shape_cast %get3A_308 : vector<1x16xi32> to vector<16xi32>
      %sub3A_310 = vector.broadcast %mul3A_0 : i32 to vector<16xi32>
      %sub3A_311 = arith.subi %get3A_309, %sub3A_310 : vector<16xi32>
      %ge3A_312 = arith.constant 0 : i32
      %ge3A_313 = vector.broadcast %ge3A_312 : i32 to vector<16xi32>
      %ge3A_314 = arith.cmpi sge, %sub3A_311, %ge3A_313 : vector<16xi32>
      %lt3A_315 = arith.constant 25000 : i32
      %lt3A_316 = vector.broadcast %lt3A_315 : i32 to vector<16xi32>
      %lt3A_317 = arith.cmpi slt, %sub3A_311, %lt3A_316 : vector<16xi32>
      %and3A_318 = arith.andi %ge3A_314, %lt3A_317 : vector<16xi1>
      %broadcast_in_dim3A_319 = vector.broadcast %add3A_1 : i32 to vector<16xi32>
      %select_n3A_320 = arith.select %and3A_318, %sub3A_311, %broadcast_in_dim3A_319 : vector<16xi1>, vector<16xi32>
      %swap3A_321 = arith.constant 0 : i32
      %swap3A_322 = arith.index_cast %swap3A_321 : i32 to index
      %swap3A_323 = arith.constant 64 : index
      %swap3A_324 = tpu.vector_load %arg8[%swap3A_322, %swap3A_323] {strides = array<i32>} : memref<3x128xi32, #tpu.memory_space<vmem>>, vector<1x16xi32>,
      %swap3A_325 = vector.shape_cast %swap3A_324 : vector<1x16xi32> to vector<16xi32>
      %swap3A_326 = vector.shape_cast %select_n3A_320 : vector<16xi32> to vector<1x16xi32>
      tpu.vector_store %arg8[%swap3A_322, %swap3A_323], %swap3A_326 {strides = array<i32>} : memref<3x128xi32, #tpu.memory_space<vmem>>, vector<1x16xi32>,
      %get3A_327 = arith.index_cast %rem3A_186 : i32 to index
      %get3A_328 = arith.constant 80 : index
      %get3A_329 = tpu.vector_load %arg7[%get3A_327, %get3A_328] {strides = array<i32>} : memref<2x384xi32, #tpu.memory_space<vmem>>, vector<1x16xi32>,
      %get3A_330 = vector.shape_cast %get3A_329 : vector<1x16xi32> to vector<16xi32>
      %sub3A_331 = vector.broadcast %mul3A_0 : i32 to vector<16xi32>
      %sub3A_332 = arith.subi %get3A_330, %sub3A_331 : vector<16xi32>
      %ge3A_333 = arith.constant 0 : i32
      %ge3A_334 = vector.broadcast %ge3A_333 : i32 to vector<16xi32>
      %ge3A_335 = arith.cmpi sge, %sub3A_332, %ge3A_334 : vector<16xi32>
      %lt3A_336 = arith.constant 25000 : i32
      %lt3A_337 = vector.broadcast %lt3A_336 : i32 to vector<16xi32>
      %lt3A_338 = arith.cmpi slt, %sub3A_332, %lt3A_337 : vector<16xi32>
      %and3A_339 = arith.andi %ge3A_335, %lt3A_338 : vector<16xi1>
      %broadcast_in_dim3A_340 = vector.broadcast %add3A_1 : i32 to vector<16xi32>
      %select_n3A_341 = arith.select %and3A_339, %sub3A_332, %broadcast_in_dim3A_340 : vector<16xi1>, vector<16xi32>
      %swap3A_342 = arith.constant 0 : i32
      %swap3A_343 = arith.index_cast %swap3A_342 : i32 to index
      %swap3A_344 = arith.constant 80 : index
      %swap3A_345 = tpu.vector_load %arg8[%swap3A_343, %swap3A_344] {strides = array<i32>} : memref<3x128xi32, #tpu.memory_space<vmem>>, vector<1x16xi32>,
      %swap3A_346 = vector.shape_cast %swap3A_345 : vector<1x16xi32> to vector<16xi32>
      %swap3A_347 = vector.shape_cast %select_n3A_341 : vector<16xi32> to vector<1x16xi32>
      tpu.vector_store %arg8[%swap3A_343, %swap3A_344], %swap3A_347 {strides = array<i32>} : memref<3x128xi32, #tpu.memory_space<vmem>>, vector<1x16xi32>,
      %get3A_348 = arith.index_cast %rem3A_186 : i32 to index
      %get3A_349 = arith.constant 96 : index
      %get3A_350 = tpu.vector_load %arg7[%get3A_348, %get3A_349] {strides = array<i32>} : memref<2x384xi32, #tpu.memory_space<vmem>>, vector<1x16xi32>,
      %get3A_351 = vector.shape_cast %get3A_350 : vector<1x16xi32> to vector<16xi32>
      %sub3A_352 = vector.broadcast %mul3A_0 : i32 to vector<16xi32>
      %sub3A_353 = arith.subi %get3A_351, %sub3A_352 : vector<16xi32>
      %ge3A_354 = arith.constant 0 : i32
      %ge3A_355 = vector.broadcast %ge3A_354 : i32 to vector<16xi32>
      %ge3A_356 = arith.cmpi sge, %sub3A_353, %ge3A_355 : vector<16xi32>
      %lt3A_357 = arith.constant 25000 : i32
      %lt3A_358 = vector.broadcast %lt3A_357 : i32 to vector<16xi32>
      %lt3A_359 = arith.cmpi slt, %sub3A_353, %lt3A_358 : vector<16xi32>
      %and3A_360 = arith.andi %ge3A_356, %lt3A_359 : vector<16xi1>
      %broadcast_in_dim3A_361 = vector.broadcast %add3A_1 : i32 to vector<16xi32>
      %select_n3A_362 = arith.select %and3A_360, %sub3A_353, %broadcast_in_dim3A_361 : vector<16xi1>, vector<16xi32>
      %swap3A_363 = arith.constant 0 : i32
      %swap3A_364 = arith.index_cast %swap3A_363 : i32 to index
      %swap3A_365 = arith.constant 96 : index
      %swap3A_366 = tpu.vector_load %arg8[%swap3A_364, %swap3A_365] {strides = array<i32>} : memref<3x128xi32, #tpu.memory_space<vmem>>, vector<1x16xi32>,
      %swap3A_367 = vector.shape_cast %swap3A_366 : vector<1x16xi32> to vector<16xi32>
      %swap3A_368 = vector.shape_cast %select_n3A_362 : vector<16xi32> to vector<1x16xi32>
      tpu.vector_store %arg8[%swap3A_364, %swap3A_365], %swap3A_368 {strides = array<i32>} : memref<3x128xi32, #tpu.memory_space<vmem>>, vector<1x16xi32>,
      %get3A_369 = arith.index_cast %rem3A_186 : i32 to index
      %get3A_370 = arith.constant 112 : index
      %get3A_371 = tpu.vector_load %arg7[%get3A_369, %get3A_370] {strides = array<i32>} : memref<2x384xi32, #tpu.memory_space<vmem>>, vector<1x16xi32>,
      %get3A_372 = vector.shape_cast %get3A_371 : vector<1x16xi32> to vector<16xi32>
      %sub3A_373 = vector.broadcast %mul3A_0 : i32 to vector<16xi32>
      %sub3A_374 = arith.subi %get3A_372, %sub3A_373 : vector<16xi32>
      %ge3A_375 = arith.constant 0 : i32
      %ge3A_376 = vector.broadcast %ge3A_375 : i32 to vector<16xi32>
      %ge3A_377 = arith.cmpi sge, %sub3A_374, %ge3A_376 : vector<16xi32>
      %lt3A_378 = arith.constant 25000 : i32
      %lt3A_379 = vector.broadcast %lt3A_378 : i32 to vector<16xi32>
      %lt3A_380 = arith.cmpi slt, %sub3A_374, %lt3A_379 : vector<16xi32>
      %and3A_381 = arith.andi %ge3A_377, %lt3A_380 : vector<16xi1>
      %broadcast_in_dim3A_382 = vector.broadcast %add3A_1 : i32 to vector<16xi32>
      %select_n3A_383 = arith.select %and3A_381, %sub3A_374, %broadcast_in_dim3A_382 : vector<16xi1>, vector<16xi32>
      %swap3A_384 = arith.constant 0 : i32
      %swap3A_385 = arith.index_cast %swap3A_384 : i32 to index
      %swap3A_386 = arith.constant 112 : index
      %swap3A_387 = tpu.vector_load %arg8[%swap3A_385, %swap3A_386] {strides = array<i32>} : memref<3x128xi32, #tpu.memory_space<vmem>>, vector<1x16xi32>,
      %swap3A_388 = vector.shape_cast %swap3A_387 : vector<1x16xi32> to vector<16xi32>
      %swap3A_389 = vector.shape_cast %select_n3A_383 : vector<16xi32> to vector<1x16xi32>
      tpu.vector_store %arg8[%swap3A_385, %swap3A_386], %swap3A_389 {strides = array<i32>} : memref<3x128xi32, #tpu.memory_space<vmem>>, vector<1x16xi32>,
      %get3A_390 = arith.index_cast %rem3A_186 : i32 to index
      %get3A_391 = arith.constant 128 : index
      %get3A_392 = tpu.vector_load %arg7[%get3A_390, %get3A_391] {strides = array<i32>} : memref<2x384xi32, #tpu.memory_space<vmem>>, vector<1x16xi32>,
      %get3A_393 = vector.shape_cast %get3A_392 : vector<1x16xi32> to vector<16xi32>
      %sub3A_394 = vector.broadcast %mul3A_0 : i32 to vector<16xi32>
      %sub3A_395 = arith.subi %get3A_393, %sub3A_394 : vector<16xi32>
      %ge3A_396 = arith.constant 0 : i32
      %ge3A_397 = vector.broadcast %ge3A_396 : i32 to vector<16xi32>
      %ge3A_398 = arith.cmpi sge, %sub3A_395, %ge3A_397 : vector<16xi32>
      %lt3A_399 = arith.constant 25000 : i32
      %lt3A_400 = vector.broadcast %lt3A_399 : i32 to vector<16xi32>
      %lt3A_401 = arith.cmpi slt, %sub3A_395, %lt3A_400 : vector<16xi32>
      %and3A_402 = arith.andi %ge3A_398, %lt3A_401 : vector<16xi1>
      %broadcast_in_dim3A_403 = vector.broadcast %add3A_1 : i32 to vector<16xi32>
      %select_n3A_404 = arith.select %and3A_402, %sub3A_395, %broadcast_in_dim3A_403 : vector<16xi1>, vector<16xi32>
      %swap3A_405 = arith.constant 1 : i32
      %swap3A_406 = arith.index_cast %swap3A_405 : i32 to index
      %swap3A_407 = arith.constant 0 : index
      %swap3A_408 = tpu.vector_load %arg8[%swap3A_406, %swap3A_407] {strides = array<i32>} : memref<3x128xi32, #tpu.memory_space<vmem>>, vector<1x16xi32>,
      %swap3A_409 = vector.shape_cast %swap3A_408 : vector<1x16xi32> to vector<16xi32>
      %swap3A_410 = vector.shape_cast %select_n3A_404 : vector<16xi32> to vector<1x16xi32>
      tpu.vector_store %arg8[%swap3A_406, %swap3A_407], %swap3A_410 {strides = array<i32>} : memref<3x128xi32, #tpu.memory_space<vmem>>, vector<1x16xi32>,
      %get3A_411 = arith.index_cast %rem3A_186 : i32 to index
      %get3A_412 = arith.constant 144 : index
      %get3A_413 = tpu.vector_load %arg7[%get3A_411, %get3A_412] {strides = array<i32>} : memref<2x384xi32, #tpu.memory_space<vmem>>, vector<1x16xi32>,
      %get3A_414 = vector.shape_cast %get3A_413 : vector<1x16xi32> to vector<16xi32>
      %sub3A_415 = vector.broadcast %mul3A_0 : i32 to vector<16xi32>
      %sub3A_416 = arith.subi %get3A_414, %sub3A_415 : vector<16xi32>
      %ge3A_417 = arith.constant 0 : i32
      %ge3A_418 = vector.broadcast %ge3A_417 : i32 to vector<16xi32>
      %ge3A_419 = arith.cmpi sge, %sub3A_416, %ge3A_418 : vector<16xi32>
      %lt3A_420 = arith.constant 25000 : i32
      %lt3A_421 = vector.broadcast %lt3A_420 : i32 to vector<16xi32>
      %lt3A_422 = arith.cmpi slt, %sub3A_416, %lt3A_421 : vector<16xi32>
      %and3A_423 = arith.andi %ge3A_419, %lt3A_422 : vector<16xi1>
      %broadcast_in_dim3A_424 = vector.broadcast %add3A_1 : i32 to vector<16xi32>
      %select_n3A_425 = arith.select %and3A_423, %sub3A_416, %broadcast_in_dim3A_424 : vector<16xi1>, vector<16xi32>
      %swap3A_426 = arith.constant 1 : i32
      %swap3A_427 = arith.index_cast %swap3A_426 : i32 to index
      %swap3A_428 = arith.constant 16 : index
      %swap3A_429 = tpu.vector_load %arg8[%swap3A_427, %swap3A_428] {strides = array<i32>} : memref<3x128xi32, #tpu.memory_space<vmem>>, vector<1x16xi32>,
      %swap3A_430 = vector.shape_cast %swap3A_429 : vector<1x16xi32> to vector<16xi32>
      %swap3A_431 = vector.shape_cast %select_n3A_425 : vector<16xi32> to vector<1x16xi32>
      tpu.vector_store %arg8[%swap3A_427, %swap3A_428], %swap3A_431 {strides = array<i32>} : memref<3x128xi32, #tpu.memory_space<vmem>>, vector<1x16xi32>,
      %get3A_432 = arith.index_cast %rem3A_186 : i32 to index
      %get3A_433 = arith.constant 160 : index
      %get3A_434 = tpu.vector_load %arg7[%get3A_432, %get3A_433] {strides = array<i32>} : memref<2x384xi32, #tpu.memory_space<vmem>>, vector<1x16xi32>,
      %get3A_435 = vector.shape_cast %get3A_434 : vector<1x16xi32> to vector<16xi32>
      %sub3A_436 = vector.broadcast %mul3A_0 : i32 to vector<16xi32>
      %sub3A_437 = arith.subi %get3A_435, %sub3A_436 : vector<16xi32>
      %ge3A_438 = arith.constant 0 : i32
      %ge3A_439 = vector.broadcast %ge3A_438 : i32 to vector<16xi32>
      %ge3A_440 = arith.cmpi sge, %sub3A_437, %ge3A_439 : vector<16xi32>
      %lt3A_441 = arith.constant 25000 : i32
      %lt3A_442 = vector.broadcast %lt3A_441 : i32 to vector<16xi32>
      %lt3A_443 = arith.cmpi slt, %sub3A_437, %lt3A_442 : vector<16xi32>
      %and3A_444 = arith.andi %ge3A_440, %lt3A_443 : vector<16xi1>
      %broadcast_in_dim3A_445 = vector.broadcast %add3A_1 : i32 to vector<16xi32>
      %select_n3A_446 = arith.select %and3A_444, %sub3A_437, %broadcast_in_dim3A_445 : vector<16xi1>, vector<16xi32>
      %swap3A_447 = arith.constant 1 : i32
      %swap3A_448 = arith.index_cast %swap3A_447 : i32 to index
      %swap3A_449 = arith.constant 32 : index
      %swap3A_450 = tpu.vector_load %arg8[%swap3A_448, %swap3A_449] {strides = array<i32>} : memref<3x128xi32, #tpu.memory_space<vmem>>, vector<1x16xi32>,
      %swap3A_451 = vector.shape_cast %swap3A_450 : vector<1x16xi32> to vector<16xi32>
      %swap3A_452 = vector.shape_cast %select_n3A_446 : vector<16xi32> to vector<1x16xi32>
      tpu.vector_store %arg8[%swap3A_448, %swap3A_449], %swap3A_452 {strides = array<i32>} : memref<3x128xi32, #tpu.memory_space<vmem>>, vector<1x16xi32>,
      %get3A_453 = arith.index_cast %rem3A_186 : i32 to index
      %get3A_454 = arith.constant 176 : index
      %get3A_455 = tpu.vector_load %arg7[%get3A_453, %get3A_454] {strides = array<i32>} : memref<2x384xi32, #tpu.memory_space<vmem>>, vector<1x16xi32>,
      %get3A_456 = vector.shape_cast %get3A_455 : vector<1x16xi32> to vector<16xi32>
      %sub3A_457 = vector.broadcast %mul3A_0 : i32 to vector<16xi32>
      %sub3A_458 = arith.subi %get3A_456, %sub3A_457 : vector<16xi32>
      %ge3A_459 = arith.constant 0 : i32
      %ge3A_460 = vector.broadcast %ge3A_459 : i32 to vector<16xi32>
      %ge3A_461 = arith.cmpi sge, %sub3A_458, %ge3A_460 : vector<16xi32>
      %lt3A_462 = arith.constant 25000 : i32
      %lt3A_463 = vector.broadcast %lt3A_462 : i32 to vector<16xi32>
      %lt3A_464 = arith.cmpi slt, %sub3A_458, %lt3A_463 : vector<16xi32>
      %and3A_465 = arith.andi %ge3A_461, %lt3A_464 : vector<16xi1>
      %broadcast_in_dim3A_466 = vector.broadcast %add3A_1 : i32 to vector<16xi32>
      %select_n3A_467 = arith.select %and3A_465, %sub3A_458, %broadcast_in_dim3A_466 : vector<16xi1>, vector<16xi32>
      %swap3A_468 = arith.constant 1 : i32
      %swap3A_469 = arith.index_cast %swap3A_468 : i32 to index
      %swap3A_470 = arith.constant 48 : index
      %swap3A_471 = tpu.vector_load %arg8[%swap3A_469, %swap3A_470] {strides = array<i32>} : memref<3x128xi32, #tpu.memory_space<vmem>>, vector<1x16xi32>,
      %swap3A_472 = vector.shape_cast %swap3A_471 : vector<1x16xi32> to vector<16xi32>
      %swap3A_473 = vector.shape_cast %select_n3A_467 : vector<16xi32> to vector<1x16xi32>
      tpu.vector_store %arg8[%swap3A_469, %swap3A_470], %swap3A_473 {strides = array<i32>} : memref<3x128xi32, #tpu.memory_space<vmem>>, vector<1x16xi32>,
      %get3A_474 = arith.index_cast %rem3A_186 : i32 to index
      %get3A_475 = arith.constant 192 : index
      %get3A_476 = tpu.vector_load %arg7[%get3A_474, %get3A_475] {strides = array<i32>} : memref<2x384xi32, #tpu.memory_space<vmem>>, vector<1x16xi32>,
      %get3A_477 = vector.shape_cast %get3A_476 : vector<1x16xi32> to vector<16xi32>
      %sub3A_478 = vector.broadcast %mul3A_0 : i32 to vector<16xi32>
      %sub3A_479 = arith.subi %get3A_477, %sub3A_478 : vector<16xi32>
      %ge3A_480 = arith.constant 0 : i32
      %ge3A_481 = vector.broadcast %ge3A_480 : i32 to vector<16xi32>
      %ge3A_482 = arith.cmpi sge, %sub3A_479, %ge3A_481 : vector<16xi32>
      %lt3A_483 = arith.constant 25000 : i32
      %lt3A_484 = vector.broadcast %lt3A_483 : i32 to vector<16xi32>
      %lt3A_485 = arith.cmpi slt, %sub3A_479, %lt3A_484 : vector<16xi32>
      %and3A_486 = arith.andi %ge3A_482, %lt3A_485 : vector<16xi1>
      %broadcast_in_dim3A_487 = vector.broadcast %add3A_1 : i32 to vector<16xi32>
      %select_n3A_488 = arith.select %and3A_486, %sub3A_479, %broadcast_in_dim3A_487 : vector<16xi1>, vector<16xi32>
      %swap3A_489 = arith.constant 1 : i32
      %swap3A_490 = arith.index_cast %swap3A_489 : i32 to index
      %swap3A_491 = arith.constant 64 : index
      %swap3A_492 = tpu.vector_load %arg8[%swap3A_490, %swap3A_491] {strides = array<i32>} : memref<3x128xi32, #tpu.memory_space<vmem>>, vector<1x16xi32>,
      %swap3A_493 = vector.shape_cast %swap3A_492 : vector<1x16xi32> to vector<16xi32>
      %swap3A_494 = vector.shape_cast %select_n3A_488 : vector<16xi32> to vector<1x16xi32>
      tpu.vector_store %arg8[%swap3A_490, %swap3A_491], %swap3A_494 {strides = array<i32>} : memref<3x128xi32, #tpu.memory_space<vmem>>, vector<1x16xi32>,
      %get3A_495 = arith.index_cast %rem3A_186 : i32 to index
      %get3A_496 = arith.constant 208 : index
      %get3A_497 = tpu.vector_load %arg7[%get3A_495, %get3A_496] {strides = array<i32>} : memref<2x384xi32, #tpu.memory_space<vmem>>, vector<1x16xi32>,
      %get3A_498 = vector.shape_cast %get3A_497 : vector<1x16xi32> to vector<16xi32>
      %sub3A_499 = vector.broadcast %mul3A_0 : i32 to vector<16xi32>
      %sub3A_500 = arith.subi %get3A_498, %sub3A_499 : vector<16xi32>
      %ge3A_501 = arith.constant 0 : i32
      %ge3A_502 = vector.broadcast %ge3A_501 : i32 to vector<16xi32>
      %ge3A_503 = arith.cmpi sge, %sub3A_500, %ge3A_502 : vector<16xi32>
      %lt3A_504 = arith.constant 25000 : i32
      %lt3A_505 = vector.broadcast %lt3A_504 : i32 to vector<16xi32>
      %lt3A_506 = arith.cmpi slt, %sub3A_500, %lt3A_505 : vector<16xi32>
      %and3A_507 = arith.andi %ge3A_503, %lt3A_506 : vector<16xi1>
      %broadcast_in_dim3A_508 = vector.broadcast %add3A_1 : i32 to vector<16xi32>
      %select_n3A_509 = arith.select %and3A_507, %sub3A_500, %broadcast_in_dim3A_508 : vector<16xi1>, vector<16xi32>
      %swap3A_510 = arith.constant 1 : i32
      %swap3A_511 = arith.index_cast %swap3A_510 : i32 to index
      %swap3A_512 = arith.constant 80 : index
      %swap3A_513 = tpu.vector_load %arg8[%swap3A_511, %swap3A_512] {strides = array<i32>} : memref<3x128xi32, #tpu.memory_space<vmem>>, vector<1x16xi32>,
      %swap3A_514 = vector.shape_cast %swap3A_513 : vector<1x16xi32> to vector<16xi32>
      %swap3A_515 = vector.shape_cast %select_n3A_509 : vector<16xi32> to vector<1x16xi32>
      tpu.vector_store %arg8[%swap3A_511, %swap3A_512], %swap3A_515 {strides = array<i32>} : memref<3x128xi32, #tpu.memory_space<vmem>>, vector<1x16xi32>,
      %get3A_516 = arith.index_cast %rem3A_186 : i32 to index
      %get3A_517 = arith.constant 224 : index
      %get3A_518 = tpu.vector_load %arg7[%get3A_516, %get3A_517] {strides = array<i32>} : memref<2x384xi32, #tpu.memory_space<vmem>>, vector<1x16xi32>,
      %get3A_519 = vector.shape_cast %get3A_518 : vector<1x16xi32> to vector<16xi32>
      %sub3A_520 = vector.broadcast %mul3A_0 : i32 to vector<16xi32>
      %sub3A_521 = arith.subi %get3A_519, %sub3A_520 : vector<16xi32>
      %ge3A_522 = arith.constant 0 : i32
      %ge3A_523 = vector.broadcast %ge3A_522 : i32 to vector<16xi32>
      %ge3A_524 = arith.cmpi sge, %sub3A_521, %ge3A_523 : vector<16xi32>
      %lt3A_525 = arith.constant 25000 : i32
      %lt3A_526 = vector.broadcast %lt3A_525 : i32 to vector<16xi32>
      %lt3A_527 = arith.cmpi slt, %sub3A_521, %lt3A_526 : vector<16xi32>
      %and3A_528 = arith.andi %ge3A_524, %lt3A_527 : vector<16xi1>
      %broadcast_in_dim3A_529 = vector.broadcast %add3A_1 : i32 to vector<16xi32>
      %select_n3A_530 = arith.select %and3A_528, %sub3A_521, %broadcast_in_dim3A_529 : vector<16xi1>, vector<16xi32>
      %swap3A_531 = arith.constant 1 : i32
      %swap3A_532 = arith.index_cast %swap3A_531 : i32 to index
      %swap3A_533 = arith.constant 96 : index
      %swap3A_534 = tpu.vector_load %arg8[%swap3A_532, %swap3A_533] {strides = array<i32>} : memref<3x128xi32, #tpu.memory_space<vmem>>, vector<1x16xi32>,
      %swap3A_535 = vector.shape_cast %swap3A_534 : vector<1x16xi32> to vector<16xi32>
      %swap3A_536 = vector.shape_cast %select_n3A_530 : vector<16xi32> to vector<1x16xi32>
      tpu.vector_store %arg8[%swap3A_532, %swap3A_533], %swap3A_536 {strides = array<i32>} : memref<3x128xi32, #tpu.memory_space<vmem>>, vector<1x16xi32>,
      %get3A_537 = arith.index_cast %rem3A_186 : i32 to index
      %get3A_538 = arith.constant 240 : index
      %get3A_539 = tpu.vector_load %arg7[%get3A_537, %get3A_538] {strides = array<i32>} : memref<2x384xi32, #tpu.memory_space<vmem>>, vector<1x16xi32>,
      %get3A_540 = vector.shape_cast %get3A_539 : vector<1x16xi32> to vector<16xi32>
      %sub3A_541 = vector.broadcast %mul3A_0 : i32 to vector<16xi32>
      %sub3A_542 = arith.subi %get3A_540, %sub3A_541 : vector<16xi32>
      %ge3A_543 = arith.constant 0 : i32
      %ge3A_544 = vector.broadcast %ge3A_543 : i32 to vector<16xi32>
      %ge3A_545 = arith.cmpi sge, %sub3A_542, %ge3A_544 : vector<16xi32>
      %lt3A_546 = arith.constant 25000 : i32
      %lt3A_547 = vector.broadcast %lt3A_546 : i32 to vector<16xi32>
      %lt3A_548 = arith.cmpi slt, %sub3A_542, %lt3A_547 : vector<16xi32>
      %and3A_549 = arith.andi %ge3A_545, %lt3A_548 : vector<16xi1>
      %broadcast_in_dim3A_550 = vector.broadcast %add3A_1 : i32 to vector<16xi32>
      %select_n3A_551 = arith.select %and3A_549, %sub3A_542, %broadcast_in_dim3A_550 : vector<16xi1>, vector<16xi32>
      %swap3A_552 = arith.constant 1 : i32
      %swap3A_553 = arith.index_cast %swap3A_552 : i32 to index
      %swap3A_554 = arith.constant 112 : index
      %swap3A_555 = tpu.vector_load %arg8[%swap3A_553, %swap3A_554] {strides = array<i32>} : memref<3x128xi32, #tpu.memory_space<vmem>>, vector<1x16xi32>,
      %swap3A_556 = vector.shape_cast %swap3A_555 : vector<1x16xi32> to vector<16xi32>
      %swap3A_557 = vector.shape_cast %select_n3A_551 : vector<16xi32> to vector<1x16xi32>
      tpu.vector_store %arg8[%swap3A_553, %swap3A_554], %swap3A_557 {strides = array<i32>} : memref<3x128xi32, #tpu.memory_space<vmem>>, vector<1x16xi32>,
      %get3A_558 = arith.index_cast %rem3A_186 : i32 to index
      %get3A_559 = arith.constant 256 : index
      %get3A_560 = tpu.vector_load %arg7[%get3A_558, %get3A_559] {strides = array<i32>} : memref<2x384xi32, #tpu.memory_space<vmem>>, vector<1x16xi32>,
      %get3A_561 = vector.shape_cast %get3A_560 : vector<1x16xi32> to vector<16xi32>
      %sub3A_562 = vector.broadcast %mul3A_0 : i32 to vector<16xi32>
      %sub3A_563 = arith.subi %get3A_561, %sub3A_562 : vector<16xi32>
      %ge3A_564 = arith.constant 0 : i32
      %ge3A_565 = vector.broadcast %ge3A_564 : i32 to vector<16xi32>
      %ge3A_566 = arith.cmpi sge, %sub3A_563, %ge3A_565 : vector<16xi32>
      %lt3A_567 = arith.constant 25000 : i32
      %lt3A_568 = vector.broadcast %lt3A_567 : i32 to vector<16xi32>
      %lt3A_569 = arith.cmpi slt, %sub3A_563, %lt3A_568 : vector<16xi32>
      %and3A_570 = arith.andi %ge3A_566, %lt3A_569 : vector<16xi1>
      %broadcast_in_dim3A_571 = vector.broadcast %add3A_1 : i32 to vector<16xi32>
      %select_n3A_572 = arith.select %and3A_570, %sub3A_563, %broadcast_in_dim3A_571 : vector<16xi1>, vector<16xi32>
      %swap3A_573 = arith.constant 2 : i32
      %swap3A_574 = arith.index_cast %swap3A_573 : i32 to index
      %swap3A_575 = arith.constant 0 : index
      %swap3A_576 = tpu.vector_load %arg8[%swap3A_574, %swap3A_575] {strides = array<i32>} : memref<3x128xi32, #tpu.memory_space<vmem>>, vector<1x16xi32>,
      %swap3A_577 = vector.shape_cast %swap3A_576 : vector<1x16xi32> to vector<16xi32>
      %swap3A_578 = vector.shape_cast %select_n3A_572 : vector<16xi32> to vector<1x16xi32>
      tpu.vector_store %arg8[%swap3A_574, %swap3A_575], %swap3A_578 {strides = array<i32>} : memref<3x128xi32, #tpu.memory_space<vmem>>, vector<1x16xi32>,
      %get3A_579 = arith.index_cast %rem3A_186 : i32 to index
      %get3A_580 = arith.constant 272 : index
      %get3A_581 = tpu.vector_load %arg7[%get3A_579, %get3A_580] {strides = array<i32>} : memref<2x384xi32, #tpu.memory_space<vmem>>, vector<1x16xi32>,
      %get3A_582 = vector.shape_cast %get3A_581 : vector<1x16xi32> to vector<16xi32>
      %sub3A_583 = vector.broadcast %mul3A_0 : i32 to vector<16xi32>
      %sub3A_584 = arith.subi %get3A_582, %sub3A_583 : vector<16xi32>
      %ge3A_585 = arith.constant 0 : i32
      %ge3A_586 = vector.broadcast %ge3A_585 : i32 to vector<16xi32>
      %ge3A_587 = arith.cmpi sge, %sub3A_584, %ge3A_586 : vector<16xi32>
      %lt3A_588 = arith.constant 25000 : i32
      %lt3A_589 = vector.broadcast %lt3A_588 : i32 to vector<16xi32>
      %lt3A_590 = arith.cmpi slt, %sub3A_584, %lt3A_589 : vector<16xi32>
      %and3A_591 = arith.andi %ge3A_587, %lt3A_590 : vector<16xi1>
      %broadcast_in_dim3A_592 = vector.broadcast %add3A_1 : i32 to vector<16xi32>
      %select_n3A_593 = arith.select %and3A_591, %sub3A_584, %broadcast_in_dim3A_592 : vector<16xi1>, vector<16xi32>
      %swap3A_594 = arith.constant 2 : i32
      %swap3A_595 = arith.index_cast %swap3A_594 : i32 to index
      %swap3A_596 = arith.constant 16 : index
      %swap3A_597 = tpu.vector_load %arg8[%swap3A_595, %swap3A_596] {strides = array<i32>} : memref<3x128xi32, #tpu.memory_space<vmem>>, vector<1x16xi32>,
      %swap3A_598 = vector.shape_cast %swap3A_597 : vector<1x16xi32> to vector<16xi32>
      %swap3A_599 = vector.shape_cast %select_n3A_593 : vector<16xi32> to vector<1x16xi32>
      tpu.vector_store %arg8[%swap3A_595, %swap3A_596], %swap3A_599 {strides = array<i32>} : memref<3x128xi32, #tpu.memory_space<vmem>>, vector<1x16xi32>,
      %get3A_600 = arith.index_cast %rem3A_186 : i32 to index
      %get3A_601 = arith.constant 288 : index
      %get3A_602 = tpu.vector_load %arg7[%get3A_600, %get3A_601] {strides = array<i32>} : memref<2x384xi32, #tpu.memory_space<vmem>>, vector<1x16xi32>,
      %get3A_603 = vector.shape_cast %get3A_602 : vector<1x16xi32> to vector<16xi32>
      %sub3A_604 = vector.broadcast %mul3A_0 : i32 to vector<16xi32>
      %sub3A_605 = arith.subi %get3A_603, %sub3A_604 : vector<16xi32>
      %ge3A_606 = arith.constant 0 : i32
      %ge3A_607 = vector.broadcast %ge3A_606 : i32 to vector<16xi32>
      %ge3A_608 = arith.cmpi sge, %sub3A_605, %ge3A_607 : vector<16xi32>
      %lt3A_609 = arith.constant 25000 : i32
      %lt3A_610 = vector.broadcast %lt3A_609 : i32 to vector<16xi32>
      %lt3A_611 = arith.cmpi slt, %sub3A_605, %lt3A_610 : vector<16xi32>
      %and3A_612 = arith.andi %ge3A_608, %lt3A_611 : vector<16xi1>
      %broadcast_in_dim3A_613 = vector.broadcast %add3A_1 : i32 to vector<16xi32>
      %select_n3A_614 = arith.select %and3A_612, %sub3A_605, %broadcast_in_dim3A_613 : vector<16xi1>, vector<16xi32>
      %swap3A_615 = arith.constant 2 : i32
      %swap3A_616 = arith.index_cast %swap3A_615 : i32 to index
      %swap3A_617 = arith.constant 32 : index
      %swap3A_618 = tpu.vector_load %arg8[%swap3A_616, %swap3A_617] {strides = array<i32>} : memref<3x128xi32, #tpu.memory_space<vmem>>, vector<1x16xi32>,
      %swap3A_619 = vector.shape_cast %swap3A_618 : vector<1x16xi32> to vector<16xi32>
      %swap3A_620 = vector.shape_cast %select_n3A_614 : vector<16xi32> to vector<1x16xi32>
      tpu.vector_store %arg8[%swap3A_616, %swap3A_617], %swap3A_620 {strides = array<i32>} : memref<3x128xi32, #tpu.memory_space<vmem>>, vector<1x16xi32>,
      %get3A_621 = arith.index_cast %rem3A_186 : i32 to index
      %get3A_622 = arith.constant 304 : index
      %get3A_623 = tpu.vector_load %arg7[%get3A_621, %get3A_622] {strides = array<i32>} : memref<2x384xi32, #tpu.memory_space<vmem>>, vector<1x16xi32>,
      %get3A_624 = vector.shape_cast %get3A_623 : vector<1x16xi32> to vector<16xi32>
      %sub3A_625 = vector.broadcast %mul3A_0 : i32 to vector<16xi32>
      %sub3A_626 = arith.subi %get3A_624, %sub3A_625 : vector<16xi32>
      %ge3A_627 = arith.constant 0 : i32
      %ge3A_628 = vector.broadcast %ge3A_627 : i32 to vector<16xi32>
      %ge3A_629 = arith.cmpi sge, %sub3A_626, %ge3A_628 : vector<16xi32>
      %lt3A_630 = arith.constant 25000 : i32
      %lt3A_631 = vector.broadcast %lt3A_630 : i32 to vector<16xi32>
      %lt3A_632 = arith.cmpi slt, %sub3A_626, %lt3A_631 : vector<16xi32>
      %and3A_633 = arith.andi %ge3A_629, %lt3A_632 : vector<16xi1>
      %broadcast_in_dim3A_634 = vector.broadcast %add3A_1 : i32 to vector<16xi32>
      %select_n3A_635 = arith.select %and3A_633, %sub3A_626, %broadcast_in_dim3A_634 : vector<16xi1>, vector<16xi32>
      %swap3A_636 = arith.constant 2 : i32
      %swap3A_637 = arith.index_cast %swap3A_636 : i32 to index
      %swap3A_638 = arith.constant 48 : index
      %swap3A_639 = tpu.vector_load %arg8[%swap3A_637, %swap3A_638] {strides = array<i32>} : memref<3x128xi32, #tpu.memory_space<vmem>>, vector<1x16xi32>,
      %swap3A_640 = vector.shape_cast %swap3A_639 : vector<1x16xi32> to vector<16xi32>
      %swap3A_641 = vector.shape_cast %select_n3A_635 : vector<16xi32> to vector<1x16xi32>
      tpu.vector_store %arg8[%swap3A_637, %swap3A_638], %swap3A_641 {strides = array<i32>} : memref<3x128xi32, #tpu.memory_space<vmem>>, vector<1x16xi32>,
      %get3A_642 = arith.index_cast %rem3A_186 : i32 to index
      %get3A_643 = arith.constant 320 : index
      %get3A_644 = tpu.vector_load %arg7[%get3A_642, %get3A_643] {strides = array<i32>} : memref<2x384xi32, #tpu.memory_space<vmem>>, vector<1x16xi32>,
      %get3A_645 = vector.shape_cast %get3A_644 : vector<1x16xi32> to vector<16xi32>
      %sub3A_646 = vector.broadcast %mul3A_0 : i32 to vector<16xi32>
      %sub3A_647 = arith.subi %get3A_645, %sub3A_646 : vector<16xi32>
      %ge3A_648 = arith.constant 0 : i32
      %ge3A_649 = vector.broadcast %ge3A_648 : i32 to vector<16xi32>
      %ge3A_650 = arith.cmpi sge, %sub3A_647, %ge3A_649 : vector<16xi32>
      %lt3A_651 = arith.constant 25000 : i32
      %lt3A_652 = vector.broadcast %lt3A_651 : i32 to vector<16xi32>
      %lt3A_653 = arith.cmpi slt, %sub3A_647, %lt3A_652 : vector<16xi32>
      %and3A_654 = arith.andi %ge3A_650, %lt3A_653 : vector<16xi1>
      %broadcast_in_dim3A_655 = vector.broadcast %add3A_1 : i32 to vector<16xi32>
      %select_n3A_656 = arith.select %and3A_654, %sub3A_647, %broadcast_in_dim3A_655 : vector<16xi1>, vector<16xi32>
      %swap3A_657 = arith.constant 2 : i32
      %swap3A_658 = arith.index_cast %swap3A_657 : i32 to index
      %swap3A_659 = arith.constant 64 : index
      %swap3A_660 = tpu.vector_load %arg8[%swap3A_658, %swap3A_659] {strides = array<i32>} : memref<3x128xi32, #tpu.memory_space<vmem>>, vector<1x16xi32>,
      %swap3A_661 = vector.shape_cast %swap3A_660 : vector<1x16xi32> to vector<16xi32>
      %swap3A_662 = vector.shape_cast %select_n3A_656 : vector<16xi32> to vector<1x16xi32>
      tpu.vector_store %arg8[%swap3A_658, %swap3A_659], %swap3A_662 {strides = array<i32>} : memref<3x128xi32, #tpu.memory_space<vmem>>, vector<1x16xi32>,
      %get3A_663 = arith.index_cast %rem3A_186 : i32 to index
      %get3A_664 = arith.constant 336 : index
      %get3A_665 = tpu.vector_load %arg7[%get3A_663, %get3A_664] {strides = array<i32>} : memref<2x384xi32, #tpu.memory_space<vmem>>, vector<1x16xi32>,
      %get3A_666 = vector.shape_cast %get3A_665 : vector<1x16xi32> to vector<16xi32>
      %sub3A_667 = vector.broadcast %mul3A_0 : i32 to vector<16xi32>
      %sub3A_668 = arith.subi %get3A_666, %sub3A_667 : vector<16xi32>
      %ge3A_669 = arith.constant 0 : i32
      %ge3A_670 = vector.broadcast %ge3A_669 : i32 to vector<16xi32>
      %ge3A_671 = arith.cmpi sge, %sub3A_668, %ge3A_670 : vector<16xi32>
      %lt3A_672 = arith.constant 25000 : i32
      %lt3A_673 = vector.broadcast %lt3A_672 : i32 to vector<16xi32>
      %lt3A_674 = arith.cmpi slt, %sub3A_668, %lt3A_673 : vector<16xi32>
      %and3A_675 = arith.andi %ge3A_671, %lt3A_674 : vector<16xi1>
      %broadcast_in_dim3A_676 = vector.broadcast %add3A_1 : i32 to vector<16xi32>
      %select_n3A_677 = arith.select %and3A_675, %sub3A_668, %broadcast_in_dim3A_676 : vector<16xi1>, vector<16xi32>
      %swap3A_678 = arith.constant 2 : i32
      %swap3A_679 = arith.index_cast %swap3A_678 : i32 to index
      %swap3A_680 = arith.constant 80 : index
      %swap3A_681 = tpu.vector_load %arg8[%swap3A_679, %swap3A_680] {strides = array<i32>} : memref<3x128xi32, #tpu.memory_space<vmem>>, vector<1x16xi32>,
      %swap3A_682 = vector.shape_cast %swap3A_681 : vector<1x16xi32> to vector<16xi32>
      %swap3A_683 = vector.shape_cast %select_n3A_677 : vector<16xi32> to vector<1x16xi32>
      tpu.vector_store %arg8[%swap3A_679, %swap3A_680], %swap3A_683 {strides = array<i32>} : memref<3x128xi32, #tpu.memory_space<vmem>>, vector<1x16xi32>,
      %get3A_684 = arith.index_cast %rem3A_186 : i32 to index
      %get3A_685 = arith.constant 352 : index
      %get3A_686 = tpu.vector_load %arg7[%get3A_684, %get3A_685] {strides = array<i32>} : memref<2x384xi32, #tpu.memory_space<vmem>>, vector<1x16xi32>,
      %get3A_687 = vector.shape_cast %get3A_686 : vector<1x16xi32> to vector<16xi32>
      %sub3A_688 = vector.broadcast %mul3A_0 : i32 to vector<16xi32>
      %sub3A_689 = arith.subi %get3A_687, %sub3A_688 : vector<16xi32>
      %ge3A_690 = arith.constant 0 : i32
      %ge3A_691 = vector.broadcast %ge3A_690 : i32 to vector<16xi32>
      %ge3A_692 = arith.cmpi sge, %sub3A_689, %ge3A_691 : vector<16xi32>
      %lt3A_693 = arith.constant 25000 : i32
      %lt3A_694 = vector.broadcast %lt3A_693 : i32 to vector<16xi32>
      %lt3A_695 = arith.cmpi slt, %sub3A_689, %lt3A_694 : vector<16xi32>
      %and3A_696 = arith.andi %ge3A_692, %lt3A_695 : vector<16xi1>
      %broadcast_in_dim3A_697 = vector.broadcast %add3A_1 : i32 to vector<16xi32>
      %select_n3A_698 = arith.select %and3A_696, %sub3A_689, %broadcast_in_dim3A_697 : vector<16xi1>, vector<16xi32>
      %swap3A_699 = arith.constant 2 : i32
      %swap3A_700 = arith.index_cast %swap3A_699 : i32 to index
      %swap3A_701 = arith.constant 96 : index
      %swap3A_702 = tpu.vector_load %arg8[%swap3A_700, %swap3A_701] {strides = array<i32>} : memref<3x128xi32, #tpu.memory_space<vmem>>, vector<1x16xi32>,
      %swap3A_703 = vector.shape_cast %swap3A_702 : vector<1x16xi32> to vector<16xi32>
      %swap3A_704 = vector.shape_cast %select_n3A_698 : vector<16xi32> to vector<1x16xi32>
      tpu.vector_store %arg8[%swap3A_700, %swap3A_701], %swap3A_704 {strides = array<i32>} : memref<3x128xi32, #tpu.memory_space<vmem>>, vector<1x16xi32>,
      %get3A_705 = arith.index_cast %rem3A_186 : i32 to index
      %get3A_706 = arith.constant 368 : index
      %get3A_707 = tpu.vector_load %arg7[%get3A_705, %get3A_706] {strides = array<i32>} : memref<2x384xi32, #tpu.memory_space<vmem>>, vector<1x16xi32>,
      %get3A_708 = vector.shape_cast %get3A_707 : vector<1x16xi32> to vector<16xi32>
      %sub3A_709 = vector.broadcast %mul3A_0 : i32 to vector<16xi32>
      %sub3A_710 = arith.subi %get3A_708, %sub3A_709 : vector<16xi32>
      %ge3A_711 = arith.constant 0 : i32
      %ge3A_712 = vector.broadcast %ge3A_711 : i32 to vector<16xi32>
      %ge3A_713 = arith.cmpi sge, %sub3A_710, %ge3A_712 : vector<16xi32>
      %lt3A_714 = arith.constant 25000 : i32
      %lt3A_715 = vector.broadcast %lt3A_714 : i32 to vector<16xi32>
      %lt3A_716 = arith.cmpi slt, %sub3A_710, %lt3A_715 : vector<16xi32>
      %and3A_717 = arith.andi %ge3A_713, %lt3A_716 : vector<16xi1>
      %broadcast_in_dim3A_718 = vector.broadcast %add3A_1 : i32 to vector<16xi32>
      %select_n3A_719 = arith.select %and3A_717, %sub3A_710, %broadcast_in_dim3A_718 : vector<16xi1>, vector<16xi32>
      %swap3A_720 = arith.constant 2 : i32
      %swap3A_721 = arith.index_cast %swap3A_720 : i32 to index
      %swap3A_722 = arith.constant 112 : index
      %swap3A_723 = tpu.vector_load %arg8[%swap3A_721, %swap3A_722] {strides = array<i32>} : memref<3x128xi32, #tpu.memory_space<vmem>>, vector<1x16xi32>,
      %swap3A_724 = vector.shape_cast %swap3A_723 : vector<1x16xi32> to vector<16xi32>
      %swap3A_725 = vector.shape_cast %select_n3A_719 : vector<16xi32> to vector<1x16xi32>
      tpu.vector_store %arg8[%swap3A_721, %swap3A_722], %swap3A_725 {strides = array<i32>} : memref<3x128xi32, #tpu.memory_space<vmem>>, vector<1x16xi32>,
      %dma_start3A_726 = arith.constant 0 : i32
      %dma_start3A_727 = arith.constant 0 : i32
      %dma_start3A_728 = tpu.memref_slice %arg8[%dma_start3A_726, %dma_start3A_727] : memref<3x128xi32, #tpu.memory_space<vmem>> -> memref<1x128xi32, #tpu.memory_space<vmem>>
      %dma_start3A_729 = tpu.memref_squeeze %dma_start3A_728 : memref<1x128xi32, #tpu.memory_space<vmem>> -> memref<128xi32, #tpu.memory_space<vmem>>
      %dma_start3A_730 = arith.constant 0 : i32
      %dma_start3A_731 = arith.constant 0 : i32
      %dma_start3A_732 = tpu.memref_slice %arg6[%dma_start3A_730, %dma_start3A_731] : memref<25088x8xf32, #tpu.memory_space<vmem_shared>> -> memref<25088x8xf32, #tpu.memory_space<vmem_shared>>
      tpu.enqueue_indirect_dma source(%arg9 : memref<128x8xf32, #tpu.memory_space<vmem>>) target(%dma_start3A_732 : memref<25088x8xf32, #tpu.memory_space<vmem_shared>>) offsets(%dma_start3A_729 : memref<128xi32, #tpu.memory_space<vmem>>) semaphore(%arg12 : memref<!tpu.dma_semaphore, #tpu.memory_space<semaphore_mem>>) {add = true}
      %dma_start3A_733 = arith.constant 1 : i32
      %dma_start3A_734 = arith.constant 0 : i32
      %dma_start3A_735 = tpu.memref_slice %arg8[%dma_start3A_733, %dma_start3A_734] : memref<3x128xi32, #tpu.memory_space<vmem>> -> memref<1x128xi32, #tpu.memory_space<vmem>>
      %dma_start3A_736 = tpu.memref_squeeze %dma_start3A_735 : memref<1x128xi32, #tpu.memory_space<vmem>> -> memref<128xi32, #tpu.memory_space<vmem>>
      %dma_start3A_737 = arith.constant 0 : i32
      %dma_start3A_738 = arith.constant 0 : i32
      %dma_start3A_739 = tpu.memref_slice %arg6[%dma_start3A_737, %dma_start3A_738] : memref<25088x8xf32, #tpu.memory_space<vmem_shared>> -> memref<25088x8xf32, #tpu.memory_space<vmem_shared>>
      tpu.enqueue_indirect_dma source(%arg9 : memref<128x8xf32, #tpu.memory_space<vmem>>) target(%dma_start3A_739 : memref<25088x8xf32, #tpu.memory_space<vmem_shared>>) offsets(%dma_start3A_736 : memref<128xi32, #tpu.memory_space<vmem>>) semaphore(%arg13 : memref<!tpu.dma_semaphore, #tpu.memory_space<semaphore_mem>>) {add = true}
      %dma_start3A_740 = arith.constant 2 : i32
      %dma_start3A_741 = arith.constant 0 : i32
      %dma_start3A_742 = tpu.memref_slice %arg8[%dma_start3A_740, %dma_start3A_741] : memref<3x128xi32, #tpu.memory_space<vmem>> -> memref<1x128xi32, #tpu.memory_space<vmem>>
      %dma_start3A_743 = tpu.memref_squeeze %dma_start3A_742 : memref<1x128xi32, #tpu.memory_space<vmem>> -> memref<128xi32, #tpu.memory_space<vmem>>
      %dma_start3A_744 = arith.constant 0 : i32
      %dma_start3A_745 = arith.constant 0 : i32
      %dma_start3A_746 = tpu.memref_slice %arg6[%dma_start3A_744, %dma_start3A_745] : memref<25088x8xf32, #tpu.memory_space<vmem_shared>> -> memref<25088x8xf32, #tpu.memory_space<vmem_shared>>
      tpu.enqueue_indirect_dma source(%arg9 : memref<128x8xf32, #tpu.memory_space<vmem>>) target(%dma_start3A_746 : memref<25088x8xf32, #tpu.memory_space<vmem_shared>>) offsets(%dma_start3A_743 : memref<128xi32, #tpu.memory_space<vmem>>) semaphore(%arg14 : memref<!tpu.dma_semaphore, #tpu.memory_space<semaphore_mem>>) {add = true}
    }
    %scan3A_21 = arith.constant 130 : i32
    %dma_wait3A = arith.constant 0 : i32
    %dma_wait3A_22 = arith.constant 0 : i32
    %dma_wait3A_23 = tpu.memref_slice %arg8[%dma_wait3A, %dma_wait3A_22] : memref<3x128xi32, #tpu.memory_space<vmem>> -> memref<1x128xi32, #tpu.memory_space<vmem>>
    %dma_wait3A_24 = tpu.memref_squeeze %dma_wait3A_23 : memref<1x128xi32, #tpu.memory_space<vmem>> -> memref<128xi32, #tpu.memory_space<vmem>>
    %dma_wait3A_25 = arith.constant 0 : i32
    %dma_wait3A_26 = arith.constant 0 : i32
    %dma_wait3A_27 = tpu.memref_slice %arg6[%dma_wait3A_25, %dma_wait3A_26] : memref<25088x8xf32, #tpu.memory_space<vmem_shared>> -> memref<25088x8xf32, #tpu.memory_space<vmem_shared>>
    tpu.wait_indirect_dma semaphore(%arg12 : memref<!tpu.dma_semaphore, #tpu.memory_space<semaphore_mem>>) src(%arg9 : memref<128x8xf32, #tpu.memory_space<vmem>>) dst(%dma_wait3A_27 : memref<25088x8xf32, #tpu.memory_space<vmem_shared>>)
    %dma_wait3A_28 = arith.constant 1 : i32
    %dma_wait3A_29 = arith.constant 0 : i32
    %dma_wait3A_30 = tpu.memref_slice %arg8[%dma_wait3A_28, %dma_wait3A_29] : memref<3x128xi32, #tpu.memory_space<vmem>> -> memref<1x128xi32, #tpu.memory_space<vmem>>
    %dma_wait3A_31 = tpu.memref_squeeze %dma_wait3A_30 : memref<1x128xi32, #tpu.memory_space<vmem>> -> memref<128xi32, #tpu.memory_space<vmem>>
    %dma_wait3A_32 = arith.constant 0 : i32
    %dma_wait3A_33 = arith.constant 0 : i32
    %dma_wait3A_34 = tpu.memref_slice %arg6[%dma_wait3A_32, %dma_wait3A_33] : memref<25088x8xf32, #tpu.memory_space<vmem_shared>> -> memref<25088x8xf32, #tpu.memory_space<vmem_shared>>
    tpu.wait_indirect_dma semaphore(%arg13 : memref<!tpu.dma_semaphore, #tpu.memory_space<semaphore_mem>>) src(%arg9 : memref<128x8xf32, #tpu.memory_space<vmem>>) dst(%dma_wait3A_34 : memref<25088x8xf32, #tpu.memory_space<vmem_shared>>)
    %dma_wait3A_35 = arith.constant 2 : i32
    %dma_wait3A_36 = arith.constant 0 : i32
    %dma_wait3A_37 = tpu.memref_slice %arg8[%dma_wait3A_35, %dma_wait3A_36] : memref<3x128xi32, #tpu.memory_space<vmem>> -> memref<1x128xi32, #tpu.memory_space<vmem>>
    %dma_wait3A_38 = tpu.memref_squeeze %dma_wait3A_37 : memref<1x128xi32, #tpu.memory_space<vmem>> -> memref<128xi32, #tpu.memory_space<vmem>>
    %dma_wait3A_39 = arith.constant 0 : i32
    %dma_wait3A_40 = arith.constant 0 : i32
    %dma_wait3A_41 = tpu.memref_slice %arg6[%dma_wait3A_39, %dma_wait3A_40] : memref<25088x8xf32, #tpu.memory_space<vmem_shared>> -> memref<25088x8xf32, #tpu.memory_space<vmem_shared>>
    tpu.wait_indirect_dma semaphore(%arg14 : memref<!tpu.dma_semaphore, #tpu.memory_space<semaphore_mem>>) src(%arg9 : memref<128x8xf32, #tpu.memory_space<vmem>>) dst(%dma_wait3A_41 : memref<25088x8xf32, #tpu.memory_space<vmem_shared>>)
    %add3A_42 = arith.constant 49920 : i32
    %add3A_43 = arith.addi %mul3A_3, %add3A_42 : i32
    %run_scoped3A = arith.constant 1 : i32
    %run_scoped3A_44 = arith.constant 0 : i32
    "tpu.region"() ({
      %run_scoped3A_182 = tpu.sem_alloc : memref<!tpu.dma_semaphore, #tpu.memory_space<semaphore_mem>>
      %dma_start3A_183 = arith.constant 0 : i32
      %dma_start3A_184 = tpu.memref_slice %arg7[%run_scoped3A_44, %dma_start3A_183] : memref<2x384xi32, #tpu.memory_space<vmem>> -> memref<1x80xi32, #tpu.memory_space<vmem>>
      %dma_start3A_185 = tpu.memref_squeeze %dma_start3A_184 : memref<1x80xi32, #tpu.memory_space<vmem>> -> memref<80xi32, #tpu.memory_space<vmem>>
      %dma_start3A_186 = tpu.memref_slice %arg2[%run_scoped3A, %add3A_43] : memref<2x800000xi32, #tpu.memory_space<hbm>> -> memref<1x80xi32, #tpu.memory_space<hbm>>
      %dma_start3A_187 = tpu.memref_squeeze %dma_start3A_186 : memref<1x80xi32, #tpu.memory_space<hbm>> -> memref<80xi32, #tpu.memory_space<hbm>>
      %dma_start3A_188 = arith.constant 0 : i32
      %dma_start3A_189 = tpu.memref_slice %arg7[%run_scoped3A_44, %dma_start3A_188] : memref<2x384xi32, #tpu.memory_space<vmem>> -> memref<1x80xi32, #tpu.memory_space<vmem>>
      %dma_start3A_190 = tpu.memref_squeeze %dma_start3A_189 : memref<1x80xi32, #tpu.memory_space<vmem>> -> memref<80xi32, #tpu.memory_space<vmem>>
      %dma_start3A_191 = tpu.memref_slice %arg2[%run_scoped3A, %add3A_43] : memref<2x800000xi32, #tpu.memory_space<hbm>> -> memref<1x80xi32, #tpu.memory_space<hbm>>
      %dma_start3A_192 = tpu.memref_squeeze %dma_start3A_191 : memref<1x80xi32, #tpu.memory_space<hbm>> -> memref<80xi32, #tpu.memory_space<hbm>>
      tpu.enqueue_dma source(%dma_start3A_192 : memref<80xi32, #tpu.memory_space<hbm>>) target(%dma_start3A_190 : memref<80xi32, #tpu.memory_space<vmem>>) target_semaphore(%run_scoped3A_182 : memref<!tpu.dma_semaphore, #tpu.memory_space<semaphore_mem>>)
      %dma_wait3A_193 = arith.constant 0 : i32
      %dma_wait3A_194 = tpu.memref_slice %arg7[%run_scoped3A_44, %dma_wait3A_193] : memref<2x384xi32, #tpu.memory_space<vmem>> -> memref<1x80xi32, #tpu.memory_space<vmem>>
      %dma_wait3A_195 = tpu.memref_squeeze %dma_wait3A_194 : memref<1x80xi32, #tpu.memory_space<vmem>> -> memref<80xi32, #tpu.memory_space<vmem>>
      %dma_wait3A_196 = tpu.memref_slice %arg2[%run_scoped3A, %add3A_43] : memref<2x800000xi32, #tpu.memory_space<hbm>> -> memref<1x80xi32, #tpu.memory_space<hbm>>
      %dma_wait3A_197 = tpu.memref_squeeze %dma_wait3A_196 : memref<1x80xi32, #tpu.memory_space<hbm>> -> memref<80xi32, #tpu.memory_space<hbm>>
      %dma_wait3A_198 = arith.constant 0 : i32
      %dma_wait3A_199 = tpu.memref_slice %arg7[%run_scoped3A_44, %dma_wait3A_198] : memref<2x384xi32, #tpu.memory_space<vmem>> -> memref<1x80xi32, #tpu.memory_space<vmem>>
      %dma_wait3A_200 = tpu.memref_squeeze %dma_wait3A_199 : memref<1x80xi32, #tpu.memory_space<vmem>> -> memref<80xi32, #tpu.memory_space<vmem>>
      %dma_wait3A_201 = tpu.memref_slice %arg2[%run_scoped3A, %add3A_43] : memref<2x800000xi32, #tpu.memory_space<hbm>> -> memref<1x80xi32, #tpu.memory_space<hbm>>
      %dma_wait3A_202 = tpu.memref_squeeze %dma_wait3A_201 : memref<1x80xi32, #tpu.memory_space<hbm>> -> memref<80xi32, #tpu.memory_space<hbm>>
      tpu.wait_dma2 semaphore(%run_scoped3A_182 : memref<!tpu.dma_semaphore, #tpu.memory_space<semaphore_mem>>) src(%dma_wait3A_202 : memref<80xi32, #tpu.memory_space<hbm>>) dst(%dma_wait3A_200 : memref<80xi32, #tpu.memory_space<vmem>>)
      tpu.yield
    }) : () -> ()
    %get3A = arith.constant 0 : i32
    %get3A_45 = arith.index_cast %get3A : i32 to index
    %get3A_46 = arith.constant 0 : index
    %get3A_47 = tpu.vector_load %arg7[%get3A_45, %get3A_46] {strides = array<i32>} : memref<2x384xi32, #tpu.memory_space<vmem>>, vector<1x16xi32>,
    %get3A_48 = vector.shape_cast %get3A_47 : vector<1x16xi32> to vector<16xi32>
    %sub3A = vector.broadcast %mul3A_0 : i32 to vector<16xi32>
    %sub3A_49 = arith.subi %get3A_48, %sub3A : vector<16xi32>
    %ge3A = arith.constant 0 : i32
    %ge3A_50 = vector.broadcast %ge3A : i32 to vector<16xi32>
    %ge3A_51 = arith.cmpi sge, %sub3A_49, %ge3A_50 : vector<16xi32>
    %lt3A = arith.constant 25000 : i32
    %lt3A_52 = vector.broadcast %lt3A : i32 to vector<16xi32>
    %lt3A_53 = arith.cmpi slt, %sub3A_49, %lt3A_52 : vector<16xi32>
    %and3A = arith.andi %ge3A_51, %lt3A_53 : vector<16xi1>
    %broadcast_in_dim3A = vector.broadcast %add3A_1 : i32 to vector<16xi32>
    %select_n3A = arith.select %and3A, %sub3A_49, %broadcast_in_dim3A : vector<16xi1>, vector<16xi32>
    %swap3A = arith.constant 0 : i32
    %swap3A_54 = arith.index_cast %swap3A : i32 to index
    %swap3A_55 = arith.constant 0 : index
    %swap3A_56 = tpu.vector_load %arg8[%swap3A_54, %swap3A_55] {strides = array<i32>} : memref<3x128xi32, #tpu.memory_space<vmem>>, vector<1x16xi32>,
    %swap3A_57 = vector.shape_cast %swap3A_56 : vector<1x16xi32> to vector<16xi32>
    %swap3A_58 = vector.shape_cast %select_n3A : vector<16xi32> to vector<1x16xi32>
    tpu.vector_store %arg8[%swap3A_54, %swap3A_55], %swap3A_58 {strides = array<i32>} : memref<3x128xi32, #tpu.memory_space<vmem>>, vector<1x16xi32>,
    %get3A_59 = arith.constant 0 : i32
    %get3A_60 = arith.index_cast %get3A_59 : i32 to index
    %get3A_61 = arith.constant 16 : index
    %get3A_62 = tpu.vector_load %arg7[%get3A_60, %get3A_61] {strides = array<i32>} : memref<2x384xi32, #tpu.memory_space<vmem>>, vector<1x16xi32>,
    %get3A_63 = vector.shape_cast %get3A_62 : vector<1x16xi32> to vector<16xi32>
    %sub3A_64 = vector.broadcast %mul3A_0 : i32 to vector<16xi32>
    %sub3A_65 = arith.subi %get3A_63, %sub3A_64 : vector<16xi32>
    %ge3A_66 = arith.constant 0 : i32
    %ge3A_67 = vector.broadcast %ge3A_66 : i32 to vector<16xi32>
    %ge3A_68 = arith.cmpi sge, %sub3A_65, %ge3A_67 : vector<16xi32>
    %lt3A_69 = arith.constant 25000 : i32
    %lt3A_70 = vector.broadcast %lt3A_69 : i32 to vector<16xi32>
    %lt3A_71 = arith.cmpi slt, %sub3A_65, %lt3A_70 : vector<16xi32>
    %and3A_72 = arith.andi %ge3A_68, %lt3A_71 : vector<16xi1>
    %broadcast_in_dim3A_73 = vector.broadcast %add3A_1 : i32 to vector<16xi32>
    %select_n3A_74 = arith.select %and3A_72, %sub3A_65, %broadcast_in_dim3A_73 : vector<16xi1>, vector<16xi32>
    %swap3A_75 = arith.constant 0 : i32
    %swap3A_76 = arith.index_cast %swap3A_75 : i32 to index
    %swap3A_77 = arith.constant 16 : index
    %swap3A_78 = tpu.vector_load %arg8[%swap3A_76, %swap3A_77] {strides = array<i32>} : memref<3x128xi32, #tpu.memory_space<vmem>>, vector<1x16xi32>,
    %swap3A_79 = vector.shape_cast %swap3A_78 : vector<1x16xi32> to vector<16xi32>
    %swap3A_80 = vector.shape_cast %select_n3A_74 : vector<16xi32> to vector<1x16xi32>
    tpu.vector_store %arg8[%swap3A_76, %swap3A_77], %swap3A_80 {strides = array<i32>} : memref<3x128xi32, #tpu.memory_space<vmem>>, vector<1x16xi32>,
    %get3A_81 = arith.constant 0 : i32
    %get3A_82 = arith.index_cast %get3A_81 : i32 to index
    %get3A_83 = arith.constant 32 : index
    %get3A_84 = tpu.vector_load %arg7[%get3A_82, %get3A_83] {strides = array<i32>} : memref<2x384xi32, #tpu.memory_space<vmem>>, vector<1x16xi32>,
    %get3A_85 = vector.shape_cast %get3A_84 : vector<1x16xi32> to vector<16xi32>
    %sub3A_86 = vector.broadcast %mul3A_0 : i32 to vector<16xi32>
    %sub3A_87 = arith.subi %get3A_85, %sub3A_86 : vector<16xi32>
    %ge3A_88 = arith.constant 0 : i32
    %ge3A_89 = vector.broadcast %ge3A_88 : i32 to vector<16xi32>
    %ge3A_90 = arith.cmpi sge, %sub3A_87, %ge3A_89 : vector<16xi32>
    %lt3A_91 = arith.constant 25000 : i32
    %lt3A_92 = vector.broadcast %lt3A_91 : i32 to vector<16xi32>
    %lt3A_93 = arith.cmpi slt, %sub3A_87, %lt3A_92 : vector<16xi32>
    %and3A_94 = arith.andi %ge3A_90, %lt3A_93 : vector<16xi1>
    %broadcast_in_dim3A_95 = vector.broadcast %add3A_1 : i32 to vector<16xi32>
    %select_n3A_96 = arith.select %and3A_94, %sub3A_87, %broadcast_in_dim3A_95 : vector<16xi1>, vector<16xi32>
    %swap3A_97 = arith.constant 0 : i32
    %swap3A_98 = arith.index_cast %swap3A_97 : i32 to index
    %swap3A_99 = arith.constant 32 : index
    %swap3A_100 = tpu.vector_load %arg8[%swap3A_98, %swap3A_99] {strides = array<i32>} : memref<3x128xi32, #tpu.memory_space<vmem>>, vector<1x16xi32>,
    %swap3A_101 = vector.shape_cast %swap3A_100 : vector<1x16xi32> to vector<16xi32>
    %swap3A_102 = vector.shape_cast %select_n3A_96 : vector<16xi32> to vector<1x16xi32>
    tpu.vector_store %arg8[%swap3A_98, %swap3A_99], %swap3A_102 {strides = array<i32>} : memref<3x128xi32, #tpu.memory_space<vmem>>, vector<1x16xi32>,
    %get3A_103 = arith.constant 0 : i32
    %get3A_104 = arith.index_cast %get3A_103 : i32 to index
    %get3A_105 = arith.constant 48 : index
    %get3A_106 = tpu.vector_load %arg7[%get3A_104, %get3A_105] {strides = array<i32>} : memref<2x384xi32, #tpu.memory_space<vmem>>, vector<1x16xi32>,
    %get3A_107 = vector.shape_cast %get3A_106 : vector<1x16xi32> to vector<16xi32>
    %sub3A_108 = vector.broadcast %mul3A_0 : i32 to vector<16xi32>
    %sub3A_109 = arith.subi %get3A_107, %sub3A_108 : vector<16xi32>
    %ge3A_110 = arith.constant 0 : i32
    %ge3A_111 = vector.broadcast %ge3A_110 : i32 to vector<16xi32>
    %ge3A_112 = arith.cmpi sge, %sub3A_109, %ge3A_111 : vector<16xi32>
    %lt3A_113 = arith.constant 25000 : i32
    %lt3A_114 = vector.broadcast %lt3A_113 : i32 to vector<16xi32>
    %lt3A_115 = arith.cmpi slt, %sub3A_109, %lt3A_114 : vector<16xi32>
    %and3A_116 = arith.andi %ge3A_112, %lt3A_115 : vector<16xi1>
    %broadcast_in_dim3A_117 = vector.broadcast %add3A_1 : i32 to vector<16xi32>
    %select_n3A_118 = arith.select %and3A_116, %sub3A_109, %broadcast_in_dim3A_117 : vector<16xi1>, vector<16xi32>
    %swap3A_119 = arith.constant 0 : i32
    %swap3A_120 = arith.index_cast %swap3A_119 : i32 to index
    %swap3A_121 = arith.constant 48 : index
    %swap3A_122 = tpu.vector_load %arg8[%swap3A_120, %swap3A_121] {strides = array<i32>} : memref<3x128xi32, #tpu.memory_space<vmem>>, vector<1x16xi32>,
    %swap3A_123 = vector.shape_cast %swap3A_122 : vector<1x16xi32> to vector<16xi32>
    %swap3A_124 = vector.shape_cast %select_n3A_118 : vector<16xi32> to vector<1x16xi32>
    tpu.vector_store %arg8[%swap3A_120, %swap3A_121], %swap3A_124 {strides = array<i32>} : memref<3x128xi32, #tpu.memory_space<vmem>>, vector<1x16xi32>,
    %get3A_125 = arith.constant 0 : i32
    %get3A_126 = arith.index_cast %get3A_125 : i32 to index
    %get3A_127 = arith.constant 64 : index
    %get3A_128 = tpu.vector_load %arg7[%get3A_126, %get3A_127] {strides = array<i32>} : memref<2x384xi32, #tpu.memory_space<vmem>>, vector<1x16xi32>,
    %get3A_129 = vector.shape_cast %get3A_128 : vector<1x16xi32> to vector<16xi32>
    %sub3A_130 = vector.broadcast %mul3A_0 : i32 to vector<16xi32>
    %sub3A_131 = arith.subi %get3A_129, %sub3A_130 : vector<16xi32>
    %ge3A_132 = arith.constant 0 : i32
    %ge3A_133 = vector.broadcast %ge3A_132 : i32 to vector<16xi32>
    %ge3A_134 = arith.cmpi sge, %sub3A_131, %ge3A_133 : vector<16xi32>
    %lt3A_135 = arith.constant 25000 : i32
    %lt3A_136 = vector.broadcast %lt3A_135 : i32 to vector<16xi32>
    %lt3A_137 = arith.cmpi slt, %sub3A_131, %lt3A_136 : vector<16xi32>
    %and3A_138 = arith.andi %ge3A_134, %lt3A_137 : vector<16xi1>
    %broadcast_in_dim3A_139 = vector.broadcast %add3A_1 : i32 to vector<16xi32>
    %select_n3A_140 = arith.select %and3A_138, %sub3A_131, %broadcast_in_dim3A_139 : vector<16xi1>, vector<16xi32>
    %swap3A_141 = arith.constant 0 : i32
    %swap3A_142 = arith.index_cast %swap3A_141 : i32 to index
    %swap3A_143 = arith.constant 64 : index
    %swap3A_144 = tpu.vector_load %arg8[%swap3A_142, %swap3A_143] {strides = array<i32>} : memref<3x128xi32, #tpu.memory_space<vmem>>, vector<1x16xi32>,
    %swap3A_145 = vector.shape_cast %swap3A_144 : vector<1x16xi32> to vector<16xi32>
    %swap3A_146 = vector.shape_cast %select_n3A_140 : vector<16xi32> to vector<1x16xi32>
    tpu.vector_store %arg8[%swap3A_142, %swap3A_143], %swap3A_146 {strides = array<i32>} : memref<3x128xi32, #tpu.memory_space<vmem>>, vector<1x16xi32>,
    %broadcast_in_dim3A_147 = arith.constant 0 : i32
    %broadcast_in_dim3A_148 = vector.broadcast %broadcast_in_dim3A_147 : i32 to vector<16xi32>
    %add3A_149 = vector.broadcast %add3A_1 : i32 to vector<16xi32>
    %add3A_150 = arith.addi %broadcast_in_dim3A_148, %add3A_149 : vector<16xi32>
    %swap3A_151 = arith.constant 0 : i32
    %swap3A_152 = arith.index_cast %swap3A_151 : i32 to index
    %swap3A_153 = arith.constant 80 : index
    %swap3A_154 = tpu.vector_load %arg8[%swap3A_152, %swap3A_153] {strides = array<i32>} : memref<3x128xi32, #tpu.memory_space<vmem>>, vector<1x16xi32>,
    %swap3A_155 = vector.shape_cast %swap3A_154 : vector<1x16xi32> to vector<16xi32>
    %swap3A_156 = vector.shape_cast %add3A_150 : vector<16xi32> to vector<1x16xi32>
    tpu.vector_store %arg8[%swap3A_152, %swap3A_153], %swap3A_156 {strides = array<i32>} : memref<3x128xi32, #tpu.memory_space<vmem>>, vector<1x16xi32>,
    %add3A_157 = vector.broadcast %add3A_1 : i32 to vector<16xi32>
    %add3A_158 = arith.addi %broadcast_in_dim3A_148, %add3A_157 : vector<16xi32>
    %swap3A_159 = arith.constant 0 : i32
    %swap3A_160 = arith.index_cast %swap3A_159 : i32 to index
    %swap3A_161 = arith.constant 96 : index
    %swap3A_162 = tpu.vector_load %arg8[%swap3A_160, %swap3A_161] {strides = array<i32>} : memref<3x128xi32, #tpu.memory_space<vmem>>, vector<1x16xi32>,
    %swap3A_163 = vector.shape_cast %swap3A_162 : vector<1x16xi32> to vector<16xi32>
    %swap3A_164 = vector.shape_cast %add3A_158 : vector<16xi32> to vector<1x16xi32>
    tpu.vector_store %arg8[%swap3A_160, %swap3A_161], %swap3A_164 {strides = array<i32>} : memref<3x128xi32, #tpu.memory_space<vmem>>, vector<1x16xi32>,
    %add3A_165 = vector.broadcast %add3A_1 : i32 to vector<16xi32>
    %add3A_166 = arith.addi %broadcast_in_dim3A_148, %add3A_165 : vector<16xi32>
    %swap3A_167 = arith.constant 0 : i32
    %swap3A_168 = arith.index_cast %swap3A_167 : i32 to index
    %swap3A_169 = arith.constant 112 : index
    %swap3A_170 = tpu.vector_load %arg8[%swap3A_168, %swap3A_169] {strides = array<i32>} : memref<3x128xi32, #tpu.memory_space<vmem>>, vector<1x16xi32>,
    %swap3A_171 = vector.shape_cast %swap3A_170 : vector<1x16xi32> to vector<16xi32>
    %swap3A_172 = vector.shape_cast %add3A_166 : vector<16xi32> to vector<1x16xi32>
    tpu.vector_store %arg8[%swap3A_168, %swap3A_169], %swap3A_172 {strides = array<i32>} : memref<3x128xi32, #tpu.memory_space<vmem>>, vector<1x16xi32>,
    %run_scoped3A_173 = arith.constant 0 : i32
    "tpu.region"() ({
      %run_scoped3A_182 = tpu.sem_alloc : memref<!tpu.dma_semaphore, #tpu.memory_space<semaphore_mem>>
      %dma_start3A_183 = arith.constant 0 : i32
      %dma_start3A_184 = tpu.memref_slice %arg8[%run_scoped3A_173, %dma_start3A_183] : memref<3x128xi32, #tpu.memory_space<vmem>> -> memref<1x128xi32, #tpu.memory_space<vmem>>
      %dma_start3A_185 = tpu.memref_squeeze %dma_start3A_184 : memref<1x128xi32, #tpu.memory_space<vmem>> -> memref<128xi32, #tpu.memory_space<vmem>>
      %dma_start3A_186 = arith.constant 0 : i32
      %dma_start3A_187 = arith.constant 0 : i32
      %dma_start3A_188 = tpu.memref_slice %arg6[%dma_start3A_186, %dma_start3A_187] : memref<25088x8xf32, #tpu.memory_space<vmem_shared>> -> memref<25088x8xf32, #tpu.memory_space<vmem_shared>>
      tpu.enqueue_indirect_dma source(%arg9 : memref<128x8xf32, #tpu.memory_space<vmem>>) target(%dma_start3A_188 : memref<25088x8xf32, #tpu.memory_space<vmem_shared>>) offsets(%dma_start3A_185 : memref<128xi32, #tpu.memory_space<vmem>>) semaphore(%run_scoped3A_182 : memref<!tpu.dma_semaphore, #tpu.memory_space<semaphore_mem>>) {add = true}
      %dma_wait3A_189 = arith.constant 0 : i32
      %dma_wait3A_190 = tpu.memref_slice %arg8[%run_scoped3A_173, %dma_wait3A_189] : memref<3x128xi32, #tpu.memory_space<vmem>> -> memref<1x128xi32, #tpu.memory_space<vmem>>
      %dma_wait3A_191 = tpu.memref_squeeze %dma_wait3A_190 : memref<1x128xi32, #tpu.memory_space<vmem>> -> memref<128xi32, #tpu.memory_space<vmem>>
      %dma_wait3A_192 = arith.constant 0 : i32
      %dma_wait3A_193 = arith.constant 0 : i32
      %dma_wait3A_194 = tpu.memref_slice %arg6[%dma_wait3A_192, %dma_wait3A_193] : memref<25088x8xf32, #tpu.memory_space<vmem_shared>> -> memref<25088x8xf32, #tpu.memory_space<vmem_shared>>
      tpu.wait_indirect_dma semaphore(%run_scoped3A_182 : memref<!tpu.dma_semaphore, #tpu.memory_space<semaphore_mem>>) src(%arg9 : memref<128x8xf32, #tpu.memory_space<vmem>>) dst(%dma_wait3A_194 : memref<25088x8xf32, #tpu.memory_space<vmem_shared>>)
      tpu.yield
    }) : () -> ()
    %barrier3A_174 = arith.constant 0 : index
    tpu.barrier barrier_id(%barrier3A_174)
    %lt3A_175 = arith.constant 15 : i32
    %lt3A_176 = arith.cmpi slt, %arg1, %lt3A_175 : i32
    %convert_element_type3A = arith.extui %lt3A_176 : i1 to i32
    %cond3A = arith.constant 0 : i32
    %cond3A_177 = arith.cmpi ne, %convert_element_type3A, %cond3A : i32
    scf.if %cond3A_177 {
      %mul3A_182 = arith.constant 1568 : i32
      %mul3A_183 = arith.muli %arg1, %mul3A_182 : i32
      %mul3A_184 = arith.constant 25000 : i32
      %mul3A_185 = arith.muli %arg0, %mul3A_184 : i32
      %mul3A_186 = arith.constant 1568 : i32
      %mul3A_187 = arith.muli %arg1, %mul3A_186 : i32
      %add3A_188 = arith.addi %mul3A_185, %mul3A_187 : i32
      "tpu.region"() ({
        %run_scoped3A_189 = tpu.sem_alloc : memref<!tpu.dma_semaphore, #tpu.memory_space<semaphore_mem>>
        %dma_start3A_190 = arith.constant 0 : i32
        %dma_start3A_191 = tpu.memref_slice %arg5[%add3A_188, %dma_start3A_190] : memref<50000x8xf32, #tpu.memory_space<hbm>> -> memref<1568x8xf32, #tpu.memory_space<hbm>>
        %dma_start3A_192 = arith.constant 0 : i32
        %dma_start3A_193 = tpu.memref_slice %arg6[%mul3A_183, %dma_start3A_192] : memref<25088x8xf32, #tpu.memory_space<vmem_shared>> -> memref<1568x8xf32, #tpu.memory_space<vmem_shared>>
        tpu.enqueue_dma source(%dma_start3A_193 : memref<1568x8xf32, #tpu.memory_space<vmem_shared>>) target(%dma_start3A_191 : memref<1568x8xf32, #tpu.memory_space<hbm>>) target_semaphore(%run_scoped3A_189 : memref<!tpu.dma_semaphore, #tpu.memory_space<semaphore_mem>>)
        %dma_wait3A_194 = arith.constant 0 : i32
        %dma_wait3A_195 = tpu.memref_slice %arg5[%add3A_188, %dma_wait3A_194] : memref<50000x8xf32, #tpu.memory_space<hbm>> -> memref<1568x8xf32, #tpu.memory_space<hbm>>
        %dma_wait3A_196 = arith.constant 0 : i32
        %dma_wait3A_197 = tpu.memref_slice %arg6[%mul3A_183, %dma_wait3A_196] : memref<25088x8xf32, #tpu.memory_space<vmem_shared>> -> memref<1568x8xf32, #tpu.memory_space<vmem_shared>>
        tpu.wait_dma2 semaphore(%run_scoped3A_189 : memref<!tpu.dma_semaphore, #tpu.memory_space<semaphore_mem>>) src(%dma_wait3A_197 : memref<1568x8xf32, #tpu.memory_space<vmem_shared>>) dst(%dma_wait3A_195 : memref<1568x8xf32, #tpu.memory_space<hbm>>)
        tpu.yield
      }) : () -> ()
    } else {
    }
    %eq3A = arith.constant 15 : i32
    %eq3A_178 = arith.cmpi eq, %arg1, %eq3A : i32
    %convert_element_type3A_179 = arith.extui %eq3A_178 : i1 to i32
    %cond3A_180 = arith.constant 0 : i32
    %cond3A_181 = arith.cmpi ne, %convert_element_type3A_179, %cond3A_180 : i32
    scf.if %cond3A_181 {
      %mul3A_182 = arith.constant 25000 : i32
      %mul3A_183 = arith.muli %arg0, %mul3A_182 : i32
      %add3A_184 = arith.constant 23520 : i32
      %add3A_185 = arith.addi %mul3A_183, %add3A_184 : i32
      "tpu.region"() ({
        %run_scoped3A_186 = tpu.sem_alloc : memref<!tpu.dma_semaphore, #tpu.memory_space<semaphore_mem>>
        %dma_start3A_187 = arith.constant 0 : i32
        %dma_start3A_188 = tpu.memref_slice %arg5[%add3A_185, %dma_start3A_187] : memref<50000x8xf32, #tpu.memory_space<hbm>> -> memref<1480x8xf32, #tpu.memory_space<hbm>>
        %dma_start3A_189 = arith.constant 23520 : i32
        %dma_start3A_190 = arith.constant 0 : i32
        %dma_start3A_191 = tpu.memref_slice %arg6[%dma_start3A_189, %dma_start3A_190] : memref<25088x8xf32, #tpu.memory_space<vmem_shared>> -> memref<1480x8xf32, #tpu.memory_space<vmem_shared>>
        tpu.enqueue_dma source(%dma_start3A_191 : memref<1480x8xf32, #tpu.memory_space<vmem_shared>>) target(%dma_start3A_188 : memref<1480x8xf32, #tpu.memory_space<hbm>>) target_semaphore(%run_scoped3A_186 : memref<!tpu.dma_semaphore, #tpu.memory_space<semaphore_mem>>)
        %dma_wait3A_192 = arith.constant 0 : i32
        %dma_wait3A_193 = tpu.memref_slice %arg5[%add3A_185, %dma_wait3A_192] : memref<50000x8xf32, #tpu.memory_space<hbm>> -> memref<1480x8xf32, #tpu.memory_space<hbm>>
        %dma_wait3A_194 = arith.constant 23520 : i32
        %dma_wait3A_195 = arith.constant 0 : i32
        %dma_wait3A_196 = tpu.memref_slice %arg6[%dma_wait3A_194, %dma_wait3A_195] : memref<25088x8xf32, #tpu.memory_space<vmem_shared>> -> memref<1480x8xf32, #tpu.memory_space<vmem_shared>>
        tpu.wait_dma2 semaphore(%run_scoped3A_186 : memref<!tpu.dma_semaphore, #tpu.memory_space<semaphore_mem>>) src(%dma_wait3A_196 : memref<1480x8xf32, #tpu.memory_space<vmem_shared>>) dst(%dma_wait3A_193 : memref<1480x8xf32, #tpu.memory_space<hbm>>)
        tpu.yield
      }) : () -> ()
    } else {
    }
    return
  }
}

module attributes {stable_mosaic.version = 14 : i64} {
  func.func @_embed_body(%arg0: i32, %arg1: memref<2000x111xf32, #tpu.memory_space<vmem>>, %arg2: memref<111x64xf32, #tpu.memory_space<vmem>>, %arg3: memref<1x64xf32, #tpu.memory_space<vmem>>, %arg4: memref<2000x32xf32, #tpu.memory_space<vmem>>, %arg5: memref<2000x32xf32, #tpu.memory_space<vmem>>) attributes {dimension_semantics = [#tpu.dimension_semantics<arbitrary>], iteration_bounds = array<i64: 25>, scalar_prefetch = 0 : i64, scratch_operands = 0 : i64, tpu.core_type = #tpu.core_type<tc>, window_params = [{transform_indices = @transform_0, window_bounds = array<i64: 2000, 111>}, {pipeline_mode = #tpu.pipeline_mode<synchronous>, transform_indices = @transform_1, window_bounds = array<i64: 111, 64>}, {pipeline_mode = #tpu.pipeline_mode<synchronous>, transform_indices = @transform_2, window_bounds = array<i64: 1, 64>}, {transform_indices = @transform_3, window_bounds = array<i64: 2000, 32>}, {transform_indices = @transform_4, window_bounds = array<i64: 2000, 32>}]} {
    %get3A = arith.constant 0 : index
    %get3A_0 = arith.constant 0 : index
    %get3A_1 = vector.load %arg1[%get3A, %get3A_0] : memref<2000x111xf32, #tpu.memory_space<vmem>>, vector<2000x111xf32>
    %get3A_2 = arith.constant 0 : index
    %get3A_3 = arith.constant 0 : index
    %get3A_4 = vector.load %arg2[%get3A_2, %get3A_3] : memref<111x64xf32, #tpu.memory_space<vmem>>, vector<111x64xf32>
    %dot_general3A = arith.constant dense<0.000000e+00> : vector<2000x64xf32>
    %dot_general3A_5 = tpu.matmul %get3A_1, %get3A_4, %dot_general3A {dimension_numbers = #tpu.dot_dimension_numbers<[1], [0], [0], [1], [0, 0, 1, 1], [], []>, transpose_lhs_hint = false} : vector<2000x111xf32>, vector<111x64xf32>, vector<2000x64xf32> -> vector<2000x64xf32>
    %get3A_6 = arith.constant 0 : index
    %get3A_7 = arith.constant 0 : index
    %get3A_8 = vector.load %arg3[%get3A_6, %get3A_7] : memref<1x64xf32, #tpu.memory_space<vmem>>, vector<1x64xf32>
    %add3A = vector.broadcast %get3A_8 : vector<1x64xf32> to vector<2000x64xf32>
    %add3A_9 = arith.addf %dot_general3A_5, %add3A : vector<2000x64xf32>
    %slice3A = vector.extract_strided_slice %add3A_9 {offsets = [0, 0], sizes = [2000, 32], strides = [1, 1]} : vector<2000x64xf32> to vector<2000x32xf32>
    %swap3A = arith.constant 0 : index
    %swap3A_10 = arith.constant 0 : index
    %swap3A_11 = vector.load %arg4[%swap3A, %swap3A_10] : memref<2000x32xf32, #tpu.memory_space<vmem>>, vector<2000x32xf32>
    tpu.vector_store %arg4[%swap3A, %swap3A_10], %slice3A {strides = array<i32>} : memref<2000x32xf32, #tpu.memory_space<vmem>>, vector<2000x32xf32>,
    %slice3A_12 = vector.extract_strided_slice %add3A_9 {offsets = [0, 32], sizes = [2000, 32], strides = [1, 1]} : vector<2000x64xf32> to vector<2000x32xf32>
    %swap3A_13 = arith.constant 0 : index
    %swap3A_14 = arith.constant 0 : index
    %swap3A_15 = vector.load %arg5[%swap3A_13, %swap3A_14] : memref<2000x32xf32, #tpu.memory_space<vmem>>, vector<2000x32xf32>
    tpu.vector_store %arg5[%swap3A_13, %swap3A_14], %slice3A_12 {strides = array<i32>} : memref<2000x32xf32, #tpu.memory_space<vmem>>, vector<2000x32xf32>,
    return
  }
  func.func @transform_0(%arg0: i32) -> (i32, i32) {
    %c0_i32 = arith.constant 0 : i32
    %c0_i32_0 = arith.constant 0 : i32
    return %arg0, %c0_i32 : i32, i32
  }
  func.func @transform_1(%arg0: i32) -> (i32, i32) {
    %c0_i32 = arith.constant 0 : i32
    %c0_i32_0 = arith.constant 0 : i32
    %c0_i32_1 = arith.constant 0 : i32
    return %c0_i32, %c0_i32_0 : i32, i32
  }
  func.func @transform_2(%arg0: i32) -> (i32, i32) {
    %c0_i32 = arith.constant 0 : i32
    %c0_i32_0 = arith.constant 0 : i32
    %c0_i32_1 = arith.constant 0 : i32
    return %c0_i32, %c0_i32_0 : i32, i32
  }
  func.func @transform_3(%arg0: i32) -> (i32, i32) {
    %c0_i32 = arith.constant 0 : i32
    %c0_i32_0 = arith.constant 0 : i32
    return %arg0, %c0_i32 : i32, i32
  }
  func.func @transform_4(%arg0: i32) -> (i32, i32) {
    %c0_i32 = arith.constant 0 : i32
    %c0_i32_0 = arith.constant 0 : i32
    return %arg0, %c0_i32 : i32, i32
  }
}

module attributes {stable_mosaic.version = 14 : i64} {
  func.func @_update_body(%arg0: i32, %arg1: memref<2000x32xf32, #tpu.memory_space<vmem>>, %arg2: memref<2000x32xf32, #tpu.memory_space<vmem>>, %arg3: memref<2000x32xf32, #tpu.memory_space<vmem>>, %arg4: memref<2000x32xf32, #tpu.memory_space<vmem>>, %arg5: memref<2000x8xf32, #tpu.memory_space<vmem>>, %arg6: memref<64x64xf32, #tpu.memory_space<vmem>>, %arg7: memref<1x64xf32, #tpu.memory_space<vmem>>, %arg8: memref<2000x32xf32, #tpu.memory_space<vmem>>, %arg9: memref<2000x32xf32, #tpu.memory_space<vmem>>, %arg10: memref<1x64xf32, #tpu.memory_space<vmem>>) attributes {dimension_semantics = [#tpu.dimension_semantics<arbitrary>], iteration_bounds = array<i64: 25>, scalar_prefetch = 0 : i64, scratch_operands = 0 : i64, tpu.core_type = #tpu.core_type<tc>, window_params = [{transform_indices = @transform_0, window_bounds = array<i64: 2000, 32>}, {transform_indices = @transform_1, window_bounds = array<i64: 2000, 32>}, {transform_indices = @transform_2, window_bounds = array<i64: 2000, 32>}, {transform_indices = @transform_3, window_bounds = array<i64: 2000, 32>}, {transform_indices = @transform_4, window_bounds = array<i64: 2000, 8>}, {pipeline_mode = #tpu.pipeline_mode<synchronous>, transform_indices = @transform_5, window_bounds = array<i64: 64, 64>}, {pipeline_mode = #tpu.pipeline_mode<synchronous>, transform_indices = @transform_6, window_bounds = array<i64: 1, 64>}, {transform_indices = @transform_7, window_bounds = array<i64: 2000, 32>}, {transform_indices = @transform_8, window_bounds = array<i64: 2000, 32>}, {pipeline_mode = #tpu.pipeline_mode<synchronous>, transform_indices = @transform_9, window_bounds = array<i64: 1, 64>}]} {
    %get3A = arith.constant 0 : index
    %get3A_0 = arith.constant 0 : index
    %get3A_1 = vector.load %arg5[%get3A, %get3A_0] : memref<2000x8xf32, #tpu.memory_space<vmem>>, vector<2000x1xf32>
    %max3A = arith.constant 1.000000e+00 : f32
    %max3A_2 = vector.broadcast %max3A : f32 to vector<2000x1xf32>
    %max3A_3 = arith.maximumf %get3A_1, %max3A_2 : vector<2000x1xf32>
    %get3A_4 = arith.constant 0 : index
    %get3A_5 = arith.constant 0 : index
    %get3A_6 = vector.load %arg1[%get3A_4, %get3A_5] : memref<2000x32xf32, #tpu.memory_space<vmem>>, vector<2000x32xf32>
    %get3A_7 = arith.constant 0 : index
    %get3A_8 = arith.constant 0 : index
    %get3A_9 = vector.load %arg2[%get3A_7, %get3A_8] : memref<2000x32xf32, #tpu.memory_space<vmem>>, vector<2000x32xf32>
    %concatenate3A = tpu.concatenate %get3A_6, %get3A_9 in 1 : vector<2000x32xf32>, vector<2000x32xf32> -> vector<2000x64xf32>
    %get3A_10 = arith.constant 0 : index
    %get3A_11 = arith.constant 0 : index
    %get3A_12 = vector.load %arg3[%get3A_10, %get3A_11] : memref<2000x32xf32, #tpu.memory_space<vmem>>, vector<2000x32xf32>
    %get3A_13 = arith.constant 0 : index
    %get3A_14 = arith.constant 0 : index
    %get3A_15 = vector.load %arg4[%get3A_13, %get3A_14] : memref<2000x32xf32, #tpu.memory_space<vmem>>, vector<2000x32xf32>
    %concatenate3A_16 = tpu.concatenate %get3A_12, %get3A_15 in 1 : vector<2000x32xf32>, vector<2000x32xf32> -> vector<2000x64xf32>
    %div3A = vector.broadcast %max3A_3 : vector<2000x1xf32> to vector<2000x64xf32>
    %div3A_17 = arith.divf %concatenate3A_16, %div3A : vector<2000x64xf32>
    %add3A = arith.addf %concatenate3A, %div3A_17 : vector<2000x64xf32>
    %get3A_18 = arith.constant 0 : index
    %get3A_19 = arith.constant 0 : index
    %get3A_20 = vector.load %arg6[%get3A_18, %get3A_19] : memref<64x64xf32, #tpu.memory_space<vmem>>, vector<64x64xf32>
    %dot_general3A = arith.constant dense<0.000000e+00> : vector<2000x64xf32>
    %dot_general3A_21 = tpu.matmul %add3A, %get3A_20, %dot_general3A {dimension_numbers = #tpu.dot_dimension_numbers<[1], [0], [0], [1], [0, 0, 1, 1], [], []>, transpose_lhs_hint = false} : vector<2000x64xf32>, vector<64x64xf32>, vector<2000x64xf32> -> vector<2000x64xf32>
    %get3A_22 = arith.constant 0 : index
    %get3A_23 = arith.constant 0 : index
    %get3A_24 = vector.load %arg7[%get3A_22, %get3A_23] : memref<1x64xf32, #tpu.memory_space<vmem>>, vector<1x64xf32>
    %add3A_25 = vector.broadcast %get3A_24 : vector<1x64xf32> to vector<2000x64xf32>
    %add3A_26 = arith.addf %dot_general3A_21, %add3A_25 : vector<2000x64xf32>
    %max3A_27 = arith.constant 0.000000e+00 : f32
    %max3A_28 = vector.broadcast %max3A_27 : f32 to vector<2000x64xf32>
    %max3A_29 = arith.maximumf %add3A_26, %max3A_28 : vector<2000x64xf32>
    %slice3A = vector.extract_strided_slice %max3A_29 {offsets = [0, 0], sizes = [2000, 32], strides = [1, 1]} : vector<2000x64xf32> to vector<2000x32xf32>
    %swap3A = arith.constant 0 : index
    %swap3A_30 = arith.constant 0 : index
    %swap3A_31 = vector.load %arg8[%swap3A, %swap3A_30] : memref<2000x32xf32, #tpu.memory_space<vmem>>, vector<2000x32xf32>
    tpu.vector_store %arg8[%swap3A, %swap3A_30], %slice3A {strides = array<i32>} : memref<2000x32xf32, #tpu.memory_space<vmem>>, vector<2000x32xf32>,
    %slice3A_32 = vector.extract_strided_slice %max3A_29 {offsets = [0, 32], sizes = [2000, 32], strides = [1, 1]} : vector<2000x64xf32> to vector<2000x32xf32>
    %swap3A_33 = arith.constant 0 : index
    %swap3A_34 = arith.constant 0 : index
    %swap3A_35 = vector.load %arg9[%swap3A_33, %swap3A_34] : memref<2000x32xf32, #tpu.memory_space<vmem>>, vector<2000x32xf32>
    tpu.vector_store %arg9[%swap3A_33, %swap3A_34], %slice3A_32 {strides = array<i32>} : memref<2000x32xf32, #tpu.memory_space<vmem>>, vector<2000x32xf32>,
    %eq3A = arith.constant 0 : i32
    %eq3A_36 = arith.cmpi eq, %arg0, %eq3A : i32
    %convert_element_type3A = arith.extui %eq3A_36 : i1 to i32
    %cond3A = arith.constant 0 : i32
    %cond3A_37 = arith.cmpi ne, %convert_element_type3A, %cond3A : i32
    scf.if %cond3A_37 {
      %broadcast_in_dim3A_46 = arith.constant 0.000000e+00 : f32
      %broadcast_in_dim3A_47 = vector.broadcast %broadcast_in_dim3A_46 : f32 to vector<1x64xf32>
      %swap3A_48 = arith.constant 0 : index
      %swap3A_49 = arith.constant 0 : index
      %swap3A_50 = vector.load %arg10[%swap3A_48, %swap3A_49] : memref<1x64xf32, #tpu.memory_space<vmem>>, vector<1x64xf32>
      tpu.vector_store %arg10[%swap3A_48, %swap3A_49], %broadcast_in_dim3A_47 {strides = array<i32>} : memref<1x64xf32, #tpu.memory_space<vmem>>, vector<1x64xf32>,
    } else {
    }
    %get3A_38 = arith.constant 0 : index
    %get3A_39 = arith.constant 0 : index
    %get3A_40 = vector.load %arg10[%get3A_38, %get3A_39] : memref<1x64xf32, #tpu.memory_space<vmem>>, vector<1x64xf32>
    %reduce_sum3A = arith.constant dense<0.000000e+00> : vector<64xf32>
    %reduce_sum3A_41 = vector.multi_reduction <add>, %max3A_29, %reduce_sum3A [0] : vector<2000x64xf32> to vector<64xf32>
    %broadcast_in_dim3A = vector.shape_cast %reduce_sum3A_41 : vector<64xf32> to vector<1x64xf32>
    %add3A_42 = arith.addf %get3A_40, %broadcast_in_dim3A : vector<1x64xf32>
    %swap3A_43 = arith.constant 0 : index
    %swap3A_44 = arith.constant 0 : index
    %swap3A_45 = vector.load %arg10[%swap3A_43, %swap3A_44] : memref<1x64xf32, #tpu.memory_space<vmem>>, vector<1x64xf32>
    tpu.vector_store %arg10[%swap3A_43, %swap3A_44], %add3A_42 {strides = array<i32>} : memref<1x64xf32, #tpu.memory_space<vmem>>, vector<1x64xf32>,
    return
  }
  func.func @transform_0(%arg0: i32) -> (i32, i32) {
    %c0_i32 = arith.constant 0 : i32
    %c0_i32_0 = arith.constant 0 : i32
    return %arg0, %c0_i32 : i32, i32
  }
  func.func @transform_1(%arg0: i32) -> (i32, i32) {
    %c0_i32 = arith.constant 0 : i32
    %c0_i32_0 = arith.constant 0 : i32
    return %arg0, %c0_i32 : i32, i32
  }
  func.func @transform_2(%arg0: i32) -> (i32, i32) {
    %c0_i32 = arith.constant 0 : i32
    %c0_i32_0 = arith.constant 0 : i32
    return %arg0, %c0_i32 : i32, i32
  }
  func.func @transform_3(%arg0: i32) -> (i32, i32) {
    %c0_i32 = arith.constant 0 : i32
    %c0_i32_0 = arith.constant 0 : i32
    return %arg0, %c0_i32 : i32, i32
  }
  func.func @transform_4(%arg0: i32) -> (i32, i32) {
    %c0_i32 = arith.constant 0 : i32
    %c0_i32_0 = arith.constant 0 : i32
    return %arg0, %c0_i32 : i32, i32
  }
  func.func @transform_5(%arg0: i32) -> (i32, i32) {
    %c0_i32 = arith.constant 0 : i32
    %c0_i32_0 = arith.constant 0 : i32
    %c0_i32_1 = arith.constant 0 : i32
    return %c0_i32, %c0_i32_0 : i32, i32
  }
  func.func @transform_6(%arg0: i32) -> (i32, i32) {
    %c0_i32 = arith.constant 0 : i32
    %c0_i32_0 = arith.constant 0 : i32
    %c0_i32_1 = arith.constant 0 : i32
    return %c0_i32, %c0_i32_0 : i32, i32
  }
  func.func @transform_7(%arg0: i32) -> (i32, i32) {
    %c0_i32 = arith.constant 0 : i32
    %c0_i32_0 = arith.constant 0 : i32
    return %arg0, %c0_i32 : i32, i32
  }
  func.func @transform_8(%arg0: i32) -> (i32, i32) {
    %c0_i32 = arith.constant 0 : i32
    %c0_i32_0 = arith.constant 0 : i32
    return %arg0, %c0_i32 : i32, i32
  }
  func.func @transform_9(%arg0: i32) -> (i32, i32) {
    %c0_i32 = arith.constant 0 : i32
    %c0_i32_0 = arith.constant 0 : i32
    %c0_i32_1 = arith.constant 0 : i32
    return %c0_i32, %c0_i32_0 : i32, i32
  }
}

</mosaic_0001>

<sc_bundles>
// kernel: kernel.11.cloned.1.call-start
scs
__scs_entry_jumppad:
0x0: {  	(pc) =	sbr.rel $0x88, $3  }
0x1: {  	(tag) =	ssettag $0x0;
	lr =	simm.s32 $0x1  }
0x2: {  	[smem:$0x3F95] =	sst lr;
	_ =	strace $0xD0000000  }
0x3: {  	_ = 	snop  }
0x4: {  	_ = 	snop  }
0x5: {  	_ = 	snop  }
0x6: {  	_ = 	snop  }
0x7: {  	_ = 	snop  }
__scs_overlays_trampoline_lowered:
0x8: {  	[smem:$0x3FA4] =	sst s0  }
0x9: {  	[smem:$0x3FA5] =	sst s1  }
0xa: {  	[smem:$0x3FA6] =	sst s2  }
0xb: {  	[smem:$0x3FA7] =	sst s3  }
0xc: {  	[smem:$0x3FA8] =	sst s4  }
0xd: {  	[smem:$0x3FA9] =	sst s5  }
0xe: {  	[smem:$0x3FAA] =	sst s6  }
0xf: {  	[smem:$0x3FAB] =	sst s7  }
0x10: {  	[smem:$0x3FAC] =	sst s8  }
0x11: {  	[smem:$0x3FAD] =	sst s9;
	s0 =	simm.s32 @!p0 $0x0  }
0x12: {  	s1 =	sld [smem:$0x3F93];
	s0 =	simm.s32 @p0 $0x1  }
0x13: {  	[smem:$0x3FAE] =	sst s0;
	s0 =	simm.s32 @!p1 $0x0  }
0x14: {  	s2 =	sld [smem:$0x3F92];
	s0 =	simm.s32 @p1 $0x1  }
0x15: {  	[smem:$0x3FAF] =	sst s0;
	s0 =	simm.s32 @!p2 $0x0  }
0x16: {  	s3 =	sld [smem:$0x3FDB];
	s0 =	simm.s32 @p2 $0x1  }
0x17: {  	s4 =	simm.s32 $0x1BF5;
	[smem:$0x3FB1] =	sst s0  }
0x18: {  	s0 =	sld [smem:$0x3F94];
	_ =	swait.ge [sflag:s4], $0x0  }
0x19: {  	s7 =	sld [smem:$0x3F95]  }
0x1a: {  	s8 =	sadd.s32 $0xFFFFE003, lr  }
0x1b: {  	s9 =	sadd.s32 $0xFFFFFEF7, lr;
	s5 =	simm.s32 $0xFFFFFFFF;
	p2 =	slt.u32 s8, $0xFFFFF086  }
0x1c: {  	p1 =	slt.u32 s9, $0xF7A;
	s5 =	simm.s32 @!p2 $0x0  }
0x1d: {  	s5 =	simm.s32 @p1 $0x1;
	p0 =	seq.s32 s7, s2  }
0x1e: {  	s7 =	smul.u32 @!p0 $0xF7A, s2;
	p2 =	seq.s32 @!p0 s5, $0x0  }
0x1f: {  	s9 =	smul.u32 $0xF7A, s1;
	s8 =	simm.s32 @!p0 $0x1BF5;
	p2 =	por !p2, p0  }
0x20: {  	[sflag:s8] =	ssyncset.s32 @!p0 $0xFFFFF086;
	s6 =	sadd.s32 @!p0 s3, s7;
	s7 =	simm.s32 @!p0 $0x108  }
0x21: {  	s3 =	sadd.s32 s3, s9;
	s6 =	sadd.s32 @!p0 $0x88, s6;
	s7 =	simm.s32 @p2 $0x1082  }
0x22: {  	[simem:s7], [sflag:s8] =	dma.local @!p0 [hbm:s6], $0xF7A  }
0x23: {  	s9 =	sor.u32 $0xD0000000, s2;
	s6 =	simm.s32 $0x108;
	_ =	swait.ge @!p0 [sflag:s8], $0x0  }
0x24: {  	s3 =	sadd.s32 $0x88, s3;
	s6 =	simm.s32 @!p1 $0x1082;
	[sflag:s4] =	ssyncset.s32 $0xFFFFF086  }
0x25: {  	[simem:s6], [sflag:s4] =	dma.local [hbm:s3], $0xF7A  }
0x26: {  	[smem:$0x3F95] =	sst s1;
	(tag) =	ssettag s2;
	_ =	strace s9  }
0x27: {  	s1 =	sld [smem:$0x3FA5]  }
0x28: {  	s2 =	sld [smem:$0x3FA6]  }
0x29: {  	s4 =	sld [smem:$0x3FA8]  }
0x2a: {  	p0 =	seq.s32 s5, $0x0;
	s5 =	sld [smem:$0x3FA9]  }
0x2b: {  	s6 =	sld [smem:$0x3FAA]  }
0x2c: {  	s7 =	sld [smem:$0x3FAB]  }
0x2d: {  	s3 =	simm.s32 $0x108;
	s8 =	sld [smem:$0x3FAC]  }
0x2e: {  	s3 =	simm.s32 @!p0 $0x1082;
	s9 =	sld [smem:$0x3FAD]  }
0x2f: {  	lr =	sadd.s32 s0, s3;
	s0 =	sld [smem:$0x3FA4]  }
0x30: {  	s3 =	sld [smem:$0x3FA7]  }
0x31: {  	[smem:$0x3FB0] =	sst s10  }
0x32: {  	s10 =	sld [smem:$0x3FAE];
	_ =	sdelay $0x3  }
0x33: {  	p0 =	seq.s32 s10, $0x1;
	s10 =	sld [smem:$0x3FB0];
	_ =	sdelay $0x3  }
0x34: {  	[smem:$0x3FB0] =	sst s10  }
0x35: {  	s10 =	sld [smem:$0x3FAF];
	_ =	sdelay $0x3  }
0x36: {  	p1 =	seq.s32 s10, $0x1;
	s10 =	sld [smem:$0x3FB0];
	_ =	sdelay $0x3  }
0x37: {  	[smem:$0x3FB0] =	sst s10  }
0x38: {  	s10 =	sld [smem:$0x3FB1]  }
0x39: {  	_ = 	snop;
	(pc) =	sbr.ind lr, $3  }
0x3a: {  	_ = 	snop  }
0x3b: {  	_ = 	snop  }
0x3c: {  	p2 =	seq.s32 s10, $0x1;
	s10 =	sld [smem:$0x3FB0]  }
0x3d: {  	_ =	shalt  }
0x3e: {  	_ =	shalt  }
0x3f: {  	_ =	shalt  }
0x40: {  	_ =	shalt  }
0x41: {  	_ =	shalt  }
0x42: {  	_ =	shalt  }
0x43: {  	_ =	shalt  }
0x44: {  	_ =	shalt  }
0x45: {  	_ =	shalt  }
0x46: {  	_ =	shalt  }
0x47: {  	_ =	shalt  }
0x48: {  	_ =	shalt  }
0x49: {  	_ =	shalt  }
0x4a: {  	_ =	shalt  }
0x4b: {  	_ =	shalt  }
0x4c: {  	_ =	shalt  }
0x4d: {  	_ =	shalt  }
0x4e: {  	_ =	shalt  }
0x4f: {  	_ =	shalt  }
0x50: {  	_ =	shalt  }
0x51: {  	_ =	shalt  }
0x52: {  	_ =	shalt  }
0x53: {  	_ =	shalt  }
0x54: {  	_ =	shalt  }
0x55: {  	_ =	shalt  }
0x56: {  	_ =	shalt  }
0x57: {  	_ =	shalt  }
0x58: {  	_ =	shalt  }
0x59: {  	_ =	shalt  }
0x5a: {  	_ =	shalt  }
0x5b: {  	_ =	shalt  }
0x5c: {  	_ =	shalt  }
0x5d: {  	_ =	shalt  }
0x5e: {  	_ =	shalt  }
0x5f: {  	_ =	shalt  }
0x60: {  	_ =	shalt  }
0x61: {  	_ =	shalt  }
0x62: {  	_ =	shalt  }
0x63: {  	_ =	shalt  }
0x64: {  	_ =	shalt  }
0x65: {  	_ =	shalt  }
0x66: {  	_ =	shalt  }
0x67: {  	_ =	shalt  }
0x68: {  	_ =	shalt  }
0x69: {  	_ =	shalt  }
0x6a: {  	_ =	shalt  }
0x6b: {  	_ =	shalt  }
0x6c: {  	_ =	shalt  }
0x6d: {  	_ =	shalt  }
0x6e: {  	_ =	shalt  }
0x6f: {  	_ =	shalt  }
0x70: {  	_ =	shalt  }
0x71: {  	_ =	shalt  }
0x72: {  	_ =	shalt  }
0x73: {  	_ =	shalt  }
0x74: {  	_ =	shalt  }
0x75: {  	_ =	shalt  }
0x76: {  	_ =	shalt  }
0x77: {  	_ =	shalt  }
0x78: {  	_ =	shalt  }
0x79: {  	_ =	shalt  }
0x7a: {  	_ =	shalt  }
0x7b: {  	_ =	shalt  }
0x7c: {  	_ =	shalt  }
0x7d: {  	_ =	shalt  }
0x7e: {  	_ =	shalt  }
0x7f: {  	_ =	shalt  }
0x80: {  	_ =	shalt  }
0x81: {  	_ =	shalt  }
0x82: {  	_ =	shalt  }
0x83: {  	_ =	shalt  }
0x84: {  	_ =	shalt  }
0x85: {  	_ =	shalt  }
0x86: {  	_ =	shalt  }
0x87: {  	_ =	shalt  }
.Lfunc_end0:
.L_simem_size_0:
called_computation.1_lowered:
.L_overlay_start_0:
0x88: {  	s2 =	sld [smem:$0x3FD9]  }
0x89: {  	s3 =	sld [smem:$0x3FFE];
	_ =	sdelay $0x1  }
0x8a: {  	s1 =	srdreg.scid  }
0x8b: {  	s0 =	sand.u32 $0x1, s1  }
0x8c: {  	s16 =	sshll.u32 s0, $0xA;
	s2 =	sadd.s32 s3, s2  }
0x8d: {  	s2 =	sadd.s32 s2, s16  }
0x8e: {  	[smem:$0x3FBC] =	sst s2  }
0x8f: {  	_ = 	snop  }
0x90: {  	(tm) =	ssettm $0x1  }
0x91: {  	s17 =	sld [smem:$0x3FFB];
	_ =	sdelay $0x3  }
0x92: {  	_ =	strace s17  }
0x93: {  	s2 =	sld [smem:$0x3FFC];
	_ =	sdelay $0x3  }
0x94: {  	_ =	strace s2  }
0x95: {  	s2 =	sld [smem:$0x3FFD];
	_ =	sdelay $0x3  }
0x96: {  	_ =	strace s2  }
0x97: {  	_ =	strace $0x8FFFFFFF  }
0x98: {  	s18 =	sld [smem:$0x3FDB];
	_ =	sdelay $0x1  }
0x99: {  	s19 =	simm.s32 $_scs_section_size  }
0x9a: {  	s4 =	simm.s32 $_size__tile_overlayer_lowered;
	s5 =	simm.s32 $_tile_overlayer_lowered  }
0x9b: {  	s22 =	simm.s32 $0x1BFF;
	s21 =	sshll.u32 s5, $0x1;
	s2 =	sadd.s32 s19, s18  }
0x9c: {  	s6 =	simm.s32 $0x0;
	s20 =	sshll.u32 s4, $0x1;
	s4 =	sadd.s32 s21, s2  }
0x9d: {  	[timem:s6], [sflag:s22] =	dma.local [hbm:s4], s20  }
0x9e: {  	_ =	swait.ge [sflag:s22], s20  }
0x9f: {  	s3 =	ssub.s32 $0x0, s20;
	[sflag:s22] =	ssyncset.done $0x0  }
0xa0: {  	[sflag:s22] =	ssyncadd.s32 s3;
	_ =	sdelay $0x1  }
0xa1: {  	s23 =	simm.s32 $0x1B8B  }
0xa2: {  	_ =	swait.ge [sflag:s23], $0x1  }
0xa3: {  	[sflag:s23] =	ssyncset.done $0x0  }
0xa4: {  	s25 =	simm.s32 $0x1B8E;
	s24 =	sld [smem:$0x3FFE];
	[sflag:s23] =	ssyncadd.s32 $0xFFFFFFFF  }
0xa5: {  	s26 =	simm.s32 $execute0_lowered;
	[smem:$0x3FD2] =	sst s25  }
0xa6: {  	s4 =	sshll.u32 s26, $0x1;
	_ =	strace $0x80000046;
	[dreg:$0x1] =	wrdreg $0xFFFFFFFF  }
0xa7: {  	s28 =	simm.s32 $_size_execute0_lowered;
	s2 =	sadd.s32 s2, s4;
	[dreg:$0x0] =	wrdreg $0x0  }
0xa8: {  	s4 =	sshll.u32 s28, $0x1;
	[dreg:$0x2] =	wrdreg s2  }
0xa9: {  	[dreg:$0x3] =	wrdreg s4  }
0xaa: {  	[dreg:$0x4] =	wrdreg $0xC0  }
0xab: {  	_ =	task [dreg:s6], $0x5FFFF  }
0xac: {  	[dreg:$0x1] =	wrdreg $0xFFFFFFFF  }
0xad: {  	[dreg:$0x0] =	wrdreg $0x60  }
0xae: {  	[dreg:$0x2] =	wrdreg s24  }
0xaf: {  	[dreg:$0x3] =	wrdreg $0x0  }
0xb0: {  	[dreg:$0x4] =	wrdreg $0xA  }
0xb1: {  	_ =	task.clear_ibuf [dreg:s6], $0x5FFFF;
	_ =	strace $0x90000046  }
0xb2: {  	s29 =	simm.s32 $0xA;
	_ =	strace $0x80000048  }
0xb3: {  	_ =	swait.ge [sflag:s29], $0x1  }
0xb4: {  	[sflag:s29] =	ssyncadd.s32 $0xFFFFFFFF  }
0xb5: {  	_ =	strace $0x90000048  }
0xb6: {  	_ =	sfence  }
0xb7: {  	s30 =	sld [smem:$0x0];
	_ =	sdelay $0x2  }
0xb8: {  	s31 =	sshll.u32 s1, $0xD;
	s1 =	sshrl.u32 s1, $0x2  }
0xb9: {  	s3 =	sand.u32 $0x4000, s31;
	s1 =	sadd.s32 s1, s30  }
0xba: {  	s0 =	sor.u32 s3, s0;
	s1 =	sshll.u32 s1, $0x11  }
0xbb: {  	s0 =	sor.u32 s1, s0  }
0xbc: {  	s0 =	sadd.s32 $0x8F2B, s0  }
0xbd: {  	[sflag:s0] =	ssyncadd.remote.s32 $0x1  }
0xbe: {  	_ =	sfence.sel $0xFFFF  }
0xbf: {  	[dreg:$0x0] =	wrdreg $0xFFFFFFFF;
	(pc) =	sbr.abs _section_cstart, $3  }
0xc0: {  	[dreg:$0x1] =	wrdreg $0xFFFFFFFF  }
0xc1: {  	_ =	task.clear_ibuf [dreg:s6], $0x2FFFF;
	_ =	strace $0x9FFFFFFF  }
0xc2: {  	(tm) =	ssettm $0x7FFFFFFF  }
0xc3: {  	_ =	shalt  }
tec
execute0_lowered:
.L_overlay_start_1:
0x0: {  	(tag) =	ssettag $0x1  }
0x1: {  	s0 =	rddreg [dreg:$0x0]  }
0x2: {  	s1 =	rddreg [dreg:$0x1];
	s3 =	simm.s32 $0x0  }
0x3: {  	s13 =	stileid.u32;
	s6 =	srdreg.scid;
	s30 =	simm.s32 $0x1  }
0x4: {  	s31 =	simm.s32 $0x18880;
	s28 =	simm.s32 $0x6;
	s29 =	simm.s32 $0x7  }
0x5: {  	[smem:$0x7FF] =	sst s3;
	s2 =	sadd.s32 $0x64E00, s0;
	s7 =	smul.u32 $0x18700, s13  }
0x6: {  	s4 =	sadd.s32 $0x34000, s0;
	s5 =	sadd.s32 $0x3200, s0;
	s6 =	sand.u32 $0x1, s6  }
0x7: {  	s10 =	smul.u32 $0xC350, s13;
	s11 =	sadd.s32 $0x95C00, s0;
	s12 =	sor.u32 $0xC350, s13  }
0x8: {  	s18 =	sshll.u32 s13, $0x6;
	p2 =	sne.s32 s13, $0xF;
	s24 =	sadd.s32 $0x2ABF20, s0  }
0x9: {  	p4 =	seq.s32 s13, $0xF;
	s25 =	smul.u32 $0x186A, s13;
	_ =	strace $0x80000047  }
0xa: {  	s9 =	ssub.s32 $0x2, s6;
	[dreg:$0x3] =	wrdreg s11;
	p1 =	seq.s32 s6, $0x0  }
0xb: {  	p0 =	seq.s32 s6, $0x1;
	[dreg:$0xa] =	wrdreg s24;
	s24 =	simm.s32 $0x9  }
0xc: {  	s8 =	sshrl.u32 s7, $0x3;
	s16 =	sshrl.u32 s9, $0x1;
	s17 =	sshrl.u32 s10, $0x3  }
0xd: {  	s14 =	sadd.s32 s7, s1;
	s10 =	sor.u32 $0x1C09, s18;
	p3 =	por !p1, !p2  }
0xe: {  	s7 =	simm.s32 @!p4 $0x0;
	p1 =	por !p1, !p4;
	s8 =	sadd.s32 s8, s0  }
0xf: {  	s11 =	ssub.s32 s9, s16;
	s7 =	simm.s32 @p4 $0x1;
	[dreg:$0x4] =	wrdreg s14  }
0x10: {  	s9 =	sadd.s32 s2, s17;
	s0 =	sadd.s32 $0x27B120, s0;
	[smem:$0x7F9] =	sst s7  }
0x11: {  	p6 =	por !p2, !p0;
	s19 =	sadd.s32 $0x186A0, s9;
	[dreg:$0xd] =	wrdreg s0  }
0x12: {  	s18 =	simm.s32 $0x5;
	s20 =	sadd.s32 $0x186B0, s9;
	[dreg:$0x5] =	wrdreg s19  }
0x13: {  	p3 =	por !p3, !p3;
	s21 =	sadd.s32 $0x186C0, s9;
	[dreg:$0x6] =	wrdreg s20  }
0x14: {  	p1 =	por !p1, !p1;
	s22 =	sadd.s32 $0x1860, s9;
	[dreg:$0x7] =	wrdreg s21  }
0x15: {  	s17 =	sadd.s32 $0x16E900, s1;
	s23 =	sadd.s32 $0x19F00, s9;
	[dreg:$0x8] =	wrdreg s22  }
0x16: {  	s16 =	simm.s32 $0x4;
	s26 =	sadd.s32 $0x27E200, s8;
	[dreg:$0x9] =	wrdreg s23  }
0x17: {  	s7 =	simm.s32 @!p3 $0x0;
	s8 =	sadd.s32 $0x24D400, s8;
	[dreg:$0xb] =	wrdreg s26  }
0x18: {  	s0 =	simm.s32 $0x3;
	s7 =	simm.s32 @p3 $0x1;
	[dreg:$0xc] =	wrdreg s8  }
0x19: {  	s21 =	smax.u32 s11, $0x1;
	s22 =	sadd.s32 s25, s2;
	p3 =	sne.s32 s6, $0x0  }
0x1a: {  	s23 =	sshrl.u32 s14, $0x3;
	[smem:$0x7FA] =	sst s7;
	s7 =	simm.s32 @!p1 $0x0  }
.Ltmp0:
0x1b: {  	s7 =	simm.s32 @p1 $0x1;
	p1 =	por !p6, !p6;
	(pc) =	sbr.rel .LBB2_1-.Ltmp0, $4  }
0x1c: {  	s26 =	simm.s32 $0x18A00;
	s2 =	simm.s32 $0x80;
	s13 =	simm.s32 @!p1 $0x0  }
0x1d: {  	[smem:$0x7FB] =	sst s7;
	s7 =	simm.s32 @!p3 $0x0;
	s13 =	simm.s32 @p1 $0x1  }
0x1e: {  	s8 =	simm.s32 $0x8;
	s7 =	simm.s32 @p3 $0x1;
	[smem:$0x7FC] =	sst s13  }
0x1f: {  	v1 =	vimm.s32 $0x0;
	v0 =	vmov s12;
	s19 =	simm.s32 $0x0;
	s13 =	simm.s32 $0x18700;
	[smem:$0x7FD] =	sst s7  }
.LBB2_9:
0x20: {  	s7 =	sshrl.u32 s17, $0x3;
	s11 =	rddreg [dreg:$0xa]  }
0x21: {  	[hbm:s11], [sflag:s10] =	dma.local [spmem:s7], $0x3020  }
0x22: {  	_ =	swait.ge [sflag:s24], $0x3020  }
0x23: {  	[sflag:s24] =	ssyncset.done $0x0  }
0x24: {  	p1 =	por $0x1, $0x1;
	[sflag:s24] =	ssyncadd.s32 $0xFFFFCFE0  }
.LBB2_10:
0x25: {  	p1 =	por !p1, !p0  }
0x26: {  	s19 =	sadd.s32 $0x1, s19;
	p1 =	por !p1, !p1  }
0x27: {  	s11 =	rddreg [dreg:$0xd];
	p2 =	sne.s32 s19, s21;
	s7 =	sshrl.u32 @p1 s17, $0x3  }
0x28: {  	[hbm:s11], [sflag:s10] =	dma.local @p1 [spmem:s7], $0x3020  }
.Ltmp1:
0x29: {  	_ = 	snop;
	(pc) =	sbr.rel @!p2 .LBB2_11-.Ltmp1, $4  }
0x2a: {  	s7 =	simm.s32 @p1 $0x9  }
0x2b: {  	_ =	swait.ge @p1 [sflag:s7], $0x3020  }
0x2c: {  	[sflag:s7] =	ssyncset.done @p1 $0x0  }
0x2d: {  	[sflag:s7] =	ssyncadd.s32 @p1 $0xFFFFCFE0  }
.LBB2_1:
0x2e: {  	s7 =	rddreg [dreg:$0x3]  }
0x2f: {  	[spmem:s23], [sflag:s10] =	dma.local [hbm:s7], $0x30E0  }
0x30: {  	_ =	swait.ge [sflag:s24], $0x30E0  }
0x31: {  	[sflag:s24] =	ssyncset.done $0x0  }
0x32: {  	[sflag:s24] =	ssyncadd.s32 $0xFFFFCF20  }
0x33: {  	[bflag:$0x0] =	sbarrier.arrive $0xFFFF  }
0x34: {  	[tilespmem:s13], [sflag:$0x1] =	stream.linear.gather [hbm4b:s9+s3], $0x180, $0x38;
	[tilespmem:$0x1EE80] =	vst v63  }
0x35: {  	s14 =	rddreg [dreg:$0x5]  }
0x36: {  	[tilespmem:s26], [sflag:$0x1] =	stream.linear.gather [hbm4b:s14+s3], $0x80, $0x38;
	[tilespmem:$0x1EE80] =	vst v63  }
0x37: {  	s11 =	simm.s32 $0x18A80;
	s15 =	rddreg [dreg:$0x6]  }
0x38: {  	[tilespmem:s11], [sflag:$0x1] =	stream.linear.gather [hbm4b:s15+s3], $0x80, $0x38;
	[tilespmem:$0x1EE80] =	vst v63  }
0x39: {  	s25 =	simm.s32 $0x18B00;
	s20 =	rddreg [dreg:$0x7]  }
0x3a: {  	[tilespmem:s25], [sflag:$0x1] =	stream.linear.gather [hbm4b:s20+s3], $0x80, $0x38;
	[tilespmem:$0x1EE80] =	vst v63  }
0x3b: {  	_ =	swait.ge [sflag:s30], $0x180  }
0x3c: {  	[sflag:s30] =	ssyncset.done $0x0  }
0x3d: {  	[sflag:s30] =	ssyncadd.s32 $0xFFFFFE80  }
0x3e: {  	_ =	swait.ge [sflag:s30], $0x80  }
0x3f: {  	[sflag:s30] =	ssyncset.done $0x0  }
0x40: {  	[sflag:s30] =	ssyncadd.s32 $0xFFFFFF80  }
0x41: {  	_ =	swait.ge [sflag:s30], $0x80  }
0x42: {  	[sflag:s30] =	ssyncset.done $0x0  }
0x43: {  	[sflag:s30] =	ssyncadd.s32 $0xFFFFFF80  }
0x44: {  	_ =	swait.ge [sflag:s30], $0x80  }
0x45: {  	s12 =	simm.s32 @!p3 $0x18E80;
	[sflag:s30] =	ssyncset.done $0x0  }
0x46: {  	s7 =	simm.s32 @!p3 $0x80;
	s11 =	simm.s32 @!p3 $0x18700;
	[sflag:s30] =	ssyncadd.s32 $0xFFFFFF80  }
0x47: {  	[tilespmem:s12], [sflag:$0x3] =	stream.indirect.gather @!p3 [hbm4b:s4+s7], $0x20, s11, s7, $0xb8;
	[tilespmem:$0x1EE80] =	vst v63  }
0x48: {  	s11 =	simm.s32 @!p3 $0x18780;
	s12 =	simm.s32 @!p3 $0x19E80  }
0x49: {  	[tilespmem:s12], [sflag:$0x4] =	stream.indirect.gather @!p3 [hbm4b:s4+s7], $0x20, s11, s7, $0xb8;
	[tilespmem:$0x1EE80] =	vst v63  }
0x4a: {  	s11 =	simm.s32 @!p3 $0x18800;
	s12 =	simm.s32 @!p3 $0x1AE80  }
0x4b: {  	[tilespmem:s12], [sflag:$0x5] =	stream.indirect.gather @!p3 [hbm4b:s4+s7], $0x20, s11, s7, $0xb8;
	[tilespmem:$0x1EE80] =	vst v63  }
0x4c: {  	s7 =	simm.s32 @p0 $0x80;
	s11 =	simm.s32 @p0 $0x18700;
	s12 =	simm.s32 @p0 $0x18E80  }
0x4d: {  	[tilespmem:s12], [sflag:$0x3] =	stream.indirect.gather @p0 [hbm4b:s5+s7], $0x20, s11, s7, $0xb8;
	[tilespmem:$0x1EE80] =	vst v63  }
.Ltmp2:
0x4e: {  	s11 =	simm.s32 @p0 $0x18780;
	s12 =	simm.s32 @p0 $0x19E80;
	(pc) =	sbr.rel .LBB2_2-.Ltmp2, $4  }
0x4f: {  	[tilespmem:s12], [sflag:$0x4] =	stream.indirect.gather @p0 [hbm4b:s5+s7], $0x20, s11, s7, $0xb8;
	[tilespmem:$0x1EE80] =	vst v63  }
0x50: {  	s11 =	simm.s32 @p0 $0x18800;
	s12 =	simm.s32 @p0 $0x1AE80  }
0x51: {  	[tilespmem:s12], [sflag:$0x5] =	stream.indirect.gather @p0 [hbm4b:s5+s7], $0x20, s11, s7, $0xb8;
	[tilespmem:$0x1EE80] =	vst v63  }
0x52: {  	s7 =	simm.s32 $0x1;
	s11 =	simm.s32 $0x0  }
.LBB2_4:
0x53: {  	s13 =	sadd.s32 $0xFFFFFFFF, s7  }
0x54: {  	s14 =	smul.u32 $0xAB, s13;
	_ =	sdelay $0x1  }
0x55: {  	s14 =	sshrl.u32 s14, $0x9  }
0x56: {  	s14 =	sand.u32 $0x7F, s14  }
0x57: {  	s14 =	smul.u32 $0x3, s14;
	_ =	sdelay $0x1  }
0x58: {  	s14 =	ssub.s32 s13, s14  }
0x59: {  	s14 =	sand.u32 $0xFF, s14  }
0x5a: {  	s13 =	sand.u32 $0x1, s13;
	s14 =	smul.u32 $0x600, s14  }
0x5b: {  	_ =	swait.ge [sflag:s0], $0x1000;
	p1 =	seq.s32 s13, $0x1;
	s13 =	simm.s32 $0x3000  }
0x5c: {  	[sflag:s0] =	ssyncset.done $0x0;
	s13 =	simm.s32 @!p1 $0x0;
	s14 =	sshrl.u32 s14, $0x2  }
0x5d: {  	[sflag:s0] =	ssyncadd.s32 $0xFFFFF000;
	s15 =	sor.u32 $0x18E80, s13;
	s20 =	sadd.s32 $0x18A00, s14  }
0x5e: {  	[spmem:s1] =	stream.indirect.scatter.add.f32 [tilespmem:s15], [sflag:$0x6], $0x20, s20, s2, $0xb8;
	[tilespmem:$0x1EE80] =	vst v63  }
0x5f: {  	_ =	swait.ge [sflag:s16], $0x1000  }
0x60: {  	[sflag:s16] =	ssyncset.done $0x0  }
0x61: {  	s25 =	sadd.s32 $0x18A80, s14;
	s20 =	sadd.s32 $0x19E80, s13;
	[sflag:s16] =	ssyncadd.s32 $0xFFFFF000  }
0x62: {  	[spmem:s1] =	stream.indirect.scatter.add.f32 [tilespmem:s20], [sflag:$0x7], $0x20, s25, s2, $0xb8;
	[tilespmem:$0x1EE80] =	vst v63  }
0x63: {  	_ =	swait.ge [sflag:s18], $0x1000  }
0x64: {  	[sflag:s18] =	ssyncset.done $0x0  }
0x65: {  	s14 =	sadd.s32 $0x18B00, s14;
	s13 =	sadd.s32 $0x1AE80, s13;
	[sflag:s18] =	ssyncadd.s32 $0xFFFFF000  }
0x66: {  	[spmem:s1] =	stream.indirect.scatter.add.f32 [tilespmem:s13], [sflag:$0x8], $0x20, s14, s2, $0xb8;
	[tilespmem:$0x1EE80] =	vst v63  }
0x67: {  	s13 =	simm.s32 @p3 $0x1  }
0x68: {  	_ =	swait.ge @p3 [sflag:s13], $0x180  }
0x69: {  	[sflag:s13] =	ssyncset.done @p3 $0x0  }
0x6a: {  	[sflag:s13] =	ssyncadd.s32 @p3 $0xFFFFFE80  }
0x6b: {  	_ =	swait.ge @p3 [sflag:s13], $0x80  }
0x6c: {  	[sflag:s13] =	ssyncset.done @p3 $0x0  }
0x6d: {  	[sflag:s13] =	ssyncadd.s32 @p3 $0xFFFFFF80  }
0x6e: {  	_ =	swait.ge @p3 [sflag:s13], $0x80  }
0x6f: {  	[sflag:s13] =	ssyncset.done @p3 $0x0  }
0x70: {  	[sflag:s13] =	ssyncadd.s32 @p3 $0xFFFFFF80  }
0x71: {  	_ =	swait.ge @p3 [sflag:s13], $0x80  }
0x72: {  	[sflag:s13] =	ssyncset.done @p3 $0x0  }
0x73: {  	[sflag:s13] =	ssyncadd.s32 @p3 $0xFFFFFF80;
	s13 =	simm.s32 @p2 $0x2  }
0x74: {  	_ =	swait.ge @p2 [sflag:s13], $0x180  }
0x75: {  	[sflag:s13] =	ssyncset.done @p2 $0x0  }
0x76: {  	[sflag:s13] =	ssyncadd.s32 @p2 $0xFFFFFE80  }
0x77: {  	_ =	swait.ge @p2 [sflag:s13], $0x80  }
0x78: {  	[sflag:s13] =	ssyncset.done @p2 $0x0  }
0x79: {  	[sflag:s13] =	ssyncadd.s32 @p2 $0xFFFFFF80  }
0x7a: {  	p1 =	sne.s32 @p6 s6, $0x0;
	_ =	swait.ge @p2 [sflag:s13], $0x80  }
0x7b: {  	p1 =	por p1, !p6;
	[sflag:s13] =	ssyncset.done @p2 $0x0  }
0x7c: {  	s15 =	smul.u32 @!p1 $0x600, s12;
	[sflag:s13] =	ssyncadd.s32 @p2 $0xFFFFFF80  }
0x7d: {  	s14 =	smul.u32 @!p1 $0xC000, s12;
	_ =	swait.ge @p2 [sflag:s13], $0x80  }
0x7e: {  	[sflag:s13] =	ssyncset.done @p2 $0x0  }
0x7f: {  	[sflag:s13] =	ssyncadd.s32 @p2 $0xFFFFFF80;
	s13 =	sshrl.u32 @!p1 s14, $0x2;
	s14 =	sshrl.u32 @!p1 s15, $0x2  }
0x80: {  	s25 =	simm.s32 @!p1 $0x80;
	s15 =	sor.u32 @!p1 $0x18E80, s13;
	s20 =	sadd.s32 @!p1 $0x18700, s14  }
0x81: {  	[tilespmem:s15], [sflag:$0x3] =	stream.indirect.gather @!p1 [hbm4b:s4+s25], $0x20, s20, s25, $0xb8;
	[tilespmem:$0x1EE80] =	vst v63  }
0x82: {  	p2 =	por !p0, !p6;
	s15 =	sadd.s32 @!p1 $0x19E80, s13;
	s20 =	sadd.s32 @!p1 $0x18780, s14  }
0x83: {  	[tilespmem:s15], [sflag:$0x4] =	stream.indirect.gather @!p1 [hbm4b:s4+s25], $0x20, s20, s25, $0xb8;
	[tilespmem:$0x1EE80] =	vst v63  }
0x84: {  	s11 =	sadd.s32 $0x30, s11;
	s15 =	smul.u32 @!p2 $0xC000, s12  }
0x85: {  	s13 =	sadd.s32 @!p1 $0x1AE80, s13;
	s14 =	sor.u32 @!p1 $0x18800, s14;
	s12 =	smul.u32 @!p2 $0x600, s12  }
0x86: {  	[tilespmem:s13], [sflag:$0x5] =	stream.indirect.gather @!p1 [hbm4b:s4+s25], $0x20, s14, s25, $0xb8;
	[tilespmem:$0x1EE80] =	vst v63  }
0x87: {  	s20 =	simm.s32 @!p2 $0x80;
	s13 =	sshrl.u32 @!p2 s15, $0x2;
	s12 =	sshrl.u32 @!p2 s12, $0x2  }
0x88: {  	p1 =	sne.s32 s11, $0x1860;
	s14 =	sor.u32 @!p2 $0x18E80, s13;
	s15 =	sadd.s32 @!p2 $0x18700, s12  }
0x89: {  	[tilespmem:s14], [sflag:$0x3] =	stream.indirect.gather @!p2 [hbm4b:s5+s20], $0x20, s15, s20, $0xb8;
	[tilespmem:$0x1EE80] =	vst v63  }
.Ltmp3:
0x8a: {  	_ = 	snop;
	(pc) =	sbr.rel @!p1 .LBB2_5-.Ltmp3, $4  }
0x8b: {  	s14 =	sadd.s32 @!p2 $0x19E80, s13;
	s15 =	sadd.s32 @!p2 $0x18780, s12  }
0x8c: {  	[tilespmem:s14], [sflag:$0x4] =	stream.indirect.gather @!p2 [hbm4b:s5+s20], $0x20, s15, s20, $0xb8;
	[tilespmem:$0x1EE80] =	vst v63  }
0x8d: {  	s7 =	sadd.s32 $0x1, s7;
	s13 =	sadd.s32 @!p2 $0x1AE80, s13;
	s12 =	sor.u32 @!p2 $0x18800, s12  }
0x8e: {  	[tilespmem:s13], [sflag:$0x5] =	stream.indirect.gather @!p2 [hbm4b:s5+s20], $0x20, s12, s20, $0xb8;
	[tilespmem:$0x1EE80] =	vst v63  }
.LBB2_2:
0x8f: {  	s12 =	sand.u32 $0x1, s7;
	p1 =	seq.s32 s11, $0x0  }
0x90: {  	p6 =	sne.s32 @!p1 s11, $0x1830;
	p2 =	seq.s32 @!p1 s12, $0x0  }
0x91: {  	p2 =	por @!p1 !p6, !p2  }
0x92: {  	p3 =	por @!p1 !p2, !p2  }
0x93: {  	s13 =	simm.s32 @!p1 $0x6;
	p2 =	por !p3, p1  }
0x94: {  	_ =	swait.ge @!p1 [sflag:s13], $0x1000;
	s14 =	sand.u32 @!p2 $0xFF, s7  }
0x95: {  	[sflag:s13] =	ssyncset.done @!p1 $0x0;
	s14 =	smul.u32 @!p2 $0xAB, s14  }
0x96: {  	[sflag:s13] =	ssyncadd.s32 @!p1 $0xFFFFF000;
	s13 =	simm.s32 @!p1 $0x7  }
0x97: {  	_ =	swait.ge @!p1 [sflag:s13], $0x1000;
	s14 =	sshrl.u32 @!p2 s14, $0x9  }
0x98: {  	[sflag:s13] =	ssyncset.done @!p1 $0x0;
	s14 =	smul.u32 @!p2 $0x3, s14  }
0x99: {  	s15 =	sadd.s32 @!p2 s11, s22;
	[sflag:s13] =	ssyncadd.s32 @!p1 $0xFFFFF000;
	s13 =	simm.s32 @!p1 $0x8  }
0x9a: {  	s20 =	simm.s32 @!p2 $0x0;
	_ =	swait.ge @!p1 [sflag:s13], $0x1000;
	s14 =	ssub.s32 @!p2 s7, s14  }
0x9b: {  	s25 =	simm.s32 @!p2 $0x18700;
	[sflag:s13] =	ssyncset.done @!p1 $0x0;
	s14 =	sand.u32 @!p2 $0xFF, s14  }
0x9c: {  	[sflag:s13] =	ssyncadd.s32 @!p1 $0xFFFFF000;
	s13 =	sadd.s32 @!p2 $0x30, s15;
	s14 =	smul.u32 @!p2 $0x600, s14  }
0x9d: {  	[tilespmem:s25], [sflag:$0x1] =	stream.linear.gather @!p2 [hbm4b:s13+s20], $0x180, $0x38;
	[tilespmem:$0x1EE80] =	vst v63  }
0x9e: {  	s13 =	sshrl.u32 @!p2 s14, $0x2  }
0x9f: {  	s25 =	sadd.s32 @!p2 $0x186D0, s15;
	s14 =	sadd.s32 @!p2 $0x18A00, s13  }
0xa0: {  	[tilespmem:s14], [sflag:$0x1] =	stream.linear.gather @!p2 [hbm4b:s25+s20], $0x80, $0x38;
	[tilespmem:$0x1EE80] =	vst v63  }
0xa1: {  	s14 =	sadd.s32 @!p2 $0x18A80, s13;
	s25 =	sadd.s32 @!p2 $0x186E0, s15  }
0xa2: {  	[tilespmem:s14], [sflag:$0x1] =	stream.linear.gather @!p2 [hbm4b:s25+s20], $0x80, $0x38;
	[tilespmem:$0x1EE80] =	vst v63  }
0xa3: {  	s13 =	sadd.s32 @!p2 $0x18B00, s13;
	s14 =	sadd.s32 @!p2 $0x186F0, s15  }
0xa4: {  	[tilespmem:s13], [sflag:$0x1] =	stream.linear.gather @!p2 [hbm4b:s14+s20], $0x80, $0x38;
	[tilespmem:$0x1EE80] =	vst v63  }
0xa5: {  	s13 =	sand.u32 @!p1 $0x1, s7  }
0xa6: {  	p2 =	seq.s32 @!p1 s13, $0x0  }
0xa7: {  	p4 =	por p1, !p2  }
.Ltmp4:
0xa8: {  	_ = 	snop;
	(pc) =	sbr.rel @!p4 .LBB2_4-.Ltmp4, $2  }
0xa9: {  	_ =	sdelay $0x2  }
0xaa: {  	p2 =	por @!p1 $0x0, $0x0  }
0xab: {  	s13 =	sand.u32 $0xFF, s7  }
0xac: {  	s13 =	smul.u32 $0xAB, s13;
	_ =	sdelay $0x1  }
0xad: {  	s13 =	sshrl.u32 s13, $0x9  }
0xae: {  	s13 =	smul.u32 $0x3, s13;
	_ =	sdelay $0x1  }
0xaf: {  	s13 =	ssub.s32 s7, s13  }
0xb0: {  	s14 =	sadd.s32 s11, s22;
	s13 =	sand.u32 $0xFF, s13  }
0xb1: {  	s15 =	sadd.s32 $0x30, s14;
	s13 =	smul.u32 $0x600, s13  }
0xb2: {  	[tilespmem:s31], [sflag:$0x2] =	stream.linear.gather [hbm4b:s15+s3], $0x180, $0x38;
	[tilespmem:$0x1EE80] =	vst v63  }
0xb3: {  	p4 =	por $0x1, $0x1;
	p5 =	por $0x0, $0x0;
	s13 =	sshrl.u32 s13, $0x2  }
0xb4: {  	p2 =	por $0x1, $0x1;
	s20 =	sadd.s32 $0x186D0, s14;
	s25 =	sadd.s32 $0x18A00, s13  }
0xb5: {  	[tilespmem:s25], [sflag:$0x2] =	stream.linear.gather [hbm4b:s20+s3], $0x80, $0x38;
	[tilespmem:$0x1EE80] =	vst v63  }
.Ltmp5:
0xb6: {  	p4 =	por @!p1 p6, p6;
	p5 =	por @!p1 p3, p3;
	(pc) =	sbr.rel .LBB2_4-.Ltmp5, $4  }
0xb7: {  	p6 =	por p4, p4;
	s20 =	sadd.s32 $0x18A80, s13;
	s25 =	sadd.s32 $0x186E0, s14  }
0xb8: {  	[tilespmem:s20], [sflag:$0x2] =	stream.linear.gather [hbm4b:s25+s3], $0x80, $0x38;
	[tilespmem:$0x1EE80] =	vst v63  }
0xb9: {  	p3 =	por p5, p5;
	s13 =	sadd.s32 $0x18B00, s13;
	s14 =	sadd.s32 $0x186F0, s14  }
0xba: {  	[tilespmem:s13], [sflag:$0x2] =	stream.linear.gather [hbm4b:s14+s3], $0x80, $0x38;
	[tilespmem:$0x1EE80] =	vst v63  }
.LBB2_5:
0xbb: {  	_ =	swait.ge [sflag:s28], $0x1000  }
0xbc: {  	[sflag:s28] =	ssyncset.done $0x0  }
0xbd: {  	[sflag:s28] =	ssyncadd.s32 $0xFFFFF000  }
0xbe: {  	_ =	swait.ge [sflag:s29], $0x1000  }
0xbf: {  	[sflag:s29] =	ssyncset.done $0x0  }
0xc0: {  	[sflag:s29] =	ssyncadd.s32 $0xFFFFF000  }
0xc1: {  	_ =	swait.ge [sflag:s8], $0x1000  }
0xc2: {  	[sflag:s8] =	ssyncset.done $0x0  }
0xc3: {  	s13 =	simm.s32 $0x18700;
	s7 =	rddreg [dreg:$0x8];
	[sflag:s8] =	ssyncadd.s32 $0xFFFFF000  }
0xc4: {  	[tilespmem:s13], [sflag:$0x9] =	stream.linear.gather [hbm4b:s7+s3], $0x50, $0x38;
	[tilespmem:$0x1EE80] =	vst v63  }
0xc5: {  	_ =	swait.ge [sflag:s24], $0x50  }
0xc6: {  	[sflag:s24] =	ssyncset.done $0x0  }
0xc7: {  	s14 =	rddreg [dreg:$0x9];
	[sflag:s24] =	ssyncadd.s32 $0xFFFFFFB0  }
0xc8: {  	[tilespmem:s26], [sflag:$0x9] =	stream.linear.gather [hbm4b:s14+s3], $0x50, $0x38;
	[tilespmem:$0x1EE80] =	vst v63  }
0xc9: {  	_ =	swait.ge [sflag:s24], $0x50  }
0xca: {  	[sflag:s24] =	ssyncset.done $0x0  }
0xcb: {  	[sflag:s24] =	ssyncadd.s32 $0xFFFFFFB0  }
0xcc: {  	[tilespmem:$0x18750] =	vst v1  }
0xcd: {  	s15 =	sld [smem:$0x7FD];
	[tilespmem:$0x18A50] =	vst v0  }
0xce: {  	[tilespmem:$0x18760] =	vst v1  }
0xcf: {  	[tilespmem:$0x18A60] =	vst v0  }
0xd0: {  	[tilespmem:$0x18770] =	vst v1;
	p3 =	seq.s32 s15, $0x1  }
0xd1: {  	[tilespmem:$0x18A70] =	vst v0;
	s7 =	simm.s32 @!p3 $0x80;
	s11 =	simm.s32 @!p3 $0x18700;
	s12 =	simm.s32 @!p3 $0x18E80  }
0xd2: {  	[tilespmem:s12], [sflag:$0x3] =	stream.indirect.gather @!p3 [hbm4b:s4+s7], $0x20, s11, s7, $0xb8;
	[tilespmem:$0x1EE80] =	vst v63  }
0xd3: {  	s7 =	simm.s32 @!p3 $0x3  }
0xd4: {  	_ =	swait.ge @!p3 [sflag:s7], $0x1000  }
0xd5: {  	s11 =	simm.s32 @p0 $0x18700;
	[sflag:s7] =	ssyncset.done @!p3 $0x0  }
0xd6: {  	s12 =	simm.s32 @p0 $0x18E80;
	[sflag:s7] =	ssyncadd.s32 @!p3 $0xFFFFF000;
	s7 =	simm.s32 @p0 $0x80  }
0xd7: {  	[tilespmem:s12], [sflag:$0x3] =	stream.indirect.gather @p0 [hbm4b:s5+s7], $0x20, s11, s7, $0xb8;
	[tilespmem:$0x1EE80] =	vst v63  }
0xd8: {  	s7 =	simm.s32 @p0 $0x3  }
0xd9: {  	_ =	swait.ge @p0 [sflag:s7], $0x1000  }
0xda: {  	[sflag:s7] =	ssyncset.done @p0 $0x0  }
0xdb: {  	s20 =	simm.s32 $0x18E80;
	[sflag:s7] =	ssyncadd.s32 @p0 $0xFFFFF000  }
0xdc: {  	[spmem:s1] =	stream.indirect.scatter.add.f32 [tilespmem:s20], [sflag:$0x9], $0x20, s26, s2, $0xb8;
	[tilespmem:$0x1EE80] =	vst v63  }
0xdd: {  	_ =	swait.ge [sflag:s24], $0x1000  }
0xde: {  	[sflag:s24] =	ssyncset.done $0x0  }
0xdf: {  	[sflag:s24] =	ssyncadd.s32 $0xFFFFF000  }
0xe0: {  	[bflag:$0x0] =	sbarrier.arrive $0xFFFF  }
0xe1: {  	s25 =	sld [smem:$0x7FA];
	_ =	sdelay $0x2  }
0xe2: {  	p1 =	seq.s32 s25, $0x1  }
.Ltmp6:
0xe3: {  	_ = 	snop;
	(pc) =	sbr.rel @!p1 .LBB2_8-.Ltmp6, $1  }
0xe4: {  	_ =	sdelay $0x3  }
.Ltmp7:
0xe5: {  	s7 =	rddreg [dreg:$0xb];
	(pc) =	sbr.rel .LBB2_7-.Ltmp7, $4  }
0xe6: {  	[hbm:s7], [sflag:s10] =	dma.local [spmem:s23], $0x30E0  }
0xe7: {  	_ =	swait.ge [sflag:s24], $0x30E0  }
0xe8: {  	[sflag:s24] =	ssyncset.done $0x0  }
0xe9: {  	p1 =	por $0x0, $0x0;
	[sflag:s24] =	ssyncadd.s32 $0xFFFFCF20  }
.LBB2_8:
0xea: {  	s25 =	sld [smem:$0x7FB];
	_ =	sdelay $0x2  }
0xeb: {  	p2 =	seq.s32 s25, $0x1  }
.Ltmp8:
0xec: {  	_ = 	snop;
	(pc) =	sbr.rel @p2 .LBB2_9-.Ltmp8, $2  }
0xed: {  	s7 =	sld [smem:$0x7F9];
	_ =	sdelay $0x2  }
0xee: {  	p1 =	seq.s32 s7, $0x1  }
.LBB2_7:
0xef: {  	s11 =	sld [smem:$0x7FC];
	_ =	sdelay $0x2  }
0xf0: {  	s7 =	rddreg [dreg:$0x4];
	p2 =	seq.s32 s11, $0x1  }
0xf1: {  	s11 =	rddreg [dreg:$0xc];
	s7 =	sshrl.u32 @p2 s7, $0x3  }
0xf2: {  	[hbm:s11], [sflag:s10] =	dma.local @p2 [spmem:s7], $0x30E0  }
.Ltmp9:
0xf3: {  	_ = 	snop;
	(pc) =	sbr.rel .LBB2_10-.Ltmp9, $4  }
0xf4: {  	s7 =	simm.s32 @p2 $0x9  }
0xf5: {  	_ =	swait.ge @p2 [sflag:s7], $0x30E0  }
0xf6: {  	[sflag:s7] =	ssyncset.done @p2 $0x0  }
0xf7: {  	[sflag:s7] =	ssyncadd.s32 @p2 $0xFFFFCF20  }
.LBB2_11:
0xf8: {  	_ =	sfence.sel $0x180000  }
0xf9: {  	[bflag:$0x0] =	sbarrier.arrive $0xFFFF  }
0xfa: {  	_ =	strace $0x90000047  }
0xfb: {  	s0 =	stileid.u32;
	[bflag:$0x2] =	sbarrier.arrive $0xFFFF  }
0xfc: {  	p0 =	sne.s32 s0, $0x0;
	s0 =	rddreg [dreg:$0x2]  }
0xfd: {  	s0 =	sadd.s32 @!p0 $0x100000, s0  }
0xfe: {  	[sflag:s0] =	ssyncadd.tile.s32 @!p0 $0x1;
	_ =	shalt  }
.Lfunc_end2:
_tile_overlayer_lowered:
.L_overlay_start_2:
0xff: {  	(tag) =	ssettag $0x2  }
0x100: {  	s0 =	rddreg [dreg:$0x0];
	s2 =	stileid.u32  }
0x101: {  	s1 =	rddreg [dreg:$0x1];
	p0 =	sne.s32 s2, $0x0  }
0x102: {  	s3 =	rddreg [dreg:$0x2];
	[bflag:$0x3] =	sbarrier.arrive $0xFFFF;
	s2 =	simm.s32 @!p0 $0x1C09  }
0x103: {  	[timem:s3], [sflag:s2] =	dma.local @!p0 [hbm:s0], s1  }
0x104: {  	s0 =	simm.s32 @!p0 $0x9  }
0x105: {  	_ =	swait.ge @!p0 [sflag:s0], s1  }
0x106: {  	s1 =	ssub.s32 @!p0 $0x0, s1;
	[sflag:s0] =	ssyncset.done @!p0 $0x0  }
0x107: {  	[sflag:s0] =	ssyncadd.s32 @!p0 s1  }
0x108: {  	[bflag:$0x3] =	sbarrier.arrive $0xFFFF  }
0x109: {  	_ =	shalt  }

// kernel: kernel.14.cloned.1.call-start
scs
__scs_entry_jumppad:
0x0: {  	(pc) =	sbr.rel $0x88, $3  }
0x1: {  	(tag) =	ssettag $0x0;
	lr =	simm.s32 $0x1  }
0x2: {  	[smem:$0x3F95] =	sst lr;
	_ =	strace $0xD0000000  }
0x3: {  	_ = 	snop  }
0x4: {  	_ = 	snop  }
0x5: {  	_ = 	snop  }
0x6: {  	_ = 	snop  }
0x7: {  	_ = 	snop  }
__scs_overlays_trampoline_lowered:
0x8: {  	[smem:$0x3FA4] =	sst s0  }
0x9: {  	[smem:$0x3FA5] =	sst s1  }
0xa: {  	[smem:$0x3FA6] =	sst s2  }
0xb: {  	[smem:$0x3FA7] =	sst s3  }
0xc: {  	[smem:$0x3FA8] =	sst s4  }
0xd: {  	[smem:$0x3FA9] =	sst s5  }
0xe: {  	[smem:$0x3FAA] =	sst s6  }
0xf: {  	[smem:$0x3FAB] =	sst s7  }
0x10: {  	[smem:$0x3FAC] =	sst s8  }
0x11: {  	[smem:$0x3FAD] =	sst s9;
	s0 =	simm.s32 @!p0 $0x0  }
0x12: {  	s1 =	sld [smem:$0x3F93];
	s0 =	simm.s32 @p0 $0x1  }
0x13: {  	[smem:$0x3FAE] =	sst s0;
	s0 =	simm.s32 @!p1 $0x0  }
0x14: {  	s2 =	sld [smem:$0x3F92];
	s0 =	simm.s32 @p1 $0x1  }
0x15: {  	[smem:$0x3FAF] =	sst s0;
	s0 =	simm.s32 @!p2 $0x0  }
0x16: {  	s3 =	sld [smem:$0x3FDB];
	s0 =	simm.s32 @p2 $0x1  }
0x17: {  	s4 =	simm.s32 $0x1BF5;
	[smem:$0x3FB1] =	sst s0  }
0x18: {  	s0 =	sld [smem:$0x3F94];
	_ =	swait.ge [sflag:s4], $0x0  }
0x19: {  	s7 =	sld [smem:$0x3F95]  }
0x1a: {  	s8 =	sadd.s32 $0xFFFFE003, lr  }
0x1b: {  	s9 =	sadd.s32 $0xFFFFFEF7, lr;
	s5 =	simm.s32 $0xFFFFFFFF;
	p2 =	slt.u32 s8, $0xFFFFF086  }
0x1c: {  	p1 =	slt.u32 s9, $0xF7A;
	s5 =	simm.s32 @!p2 $0x0  }
0x1d: {  	s5 =	simm.s32 @p1 $0x1;
	p0 =	seq.s32 s7, s2  }
0x1e: {  	s7 =	smul.u32 @!p0 $0xF7A, s2;
	p2 =	seq.s32 @!p0 s5, $0x0  }
0x1f: {  	s9 =	smul.u32 $0xF7A, s1;
	s8 =	simm.s32 @!p0 $0x1BF5;
	p2 =	por !p2, p0  }
0x20: {  	[sflag:s8] =	ssyncset.s32 @!p0 $0xFFFFF086;
	s6 =	sadd.s32 @!p0 s3, s7;
	s7 =	simm.s32 @!p0 $0x108  }
0x21: {  	s3 =	sadd.s32 s3, s9;
	s6 =	sadd.s32 @!p0 $0x88, s6;
	s7 =	simm.s32 @p2 $0x1082  }
0x22: {  	[simem:s7], [sflag:s8] =	dma.local @!p0 [hbm:s6], $0xF7A  }
0x23: {  	s9 =	sor.u32 $0xD0000000, s2;
	s6 =	simm.s32 $0x108;
	_ =	swait.ge @!p0 [sflag:s8], $0x0  }
0x24: {  	s3 =	sadd.s32 $0x88, s3;
	s6 =	simm.s32 @!p1 $0x1082;
	[sflag:s4] =	ssyncset.s32 $0xFFFFF086  }
0x25: {  	[simem:s6], [sflag:s4] =	dma.local [hbm:s3], $0xF7A  }
0x26: {  	[smem:$0x3F95] =	sst s1;
	(tag) =	ssettag s2;
	_ =	strace s9  }
0x27: {  	s1 =	sld [smem:$0x3FA5]  }
0x28: {  	s2 =	sld [smem:$0x3FA6]  }
0x29: {  	s4 =	sld [smem:$0x3FA8]  }
0x2a: {  	p0 =	seq.s32 s5, $0x0;
	s5 =	sld [smem:$0x3FA9]  }
0x2b: {  	s6 =	sld [smem:$0x3FAA]  }
0x2c: {  	s7 =	sld [smem:$0x3FAB]  }
0x2d: {  	s3 =	simm.s32 $0x108;
	s8 =	sld [smem:$0x3FAC]  }
0x2e: {  	s3 =	simm.s32 @!p0 $0x1082;
	s9 =	sld [smem:$0x3FAD]  }
0x2f: {  	lr =	sadd.s32 s0, s3;
	s0 =	sld [smem:$0x3FA4]  }
0x30: {  	s3 =	sld [smem:$0x3FA7]  }
0x31: {  	[smem:$0x3FB0] =	sst s10  }
0x32: {  	s10 =	sld [smem:$0x3FAE];
	_ =	sdelay $0x3  }
0x33: {  	p0 =	seq.s32 s10, $0x1;
	s10 =	sld [smem:$0x3FB0];
	_ =	sdelay $0x3  }
0x34: {  	[smem:$0x3FB0] =	sst s10  }
0x35: {  	s10 =	sld [smem:$0x3FAF];
	_ =	sdelay $0x3  }
0x36: {  	p1 =	seq.s32 s10, $0x1;
	s10 =	sld [smem:$0x3FB0];
	_ =	sdelay $0x3  }
0x37: {  	[smem:$0x3FB0] =	sst s10  }
0x38: {  	s10 =	sld [smem:$0x3FB1]  }
0x39: {  	_ = 	snop;
	(pc) =	sbr.ind lr, $3  }
0x3a: {  	_ = 	snop  }
0x3b: {  	_ = 	snop  }
0x3c: {  	p2 =	seq.s32 s10, $0x1;
	s10 =	sld [smem:$0x3FB0]  }
0x3d: {  	_ =	shalt  }
0x3e: {  	_ =	shalt  }
0x3f: {  	_ =	shalt  }
0x40: {  	_ =	shalt  }
0x41: {  	_ =	shalt  }
0x42: {  	_ =	shalt  }
0x43: {  	_ =	shalt  }
0x44: {  	_ =	shalt  }
0x45: {  	_ =	shalt  }
0x46: {  	_ =	shalt  }
0x47: {  	_ =	shalt  }
0x48: {  	_ =	shalt  }
0x49: {  	_ =	shalt  }
0x4a: {  	_ =	shalt  }
0x4b: {  	_ =	shalt  }
0x4c: {  	_ =	shalt  }
0x4d: {  	_ =	shalt  }
0x4e: {  	_ =	shalt  }
0x4f: {  	_ =	shalt  }
0x50: {  	_ =	shalt  }
0x51: {  	_ =	shalt  }
0x52: {  	_ =	shalt  }
0x53: {  	_ =	shalt  }
0x54: {  	_ =	shalt  }
0x55: {  	_ =	shalt  }
0x56: {  	_ =	shalt  }
0x57: {  	_ =	shalt  }
0x58: {  	_ =	shalt  }
0x59: {  	_ =	shalt  }
0x5a: {  	_ =	shalt  }
0x5b: {  	_ =	shalt  }
0x5c: {  	_ =	shalt  }
0x5d: {  	_ =	shalt  }
0x5e: {  	_ =	shalt  }
0x5f: {  	_ =	shalt  }
0x60: {  	_ =	shalt  }
0x61: {  	_ =	shalt  }
0x62: {  	_ =	shalt  }
0x63: {  	_ =	shalt  }
0x64: {  	_ =	shalt  }
0x65: {  	_ =	shalt  }
0x66: {  	_ =	shalt  }
0x67: {  	_ =	shalt  }
0x68: {  	_ =	shalt  }
0x69: {  	_ =	shalt  }
0x6a: {  	_ =	shalt  }
0x6b: {  	_ =	shalt  }
0x6c: {  	_ =	shalt  }
0x6d: {  	_ =	shalt  }
0x6e: {  	_ =	shalt  }
0x6f: {  	_ =	shalt  }
0x70: {  	_ =	shalt  }
0x71: {  	_ =	shalt  }
0x72: {  	_ =	shalt  }
0x73: {  	_ =	shalt  }
0x74: {  	_ =	shalt  }
0x75: {  	_ =	shalt  }
0x76: {  	_ =	shalt  }
0x77: {  	_ =	shalt  }
0x78: {  	_ =	shalt  }
0x79: {  	_ =	shalt  }
0x7a: {  	_ =	shalt  }
0x7b: {  	_ =	shalt  }
0x7c: {  	_ =	shalt  }
0x7d: {  	_ =	shalt  }
0x7e: {  	_ =	shalt  }
0x7f: {  	_ =	shalt  }
0x80: {  	_ =	shalt  }
0x81: {  	_ =	shalt  }
0x82: {  	_ =	shalt  }
0x83: {  	_ =	shalt  }
0x84: {  	_ =	shalt  }
0x85: {  	_ =	shalt  }
0x86: {  	_ =	shalt  }
0x87: {  	_ =	shalt  }
.Lfunc_end0:
.L_simem_size_0:
called_computation.2_lowered:
.L_overlay_start_0:
0x88: {  	s2 =	sld [smem:$0x3FD9]  }
0x89: {  	s3 =	sld [smem:$0x3FFE];
	_ =	sdelay $0x1  }
0x8a: {  	s1 =	srdreg.scid  }
0x8b: {  	s0 =	sand.u32 $0x1, s1  }
0x8c: {  	s16 =	sshll.u32 s0, $0xA;
	s2 =	sadd.s32 s3, s2  }
0x8d: {  	s2 =	sadd.s32 s2, s16  }
0x8e: {  	[smem:$0x3FBC] =	sst s2  }
0x8f: {  	_ = 	snop  }
0x90: {  	(tm) =	ssettm $0x1  }
0x91: {  	s17 =	sld [smem:$0x3FFB];
	_ =	sdelay $0x3  }
0x92: {  	_ =	strace s17  }
0x93: {  	s2 =	sld [smem:$0x3FFC];
	_ =	sdelay $0x3  }
0x94: {  	_ =	strace s2  }
0x95: {  	s2 =	sld [smem:$0x3FFD];
	_ =	sdelay $0x3  }
0x96: {  	_ =	strace s2  }
0x97: {  	_ =	strace $0x8FFFFFFF  }
0x98: {  	s18 =	sld [smem:$0x3FDB];
	_ =	sdelay $0x1  }
0x99: {  	s19 =	simm.s32 $_scs_section_size  }
0x9a: {  	s4 =	simm.s32 $_size__tile_overlayer_lowered;
	s5 =	simm.s32 $_tile_overlayer_lowered  }
0x9b: {  	s22 =	simm.s32 $0x1BFF;
	s21 =	sshll.u32 s5, $0x1;
	s2 =	sadd.s32 s19, s18  }
0x9c: {  	s6 =	simm.s32 $0x0;
	s20 =	sshll.u32 s4, $0x1;
	s4 =	sadd.s32 s21, s2  }
0x9d: {  	[timem:s6], [sflag:s22] =	dma.local [hbm:s4], s20  }
0x9e: {  	_ =	swait.ge [sflag:s22], s20  }
0x9f: {  	s3 =	ssub.s32 $0x0, s20;
	[sflag:s22] =	ssyncset.done $0x0  }
0xa0: {  	[sflag:s22] =	ssyncadd.s32 s3;
	_ =	sdelay $0x1  }
0xa1: {  	s23 =	simm.s32 $0x1B8B  }
0xa2: {  	_ =	swait.ge [sflag:s23], $0x1  }
0xa3: {  	[sflag:s23] =	ssyncset.done $0x0  }
0xa4: {  	s25 =	simm.s32 $0x1B8E;
	s24 =	sld [smem:$0x3FFE];
	[sflag:s23] =	ssyncadd.s32 $0xFFFFFFFF  }
0xa5: {  	s26 =	simm.s32 $execute0_lowered;
	[smem:$0x3FD2] =	sst s25  }
0xa6: {  	s4 =	sshll.u32 s26, $0x1;
	_ =	strace $0x8000004C;
	[dreg:$0x1] =	wrdreg $0xFFFFFFFF  }
0xa7: {  	s28 =	simm.s32 $_size_execute0_lowered;
	s2 =	sadd.s32 s2, s4;
	[dreg:$0x0] =	wrdreg $0x0  }
0xa8: {  	s4 =	sshll.u32 s28, $0x1;
	[dreg:$0x2] =	wrdreg s2  }
0xa9: {  	[dreg:$0x3] =	wrdreg s4  }
0xaa: {  	[dreg:$0x4] =	wrdreg $0xC0  }
0xab: {  	_ =	task [dreg:s6], $0x5FFFF  }
0xac: {  	[dreg:$0x1] =	wrdreg $0xFFFFFFFF  }
0xad: {  	[dreg:$0x0] =	wrdreg $0x60  }
0xae: {  	[dreg:$0x2] =	wrdreg s24  }
0xaf: {  	[dreg:$0x3] =	wrdreg $0x0  }
0xb0: {  	[dreg:$0x4] =	wrdreg $0x9  }
0xb1: {  	_ =	task.clear_ibuf [dreg:s6], $0x5FFFF;
	_ =	strace $0x9000004C  }
0xb2: {  	s29 =	simm.s32 $0x9;
	_ =	strace $0x8000004E  }
0xb3: {  	_ =	swait.ge [sflag:s29], $0x1  }
0xb4: {  	[sflag:s29] =	ssyncadd.s32 $0xFFFFFFFF  }
0xb5: {  	_ =	strace $0x9000004E  }
0xb6: {  	_ =	sfence  }
0xb7: {  	s30 =	sld [smem:$0x0];
	_ =	sdelay $0x2  }
0xb8: {  	s31 =	sshll.u32 s1, $0xD;
	s1 =	sshrl.u32 s1, $0x2  }
0xb9: {  	s3 =	sand.u32 $0x4000, s31;
	s1 =	sadd.s32 s1, s30  }
0xba: {  	s0 =	sor.u32 s3, s0;
	s1 =	sshll.u32 s1, $0x11  }
0xbb: {  	s0 =	sor.u32 s1, s0  }
0xbc: {  	s0 =	sadd.s32 $0x8F2B, s0  }
0xbd: {  	[sflag:s0] =	ssyncadd.remote.s32 $0x1  }
0xbe: {  	_ =	sfence.sel $0xFFFF  }
0xbf: {  	[dreg:$0x0] =	wrdreg $0xFFFFFFFF;
	(pc) =	sbr.abs _section_cstart, $3  }
0xc0: {  	[dreg:$0x1] =	wrdreg $0xFFFFFFFF  }
0xc1: {  	_ =	task.clear_ibuf [dreg:s6], $0x2FFFF;
	_ =	strace $0x9FFFFFFF  }
0xc2: {  	(tm) =	ssettm $0x7FFFFFFF  }
0xc3: {  	_ =	shalt  }
tec
execute0_lowered:
.L_overlay_start_1:
0x0: {  	(tag) =	ssettag $0x1  }
0x1: {  	s0 =	rddreg [dreg:$0x0]  }
0x2: {  	s1 =	rddreg [dreg:$0x1];
	s3 =	simm.s32 $0x0  }
0x3: {  	s13 =	stileid.u32;
	s6 =	srdreg.scid;
	s30 =	simm.s32 $0x1  }
0x4: {  	s31 =	simm.s32 $0x18880;
	s28 =	simm.s32 $0x6;
	s29 =	simm.s32 $0x7  }
0x5: {  	[smem:$0x7FF] =	sst s3;
	s2 =	sadd.s32 $0x64E00, s0;
	s7 =	smul.u32 $0x18700, s13  }
0x6: {  	s4 =	sadd.s32 $0x34000, s0;
	s5 =	sadd.s32 $0x3200, s0;
	s6 =	sand.u32 $0x1, s6  }
0x7: {  	s10 =	smul.u32 $0xC350, s13;
	s11 =	sadd.s32 $0x95C00, s0;
	s12 =	sor.u32 $0xC350, s13  }
0x8: {  	s18 =	sshll.u32 s13, $0x6;
	p2 =	sne.s32 s13, $0xF;
	p4 =	seq.s32 s13, $0xF  }
0x9: {  	s24 =	sadd.s32 $0xF7920, s0;
	s25 =	smul.u32 $0x186A, s13;
	_ =	strace $0x8000004D  }
0xa: {  	s9 =	ssub.s32 $0x2, s6;
	[dreg:$0x3] =	wrdreg s11;
	p1 =	seq.s32 s6, $0x0  }
0xb: {  	p0 =	seq.s32 s6, $0x1;
	[dreg:$0xa] =	wrdreg s24;
	s24 =	simm.s32 $0x9  }
0xc: {  	s8 =	sshrl.u32 s7, $0x3;
	s16 =	sshrl.u32 s9, $0x1;
	s17 =	sshrl.u32 s10, $0x3  }
0xd: {  	s14 =	sadd.s32 s7, s1;
	s10 =	sor.u32 $0x1C09, s18;
	p3 =	por !p1, !p2  }
0xe: {  	s7 =	simm.s32 @!p4 $0x0;
	p1 =	por !p1, !p4;
	s8 =	sadd.s32 s8, s0  }
0xf: {  	s11 =	ssub.s32 s9, s16;
	s7 =	simm.s32 @p4 $0x1;
	[dreg:$0x4] =	wrdreg s14  }
0x10: {  	s9 =	sadd.s32 s2, s17;
	s0 =	sadd.s32 $0xC6B20, s0;
	[smem:$0x7F9] =	sst s7  }
0x11: {  	p6 =	por !p2, !p0;
	s19 =	sadd.s32 $0x186A0, s9;
	[dreg:$0xd] =	wrdreg s0  }
0x12: {  	s18 =	simm.s32 $0x5;
	s20 =	sadd.s32 $0x186B0, s9;
	[dreg:$0x5] =	wrdreg s19  }
0x13: {  	p3 =	por !p3, !p3;
	s21 =	sadd.s32 $0x186C0, s9;
	[dreg:$0x6] =	wrdreg s20  }
0x14: {  	p1 =	por !p1, !p1;
	s22 =	sadd.s32 $0x1860, s9;
	[dreg:$0x7] =	wrdreg s21  }
0x15: {  	s17 =	sadd.s32 $0x16E900, s1;
	s23 =	sadd.s32 $0x19F00, s9;
	[dreg:$0x8] =	wrdreg s22  }
0x16: {  	s16 =	simm.s32 $0x4;
	s26 =	sadd.s32 $0xC9C00, s8;
	[dreg:$0x9] =	wrdreg s23  }
0x17: {  	s7 =	simm.s32 @!p3 $0x0;
	s8 =	sadd.s32 $0x98E00, s8;
	[dreg:$0xb] =	wrdreg s26  }
0x18: {  	s0 =	simm.s32 $0x3;
	s7 =	simm.s32 @p3 $0x1;
	[dreg:$0xc] =	wrdreg s8  }
0x19: {  	s21 =	smax.u32 s11, $0x1;
	s22 =	sadd.s32 s25, s2;
	p3 =	sne.s32 s6, $0x0  }
0x1a: {  	s23 =	sshrl.u32 s14, $0x3;
	[smem:$0x7FA] =	sst s7;
	s7 =	simm.s32 @!p1 $0x0  }
.Ltmp0:
0x1b: {  	s7 =	simm.s32 @p1 $0x1;
	p1 =	por !p6, !p6;
	(pc) =	sbr.rel .LBB2_1-.Ltmp0, $4  }
0x1c: {  	s26 =	simm.s32 $0x18A00;
	s2 =	simm.s32 $0x80;
	s13 =	simm.s32 @!p1 $0x0  }
0x1d: {  	[smem:$0x7FB] =	sst s7;
	s7 =	simm.s32 @!p3 $0x0;
	s13 =	simm.s32 @p1 $0x1  }
0x1e: {  	s8 =	simm.s32 $0x8;
	s7 =	simm.s32 @p3 $0x1;
	[smem:$0x7FC] =	sst s13  }
0x1f: {  	v1 =	vimm.s32 $0x0;
	v0 =	vmov s12;
	s19 =	simm.s32 $0x0;
	s13 =	simm.s32 $0x18700;
	[smem:$0x7FD] =	sst s7  }
.LBB2_9:
0x20: {  	s7 =	sshrl.u32 s17, $0x3;
	s11 =	rddreg [dreg:$0xa]  }
0x21: {  	[hbm:s11], [sflag:s10] =	dma.local [spmem:s7], $0x3020  }
0x22: {  	_ =	swait.ge [sflag:s24], $0x3020  }
0x23: {  	[sflag:s24] =	ssyncset.done $0x0  }
0x24: {  	p1 =	por $0x1, $0x1;
	[sflag:s24] =	ssyncadd.s32 $0xFFFFCFE0  }
.LBB2_10:
0x25: {  	p1 =	por !p1, !p0  }
0x26: {  	s19 =	sadd.s32 $0x1, s19;
	p1 =	por !p1, !p1  }
0x27: {  	s11 =	rddreg [dreg:$0xd];
	p2 =	sne.s32 s19, s21;
	s7 =	sshrl.u32 @p1 s17, $0x3  }
0x28: {  	[hbm:s11], [sflag:s10] =	dma.local @p1 [spmem:s7], $0x3020  }
.Ltmp1:
0x29: {  	_ = 	snop;
	(pc) =	sbr.rel @!p2 .LBB2_11-.Ltmp1, $4  }
0x2a: {  	s7 =	simm.s32 @p1 $0x9  }
0x2b: {  	_ =	swait.ge @p1 [sflag:s7], $0x3020  }
0x2c: {  	[sflag:s7] =	ssyncset.done @p1 $0x0  }
0x2d: {  	[sflag:s7] =	ssyncadd.s32 @p1 $0xFFFFCFE0  }
.LBB2_1:
0x2e: {  	s7 =	rddreg [dreg:$0x3]  }
0x2f: {  	[spmem:s23], [sflag:s10] =	dma.local [hbm:s7], $0x30E0  }
0x30: {  	_ =	swait.ge [sflag:s24], $0x30E0  }
0x31: {  	[sflag:s24] =	ssyncset.done $0x0  }
0x32: {  	[sflag:s24] =	ssyncadd.s32 $0xFFFFCF20  }
0x33: {  	[bflag:$0x0] =	sbarrier.arrive $0xFFFF  }
0x34: {  	[tilespmem:s13], [sflag:$0x1] =	stream.linear.gather [hbm4b:s9+s3], $0x180, $0x38;
	[tilespmem:$0x1EE80] =	vst v63  }
0x35: {  	s14 =	rddreg [dreg:$0x5]  }
0x36: {  	[tilespmem:s26], [sflag:$0x1] =	stream.linear.gather [hbm4b:s14+s3], $0x80, $0x38;
	[tilespmem:$0x1EE80] =	vst v63  }
0x37: {  	s11 =	simm.s32 $0x18A80;
	s15 =	rddreg [dreg:$0x6]  }
0x38: {  	[tilespmem:s11], [sflag:$0x1] =	stream.linear.gather [hbm4b:s15+s3], $0x80, $0x38;
	[tilespmem:$0x1EE80] =	vst v63  }
0x39: {  	s25 =	simm.s32 $0x18B00;
	s20 =	rddreg [dreg:$0x7]  }
0x3a: {  	[tilespmem:s25], [sflag:$0x1] =	stream.linear.gather [hbm4b:s20+s3], $0x80, $0x38;
	[tilespmem:$0x1EE80] =	vst v63  }
0x3b: {  	_ =	swait.ge [sflag:s30], $0x180  }
0x3c: {  	[sflag:s30] =	ssyncset.done $0x0  }
0x3d: {  	[sflag:s30] =	ssyncadd.s32 $0xFFFFFE80  }
0x3e: {  	_ =	swait.ge [sflag:s30], $0x80  }
0x3f: {  	[sflag:s30] =	ssyncset.done $0x0  }
0x40: {  	[sflag:s30] =	ssyncadd.s32 $0xFFFFFF80  }
0x41: {  	_ =	swait.ge [sflag:s30], $0x80  }
0x42: {  	[sflag:s30] =	ssyncset.done $0x0  }
0x43: {  	[sflag:s30] =	ssyncadd.s32 $0xFFFFFF80  }
0x44: {  	_ =	swait.ge [sflag:s30], $0x80  }
0x45: {  	s12 =	simm.s32 @!p3 $0x18E80;
	[sflag:s30] =	ssyncset.done $0x0  }
0x46: {  	s7 =	simm.s32 @!p3 $0x80;
	s11 =	simm.s32 @!p3 $0x18700;
	[sflag:s30] =	ssyncadd.s32 $0xFFFFFF80  }
0x47: {  	[tilespmem:s12], [sflag:$0x3] =	stream.indirect.gather @!p3 [hbm4b:s4+s7], $0x20, s11, s7, $0xb8;
	[tilespmem:$0x1EE80] =	vst v63  }
0x48: {  	s11 =	simm.s32 @!p3 $0x18780;
	s12 =	simm.s32 @!p3 $0x19E80  }
0x49: {  	[tilespmem:s12], [sflag:$0x4] =	stream.indirect.gather @!p3 [hbm4b:s4+s7], $0x20, s11, s7, $0xb8;
	[tilespmem:$0x1EE80] =	vst v63  }
0x4a: {  	s11 =	simm.s32 @!p3 $0x18800;
	s12 =	simm.s32 @!p3 $0x1AE80  }
0x4b: {  	[tilespmem:s12], [sflag:$0x5] =	stream.indirect.gather @!p3 [hbm4b:s4+s7], $0x20, s11, s7, $0xb8;
	[tilespmem:$0x1EE80] =	vst v63  }
0x4c: {  	s7 =	simm.s32 @p0 $0x80;
	s11 =	simm.s32 @p0 $0x18700;
	s12 =	simm.s32 @p0 $0x18E80  }
0x4d: {  	[tilespmem:s12], [sflag:$0x3] =	stream.indirect.gather @p0 [hbm4b:s5+s7], $0x20, s11, s7, $0xb8;
	[tilespmem:$0x1EE80] =	vst v63  }
.Ltmp2:
0x4e: {  	s11 =	simm.s32 @p0 $0x18780;
	s12 =	simm.s32 @p0 $0x19E80;
	(pc) =	sbr.rel .LBB2_2-.Ltmp2, $4  }
0x4f: {  	[tilespmem:s12], [sflag:$0x4] =	stream.indirect.gather @p0 [hbm4b:s5+s7], $0x20, s11, s7, $0xb8;
	[tilespmem:$0x1EE80] =	vst v63  }
0x50: {  	s11 =	simm.s32 @p0 $0x18800;
	s12 =	simm.s32 @p0 $0x1AE80  }
0x51: {  	[tilespmem:s12], [sflag:$0x5] =	stream.indirect.gather @p0 [hbm4b:s5+s7], $0x20, s11, s7, $0xb8;
	[tilespmem:$0x1EE80] =	vst v63  }
0x52: {  	s7 =	simm.s32 $0x1;
	s11 =	simm.s32 $0x0  }
.LBB2_4:
0x53: {  	s13 =	sadd.s32 $0xFFFFFFFF, s7  }
0x54: {  	s14 =	smul.u32 $0xAB, s13;
	_ =	sdelay $0x1  }
0x55: {  	s14 =	sshrl.u32 s14, $0x9  }
0x56: {  	s14 =	sand.u32 $0x7F, s14  }
0x57: {  	s14 =	smul.u32 $0x3, s14;
	_ =	sdelay $0x1  }
0x58: {  	s14 =	ssub.s32 s13, s14  }
0x59: {  	s14 =	sand.u32 $0xFF, s14  }
0x5a: {  	s13 =	sand.u32 $0x1, s13;
	s14 =	smul.u32 $0x600, s14  }
0x5b: {  	_ =	swait.ge [sflag:s0], $0x1000;
	p1 =	seq.s32 s13, $0x1;
	s13 =	simm.s32 $0x3000  }
0x5c: {  	[sflag:s0] =	ssyncset.done $0x0;
	s13 =	simm.s32 @!p1 $0x0;
	s14 =	sshrl.u32 s14, $0x2  }
0x5d: {  	[sflag:s0] =	ssyncadd.s32 $0xFFFFF000;
	s15 =	sor.u32 $0x18E80, s13;
	s20 =	sadd.s32 $0x18A00, s14  }
0x5e: {  	[spmem:s1] =	stream.indirect.scatter.add.f32 [tilespmem:s15], [sflag:$0x6], $0x20, s20, s2, $0xb8;
	[tilespmem:$0x1EE80] =	vst v63  }
0x5f: {  	_ =	swait.ge [sflag:s16], $0x1000  }
0x60: {  	[sflag:s16] =	ssyncset.done $0x0  }
0x61: {  	s25 =	sadd.s32 $0x18A80, s14;
	s20 =	sadd.s32 $0x19E80, s13;
	[sflag:s16] =	ssyncadd.s32 $0xFFFFF000  }
0x62: {  	[spmem:s1] =	stream.indirect.scatter.add.f32 [tilespmem:s20], [sflag:$0x7], $0x20, s25, s2, $0xb8;
	[tilespmem:$0x1EE80] =	vst v63  }
0x63: {  	_ =	swait.ge [sflag:s18], $0x1000  }
0x64: {  	[sflag:s18] =	ssyncset.done $0x0  }
0x65: {  	s14 =	sadd.s32 $0x18B00, s14;
	s13 =	sadd.s32 $0x1AE80, s13;
	[sflag:s18] =	ssyncadd.s32 $0xFFFFF000  }
0x66: {  	[spmem:s1] =	stream.indirect.scatter.add.f32 [tilespmem:s13], [sflag:$0x8], $0x20, s14, s2, $0xb8;
	[tilespmem:$0x1EE80] =	vst v63  }
0x67: {  	s13 =	simm.s32 @p3 $0x1  }
0x68: {  	_ =	swait.ge @p3 [sflag:s13], $0x180  }
0x69: {  	[sflag:s13] =	ssyncset.done @p3 $0x0  }
0x6a: {  	[sflag:s13] =	ssyncadd.s32 @p3 $0xFFFFFE80  }
0x6b: {  	_ =	swait.ge @p3 [sflag:s13], $0x80  }
0x6c: {  	[sflag:s13] =	ssyncset.done @p3 $0x0  }
0x6d: {  	[sflag:s13] =	ssyncadd.s32 @p3 $0xFFFFFF80  }
0x6e: {  	_ =	swait.ge @p3 [sflag:s13], $0x80  }
0x6f: {  	[sflag:s13] =	ssyncset.done @p3 $0x0  }
0x70: {  	[sflag:s13] =	ssyncadd.s32 @p3 $0xFFFFFF80  }
0x71: {  	_ =	swait.ge @p3 [sflag:s13], $0x80  }
0x72: {  	[sflag:s13] =	ssyncset.done @p3 $0x0  }
0x73: {  	[sflag:s13] =	ssyncadd.s32 @p3 $0xFFFFFF80;
	s13 =	simm.s32 @p2 $0x2  }
0x74: {  	_ =	swait.ge @p2 [sflag:s13], $0x180  }
0x75: {  	[sflag:s13] =	ssyncset.done @p2 $0x0  }
0x76: {  	[sflag:s13] =	ssyncadd.s32 @p2 $0xFFFFFE80  }
0x77: {  	_ =	swait.ge @p2 [sflag:s13], $0x80  }
0x78: {  	[sflag:s13] =	ssyncset.done @p2 $0x0  }
0x79: {  	[sflag:s13] =	ssyncadd.s32 @p2 $0xFFFFFF80  }
0x7a: {  	p1 =	sne.s32 @p6 s6, $0x0;
	_ =	swait.ge @p2 [sflag:s13], $0x80  }
0x7b: {  	p1 =	por p1, !p6;
	[sflag:s13] =	ssyncset.done @p2 $0x0  }
0x7c: {  	s15 =	smul.u32 @!p1 $0x600, s12;
	[sflag:s13] =	ssyncadd.s32 @p2 $0xFFFFFF80  }
0x7d: {  	s14 =	smul.u32 @!p1 $0xC000, s12;
	_ =	swait.ge @p2 [sflag:s13], $0x80  }
0x7e: {  	[sflag:s13] =	ssyncset.done @p2 $0x0  }
0x7f: {  	[sflag:s13] =	ssyncadd.s32 @p2 $0xFFFFFF80;
	s13 =	sshrl.u32 @!p1 s14, $0x2;
	s14 =	sshrl.u32 @!p1 s15, $0x2  }
0x80: {  	s25 =	simm.s32 @!p1 $0x80;
	s15 =	sor.u32 @!p1 $0x18E80, s13;
	s20 =	sadd.s32 @!p1 $0x18700, s14  }
0x81: {  	[tilespmem:s15], [sflag:$0x3] =	stream.indirect.gather @!p1 [hbm4b:s4+s25], $0x20, s20, s25, $0xb8;
	[tilespmem:$0x1EE80] =	vst v63  }
0x82: {  	p2 =	por !p0, !p6;
	s15 =	sadd.s32 @!p1 $0x19E80, s13;
	s20 =	sadd.s32 @!p1 $0x18780, s14  }
0x83: {  	[tilespmem:s15], [sflag:$0x4] =	stream.indirect.gather @!p1 [hbm4b:s4+s25], $0x20, s20, s25, $0xb8;
	[tilespmem:$0x1EE80] =	vst v63  }
0x84: {  	s11 =	sadd.s32 $0x30, s11;
	s15 =	smul.u32 @!p2 $0xC000, s12  }
0x85: {  	s13 =	sadd.s32 @!p1 $0x1AE80, s13;
	s14 =	sor.u32 @!p1 $0x18800, s14;
	s12 =	smul.u32 @!p2 $0x600, s12  }
0x86: {  	[tilespmem:s13], [sflag:$0x5] =	stream.indirect.gather @!p1 [hbm4b:s4+s25], $0x20, s14, s25, $0xb8;
	[tilespmem:$0x1EE80] =	vst v63  }
0x87: {  	s20 =	simm.s32 @!p2 $0x80;
	s13 =	sshrl.u32 @!p2 s15, $0x2;
	s12 =	sshrl.u32 @!p2 s12, $0x2  }
0x88: {  	p1 =	sne.s32 s11, $0x1860;
	s14 =	sor.u32 @!p2 $0x18E80, s13;
	s15 =	sadd.s32 @!p2 $0x18700, s12  }
0x89: {  	[tilespmem:s14], [sflag:$0x3] =	stream.indirect.gather @!p2 [hbm4b:s5+s20], $0x20, s15, s20, $0xb8;
	[tilespmem:$0x1EE80] =	vst v63  }
.Ltmp3:
0x8a: {  	_ = 	snop;
	(pc) =	sbr.rel @!p1 .LBB2_5-.Ltmp3, $4  }
0x8b: {  	s14 =	sadd.s32 @!p2 $0x19E80, s13;
	s15 =	sadd.s32 @!p2 $0x18780, s12  }
0x8c: {  	[tilespmem:s14], [sflag:$0x4] =	stream.indirect.gather @!p2 [hbm4b:s5+s20], $0x20, s15, s20, $0xb8;
	[tilespmem:$0x1EE80] =	vst v63  }
0x8d: {  	s7 =	sadd.s32 $0x1, s7;
	s13 =	sadd.s32 @!p2 $0x1AE80, s13;
	s12 =	sor.u32 @!p2 $0x18800, s12  }
0x8e: {  	[tilespmem:s13], [sflag:$0x5] =	stream.indirect.gather @!p2 [hbm4b:s5+s20], $0x20, s12, s20, $0xb8;
	[tilespmem:$0x1EE80] =	vst v63  }
.LBB2_2:
0x8f: {  	s12 =	sand.u32 $0x1, s7;
	p1 =	seq.s32 s11, $0x0  }
0x90: {  	p6 =	sne.s32 @!p1 s11, $0x1830;
	p2 =	seq.s32 @!p1 s12, $0x0  }
0x91: {  	p2 =	por @!p1 !p6, !p2  }
0x92: {  	p3 =	por @!p1 !p2, !p2  }
0x93: {  	s13 =	simm.s32 @!p1 $0x6;
	p2 =	por !p3, p1  }
0x94: {  	_ =	swait.ge @!p1 [sflag:s13], $0x1000;
	s14 =	sand.u32 @!p2 $0xFF, s7  }
0x95: {  	[sflag:s13] =	ssyncset.done @!p1 $0x0;
	s14 =	smul.u32 @!p2 $0xAB, s14  }
0x96: {  	[sflag:s13] =	ssyncadd.s32 @!p1 $0xFFFFF000;
	s13 =	simm.s32 @!p1 $0x7  }
0x97: {  	_ =	swait.ge @!p1 [sflag:s13], $0x1000;
	s14 =	sshrl.u32 @!p2 s14, $0x9  }
0x98: {  	[sflag:s13] =	ssyncset.done @!p1 $0x0;
	s14 =	smul.u32 @!p2 $0x3, s14  }
0x99: {  	s15 =	sadd.s32 @!p2 s11, s22;
	[sflag:s13] =	ssyncadd.s32 @!p1 $0xFFFFF000;
	s13 =	simm.s32 @!p1 $0x8  }
0x9a: {  	s20 =	simm.s32 @!p2 $0x0;
	_ =	swait.ge @!p1 [sflag:s13], $0x1000;
	s14 =	ssub.s32 @!p2 s7, s14  }
0x9b: {  	s25 =	simm.s32 @!p2 $0x18700;
	[sflag:s13] =	ssyncset.done @!p1 $0x0;
	s14 =	sand.u32 @!p2 $0xFF, s14  }
0x9c: {  	[sflag:s13] =	ssyncadd.s32 @!p1 $0xFFFFF000;
	s13 =	sadd.s32 @!p2 $0x30, s15;
	s14 =	smul.u32 @!p2 $0x600, s14  }
0x9d: {  	[tilespmem:s25], [sflag:$0x1] =	stream.linear.gather @!p2 [hbm4b:s13+s20], $0x180, $0x38;
	[tilespmem:$0x1EE80] =	vst v63  }
0x9e: {  	s13 =	sshrl.u32 @!p2 s14, $0x2  }
0x9f: {  	s25 =	sadd.s32 @!p2 $0x186D0, s15;
	s14 =	sadd.s32 @!p2 $0x18A00, s13  }
0xa0: {  	[tilespmem:s14], [sflag:$0x1] =	stream.linear.gather @!p2 [hbm4b:s25+s20], $0x80, $0x38;
	[tilespmem:$0x1EE80] =	vst v63  }
0xa1: {  	s14 =	sadd.s32 @!p2 $0x18A80, s13;
	s25 =	sadd.s32 @!p2 $0x186E0, s15  }
0xa2: {  	[tilespmem:s14], [sflag:$0x1] =	stream.linear.gather @!p2 [hbm4b:s25+s20], $0x80, $0x38;
	[tilespmem:$0x1EE80] =	vst v63  }
0xa3: {  	s13 =	sadd.s32 @!p2 $0x18B00, s13;
	s14 =	sadd.s32 @!p2 $0x186F0, s15  }
0xa4: {  	[tilespmem:s13], [sflag:$0x1] =	stream.linear.gather @!p2 [hbm4b:s14+s20], $0x80, $0x38;
	[tilespmem:$0x1EE80] =	vst v63  }
0xa5: {  	s13 =	sand.u32 @!p1 $0x1, s7  }
0xa6: {  	p2 =	seq.s32 @!p1 s13, $0x0  }
0xa7: {  	p4 =	por p1, !p2  }
.Ltmp4:
0xa8: {  	_ = 	snop;
	(pc) =	sbr.rel @!p4 .LBB2_4-.Ltmp4, $2  }
0xa9: {  	_ =	sdelay $0x2  }
0xaa: {  	p2 =	por @!p1 $0x0, $0x0  }
0xab: {  	s13 =	sand.u32 $0xFF, s7  }
0xac: {  	s13 =	smul.u32 $0xAB, s13;
	_ =	sdelay $0x1  }
0xad: {  	s13 =	sshrl.u32 s13, $0x9  }
0xae: {  	s13 =	smul.u32 $0x3, s13;
	_ =	sdelay $0x1  }
0xaf: {  	s13 =	ssub.s32 s7, s13  }
0xb0: {  	s14 =	sadd.s32 s11, s22;
	s13 =	sand.u32 $0xFF, s13  }
0xb1: {  	s15 =	sadd.s32 $0x30, s14;
	s13 =	smul.u32 $0x600, s13  }
0xb2: {  	[tilespmem:s31], [sflag:$0x2] =	stream.linear.gather [hbm4b:s15+s3], $0x180, $0x38;
	[tilespmem:$0x1EE80] =	vst v63  }
0xb3: {  	p4 =	por $0x1, $0x1;
	p5 =	por $0x0, $0x0;
	s13 =	sshrl.u32 s13, $0x2  }
0xb4: {  	p2 =	por $0x1, $0x1;
	s20 =	sadd.s32 $0x186D0, s14;
	s25 =	sadd.s32 $0x18A00, s13  }
0xb5: {  	[tilespmem:s25], [sflag:$0x2] =	stream.linear.gather [hbm4b:s20+s3], $0x80, $0x38;
	[tilespmem:$0x1EE80] =	vst v63  }
.Ltmp5:
0xb6: {  	p4 =	por @!p1 p6, p6;
	p5 =	por @!p1 p3, p3;
	(pc) =	sbr.rel .LBB2_4-.Ltmp5, $4  }
0xb7: {  	p6 =	por p4, p4;
	s20 =	sadd.s32 $0x18A80, s13;
	s25 =	sadd.s32 $0x186E0, s14  }
0xb8: {  	[tilespmem:s20], [sflag:$0x2] =	stream.linear.gather [hbm4b:s25+s3], $0x80, $0x38;
	[tilespmem:$0x1EE80] =	vst v63  }
0xb9: {  	p3 =	por p5, p5;
	s13 =	sadd.s32 $0x18B00, s13;
	s14 =	sadd.s32 $0x186F0, s14  }
0xba: {  	[tilespmem:s13], [sflag:$0x2] =	stream.linear.gather [hbm4b:s14+s3], $0x80, $0x38;
	[tilespmem:$0x1EE80] =	vst v63  }
.LBB2_5:
0xbb: {  	_ =	swait.ge [sflag:s28], $0x1000  }
0xbc: {  	[sflag:s28] =	ssyncset.done $0x0  }
0xbd: {  	[sflag:s28] =	ssyncadd.s32 $0xFFFFF000  }
0xbe: {  	_ =	swait.ge [sflag:s29], $0x1000  }
0xbf: {  	[sflag:s29] =	ssyncset.done $0x0  }
0xc0: {  	[sflag:s29] =	ssyncadd.s32 $0xFFFFF000  }
0xc1: {  	_ =	swait.ge [sflag:s8], $0x1000  }
0xc2: {  	[sflag:s8] =	ssyncset.done $0x0  }
0xc3: {  	s13 =	simm.s32 $0x18700;
	s7 =	rddreg [dreg:$0x8];
	[sflag:s8] =	ssyncadd.s32 $0xFFFFF000  }
0xc4: {  	[tilespmem:s13], [sflag:$0x9] =	stream.linear.gather [hbm4b:s7+s3], $0x50, $0x38;
	[tilespmem:$0x1EE80] =	vst v63  }
0xc5: {  	_ =	swait.ge [sflag:s24], $0x50  }
0xc6: {  	[sflag:s24] =	ssyncset.done $0x0  }
0xc7: {  	s14 =	rddreg [dreg:$0x9];
	[sflag:s24] =	ssyncadd.s32 $0xFFFFFFB0  }
0xc8: {  	[tilespmem:s26], [sflag:$0x9] =	stream.linear.gather [hbm4b:s14+s3], $0x50, $0x38;
	[tilespmem:$0x1EE80] =	vst v63  }
0xc9: {  	_ =	swait.ge [sflag:s24], $0x50  }
0xca: {  	[sflag:s24] =	ssyncset.done $0x0  }
0xcb: {  	[sflag:s24] =	ssyncadd.s32 $0xFFFFFFB0  }
0xcc: {  	[tilespmem:$0x18750] =	vst v1  }
0xcd: {  	s15 =	sld [smem:$0x7FD];
	[tilespmem:$0x18A50] =	vst v0  }
0xce: {  	[tilespmem:$0x18760] =	vst v1  }
0xcf: {  	[tilespmem:$0x18A60] =	vst v0  }
0xd0: {  	[tilespmem:$0x18770] =	vst v1;
	p3 =	seq.s32 s15, $0x1  }
0xd1: {  	[tilespmem:$0x18A70] =	vst v0;
	s7 =	simm.s32 @!p3 $0x80;
	s11 =	simm.s32 @!p3 $0x18700;
	s12 =	simm.s32 @!p3 $0x18E80  }
0xd2: {  	[tilespmem:s12], [sflag:$0x3] =	stream.indirect.gather @!p3 [hbm4b:s4+s7], $0x20, s11, s7, $0xb8;
	[tilespmem:$0x1EE80] =	vst v63  }
0xd3: {  	s7 =	simm.s32 @!p3 $0x3  }
0xd4: {  	_ =	swait.ge @!p3 [sflag:s7], $0x1000  }
0xd5: {  	s11 =	simm.s32 @p0 $0x18700;
	[sflag:s7] =	ssyncset.done @!p3 $0x0  }
0xd6: {  	s12 =	simm.s32 @p0 $0x18E80;
	[sflag:s7] =	ssyncadd.s32 @!p3 $0xFFFFF000;
	s7 =	simm.s32 @p0 $0x80  }
0xd7: {  	[tilespmem:s12], [sflag:$0x3] =	stream.indirect.gather @p0 [hbm4b:s5+s7], $0x20, s11, s7, $0xb8;
	[tilespmem:$0x1EE80] =	vst v63  }
0xd8: {  	s7 =	simm.s32 @p0 $0x3  }
0xd9: {  	_ =	swait.ge @p0 [sflag:s7], $0x1000  }
0xda: {  	[sflag:s7] =	ssyncset.done @p0 $0x0  }
0xdb: {  	s20 =	simm.s32 $0x18E80;
	[sflag:s7] =	ssyncadd.s32 @p0 $0xFFFFF000  }
0xdc: {  	[spmem:s1] =	stream.indirect.scatter.add.f32 [tilespmem:s20], [sflag:$0x9], $0x20, s26, s2, $0xb8;
	[tilespmem:$0x1EE80] =	vst v63  }
0xdd: {  	_ =	swait.ge [sflag:s24], $0x1000  }
0xde: {  	[sflag:s24] =	ssyncset.done $0x0  }
0xdf: {  	[sflag:s24] =	ssyncadd.s32 $0xFFFFF000  }
0xe0: {  	[bflag:$0x0] =	sbarrier.arrive $0xFFFF  }
0xe1: {  	s25 =	sld [smem:$0x7FA];
	_ =	sdelay $0x2  }
0xe2: {  	p1 =	seq.s32 s25, $0x1  }
.Ltmp6:
0xe3: {  	_ = 	snop;
	(pc) =	sbr.rel @!p1 .LBB2_8-.Ltmp6, $1  }
0xe4: {  	_ =	sdelay $0x3  }
.Ltmp7:
0xe5: {  	s7 =	rddreg [dreg:$0xb];
	(pc) =	sbr.rel .LBB2_7-.Ltmp7, $4  }
0xe6: {  	[hbm:s7], [sflag:s10] =	dma.local [spmem:s23], $0x30E0  }
0xe7: {  	_ =	swait.ge [sflag:s24], $0x30E0  }
0xe8: {  	[sflag:s24] =	ssyncset.done $0x0  }
0xe9: {  	p1 =	por $0x0, $0x0;
	[sflag:s24] =	ssyncadd.s32 $0xFFFFCF20  }
.LBB2_8:
0xea: {  	s25 =	sld [smem:$0x7FB];
	_ =	sdelay $0x2  }
0xeb: {  	p2 =	seq.s32 s25, $0x1  }
.Ltmp8:
0xec: {  	_ = 	snop;
	(pc) =	sbr.rel @p2 .LBB2_9-.Ltmp8, $2  }
0xed: {  	s7 =	sld [smem:$0x7F9];
	_ =	sdelay $0x2  }
0xee: {  	p1 =	seq.s32 s7, $0x1  }
.LBB2_7:
0xef: {  	s11 =	sld [smem:$0x7FC];
	_ =	sdelay $0x2  }
0xf0: {  	s7 =	rddreg [dreg:$0x4];
	p2 =	seq.s32 s11, $0x1  }
0xf1: {  	s11 =	rddreg [dreg:$0xc];
	s7 =	sshrl.u32 @p2 s7, $0x3  }
0xf2: {  	[hbm:s11], [sflag:s10] =	dma.local @p2 [spmem:s7], $0x30E0  }
.Ltmp9:
0xf3: {  	_ = 	snop;
	(pc) =	sbr.rel .LBB2_10-.Ltmp9, $4  }
0xf4: {  	s7 =	simm.s32 @p2 $0x9  }
0xf5: {  	_ =	swait.ge @p2 [sflag:s7], $0x30E0  }
0xf6: {  	[sflag:s7] =	ssyncset.done @p2 $0x0  }
0xf7: {  	[sflag:s7] =	ssyncadd.s32 @p2 $0xFFFFCF20  }
.LBB2_11:
0xf8: {  	_ =	sfence.sel $0x180000  }
0xf9: {  	[bflag:$0x0] =	sbarrier.arrive $0xFFFF  }
0xfa: {  	_ =	strace $0x9000004D  }
0xfb: {  	s0 =	stileid.u32;
	[bflag:$0x2] =	sbarrier.arrive $0xFFFF  }
0xfc: {  	p0 =	sne.s32 s0, $0x0;
	s0 =	rddreg [dreg:$0x2]  }
0xfd: {  	s0 =	sadd.s32 @!p0 $0x100000, s0  }
0xfe: {  	[sflag:s0] =	ssyncadd.tile.s32 @!p0 $0x1;
	_ =	shalt  }
.Lfunc_end2:
_tile_overlayer_lowered:
.L_overlay_start_2:
0xff: {  	(tag) =	ssettag $0x2  }
0x100: {  	s0 =	rddreg [dreg:$0x0];
	s2 =	stileid.u32  }
0x101: {  	s1 =	rddreg [dreg:$0x1];
	p0 =	sne.s32 s2, $0x0  }
0x102: {  	s3 =	rddreg [dreg:$0x2];
	[bflag:$0x3] =	sbarrier.arrive $0xFFFF;
	s2 =	simm.s32 @!p0 $0x1C09  }
0x103: {  	[timem:s3], [sflag:s2] =	dma.local @!p0 [hbm:s0], s1  }
0x104: {  	s0 =	simm.s32 @!p0 $0x9  }
0x105: {  	_ =	swait.ge @!p0 [sflag:s0], s1  }
0x106: {  	s1 =	ssub.s32 @!p0 $0x0, s1;
	[sflag:s0] =	ssyncset.done @!p0 $0x0  }
0x107: {  	[sflag:s0] =	ssyncadd.s32 @!p0 s1  }
0x108: {  	[bflag:$0x3] =	sbarrier.arrive $0xFFFF  }
0x109: {  	_ =	shalt  }

// kernel: kernel.8.cloned.1.call-start
scs
__scs_entry_jumppad:
0x0: {  	(pc) =	sbr.rel $0x88, $3  }
0x1: {  	(tag) =	ssettag $0x0;
	lr =	simm.s32 $0x1  }
0x2: {  	[smem:$0x3F95] =	sst lr;
	_ =	strace $0xD0000000  }
0x3: {  	_ = 	snop  }
0x4: {  	_ = 	snop  }
0x5: {  	_ = 	snop  }
0x6: {  	_ = 	snop  }
0x7: {  	_ = 	snop  }
__scs_overlays_trampoline_lowered:
0x8: {  	[smem:$0x3FA4] =	sst s0  }
0x9: {  	[smem:$0x3FA5] =	sst s1  }
0xa: {  	[smem:$0x3FA6] =	sst s2  }
0xb: {  	[smem:$0x3FA7] =	sst s3  }
0xc: {  	[smem:$0x3FA8] =	sst s4  }
0xd: {  	[smem:$0x3FA9] =	sst s5  }
0xe: {  	[smem:$0x3FAA] =	sst s6  }
0xf: {  	[smem:$0x3FAB] =	sst s7  }
0x10: {  	[smem:$0x3FAC] =	sst s8  }
0x11: {  	[smem:$0x3FAD] =	sst s9;
	s0 =	simm.s32 @!p0 $0x0  }
0x12: {  	s1 =	sld [smem:$0x3F93];
	s0 =	simm.s32 @p0 $0x1  }
0x13: {  	[smem:$0x3FAE] =	sst s0;
	s0 =	simm.s32 @!p1 $0x0  }
0x14: {  	s2 =	sld [smem:$0x3F92];
	s0 =	simm.s32 @p1 $0x1  }
0x15: {  	[smem:$0x3FAF] =	sst s0;
	s0 =	simm.s32 @!p2 $0x0  }
0x16: {  	s3 =	sld [smem:$0x3FDB];
	s0 =	simm.s32 @p2 $0x1  }
0x17: {  	s4 =	simm.s32 $0x1BF5;
	[smem:$0x3FB1] =	sst s0  }
0x18: {  	s0 =	sld [smem:$0x3F94];
	_ =	swait.ge [sflag:s4], $0x0  }
0x19: {  	s7 =	sld [smem:$0x3F95]  }
0x1a: {  	s8 =	sadd.s32 $0xFFFFE003, lr  }
0x1b: {  	s9 =	sadd.s32 $0xFFFFFEF7, lr;
	s5 =	simm.s32 $0xFFFFFFFF;
	p2 =	slt.u32 s8, $0xFFFFF086  }
0x1c: {  	p1 =	slt.u32 s9, $0xF7A;
	s5 =	simm.s32 @!p2 $0x0  }
0x1d: {  	s5 =	simm.s32 @p1 $0x1;
	p0 =	seq.s32 s7, s2  }
0x1e: {  	s7 =	smul.u32 @!p0 $0xF7A, s2;
	p2 =	seq.s32 @!p0 s5, $0x0  }
0x1f: {  	s9 =	smul.u32 $0xF7A, s1;
	s8 =	simm.s32 @!p0 $0x1BF5;
	p2 =	por !p2, p0  }
0x20: {  	[sflag:s8] =	ssyncset.s32 @!p0 $0xFFFFF086;
	s6 =	sadd.s32 @!p0 s3, s7;
	s7 =	simm.s32 @!p0 $0x108  }
0x21: {  	s3 =	sadd.s32 s3, s9;
	s6 =	sadd.s32 @!p0 $0x88, s6;
	s7 =	simm.s32 @p2 $0x1082  }
0x22: {  	[simem:s7], [sflag:s8] =	dma.local @!p0 [hbm:s6], $0xF7A  }
0x23: {  	s9 =	sor.u32 $0xD0000000, s2;
	s6 =	simm.s32 $0x108;
	_ =	swait.ge @!p0 [sflag:s8], $0x0  }
0x24: {  	s3 =	sadd.s32 $0x88, s3;
	s6 =	simm.s32 @!p1 $0x1082;
	[sflag:s4] =	ssyncset.s32 $0xFFFFF086  }
0x25: {  	[simem:s6], [sflag:s4] =	dma.local [hbm:s3], $0xF7A  }
0x26: {  	[smem:$0x3F95] =	sst s1;
	(tag) =	ssettag s2;
	_ =	strace s9  }
0x27: {  	s1 =	sld [smem:$0x3FA5]  }
0x28: {  	s2 =	sld [smem:$0x3FA6]  }
0x29: {  	s4 =	sld [smem:$0x3FA8]  }
0x2a: {  	p0 =	seq.s32 s5, $0x0;
	s5 =	sld [smem:$0x3FA9]  }
0x2b: {  	s6 =	sld [smem:$0x3FAA]  }
0x2c: {  	s7 =	sld [smem:$0x3FAB]  }
0x2d: {  	s3 =	simm.s32 $0x108;
	s8 =	sld [smem:$0x3FAC]  }
0x2e: {  	s3 =	simm.s32 @!p0 $0x1082;
	s9 =	sld [smem:$0x3FAD]  }
0x2f: {  	lr =	sadd.s32 s0, s3;
	s0 =	sld [smem:$0x3FA4]  }
0x30: {  	s3 =	sld [smem:$0x3FA7]  }
0x31: {  	[smem:$0x3FB0] =	sst s10  }
0x32: {  	s10 =	sld [smem:$0x3FAE];
	_ =	sdelay $0x3  }
0x33: {  	p0 =	seq.s32 s10, $0x1;
	s10 =	sld [smem:$0x3FB0];
	_ =	sdelay $0x3  }
0x34: {  	[smem:$0x3FB0] =	sst s10  }
0x35: {  	s10 =	sld [smem:$0x3FAF];
	_ =	sdelay $0x3  }
0x36: {  	p1 =	seq.s32 s10, $0x1;
	s10 =	sld [smem:$0x3FB0];
	_ =	sdelay $0x3  }
0x37: {  	[smem:$0x3FB0] =	sst s10  }
0x38: {  	s10 =	sld [smem:$0x3FB1]  }
0x39: {  	_ = 	snop;
	(pc) =	sbr.ind lr, $3  }
0x3a: {  	_ = 	snop  }
0x3b: {  	_ = 	snop  }
0x3c: {  	p2 =	seq.s32 s10, $0x1;
	s10 =	sld [smem:$0x3FB0]  }
0x3d: {  	_ =	shalt  }
0x3e: {  	_ =	shalt  }
0x3f: {  	_ =	shalt  }
0x40: {  	_ =	shalt  }
0x41: {  	_ =	shalt  }
0x42: {  	_ =	shalt  }
0x43: {  	_ =	shalt  }
0x44: {  	_ =	shalt  }
0x45: {  	_ =	shalt  }
0x46: {  	_ =	shalt  }
0x47: {  	_ =	shalt  }
0x48: {  	_ =	shalt  }
0x49: {  	_ =	shalt  }
0x4a: {  	_ =	shalt  }
0x4b: {  	_ =	shalt  }
0x4c: {  	_ =	shalt  }
0x4d: {  	_ =	shalt  }
0x4e: {  	_ =	shalt  }
0x4f: {  	_ =	shalt  }
0x50: {  	_ =	shalt  }
0x51: {  	_ =	shalt  }
0x52: {  	_ =	shalt  }
0x53: {  	_ =	shalt  }
0x54: {  	_ =	shalt  }
0x55: {  	_ =	shalt  }
0x56: {  	_ =	shalt  }
0x57: {  	_ =	shalt  }
0x58: {  	_ =	shalt  }
0x59: {  	_ =	shalt  }
0x5a: {  	_ =	shalt  }
0x5b: {  	_ =	shalt  }
0x5c: {  	_ =	shalt  }
0x5d: {  	_ =	shalt  }
0x5e: {  	_ =	shalt  }
0x5f: {  	_ =	shalt  }
0x60: {  	_ =	shalt  }
0x61: {  	_ =	shalt  }
0x62: {  	_ =	shalt  }
0x63: {  	_ =	shalt  }
0x64: {  	_ =	shalt  }
0x65: {  	_ =	shalt  }
0x66: {  	_ =	shalt  }
0x67: {  	_ =	shalt  }
0x68: {  	_ =	shalt  }
0x69: {  	_ =	shalt  }
0x6a: {  	_ =	shalt  }
0x6b: {  	_ =	shalt  }
0x6c: {  	_ =	shalt  }
0x6d: {  	_ =	shalt  }
0x6e: {  	_ =	shalt  }
0x6f: {  	_ =	shalt  }
0x70: {  	_ =	shalt  }
0x71: {  	_ =	shalt  }
0x72: {  	_ =	shalt  }
0x73: {  	_ =	shalt  }
0x74: {  	_ =	shalt  }
0x75: {  	_ =	shalt  }
0x76: {  	_ =	shalt  }
0x77: {  	_ =	shalt  }
0x78: {  	_ =	shalt  }
0x79: {  	_ =	shalt  }
0x7a: {  	_ =	shalt  }
0x7b: {  	_ =	shalt  }
0x7c: {  	_ =	shalt  }
0x7d: {  	_ =	shalt  }
0x7e: {  	_ =	shalt  }
0x7f: {  	_ =	shalt  }
0x80: {  	_ =	shalt  }
0x81: {  	_ =	shalt  }
0x82: {  	_ =	shalt  }
0x83: {  	_ =	shalt  }
0x84: {  	_ =	shalt  }
0x85: {  	_ =	shalt  }
0x86: {  	_ =	shalt  }
0x87: {  	_ =	shalt  }
.Lfunc_end0:
.L_simem_size_0:
called_computation_lowered:
.L_overlay_start_0:
0x88: {  	s2 =	sld [smem:$0x3FD9]  }
0x89: {  	s3 =	sld [smem:$0x3FFE];
	_ =	sdelay $0x1  }
0x8a: {  	s1 =	srdreg.scid  }
0x8b: {  	s0 =	sand.u32 $0x1, s1  }
0x8c: {  	s17 =	sshll.u32 s0, $0xA;
	s2 =	sadd.s32 s3, s2  }
0x8d: {  	s2 =	sadd.s32 s2, s17  }
0x8e: {  	[smem:$0x3FBC] =	sst s2  }
0x8f: {  	_ = 	snop  }
0x90: {  	(tm) =	ssettm $0x1  }
0x91: {  	s18 =	sld [smem:$0x3FFB];
	_ =	sdelay $0x3  }
0x92: {  	_ =	strace s18  }
0x93: {  	s2 =	sld [smem:$0x3FFC];
	_ =	sdelay $0x3  }
0x94: {  	_ =	strace s2  }
0x95: {  	s2 =	sld [smem:$0x3FFD];
	_ =	sdelay $0x3  }
0x96: {  	_ =	strace s2  }
0x97: {  	_ =	strace $0x8FFFFFFF  }
0x98: {  	s19 =	sld [smem:$0x3FDB];
	_ =	sdelay $0x1  }
0x99: {  	s20 =	simm.s32 $_scs_section_size  }
0x9a: {  	s4 =	simm.s32 $_size__tile_overlayer_lowered;
	s5 =	simm.s32 $_tile_overlayer_lowered  }
0x9b: {  	s6 =	simm.s32 $0x1BFF;
	s21 =	sshll.u32 s5, $0x1;
	s3 =	sadd.s32 s20, s19  }
0x9c: {  	s22 =	simm.s32 $0x0;
	s4 =	sshll.u32 s4, $0x1;
	s5 =	sadd.s32 s21, s3  }
0x9d: {  	[timem:s22], [sflag:s6] =	dma.local [hbm:s5], s4  }
0x9e: {  	_ =	swait.ge [sflag:s6], s4  }
0x9f: {  	s4 =	ssub.s32 $0x0, s4;
	[sflag:s6] =	ssyncset.done $0x0  }
0xa0: {  	[sflag:s6] =	ssyncadd.s32 s4;
	_ =	sdelay $0x1  }
0xa1: {  	s23 =	simm.s32 $0x1B8B  }
0xa2: {  	_ =	swait.ge [sflag:s23], $0x1  }
0xa3: {  	[sflag:s23] =	ssyncset.done $0x0  }
0xa4: {  	[sflag:s23] =	ssyncadd.s32 $0xFFFFFFFF  }
0xa5: {  	s4 =	sld [smem:$0x0]  }
0xa6: {  	s5 =	sand.u32 $0xFFFFFFFE, s1  }
0xa7: {  	p0 =	sne.s32 s1, s5  }
0xa8: {  	s5 =	sshll.u32 @p0 s5, $0xE  }
0xa9: {  	s5 =	sadd.s32 @p0 $0x11B8D, s5;
	s6 =	sshll.u32 @p0 s4, $0x11  }
0xaa: {  	s5 =	sor.u32 @p0 s6, s5  }
0xab: {  	[sflag:s5] =	ssyncadd.remote.s32 @p0 $0x1;
	_ =	sdelay $0x1  }
0xac: {  	s5 =	simm.s32 @p0 $0x1B8D  }
0xad: {  	_ =	swait.eq @p0 [sflag:s5], $0x1  }
0xae: {  	[sflag:s5] =	ssyncadd.s32 @p0 $0xFFFFFFFF  }
0xaf: {  	s6 =	sshll.u32 @!p0 s1, $0xE  }
0xb0: {  	s6 =	sor.u32 @!p0 $0x4000, s6;
	s5 =	simm.s32 @!p0 $0x1B8D  }
0xb1: {  	s4 =	sshll.u32 @!p0 s4, $0x11;
	s6 =	sadd.s32 @!p0 $0x11B8D, s6;
	_ =	swait.eq @!p0 [sflag:s5], $0x1  }
0xb2: {  	s4 =	sor.u32 @!p0 s4, s6;
	[sflag:s5] =	ssyncadd.s32 @!p0 $0xFFFFFFFF  }
0xb3: {  	s25 =	simm.s32 $0x1B8E;
	s24 =	sld [smem:$0x3FFE];
	[sflag:s4] =	ssyncadd.remote.s32 @!p0 $0x1  }
0xb4: {  	s26 =	simm.s32 $execute0_lowered;
	[smem:$0x3FD2] =	sst s25  }
0xb5: {  	s5 =	sshll.u32 s26, $0x1;
	_ =	strace $0x80000049;
	[dreg:$0x1] =	wrdreg $0xFFFFFFFF  }
0xb6: {  	s28 =	simm.s32 $_size_execute0_lowered;
	s3 =	sadd.s32 s3, s5;
	[dreg:$0x0] =	wrdreg $0x0  }
0xb7: {  	s5 =	sshll.u32 s28, $0x1;
	[dreg:$0x2] =	wrdreg s3  }
0xb8: {  	[dreg:$0x3] =	wrdreg s5  }
0xb9: {  	[dreg:$0x4] =	wrdreg $0xC0  }
0xba: {  	_ =	task [dreg:s22], $0x5FFFF  }
0xbb: {  	[dreg:$0x1] =	wrdreg $0xFFFFFFFF  }
0xbc: {  	[dreg:$0x0] =	wrdreg $0x60  }
0xbd: {  	[dreg:$0x2] =	wrdreg s24  }
0xbe: {  	[dreg:$0x3] =	wrdreg $0x0  }
0xbf: {  	[dreg:$0x4] =	wrdreg $0x9  }
0xc0: {  	_ =	task.clear_ibuf [dreg:s22], $0x5FFFF;
	_ =	strace $0x90000049  }
0xc1: {  	s29 =	simm.s32 $0x9;
	_ =	strace $0x8000004B  }
0xc2: {  	_ =	swait.ge [sflag:s29], $0x1  }
0xc3: {  	[sflag:s29] =	ssyncadd.s32 $0xFFFFFFFF  }
0xc4: {  	_ =	strace $0x9000004B  }
0xc5: {  	_ =	sfence  }
0xc6: {  	s30 =	sld [smem:$0x0];
	_ =	sdelay $0x2  }
0xc7: {  	s31 =	sshll.u32 s1, $0xD;
	s1 =	sshrl.u32 s1, $0x2  }
0xc8: {  	s4 =	sand.u32 $0x4000, s31;
	s1 =	sadd.s32 s1, s30  }
0xc9: {  	s0 =	sor.u32 s4, s0;
	s1 =	sshll.u32 s1, $0x11  }
0xca: {  	s0 =	sor.u32 s1, s0  }
0xcb: {  	s0 =	sadd.s32 $0x8F2B, s0  }
0xcc: {  	[sflag:s0] =	ssyncadd.remote.s32 $0x1  }
0xcd: {  	_ =	sfence.sel $0xFFFF  }
0xce: {  	[dreg:$0x0] =	wrdreg $0xFFFFFFFF;
	(pc) =	sbr.abs _section_cstart, $3  }
0xcf: {  	[dreg:$0x1] =	wrdreg $0xFFFFFFFF  }
0xd0: {  	_ =	task.clear_ibuf [dreg:s22], $0x2FFFF;
	_ =	strace $0x9FFFFFFF  }
0xd1: {  	(tm) =	ssettm $0x7FFFFFFF  }
tec
execute0_lowered:
.L_overlay_start_1:
0x0: {  	(tag) =	ssettag $0x1  }
0x1: {  	s6 =	rddreg [dreg:$0x0]  }
0x2: {  	s1 =	rddreg [dreg:$0x1];
	s2 =	simm.s32 $0x0;
	s3 =	srdreg.scid  }
0x3: {  	s0 =	stileid.u32;
	s16 =	simm.s32 $0x3580;
	s17 =	simm.s32 $0x3100  }
0x4: {  	s18 =	simm.s32 $0x3;
	s19 =	simm.s32 $0x4;
	[smem:$0x7FF] =	sst s2  }
0x5: {  	s12 =	sadd.s32 $0x64E00, s6;
	s4 =	sadd.s32 $0x98E00, s6;
	s10 =	smul.u32 $0xC400, s0  }
0x6: {  	s7 =	sand.u32 $0x1, s3;
	s5 =	sadd.s32 $0x99600, s6;
	s20 =	smul.u32 $0xC350, s0  }
0x7: {  	s11 =	sadd.s32 $0x99800, s6;
	s26 =	sadd.s32 $0x61A8, s0;
	s14 =	smul.u32 $0x620, s0  }
0x8: {  	s22 =	sshll.u32 s0, $0x6;
	s30 =	smul.u32 $0x186A, s0;
	s28 =	sadd.s32 $0x2DF00, s1  }
0x9: {  	p0 =	seq.s32 s0, $0xF;
	_ =	strace $0x8000004A;
	s25 =	smul.u32 $0x61A8, s7  }
0xa: {  	s8 =	ssub.s32 $0x2, s7;
	s15 =	smul.u32 $0x30D40, s7;
	s7 =	sor.u32 $0x1C06, s22  }
0xb: {  	s22 =	simm.s32 $0x80;
	v1 =	vmov s26;
	s26 =	simm.s32 $0x3500;
	s9 =	sshrl.u32 s8, $0x1  }
0xc: {  	s21 =	sshrl.u32 s10, $0x2;
	s23 =	sshrl.u32 s20, $0x3;
	s14 =	sadd.s32 s11, s14  }
0xd: {  	s31 =	sadd.s32 s30, s12;
	s20 =	simm.s32 $0x5;
	s13 =	ssub.s32 s8, s9  }
0xe: {  	s6 =	sadd.s32 s21, s1;
	s24 =	sadd.s32 s12, s23;
	s29 =	sshrl.u32 s15, $0x3  }
.Ltmp0:
0xf: {  	s10 =	sadd.s32 s25, s14;
	s15 =	simm.s32 $0x6;
	(pc) =	sbr.rel .LBB2_1-.Ltmp0, $4  }
0x10: {  	s21 =	simm.s32 $0x1;
	s23 =	simm.s32 $0x3400;
	v0 =	vmov s25;
	s25 =	sshrl.u32 @p0 s28, $0x3  }
0x11: {  	s28 =	simm.s32 $0x0;
	s8 =	sadd.s32 $0x186A0, s24;
	s9 =	sadd.s32 $0x19F00, s24  }
0x12: {  	s11 =	sadd.s32 s11, s29;
	s12 =	smax.u32 s13, $0x1;
	s13 =	sadd.s32 $0x186D0, s31  }
0x13: {  	s14 =	sshrl.u32 s6, $0x3;
	s24 =	simm.s32 $0x3480;
	s11 =	sadd.s32 $0x5BE0, s11  }
.LBB2_8:
0x14: {  	_ =	swait.ge [sflag:s18], $0x400  }
0x15: {  	[sflag:s18] =	ssyncset.done $0x0  }
0x16: {  	[sflag:s18] =	ssyncadd.s32 $0xFFFFFC00  }
0x17: {  	_ =	swait.ge [sflag:s19], $0x400  }
0x18: {  	[sflag:s19] =	ssyncset.done $0x0  }
0x19: {  	[sflag:s19] =	ssyncadd.s32 $0xFFFFFC00  }
0x1a: {  	_ =	swait.ge [sflag:s20], $0x400  }
0x1b: {  	[sflag:s20] =	ssyncset.done $0x0  }
0x1c: {  	[sflag:s20] =	ssyncadd.s32 $0xFFFFFC00  }
0x1d: {  	[tilespmem:s17], [sflag:$0x6] =	stream.linear.gather [hbm4b:s9+s2], $0x50, $0x38;
	[tilespmem:$0x3980] =	vst v63  }
0x1e: {  	_ =	swait.ge [sflag:s15], $0x50  }
0x1f: {  	[sflag:s15] =	ssyncset.done $0x0  }
0x20: {  	[sflag:s15] =	ssyncadd.s32 $0xFFFFFFB0  }
0x21: {  	v2 =	vld [tilespmem:$0x3100]  }
0x22: {  	v3 =	vld [tilespmem:$0x3110]  }
0x23: {  	v4 =	vld [tilespmem:$0x3120]  }
0x24: {  	v5 =	vld [tilespmem:$0x3130]  }
0x25: {  	v6 =	vld [tilespmem:$0x3140]  }
0x26: {  	[tilespmem:$0x3450] =	vst v1;
	v2 =	vsub.s32 v2, v0  }
0x27: {  	[tilespmem:$0x3460] =	vst v1;
	v3 =	vsub.s32 v3, v0;
	vm0 =	vlt.u32 v2, $0x61A8  }
0x28: {  	[tilespmem:$0x3470] =	vst v1;
	v4 =	vsub.s32 v4, v0;
	vm12 =	vlt.u32 v3, $0x61A8;
	v2 =	vsel vm0, v2, v1  }
0x29: {  	vm13 =	vlt.u32 v4, $0x61A8;
	[tilespmem:$0x3400] =	vst v2;
	v2 =	vsel vm12, v3, v1;
	v3 =	vsub.s32 v5, v0  }
0x2a: {  	v63 =	vsub.s32 v6, v0;
	[tilespmem:$0x3410] =	vst v2;
	v2 =	vsel vm13, v4, v1;
	vm14 =	vlt.u32 v3, $0x61A8  }
0x2b: {  	vm15 =	vlt.u32 v63, $0x61A8;
	[tilespmem:$0x3420] =	vst v2;
	v2 =	vsel vm14, v3, v1  }
0x2c: {  	[tilespmem:$0x3430] =	vst v2;
	v2 =	vsel vm15, v63, v1  }
0x2d: {  	[tilespmem:$0x3440] =	vst v2  }
0x2e: {  	[spmem:s1] =	stream.indirect.scatter.add.f32 [tilespmem:s16], [sflag:$0x6], $0x8, s23, s22, $0xb8;
	[tilespmem:$0x3980] =	vst v63  }
0x2f: {  	_ =	swait.ge [sflag:s15], $0x400  }
0x30: {  	[sflag:s15] =	ssyncset.done $0x0  }
0x31: {  	[sflag:s15] =	ssyncadd.s32 $0xFFFFFC00  }
0x32: {  	s0 =	simm.s32 @p0 $0x6;
	[bflag:$0x0] =	sbarrier.arrive $0xFFFF  }
0x33: {  	[hbm:s11], [sflag:s7] =	dma.local @p0 [spmem:s25], $0x5C8  }
0x34: {  	_ =	swait.ge @p0 [sflag:s0], $0x5C8  }
0x35: {  	s28 =	sadd.s32 $0x1, s28;
	[sflag:s0] =	ssyncset.done @p0 $0x0  }
0x36: {  	p1 =	sne.s32 s28, s12;
	[sflag:s0] =	ssyncadd.s32 @p0 $0xFFFFFA38;
	s0 =	sshrl.u32 @!p0 s6, $0x3  }
0x37: {  	[hbm:s10], [sflag:s7] =	dma.local @!p0 [spmem:s0], $0x620  }
.Ltmp1:
0x38: {  	_ = 	snop;
	(pc) =	sbr.rel @!p1 .LBB2_9-.Ltmp1, $4  }
0x39: {  	s0 =	simm.s32 @!p0 $0x6  }
0x3a: {  	_ =	swait.ge @!p0 [sflag:s0], $0x620  }
0x3b: {  	[sflag:s0] =	ssyncset.done @!p0 $0x0  }
0x3c: {  	[sflag:s0] =	ssyncadd.s32 @!p0 $0xFFFFF9E0  }
.LBB2_1:
0x3d: {  	[spmem:s14], [sflag:s7] =	dma.local [hbm:s4], $0x620  }
0x3e: {  	_ =	swait.ge [sflag:s15], $0x620  }
0x3f: {  	[sflag:s15] =	ssyncset.done $0x0  }
0x40: {  	[sflag:s15] =	ssyncadd.s32 $0xFFFFF9E0  }
0x41: {  	[tilespmem:s16], [sflag:$0x6] =	stream.linear.gather [hbm4b:s5+s2], $0x400, $0x38;
	[tilespmem:$0x3980] =	vst v63  }
.Ltmp2:
0x42: {  	_ =	swait.ge [sflag:s15], $0x400;
	(pc) =	sbr.rel .LBB2_2-.Ltmp2, $4  }
0x43: {  	[sflag:s15] =	ssyncset.done $0x0  }
0x44: {  	[sflag:s15] =	ssyncadd.s32 $0xFFFFFC00  }
0x45: {  	s29 =	smov.u32 s13;
	s30 =	simm.s32 $0x0;
	[bflag:$0x0] =	sbarrier.arrive $0xFFFF  }
0x46: {  	[tilespmem:s17], [sflag:$0x1] =	stream.linear.gather [hbm4b:s8+s2], $0x180, $0x38;
	[tilespmem:$0x3980] =	vst v63  }
.LBB2_6:
0x47: {  	_ =	swait.ge [sflag:s21], $0x180  }
0x48: {  	[sflag:s21] =	ssyncset.done $0x0  }
0x49: {  	[sflag:s21] =	ssyncadd.s32 $0xFFFFFE80  }
.LBB2_7:
0x4a: {  	s0 =	simm.s32 @p1 $0x2  }
0x4b: {  	s3 =	smul.u32 $0x600, s31;
	_ =	swait.ge @p1 [sflag:s0], $0x180  }
0x4c: {  	[sflag:s0] =	ssyncset.done @p1 $0x0  }
0x4d: {  	s31 =	sshrl.u32 s3, $0x2;
	[sflag:s0] =	ssyncadd.s32 @p1 $0xFFFFFE80  }
0x4e: {  	v2 =	vld [tilespmem:s31+$0x3100];
	_ =	sdelay $0x4  }
0x4f: {  	v2 =	vsub.s32 v2, v0  }
0x50: {  	vm0 =	vlt.u32 v2, $0x61A8  }
0x51: {  	v2 =	vsel vm0, v2, v1  }
0x52: {  	[tilespmem:$0x3400] =	vst v2  }
0x53: {  	v2 =	vld [tilespmem:s31+$0x3110];
	_ =	sdelay $0x4  }
0x54: {  	v2 =	vsub.s32 v2, v0  }
0x55: {  	vm5 =	vlt.u32 v2, $0x61A8  }
0x56: {  	v2 =	vsel vm5, v2, v1  }
0x57: {  	[tilespmem:$0x3410] =	vst v2  }
0x58: {  	v2 =	vld [tilespmem:s31+$0x3120];
	_ =	sdelay $0x4  }
0x59: {  	v2 =	vsub.s32 v2, v0  }
0x5a: {  	vm6 =	vlt.u32 v2, $0x61A8  }
0x5b: {  	v2 =	vsel vm6, v2, v1  }
0x5c: {  	[tilespmem:$0x3420] =	vst v2  }
0x5d: {  	v2 =	vld [tilespmem:s31+$0x3130];
	_ =	sdelay $0x4  }
0x5e: {  	v2 =	vsub.s32 v2, v0  }
0x5f: {  	vm7 =	vlt.u32 v2, $0x61A8  }
0x60: {  	v2 =	vsel vm7, v2, v1  }
0x61: {  	[tilespmem:$0x3430] =	vst v2  }
0x62: {  	v2 =	vld [tilespmem:s31+$0x3140];
	_ =	sdelay $0x4  }
0x63: {  	v2 =	vsub.s32 v2, v0  }
0x64: {  	vm8 =	vlt.u32 v2, $0x61A8  }
0x65: {  	v2 =	vsel vm8, v2, v1  }
0x66: {  	[tilespmem:$0x3440] =	vst v2  }
0x67: {  	v2 =	vld [tilespmem:s31+$0x3150];
	_ =	sdelay $0x4  }
0x68: {  	v2 =	vsub.s32 v2, v0  }
0x69: {  	vm9 =	vlt.u32 v2, $0x61A8  }
0x6a: {  	v2 =	vsel vm9, v2, v1  }
0x6b: {  	[tilespmem:$0x3450] =	vst v2  }
0x6c: {  	v2 =	vld [tilespmem:s31+$0x3160];
	_ =	sdelay $0x4  }
0x6d: {  	v2 =	vsub.s32 v2, v0  }
0x6e: {  	vm10 =	vlt.u32 v2, $0x61A8  }
0x6f: {  	v2 =	vsel vm10, v2, v1  }
0x70: {  	[tilespmem:$0x3460] =	vst v2  }
0x71: {  	v2 =	vld [tilespmem:s31+$0x3170];
	_ =	sdelay $0x4  }
0x72: {  	v2 =	vsub.s32 v2, v0  }
0x73: {  	vm11 =	vlt.u32 v2, $0x61A8  }
0x74: {  	v2 =	vsel vm11, v2, v1  }
0x75: {  	[tilespmem:$0x3470] =	vst v2  }
0x76: {  	v2 =	vld [tilespmem:s31+$0x3180];
	_ =	sdelay $0x4  }
0x77: {  	v2 =	vsub.s32 v2, v0  }
0x78: {  	vm12 =	vlt.u32 v2, $0x61A8  }
0x79: {  	v2 =	vsel vm12, v2, v1  }
0x7a: {  	[tilespmem:$0x3480] =	vst v2  }
0x7b: {  	v2 =	vld [tilespmem:s31+$0x3190];
	_ =	sdelay $0x4  }
0x7c: {  	v2 =	vsub.s32 v2, v0  }
0x7d: {  	vm13 =	vlt.u32 v2, $0x61A8  }
0x7e: {  	v2 =	vsel vm13, v2, v1  }
0x7f: {  	[tilespmem:$0x3490] =	vst v2  }
0x80: {  	v2 =	vld [tilespmem:s31+$0x31A0];
	_ =	sdelay $0x4  }
0x81: {  	v2 =	vsub.s32 v2, v0  }
0x82: {  	vm14 =	vlt.u32 v2, $0x61A8  }
0x83: {  	v2 =	vsel vm14, v2, v1  }
0x84: {  	[tilespmem:$0x34A0] =	vst v2  }
0x85: {  	v2 =	vld [tilespmem:s31+$0x31B0];
	_ =	sdelay $0x4  }
0x86: {  	v2 =	vsub.s32 v2, v0  }
0x87: {  	vm15 =	vlt.u32 v2, $0x61A8  }
0x88: {  	v2 =	vsel vm15, v2, v1  }
0x89: {  	[tilespmem:$0x34B0] =	vst v2  }
0x8a: {  	v2 =	vld [tilespmem:s31+$0x31C0];
	_ =	sdelay $0x4  }
0x8b: {  	v2 =	vsub.s32 v2, v0  }
0x8c: {  	vm4 =	vlt.u32 v2, $0x61A8  }
0x8d: {  	v2 =	vsel vm4, v2, v1  }
0x8e: {  	[tilespmem:$0x34C0] =	vst v2  }
0x8f: {  	v2 =	vld [tilespmem:s31+$0x31D0];
	_ =	sdelay $0x4  }
0x90: {  	v2 =	vsub.s32 v2, v0  }
0x91: {  	vm5 =	vlt.u32 v2, $0x61A8  }
0x92: {  	v2 =	vsel vm5, v2, v1  }
0x93: {  	[tilespmem:$0x34D0] =	vst v2  }
0x94: {  	v2 =	vld [tilespmem:s31+$0x31E0];
	_ =	sdelay $0x4  }
0x95: {  	v2 =	vsub.s32 v2, v0  }
0x96: {  	vm6 =	vlt.u32 v2, $0x61A8  }
0x97: {  	v2 =	vsel vm6, v2, v1  }
0x98: {  	[tilespmem:$0x34E0] =	vst v2  }
0x99: {  	v2 =	vld [tilespmem:s31+$0x31F0];
	_ =	sdelay $0x4  }
0x9a: {  	v2 =	vsub.s32 v2, v0  }
0x9b: {  	vm7 =	vlt.u32 v2, $0x61A8  }
0x9c: {  	v2 =	vsel vm7, v2, v1  }
0x9d: {  	[tilespmem:$0x34F0] =	vst v2  }
0x9e: {  	v2 =	vld [tilespmem:s31+$0x3200];
	_ =	sdelay $0x4  }
0x9f: {  	v2 =	vsub.s32 v2, v0  }
0xa0: {  	vm8 =	vlt.u32 v2, $0x61A8  }
0xa1: {  	v2 =	vsel vm8, v2, v1  }
0xa2: {  	[tilespmem:$0x3500] =	vst v2  }
0xa3: {  	v2 =	vld [tilespmem:s31+$0x3210];
	_ =	sdelay $0x4  }
0xa4: {  	v2 =	vsub.s32 v2, v0  }
0xa5: {  	vm9 =	vlt.u32 v2, $0x61A8  }
0xa6: {  	v2 =	vsel vm9, v2, v1  }
0xa7: {  	[tilespmem:$0x3510] =	vst v2  }
0xa8: {  	v2 =	vld [tilespmem:s31+$0x3220];
	_ =	sdelay $0x4  }
0xa9: {  	v2 =	vsub.s32 v2, v0  }
0xaa: {  	vm10 =	vlt.u32 v2, $0x61A8  }
0xab: {  	v2 =	vsel vm10, v2, v1  }
0xac: {  	[tilespmem:$0x3520] =	vst v2  }
0xad: {  	v2 =	vld [tilespmem:s31+$0x3230];
	_ =	sdelay $0x4  }
0xae: {  	v2 =	vsub.s32 v2, v0  }
0xaf: {  	vm11 =	vlt.u32 v2, $0x61A8  }
0xb0: {  	v2 =	vsel vm11, v2, v1  }
0xb1: {  	[tilespmem:$0x3530] =	vst v2  }
0xb2: {  	v2 =	vld [tilespmem:s31+$0x3240];
	_ =	sdelay $0x4  }
0xb3: {  	v2 =	vsub.s32 v2, v0  }
0xb4: {  	vm12 =	vlt.u32 v2, $0x61A8  }
0xb5: {  	v2 =	vsel vm12, v2, v1  }
0xb6: {  	[tilespmem:$0x3540] =	vst v2  }
0xb7: {  	v2 =	vld [tilespmem:s31+$0x3250];
	_ =	sdelay $0x4  }
0xb8: {  	v2 =	vsub.s32 v2, v0  }
0xb9: {  	vm13 =	vlt.u32 v2, $0x61A8  }
0xba: {  	v2 =	vsel vm13, v2, v1  }
0xbb: {  	[tilespmem:$0x3550] =	vst v2  }
0xbc: {  	v2 =	vld [tilespmem:s31+$0x3260];
	_ =	sdelay $0x4  }
0xbd: {  	v2 =	vsub.s32 v2, v0  }
0xbe: {  	vm14 =	vlt.u32 v2, $0x61A8  }
0xbf: {  	v2 =	vsel vm14, v2, v1  }
0xc0: {  	[tilespmem:$0x3560] =	vst v2  }
0xc1: {  	v2 =	vld [tilespmem:s31+$0x3270];
	_ =	sdelay $0x4  }
0xc2: {  	v2 =	vsub.s32 v2, v0  }
0xc3: {  	vm15 =	vlt.u32 v2, $0x61A8  }
0xc4: {  	s30 =	sadd.s32 $0x1, s30;
	v2 =	vsel vm15, v2, v1  }
0xc5: {  	p1 =	sne.s32 s30, $0x82;
	[tilespmem:$0x3570] =	vst v2  }
0xc6: {  	[spmem:s1] =	stream.indirect.scatter.add.f32 [tilespmem:s16], [sflag:$0x3], $0x8, s23, s22, $0xb8;
	[tilespmem:$0x3980] =	vst v63  }
.Ltmp3:
0xc7: {  	_ = 	snop;
	(pc) =	sbr.rel @!p1 .LBB2_8-.Ltmp3, $4  }
0xc8: {  	_ = 	snop  }
0xc9: {  	[spmem:s1] =	stream.indirect.scatter.add.f32 [tilespmem:s16], [sflag:$0x4], $0x8, s24, s22, $0xb8;
	[tilespmem:$0x3980] =	vst v63  }
0xca: {  	s29 =	sadd.s32 $0x30, s29  }
0xcb: {  	[spmem:s1] =	stream.indirect.scatter.add.f32 [tilespmem:s16], [sflag:$0x5], $0x8, s26, s22, $0xb8;
	[tilespmem:$0x3980] =	vst v63  }
.LBB2_2:
0xcc: {  	s31 =	sand.u32 $0x1, s30  }
0xcd: {  	p2 =	seq.s32 s30, $0x81;
	p1 =	seq.s32 s31, $0x1  }
0xce: {  	p2 =	por p2, !p1  }
.Ltmp4:
0xcf: {  	_ = 	snop;
	(pc) =	sbr.rel @p2 .LBB2_4-.Ltmp4, $3  }
0xd0: {  	_ =	sdelay $0x1  }
0xd1: {  	s0 =	simm.s32 @!p1 $0x0;
	s3 =	simm.s32 @!p1 $0x3280  }
0xd2: {  	[tilespmem:s3], [sflag:$0x2] =	stream.linear.gather @!p1 [hbm4b:s29+s0], $0x180, $0x38;
	[tilespmem:$0x3980] =	vst v63  }
.Ltmp5:
0xd3: {  	(pc) =	sbr.rel .LBB2_5-.Ltmp5, $2  }
0xd4: {  	_ =	sdelay $0x2  }
0xd5: {  	[tilespmem:s17], [sflag:$0x1] =	stream.linear.gather [hbm4b:s29+s2], $0x180, $0x38;
	[tilespmem:$0x3980] =	vst v63  }
.LBB2_4:
0xd6: {  	p2 =	seq.s32 s30, $0x0  }
.Ltmp6:
0xd7: {  	_ = 	snop;
	(pc) =	sbr.rel @p2 .LBB2_6-.Ltmp6, $1  }
0xd8: {  	_ =	sdelay $0x3  }
.LBB2_5:
0xd9: {  	_ =	swait.ge [sflag:s18], $0x400  }
0xda: {  	[sflag:s18] =	ssyncset.done $0x0  }
0xdb: {  	[sflag:s18] =	ssyncadd.s32 $0xFFFFFC00  }
0xdc: {  	p2 =	sne.s32 s31, $0x0;
	_ =	swait.ge [sflag:s19], $0x400  }
.Ltmp7:
0xdd: {  	[sflag:s19] =	ssyncset.done $0x0;
	(pc) =	sbr.rel @p2 .LBB2_7-.Ltmp7, $4  }
.Ltmp8:
0xde: {  	[sflag:s19] =	ssyncadd.s32 $0xFFFFFC00;
	(pc) =	sbr.rel @!p2 .LBB2_6-.Ltmp8, $4  }
0xdf: {  	_ =	swait.ge [sflag:s20], $0x400  }
0xe0: {  	[sflag:s20] =	ssyncset.done $0x0  }
0xe1: {  	[sflag:s20] =	ssyncadd.s32 $0xFFFFFC00  }
0xe2: {  	_ = 	snop  }
.LBB2_9:
0xe3: {  	_ =	sfence.sel $0x180000  }
0xe4: {  	[bflag:$0x0] =	sbarrier.arrive $0xFFFF  }
0xe5: {  	_ =	strace $0x9000004A  }
0xe6: {  	s0 =	stileid.u32;
	[bflag:$0x2] =	sbarrier.arrive $0xFFFF  }
0xe7: {  	p0 =	sne.s32 s0, $0x0;
	s0 =	rddreg [dreg:$0x2]  }
0xe8: {  	s0 =	sadd.s32 @!p0 $0x100000, s0  }
0xe9: {  	[sflag:s0] =	ssyncadd.tile.s32 @!p0 $0x1;
	_ =	shalt  }
.Lfunc_end2:
_tile_overlayer_lowered:
.L_overlay_start_2:
0xea: {  	(tag) =	ssettag $0x2  }
0xeb: {  	s0 =	rddreg [dreg:$0x0];
	s2 =	stileid.u32  }
0xec: {  	s1 =	rddreg [dreg:$0x1];
	p0 =	sne.s32 s2, $0x0  }
0xed: {  	s3 =	rddreg [dreg:$0x2];
	[bflag:$0x3] =	sbarrier.arrive $0xFFFF;
	s2 =	simm.s32 @!p0 $0x1C06  }
0xee: {  	[timem:s3], [sflag:s2] =	dma.local @!p0 [hbm:s0], s1  }
0xef: {  	s0 =	simm.s32 @!p0 $0x6  }
0xf0: {  	_ =	swait.ge @!p0 [sflag:s0], s1  }
0xf1: {  	s1 =	ssub.s32 @!p0 $0x0, s1;
	[sflag:s0] =	ssyncset.done @!p0 $0x0  }
0xf2: {  	[sflag:s0] =	ssyncadd.s32 @!p0 s1  }
0xf3: {  	[bflag:$0x3] =	sbarrier.arrive $0xFFFF  }
0xf4: {  	_ =	shalt  }

</sc_bundles>
